<compile_context>
chip_gen: v7x
topology: tpu7x:2x2x1
jax: 0.10.2.dev20260603
libtpu: 0.0.44.dev20260713+nightly
codegen_flags: <defaults>
</compile_context>

<pallas_src>
import jax
import jax.numpy as jnp
from jax import lax
from jax.experimental import pallas as pl
from jax.experimental.pallas import tpu as pltpu
from jax.experimental.pallas import tpu_sc as plsc

_B, _C, _T = 1024, 1000, 20
_E = _B * _T
_NW = 32
_RPW = _B // _NW
_L = 16
_TK = 8


def _tc1_body(x_hbm, xf_hbm, s_hbm, xbuf, ebuf, sbuf, xsem, esem, ssem):
    loads = [
        pltpu.make_async_copy(x_hbm.at[pl.ds(r * 128, 128)], xbuf.at[r % 2],
                              xsem)
        for r in range(8)
    ]
    estores, sstores = [], []
    loads[0].start()
    for r in range(8):
        if r + 1 < 8:
            loads[r + 1].start()
        if r >= 2:
            for h in estores[r - 2]:
                h.wait()
            sstores[r - 2].wait()
        loads[r].wait()
        xb = xbuf[r % 2]
        ebuf[r % 2, :, pl.ds(0, _C)] = xb
        sbuf[r % 2] = jnp.sum(jnp.exp(-xb), axis=1, keepdims=True)
        ecs = [
            pltpu.make_async_copy(
                ebuf.at[r % 2, slice(None), pl.ds(ct * 128, 128)],
                xf_hbm.at[r * _TK + ct], esem)
            for ct in range(_TK)
        ]
        sc_ = pltpu.make_async_copy(
            sbuf.at[r % 2], s_hbm.at[pl.ds(r * 128, 128)], ssem)
        for ec in ecs:
            ec.start()
        sc_.start()
        estores.append(ecs)
        sstores.append(sc_)
    for ecs in estores[-2:]:
        for h in ecs:
            h.wait()
    for h in sstores[-2:]:
        h.wait()


def _tc1(x):
    return pl.pallas_call(
        _tc1_body,
        in_specs=[pl.BlockSpec(memory_space=pltpu.MemorySpace.HBM)],
        out_specs=[
            pl.BlockSpec(memory_space=pltpu.MemorySpace.HBM),
            pl.BlockSpec(memory_space=pltpu.MemorySpace.HBM),
        ],
        out_shape=[
            jax.ShapeDtypeStruct((64, 128, 128), jnp.float32),
            jax.ShapeDtypeStruct((_B, 1), jnp.float32),
        ],
        scratch_shapes=[
            pltpu.VMEM((2, 128, _C), jnp.float32),
            pltpu.VMEM((2, 128, 1024), jnp.float32),
            pltpu.VMEM((2, 128, 1), jnp.float32),
            pltpu.SemaphoreType.DMA,
            pltpu.SemaphoreType.DMA,
            pltpu.SemaphoreType.DMA,
        ],
    )(x)


def _sc_body(xf_hbm, tgt_hbm, out_hbm, tv, ief, vv, ov, sem):
    wid = lax.axis_index("s") * 2 + lax.axis_index("c")
    b0 = wid * _RPW

    pltpu.sync_copy(tgt_hbm.at[pl.ds(b0, _RPW)], tv)

    for r in range(_RPW):
        base = ((b0 + r) >> 7) * 131072 + ((b0 + r) & 127) * 128
        for h in range(2):
            q = r * 2 * _L + h * _L
            t = jnp.clip(tv[r, pl.ds(h * (_T - _L), _L)], 0, _C - 1)
            idx = base + (t >> 7) * 16384 + (t & 127)
            ief[q // 128, pl.ds(q % 128, _L)] = idx

    copies = [
        pltpu.async_copy(xf_hbm.at[ief.at[c]], vv.at[c], sem)
        for c in range(_TK)
    ]
    for c in copies:
        c.wait()

    for r in range(_RPW):
        for h in range(2):
            q = r * 2 * _L + h * _L
            ov[r, pl.ds(h * _L, _L)] = vv[q // 128, pl.ds(q % 128, _L)]
    pltpu.sync_copy(ov, out_hbm.at[pl.ds(b0, _RPW), pl.ds(0, 2 * _L)])


def _sc_gather(xf_flat, tgt):
    f = pl.kernel(
        _sc_body,
        mesh=plsc.VectorSubcoreMesh(core_axis_name="c", subcore_axis_name="s"),
        out_type=jax.ShapeDtypeStruct((_B, 2 * _L), jnp.float32),
        scratch_types=[
            pltpu.VMEM((_RPW, _T), jnp.int32),
            pltpu.VMEM((_TK, 128), jnp.int32),
            pltpu.VMEM((_TK, 128), jnp.float32),
            pltpu.VMEM((_RPW, 2 * _L), jnp.float32),
            pltpu.SemaphoreType.DMA,
        ],
    )
    return f(xf_flat, tgt)


def _tc2_body(g_ref, s2_ref, out_ref):
    g = g_ref[...]
    slot = lax.broadcasted_iota(jnp.int32, (_B, 2 * _L), 1)
    valid = (slot < _L) | (slot >= 3 * _L - _T)
    gsum = jnp.sum(jnp.where(valid, jnp.exp(g), 0.0), axis=1,
                   keepdims=True)
    total = jnp.sum(gsum * s2_ref[...]) - jnp.float32(_E)
    out_ref[0, 0] = jnp.log(1.0 + total) / _C


def kernel(input_data, target):
    xf, s2 = _tc1(input_data)
    vals = _sc_gather(xf.reshape(64 * 128 * 128), target)
    out = pl.pallas_call(
        _tc2_body,
        out_shape=jax.ShapeDtypeStruct((1, 1), jnp.float32),
        out_specs=pl.BlockSpec(memory_space=pltpu.SMEM),
    )(vals, s2)
    return out[0, 0]

# --- scband reference (transcript-rebuilt; emitter-appended) ---
"""Pipeline reference for scband-lesploss-73014444032083 (READ-ONLY COPY).

The authoritative reference and input builder live on the scoring server;
editing this copy changes nothing except your own understanding.
"""

import jax, jax.numpy as jnp
import numpy as np

B, C, T = 1024, 1000, 20

def setup_inputs(seed: int = 0) -> dict:
    key = jax.random.key(seed)
    k1, k2 = jax.random.split(key)
    input_data = jax.random.normal(k1, (B, C), dtype=jnp.float32)
    # multi-label targets: class indices in [0, C); (-1 would mean padding, none generated here)
    target = jax.random.randint(k2, (B, T), 0, C, dtype=jnp.int32)
    return {"input_data": input_data, "target": target}

def reference(input_data, target):
    # Faithful vectorization of LESPLoss:
    # for each sample b, for each valid label t (target > -1):
    #   loss_data += sum_{j != t} exp(x[b, t] - x[b, j])
    # loss = log(1 + loss_data); loss_1 = loss / C  (size_average=False)
    Bc, Cc = input_data.shape
    valid = target > -1
    safe_t = jnp.clip(target, 0, Cc - 1)
    x_t = jnp.take_along_axis(input_data, safe_t, axis=1)            # [B, T] gather of label scores
    diff = x_t[:, :, None] - input_data[:, None, :]                  # [B, T, C]
    per_label = jnp.sum(jnp.exp(diff), axis=-1) - 1.0                # exclude j == t term (exp(0) = 1)
    loss_data = jnp.sum(jnp.where(valid, per_label, 0.0))
    loss = jnp.log(1.0 + loss_data)
    loss_1 = loss / Cc
    return loss_1

if __name__ == "__main__":
    import jax
    _d = setup_inputs()
    print(jax.jit(kernel)(*tuple(_d.values())))

</pallas_src>

<mosaic_0001>
#map = affine_map<(d0, d1) -> (0)>
#map1 = affine_map<(d0, d1) -> (0, 0)>
module attributes {stable_mosaic.version = 14 : i64} {
  func.func @_sc_body(%arg0: i32, %arg1: i32, %arg2: memref<1048576xf32, #tpu.memory_space<hbm>>, %arg3: memref<1024x20xi32, #tpu.memory_space<hbm>>, %arg4: memref<1024x32xf32, #tpu.memory_space<hbm>>, %arg5: memref<32x20xi32, #tpu.memory_space<vmem>>, %arg6: memref<8x128xi32, #tpu.memory_space<vmem>>, %arg7: memref<8x128xf32, #tpu.memory_space<vmem>>, %arg8: memref<32x32xf32, #tpu.memory_space<vmem>>, %arg9: memref<!tpu.dma_semaphore, #tpu.memory_space<semaphore_mem>>) attributes {dimension_semantics = [#tpu.dimension_semantics<core_parallel>, #tpu.dimension_semantics<subcore_parallel>], iteration_bounds = array<i64: 2, 16>, scalar_prefetch = 0 : i64, scratch_operands = 5 : i64, tpu.core_type = #tpu.core_type<sc_vector_subcore>, window_params = [{transform_indices = #map}, {transform_indices = #map1}, {transform_indices = #map1}]} {
    %mul3A = arith.constant 2 : i32
    %mul3A_0 = arith.muli %arg1, %mul3A : i32
    %add3A = arith.addi %mul3A_0, %arg0 : i32
    %mul3A_1 = arith.constant 32 : i32
    %mul3A_2 = arith.muli %add3A, %mul3A_1 : i32
    "tpu.region"() ({
      %run_scoped3A = tpu.sem_alloc : memref<!tpu.dma_semaphore, #tpu.memory_space<semaphore_mem>>
      %dma_start3A_3130 = arith.constant 0 : i32
      %dma_start3A_3131 = tpu.memref_slice %arg3[%mul3A_2, %dma_start3A_3130] : memref<1024x20xi32, #tpu.memory_space<hbm>> -> memref<32x20xi32, #tpu.memory_space<hbm>>
      %dma_start3A_3132 = arith.constant 0 : i32
      %dma_start3A_3133 = tpu.memref_slice %arg3[%mul3A_2, %dma_start3A_3132] : memref<1024x20xi32, #tpu.memory_space<hbm>> -> memref<32x20xi32, #tpu.memory_space<hbm>>
      tpu.enqueue_dma source(%dma_start3A_3133 : memref<32x20xi32, #tpu.memory_space<hbm>>) target(%arg5 : memref<32x20xi32, #tpu.memory_space<vmem>>) target_semaphore(%run_scoped3A : memref<!tpu.dma_semaphore, #tpu.memory_space<semaphore_mem>>)
      %dma_wait3A_3134 = arith.constant 0 : i32
      %dma_wait3A_3135 = tpu.memref_slice %arg3[%mul3A_2, %dma_wait3A_3134] : memref<1024x20xi32, #tpu.memory_space<hbm>> -> memref<32x20xi32, #tpu.memory_space<hbm>>
      %dma_wait3A_3136 = arith.constant 0 : i32
      %dma_wait3A_3137 = tpu.memref_slice %arg3[%mul3A_2, %dma_wait3A_3136] : memref<1024x20xi32, #tpu.memory_space<hbm>> -> memref<32x20xi32, #tpu.memory_space<hbm>>
      tpu.wait_dma2 semaphore(%run_scoped3A : memref<!tpu.dma_semaphore, #tpu.memory_space<semaphore_mem>>) src(%dma_wait3A_3137 : memref<32x20xi32, #tpu.memory_space<hbm>>) dst(%arg5 : memref<32x20xi32, #tpu.memory_space<vmem>>)
      tpu.yield
    }) : () -> ()
    %add3A_3 = arith.constant 0 : i32
    %add3A_4 = arith.addi %mul3A_2, %add3A_3 : i32
    %shift_right_arithmetic3A = arith.constant 7 : i32
    %shift_right_arithmetic3A_5 = arith.shrsi %add3A_4, %shift_right_arithmetic3A : i32
    %mul3A_6 = arith.constant 131072 : i32
    %mul3A_7 = arith.muli %shift_right_arithmetic3A_5, %mul3A_6 : i32
    %add3A_8 = arith.constant 0 : i32
    %add3A_9 = arith.addi %mul3A_2, %add3A_8 : i32
    %and3A = arith.constant 127 : i32
    %and3A_10 = arith.andi %add3A_9, %and3A : i32
    %mul3A_11 = arith.constant 128 : i32
    %mul3A_12 = arith.muli %and3A_10, %mul3A_11 : i32
    %add3A_13 = arith.addi %mul3A_7, %mul3A_12 : i32
    %get3A = arith.constant 0 : i32
    %get3A_14 = arith.index_cast %get3A : i32 to index
    %get3A_15 = arith.constant 0 : index
    %get3A_16 = tpu.vector_load %arg5[%get3A_14, %get3A_15] {strides = array<i32>} : memref<32x20xi32, #tpu.memory_space<vmem>>, vector<1x16xi32>,
    %get3A_17 = vector.shape_cast %get3A_16 : vector<1x16xi32> to vector<16xi32>
    %jit3A = arith.constant 0 : i32
    %jit3A_18 = arith.constant 999 : i32
    %max3A = vector.broadcast %jit3A : i32 to vector<16xi32>
    %max3A_19 = arith.maxsi %max3A, %get3A_17 : vector<16xi32>
    %min3A = vector.broadcast %jit3A_18 : i32 to vector<16xi32>
    %min3A_20 = arith.minsi %min3A, %max3A_19 : vector<16xi32>
    %shift_right_arithmetic3A_21 = arith.constant 7 : i32
    %shift_right_arithmetic3A_22 = vector.broadcast %shift_right_arithmetic3A_21 : i32 to vector<16xi32>
    %shift_right_arithmetic3A_23 = arith.shrsi %min3A_20, %shift_right_arithmetic3A_22 : vector<16xi32>
    %mul3A_24 = arith.constant 16384 : i32
    %mul3A_25 = vector.broadcast %mul3A_24 : i32 to vector<16xi32>
    %mul3A_26 = arith.muli %shift_right_arithmetic3A_23, %mul3A_25 : vector<16xi32>
    %add3A_27 = vector.broadcast %add3A_13 : i32 to vector<16xi32>
    %add3A_28 = arith.addi %add3A_27, %mul3A_26 : vector<16xi32>
    %and3A_29 = arith.constant 127 : i32
    %and3A_30 = vector.broadcast %and3A_29 : i32 to vector<16xi32>
    %and3A_31 = arith.andi %min3A_20, %and3A_30 : vector<16xi32>
    %add3A_32 = arith.addi %add3A_28, %and3A_31 : vector<16xi32>
    %swap3A = arith.constant 0 : i32
    %swap3A_33 = arith.index_cast %swap3A : i32 to index
    %swap3A_34 = arith.constant 0 : index
    %swap3A_35 = tpu.vector_load %arg6[%swap3A_33, %swap3A_34] {strides = array<i32>} : memref<8x128xi32, #tpu.memory_space<vmem>>, vector<1x16xi32>,
    %swap3A_36 = vector.shape_cast %swap3A_35 : vector<1x16xi32> to vector<16xi32>
    %swap3A_37 = vector.shape_cast %add3A_32 : vector<16xi32> to vector<1x16xi32>
    tpu.vector_store %arg6[%swap3A_33, %swap3A_34], %swap3A_37 {strides = array<i32>} : memref<8x128xi32, #tpu.memory_space<vmem>>, vector<1x16xi32>,
    %get3A_38 = arith.constant 0 : i32
    %get3A_39 = arith.index_cast %get3A_38 : i32 to index
    %get3A_40 = arith.constant 4 : index
    %get3A_41 = tpu.vector_load %arg5[%get3A_39, %get3A_40] {strides = array<i32>} : memref<32x20xi32, #tpu.memory_space<vmem>>, vector<1x16xi32>,
    %get3A_42 = vector.shape_cast %get3A_41 : vector<1x16xi32> to vector<16xi32>
    %jit3A_43 = arith.constant 0 : i32
    %jit3A_44 = arith.constant 999 : i32
    %max3A_45 = vector.broadcast %jit3A_43 : i32 to vector<16xi32>
    %max3A_46 = arith.maxsi %max3A_45, %get3A_42 : vector<16xi32>
    %min3A_47 = vector.broadcast %jit3A_44 : i32 to vector<16xi32>
    %min3A_48 = arith.minsi %min3A_47, %max3A_46 : vector<16xi32>
    %shift_right_arithmetic3A_49 = arith.constant 7 : i32
    %shift_right_arithmetic3A_50 = vector.broadcast %shift_right_arithmetic3A_49 : i32 to vector<16xi32>
    %shift_right_arithmetic3A_51 = arith.shrsi %min3A_48, %shift_right_arithmetic3A_50 : vector<16xi32>
    %mul3A_52 = arith.constant 16384 : i32
    %mul3A_53 = vector.broadcast %mul3A_52 : i32 to vector<16xi32>
    %mul3A_54 = arith.muli %shift_right_arithmetic3A_51, %mul3A_53 : vector<16xi32>
    %add3A_55 = vector.broadcast %add3A_13 : i32 to vector<16xi32>
    %add3A_56 = arith.addi %add3A_55, %mul3A_54 : vector<16xi32>
    %and3A_57 = arith.constant 127 : i32
    %and3A_58 = vector.broadcast %and3A_57 : i32 to vector<16xi32>
    %and3A_59 = arith.andi %min3A_48, %and3A_58 : vector<16xi32>
    %add3A_60 = arith.addi %add3A_56, %and3A_59 : vector<16xi32>
    %swap3A_61 = arith.constant 0 : i32
    %swap3A_62 = arith.index_cast %swap3A_61 : i32 to index
    %swap3A_63 = arith.constant 16 : index
    %swap3A_64 = tpu.vector_load %arg6[%swap3A_62, %swap3A_63] {strides = array<i32>} : memref<8x128xi32, #tpu.memory_space<vmem>>, vector<1x16xi32>,
    %swap3A_65 = vector.shape_cast %swap3A_64 : vector<1x16xi32> to vector<16xi32>
    %swap3A_66 = vector.shape_cast %add3A_60 : vector<16xi32> to vector<1x16xi32>
    tpu.vector_store %arg6[%swap3A_62, %swap3A_63], %swap3A_66 {strides = array<i32>} : memref<8x128xi32, #tpu.memory_space<vmem>>, vector<1x16xi32>,
    %add3A_67 = arith.constant 1 : i32
    %add3A_68 = arith.addi %mul3A_2, %add3A_67 : i32
    %shift_right_arithmetic3A_69 = arith.constant 7 : i32
    %shift_right_arithmetic3A_70 = arith.shrsi %add3A_68, %shift_right_arithmetic3A_69 : i32
    %mul3A_71 = arith.constant 131072 : i32
    %mul3A_72 = arith.muli %shift_right_arithmetic3A_70, %mul3A_71 : i32
    %add3A_73 = arith.constant 1 : i32
    %add3A_74 = arith.addi %mul3A_2, %add3A_73 : i32
    %and3A_75 = arith.constant 127 : i32
    %and3A_76 = arith.andi %add3A_74, %and3A_75 : i32
    %mul3A_77 = arith.constant 128 : i32
    %mul3A_78 = arith.muli %and3A_76, %mul3A_77 : i32
    %add3A_79 = arith.addi %mul3A_72, %mul3A_78 : i32
    %get3A_80 = arith.constant 1 : i32
    %get3A_81 = arith.index_cast %get3A_80 : i32 to index
    %get3A_82 = arith.constant 0 : index
    %get3A_83 = tpu.vector_load %arg5[%get3A_81, %get3A_82] {strides = array<i32>} : memref<32x20xi32, #tpu.memory_space<vmem>>, vector<1x16xi32>,
    %get3A_84 = vector.shape_cast %get3A_83 : vector<1x16xi32> to vector<16xi32>
    %jit3A_85 = arith.constant 0 : i32
    %jit3A_86 = arith.constant 999 : i32
    %max3A_87 = vector.broadcast %jit3A_85 : i32 to vector<16xi32>
    %max3A_88 = arith.maxsi %max3A_87, %get3A_84 : vector<16xi32>
    %min3A_89 = vector.broadcast %jit3A_86 : i32 to vector<16xi32>
    %min3A_90 = arith.minsi %min3A_89, %max3A_88 : vector<16xi32>
    %shift_right_arithmetic3A_91 = arith.constant 7 : i32
    %shift_right_arithmetic3A_92 = vector.broadcast %shift_right_arithmetic3A_91 : i32 to vector<16xi32>
    %shift_right_arithmetic3A_93 = arith.shrsi %min3A_90, %shift_right_arithmetic3A_92 : vector<16xi32>
    %mul3A_94 = arith.constant 16384 : i32
    %mul3A_95 = vector.broadcast %mul3A_94 : i32 to vector<16xi32>
    %mul3A_96 = arith.muli %shift_right_arithmetic3A_93, %mul3A_95 : vector<16xi32>
    %add3A_97 = vector.broadcast %add3A_79 : i32 to vector<16xi32>
    %add3A_98 = arith.addi %add3A_97, %mul3A_96 : vector<16xi32>
    %and3A_99 = arith.constant 127 : i32
    %and3A_100 = vector.broadcast %and3A_99 : i32 to vector<16xi32>
    %and3A_101 = arith.andi %min3A_90, %and3A_100 : vector<16xi32>
    %add3A_102 = arith.addi %add3A_98, %and3A_101 : vector<16xi32>
    %swap3A_103 = arith.constant 0 : i32
    %swap3A_104 = arith.index_cast %swap3A_103 : i32 to index
    %swap3A_105 = arith.constant 32 : index
    %swap3A_106 = tpu.vector_load %arg6[%swap3A_104, %swap3A_105] {strides = array<i32>} : memref<8x128xi32, #tpu.memory_space<vmem>>, vector<1x16xi32>,
    %swap3A_107 = vector.shape_cast %swap3A_106 : vector<1x16xi32> to vector<16xi32>
    %swap3A_108 = vector.shape_cast %add3A_102 : vector<16xi32> to vector<1x16xi32>
    tpu.vector_store %arg6[%swap3A_104, %swap3A_105], %swap3A_108 {strides = array<i32>} : memref<8x128xi32, #tpu.memory_space<vmem>>, vector<1x16xi32>,
    %get3A_109 = arith.constant 1 : i32
    %get3A_110 = arith.index_cast %get3A_109 : i32 to index
    %get3A_111 = arith.constant 4 : index
    %get3A_112 = tpu.vector_load %arg5[%get3A_110, %get3A_111] {strides = array<i32>} : memref<32x20xi32, #tpu.memory_space<vmem>>, vector<1x16xi32>,
    %get3A_113 = vector.shape_cast %get3A_112 : vector<1x16xi32> to vector<16xi32>
    %jit3A_114 = arith.constant 0 : i32
    %jit3A_115 = arith.constant 999 : i32
    %max3A_116 = vector.broadcast %jit3A_114 : i32 to vector<16xi32>
    %max3A_117 = arith.maxsi %max3A_116, %get3A_113 : vector<16xi32>
    %min3A_118 = vector.broadcast %jit3A_115 : i32 to vector<16xi32>
    %min3A_119 = arith.minsi %min3A_118, %max3A_117 : vector<16xi32>
    %shift_right_arithmetic3A_120 = arith.constant 7 : i32
    %shift_right_arithmetic3A_121 = vector.broadcast %shift_right_arithmetic3A_120 : i32 to vector<16xi32>
    %shift_right_arithmetic3A_122 = arith.shrsi %min3A_119, %shift_right_arithmetic3A_121 : vector<16xi32>
    %mul3A_123 = arith.constant 16384 : i32
    %mul3A_124 = vector.broadcast %mul3A_123 : i32 to vector<16xi32>
    %mul3A_125 = arith.muli %shift_right_arithmetic3A_122, %mul3A_124 : vector<16xi32>
    %add3A_126 = vector.broadcast %add3A_79 : i32 to vector<16xi32>
    %add3A_127 = arith.addi %add3A_126, %mul3A_125 : vector<16xi32>
    %and3A_128 = arith.constant 127 : i32
    %and3A_129 = vector.broadcast %and3A_128 : i32 to vector<16xi32>
    %and3A_130 = arith.andi %min3A_119, %and3A_129 : vector<16xi32>
    %add3A_131 = arith.addi %add3A_127, %and3A_130 : vector<16xi32>
    %swap3A_132 = arith.constant 0 : i32
    %swap3A_133 = arith.index_cast %swap3A_132 : i32 to index
    %swap3A_134 = arith.constant 48 : index
    %swap3A_135 = tpu.vector_load %arg6[%swap3A_133, %swap3A_134] {strides = array<i32>} : memref<8x128xi32, #tpu.memory_space<vmem>>, vector<1x16xi32>,
    %swap3A_136 = vector.shape_cast %swap3A_135 : vector<1x16xi32> to vector<16xi32>
    %swap3A_137 = vector.shape_cast %add3A_131 : vector<16xi32> to vector<1x16xi32>
    tpu.vector_store %arg6[%swap3A_133, %swap3A_134], %swap3A_137 {strides = array<i32>} : memref<8x128xi32, #tpu.memory_space<vmem>>, vector<1x16xi32>,
    %add3A_138 = arith.constant 2 : i32
    %add3A_139 = arith.addi %mul3A_2, %add3A_138 : i32
    %shift_right_arithmetic3A_140 = arith.constant 7 : i32
    %shift_right_arithmetic3A_141 = arith.shrsi %add3A_139, %shift_right_arithmetic3A_140 : i32
    %mul3A_142 = arith.constant 131072 : i32
    %mul3A_143 = arith.muli %shift_right_arithmetic3A_141, %mul3A_142 : i32
    %add3A_144 = arith.constant 2 : i32
    %add3A_145 = arith.addi %mul3A_2, %add3A_144 : i32
    %and3A_146 = arith.constant 127 : i32
    %and3A_147 = arith.andi %add3A_145, %and3A_146 : i32
    %mul3A_148 = arith.constant 128 : i32
    %mul3A_149 = arith.muli %and3A_147, %mul3A_148 : i32
    %add3A_150 = arith.addi %mul3A_143, %mul3A_149 : i32
    %get3A_151 = arith.constant 2 : i32
    %get3A_152 = arith.index_cast %get3A_151 : i32 to index
    %get3A_153 = arith.constant 0 : index
    %get3A_154 = tpu.vector_load %arg5[%get3A_152, %get3A_153] {strides = array<i32>} : memref<32x20xi32, #tpu.memory_space<vmem>>, vector<1x16xi32>,
    %get3A_155 = vector.shape_cast %get3A_154 : vector<1x16xi32> to vector<16xi32>
    %jit3A_156 = arith.constant 0 : i32
    %jit3A_157 = arith.constant 999 : i32
    %max3A_158 = vector.broadcast %jit3A_156 : i32 to vector<16xi32>
    %max3A_159 = arith.maxsi %max3A_158, %get3A_155 : vector<16xi32>
    %min3A_160 = vector.broadcast %jit3A_157 : i32 to vector<16xi32>
    %min3A_161 = arith.minsi %min3A_160, %max3A_159 : vector<16xi32>
    %shift_right_arithmetic3A_162 = arith.constant 7 : i32
    %shift_right_arithmetic3A_163 = vector.broadcast %shift_right_arithmetic3A_162 : i32 to vector<16xi32>
    %shift_right_arithmetic3A_164 = arith.shrsi %min3A_161, %shift_right_arithmetic3A_163 : vector<16xi32>
    %mul3A_165 = arith.constant 16384 : i32
    %mul3A_166 = vector.broadcast %mul3A_165 : i32 to vector<16xi32>
    %mul3A_167 = arith.muli %shift_right_arithmetic3A_164, %mul3A_166 : vector<16xi32>
    %add3A_168 = vector.broadcast %add3A_150 : i32 to vector<16xi32>
    %add3A_169 = arith.addi %add3A_168, %mul3A_167 : vector<16xi32>
    %and3A_170 = arith.constant 127 : i32
    %and3A_171 = vector.broadcast %and3A_170 : i32 to vector<16xi32>
    %and3A_172 = arith.andi %min3A_161, %and3A_171 : vector<16xi32>
    %add3A_173 = arith.addi %add3A_169, %and3A_172 : vector<16xi32>
    %swap3A_174 = arith.constant 0 : i32
    %swap3A_175 = arith.index_cast %swap3A_174 : i32 to index
    %swap3A_176 = arith.constant 64 : index
    %swap3A_177 = tpu.vector_load %arg6[%swap3A_175, %swap3A_176] {strides = array<i32>} : memref<8x128xi32, #tpu.memory_space<vmem>>, vector<1x16xi32>,
    %swap3A_178 = vector.shape_cast %swap3A_177 : vector<1x16xi32> to vector<16xi32>
    %swap3A_179 = vector.shape_cast %add3A_173 : vector<16xi32> to vector<1x16xi32>
    tpu.vector_store %arg6[%swap3A_175, %swap3A_176], %swap3A_179 {strides = array<i32>} : memref<8x128xi32, #tpu.memory_space<vmem>>, vector<1x16xi32>,
    %get3A_180 = arith.constant 2 : i32
    %get3A_181 = arith.index_cast %get3A_180 : i32 to index
    %get3A_182 = arith.constant 4 : index
    %get3A_183 = tpu.vector_load %arg5[%get3A_181, %get3A_182] {strides = array<i32>} : memref<32x20xi32, #tpu.memory_space<vmem>>, vector<1x16xi32>,
    %get3A_184 = vector.shape_cast %get3A_183 : vector<1x16xi32> to vector<16xi32>
    %jit3A_185 = arith.constant 0 : i32
    %jit3A_186 = arith.constant 999 : i32
    %max3A_187 = vector.broadcast %jit3A_185 : i32 to vector<16xi32>
    %max3A_188 = arith.maxsi %max3A_187, %get3A_184 : vector<16xi32>
    %min3A_189 = vector.broadcast %jit3A_186 : i32 to vector<16xi32>
    %min3A_190 = arith.minsi %min3A_189, %max3A_188 : vector<16xi32>
    %shift_right_arithmetic3A_191 = arith.constant 7 : i32
    %shift_right_arithmetic3A_192 = vector.broadcast %shift_right_arithmetic3A_191 : i32 to vector<16xi32>
    %shift_right_arithmetic3A_193 = arith.shrsi %min3A_190, %shift_right_arithmetic3A_192 : vector<16xi32>
    %mul3A_194 = arith.constant 16384 : i32
    %mul3A_195 = vector.broadcast %mul3A_194 : i32 to vector<16xi32>
    %mul3A_196 = arith.muli %shift_right_arithmetic3A_193, %mul3A_195 : vector<16xi32>
    %add3A_197 = vector.broadcast %add3A_150 : i32 to vector<16xi32>
    %add3A_198 = arith.addi %add3A_197, %mul3A_196 : vector<16xi32>
    %and3A_199 = arith.constant 127 : i32
    %and3A_200 = vector.broadcast %and3A_199 : i32 to vector<16xi32>
    %and3A_201 = arith.andi %min3A_190, %and3A_200 : vector<16xi32>
    %add3A_202 = arith.addi %add3A_198, %and3A_201 : vector<16xi32>
    %swap3A_203 = arith.constant 0 : i32
    %swap3A_204 = arith.index_cast %swap3A_203 : i32 to index
    %swap3A_205 = arith.constant 80 : index
    %swap3A_206 = tpu.vector_load %arg6[%swap3A_204, %swap3A_205] {strides = array<i32>} : memref<8x128xi32, #tpu.memory_space<vmem>>, vector<1x16xi32>,
    %swap3A_207 = vector.shape_cast %swap3A_206 : vector<1x16xi32> to vector<16xi32>
    %swap3A_208 = vector.shape_cast %add3A_202 : vector<16xi32> to vector<1x16xi32>
    tpu.vector_store %arg6[%swap3A_204, %swap3A_205], %swap3A_208 {strides = array<i32>} : memref<8x128xi32, #tpu.memory_space<vmem>>, vector<1x16xi32>,
    %add3A_209 = arith.constant 3 : i32
    %add3A_210 = arith.addi %mul3A_2, %add3A_209 : i32
    %shift_right_arithmetic3A_211 = arith.constant 7 : i32
    %shift_right_arithmetic3A_212 = arith.shrsi %add3A_210, %shift_right_arithmetic3A_211 : i32
    %mul3A_213 = arith.constant 131072 : i32
    %mul3A_214 = arith.muli %shift_right_arithmetic3A_212, %mul3A_213 : i32
    %add3A_215 = arith.constant 3 : i32
    %add3A_216 = arith.addi %mul3A_2, %add3A_215 : i32
    %and3A_217 = arith.constant 127 : i32
    %and3A_218 = arith.andi %add3A_216, %and3A_217 : i32
    %mul3A_219 = arith.constant 128 : i32
    %mul3A_220 = arith.muli %and3A_218, %mul3A_219 : i32
    %add3A_221 = arith.addi %mul3A_214, %mul3A_220 : i32
    %get3A_222 = arith.constant 3 : i32
    %get3A_223 = arith.index_cast %get3A_222 : i32 to index
    %get3A_224 = arith.constant 0 : index
    %get3A_225 = tpu.vector_load %arg5[%get3A_223, %get3A_224] {strides = array<i32>} : memref<32x20xi32, #tpu.memory_space<vmem>>, vector<1x16xi32>,
    %get3A_226 = vector.shape_cast %get3A_225 : vector<1x16xi32> to vector<16xi32>
    %jit3A_227 = arith.constant 0 : i32
    %jit3A_228 = arith.constant 999 : i32
    %max3A_229 = vector.broadcast %jit3A_227 : i32 to vector<16xi32>
    %max3A_230 = arith.maxsi %max3A_229, %get3A_226 : vector<16xi32>
    %min3A_231 = vector.broadcast %jit3A_228 : i32 to vector<16xi32>
    %min3A_232 = arith.minsi %min3A_231, %max3A_230 : vector<16xi32>
    %shift_right_arithmetic3A_233 = arith.constant 7 : i32
    %shift_right_arithmetic3A_234 = vector.broadcast %shift_right_arithmetic3A_233 : i32 to vector<16xi32>
    %shift_right_arithmetic3A_235 = arith.shrsi %min3A_232, %shift_right_arithmetic3A_234 : vector<16xi32>
    %mul3A_236 = arith.constant 16384 : i32
    %mul3A_237 = vector.broadcast %mul3A_236 : i32 to vector<16xi32>
    %mul3A_238 = arith.muli %shift_right_arithmetic3A_235, %mul3A_237 : vector<16xi32>
    %add3A_239 = vector.broadcast %add3A_221 : i32 to vector<16xi32>
    %add3A_240 = arith.addi %add3A_239, %mul3A_238 : vector<16xi32>
    %and3A_241 = arith.constant 127 : i32
    %and3A_242 = vector.broadcast %and3A_241 : i32 to vector<16xi32>
    %and3A_243 = arith.andi %min3A_232, %and3A_242 : vector<16xi32>
    %add3A_244 = arith.addi %add3A_240, %and3A_243 : vector<16xi32>
    %swap3A_245 = arith.constant 0 : i32
    %swap3A_246 = arith.index_cast %swap3A_245 : i32 to index
    %swap3A_247 = arith.constant 96 : index
    %swap3A_248 = tpu.vector_load %arg6[%swap3A_246, %swap3A_247] {strides = array<i32>} : memref<8x128xi32, #tpu.memory_space<vmem>>, vector<1x16xi32>,
    %swap3A_249 = vector.shape_cast %swap3A_248 : vector<1x16xi32> to vector<16xi32>
    %swap3A_250 = vector.shape_cast %add3A_244 : vector<16xi32> to vector<1x16xi32>
    tpu.vector_store %arg6[%swap3A_246, %swap3A_247], %swap3A_250 {strides = array<i32>} : memref<8x128xi32, #tpu.memory_space<vmem>>, vector<1x16xi32>,
    %get3A_251 = arith.constant 3 : i32
    %get3A_252 = arith.index_cast %get3A_251 : i32 to index
    %get3A_253 = arith.constant 4 : index
    %get3A_254 = tpu.vector_load %arg5[%get3A_252, %get3A_253] {strides = array<i32>} : memref<32x20xi32, #tpu.memory_space<vmem>>, vector<1x16xi32>,
    %get3A_255 = vector.shape_cast %get3A_254 : vector<1x16xi32> to vector<16xi32>
    %jit3A_256 = arith.constant 0 : i32
    %jit3A_257 = arith.constant 999 : i32
    %max3A_258 = vector.broadcast %jit3A_256 : i32 to vector<16xi32>
    %max3A_259 = arith.maxsi %max3A_258, %get3A_255 : vector<16xi32>
    %min3A_260 = vector.broadcast %jit3A_257 : i32 to vector<16xi32>
    %min3A_261 = arith.minsi %min3A_260, %max3A_259 : vector<16xi32>
    %shift_right_arithmetic3A_262 = arith.constant 7 : i32
    %shift_right_arithmetic3A_263 = vector.broadcast %shift_right_arithmetic3A_262 : i32 to vector<16xi32>
    %shift_right_arithmetic3A_264 = arith.shrsi %min3A_261, %shift_right_arithmetic3A_263 : vector<16xi32>
    %mul3A_265 = arith.constant 16384 : i32
    %mul3A_266 = vector.broadcast %mul3A_265 : i32 to vector<16xi32>
    %mul3A_267 = arith.muli %shift_right_arithmetic3A_264, %mul3A_266 : vector<16xi32>
    %add3A_268 = vector.broadcast %add3A_221 : i32 to vector<16xi32>
    %add3A_269 = arith.addi %add3A_268, %mul3A_267 : vector<16xi32>
    %and3A_270 = arith.constant 127 : i32
    %and3A_271 = vector.broadcast %and3A_270 : i32 to vector<16xi32>
    %and3A_272 = arith.andi %min3A_261, %and3A_271 : vector<16xi32>
    %add3A_273 = arith.addi %add3A_269, %and3A_272 : vector<16xi32>
    %swap3A_274 = arith.constant 0 : i32
    %swap3A_275 = arith.index_cast %swap3A_274 : i32 to index
    %swap3A_276 = arith.constant 112 : index
    %swap3A_277 = tpu.vector_load %arg6[%swap3A_275, %swap3A_276] {strides = array<i32>} : memref<8x128xi32, #tpu.memory_space<vmem>>, vector<1x16xi32>,
    %swap3A_278 = vector.shape_cast %swap3A_277 : vector<1x16xi32> to vector<16xi32>
    %swap3A_279 = vector.shape_cast %add3A_273 : vector<16xi32> to vector<1x16xi32>
    tpu.vector_store %arg6[%swap3A_275, %swap3A_276], %swap3A_279 {strides = array<i32>} : memref<8x128xi32, #tpu.memory_space<vmem>>, vector<1x16xi32>,
    %add3A_280 = arith.constant 4 : i32
    %add3A_281 = arith.addi %mul3A_2, %add3A_280 : i32
    %shift_right_arithmetic3A_282 = arith.constant 7 : i32
    %shift_right_arithmetic3A_283 = arith.shrsi %add3A_281, %shift_right_arithmetic3A_282 : i32
    %mul3A_284 = arith.constant 131072 : i32
    %mul3A_285 = arith.muli %shift_right_arithmetic3A_283, %mul3A_284 : i32
    %add3A_286 = arith.constant 4 : i32
    %add3A_287 = arith.addi %mul3A_2, %add3A_286 : i32
    %and3A_288 = arith.constant 127 : i32
    %and3A_289 = arith.andi %add3A_287, %and3A_288 : i32
    %mul3A_290 = arith.constant 128 : i32
    %mul3A_291 = arith.muli %and3A_289, %mul3A_290 : i32
    %add3A_292 = arith.addi %mul3A_285, %mul3A_291 : i32
    %get3A_293 = arith.constant 4 : i32
    %get3A_294 = arith.index_cast %get3A_293 : i32 to index
    %get3A_295 = arith.constant 0 : index
    %get3A_296 = tpu.vector_load %arg5[%get3A_294, %get3A_295] {strides = array<i32>} : memref<32x20xi32, #tpu.memory_space<vmem>>, vector<1x16xi32>,
    %get3A_297 = vector.shape_cast %get3A_296 : vector<1x16xi32> to vector<16xi32>
    %jit3A_298 = arith.constant 0 : i32
    %jit3A_299 = arith.constant 999 : i32
    %max3A_300 = vector.broadcast %jit3A_298 : i32 to vector<16xi32>
    %max3A_301 = arith.maxsi %max3A_300, %get3A_297 : vector<16xi32>
    %min3A_302 = vector.broadcast %jit3A_299 : i32 to vector<16xi32>
    %min3A_303 = arith.minsi %min3A_302, %max3A_301 : vector<16xi32>
    %shift_right_arithmetic3A_304 = arith.constant 7 : i32
    %shift_right_arithmetic3A_305 = vector.broadcast %shift_right_arithmetic3A_304 : i32 to vector<16xi32>
    %shift_right_arithmetic3A_306 = arith.shrsi %min3A_303, %shift_right_arithmetic3A_305 : vector<16xi32>
    %mul3A_307 = arith.constant 16384 : i32
    %mul3A_308 = vector.broadcast %mul3A_307 : i32 to vector<16xi32>
    %mul3A_309 = arith.muli %shift_right_arithmetic3A_306, %mul3A_308 : vector<16xi32>
    %add3A_310 = vector.broadcast %add3A_292 : i32 to vector<16xi32>
    %add3A_311 = arith.addi %add3A_310, %mul3A_309 : vector<16xi32>
    %and3A_312 = arith.constant 127 : i32
    %and3A_313 = vector.broadcast %and3A_312 : i32 to vector<16xi32>
    %and3A_314 = arith.andi %min3A_303, %and3A_313 : vector<16xi32>
    %add3A_315 = arith.addi %add3A_311, %and3A_314 : vector<16xi32>
    %swap3A_316 = arith.constant 1 : i32
    %swap3A_317 = arith.index_cast %swap3A_316 : i32 to index
    %swap3A_318 = arith.constant 0 : index
    %swap3A_319 = tpu.vector_load %arg6[%swap3A_317, %swap3A_318] {strides = array<i32>} : memref<8x128xi32, #tpu.memory_space<vmem>>, vector<1x16xi32>,
    %swap3A_320 = vector.shape_cast %swap3A_319 : vector<1x16xi32> to vector<16xi32>
    %swap3A_321 = vector.shape_cast %add3A_315 : vector<16xi32> to vector<1x16xi32>
    tpu.vector_store %arg6[%swap3A_317, %swap3A_318], %swap3A_321 {strides = array<i32>} : memref<8x128xi32, #tpu.memory_space<vmem>>, vector<1x16xi32>,
    %get3A_322 = arith.constant 4 : i32
    %get3A_323 = arith.index_cast %get3A_322 : i32 to index
    %get3A_324 = arith.constant 4 : index
    %get3A_325 = tpu.vector_load %arg5[%get3A_323, %get3A_324] {strides = array<i32>} : memref<32x20xi32, #tpu.memory_space<vmem>>, vector<1x16xi32>,
    %get3A_326 = vector.shape_cast %get3A_325 : vector<1x16xi32> to vector<16xi32>
    %jit3A_327 = arith.constant 0 : i32
    %jit3A_328 = arith.constant 999 : i32
    %max3A_329 = vector.broadcast %jit3A_327 : i32 to vector<16xi32>
    %max3A_330 = arith.maxsi %max3A_329, %get3A_326 : vector<16xi32>
    %min3A_331 = vector.broadcast %jit3A_328 : i32 to vector<16xi32>
    %min3A_332 = arith.minsi %min3A_331, %max3A_330 : vector<16xi32>
    %shift_right_arithmetic3A_333 = arith.constant 7 : i32
    %shift_right_arithmetic3A_334 = vector.broadcast %shift_right_arithmetic3A_333 : i32 to vector<16xi32>
    %shift_right_arithmetic3A_335 = arith.shrsi %min3A_332, %shift_right_arithmetic3A_334 : vector<16xi32>
    %mul3A_336 = arith.constant 16384 : i32
    %mul3A_337 = vector.broadcast %mul3A_336 : i32 to vector<16xi32>
    %mul3A_338 = arith.muli %shift_right_arithmetic3A_335, %mul3A_337 : vector<16xi32>
    %add3A_339 = vector.broadcast %add3A_292 : i32 to vector<16xi32>
    %add3A_340 = arith.addi %add3A_339, %mul3A_338 : vector<16xi32>
    %and3A_341 = arith.constant 127 : i32
    %and3A_342 = vector.broadcast %and3A_341 : i32 to vector<16xi32>
    %and3A_343 = arith.andi %min3A_332, %and3A_342 : vector<16xi32>
    %add3A_344 = arith.addi %add3A_340, %and3A_343 : vector<16xi32>
    %swap3A_345 = arith.constant 1 : i32
    %swap3A_346 = arith.index_cast %swap3A_345 : i32 to index
    %swap3A_347 = arith.constant 16 : index
    %swap3A_348 = tpu.vector_load %arg6[%swap3A_346, %swap3A_347] {strides = array<i32>} : memref<8x128xi32, #tpu.memory_space<vmem>>, vector<1x16xi32>,
    %swap3A_349 = vector.shape_cast %swap3A_348 : vector<1x16xi32> to vector<16xi32>
    %swap3A_350 = vector.shape_cast %add3A_344 : vector<16xi32> to vector<1x16xi32>
    tpu.vector_store %arg6[%swap3A_346, %swap3A_347], %swap3A_350 {strides = array<i32>} : memref<8x128xi32, #tpu.memory_space<vmem>>, vector<1x16xi32>,
    %add3A_351 = arith.constant 5 : i32
    %add3A_352 = arith.addi %mul3A_2, %add3A_351 : i32
    %shift_right_arithmetic3A_353 = arith.constant 7 : i32
    %shift_right_arithmetic3A_354 = arith.shrsi %add3A_352, %shift_right_arithmetic3A_353 : i32
    %mul3A_355 = arith.constant 131072 : i32
    %mul3A_356 = arith.muli %shift_right_arithmetic3A_354, %mul3A_355 : i32
    %add3A_357 = arith.constant 5 : i32
    %add3A_358 = arith.addi %mul3A_2, %add3A_357 : i32
    %and3A_359 = arith.constant 127 : i32
    %and3A_360 = arith.andi %add3A_358, %and3A_359 : i32
    %mul3A_361 = arith.constant 128 : i32
    %mul3A_362 = arith.muli %and3A_360, %mul3A_361 : i32
    %add3A_363 = arith.addi %mul3A_356, %mul3A_362 : i32
    %get3A_364 = arith.constant 5 : i32
    %get3A_365 = arith.index_cast %get3A_364 : i32 to index
    %get3A_366 = arith.constant 0 : index
    %get3A_367 = tpu.vector_load %arg5[%get3A_365, %get3A_366] {strides = array<i32>} : memref<32x20xi32, #tpu.memory_space<vmem>>, vector<1x16xi32>,
    %get3A_368 = vector.shape_cast %get3A_367 : vector<1x16xi32> to vector<16xi32>
    %jit3A_369 = arith.constant 0 : i32
    %jit3A_370 = arith.constant 999 : i32
    %max3A_371 = vector.broadcast %jit3A_369 : i32 to vector<16xi32>
    %max3A_372 = arith.maxsi %max3A_371, %get3A_368 : vector<16xi32>
    %min3A_373 = vector.broadcast %jit3A_370 : i32 to vector<16xi32>
    %min3A_374 = arith.minsi %min3A_373, %max3A_372 : vector<16xi32>
    %shift_right_arithmetic3A_375 = arith.constant 7 : i32
    %shift_right_arithmetic3A_376 = vector.broadcast %shift_right_arithmetic3A_375 : i32 to vector<16xi32>
    %shift_right_arithmetic3A_377 = arith.shrsi %min3A_374, %shift_right_arithmetic3A_376 : vector<16xi32>
    %mul3A_378 = arith.constant 16384 : i32
    %mul3A_379 = vector.broadcast %mul3A_378 : i32 to vector<16xi32>
    %mul3A_380 = arith.muli %shift_right_arithmetic3A_377, %mul3A_379 : vector<16xi32>
    %add3A_381 = vector.broadcast %add3A_363 : i32 to vector<16xi32>
    %add3A_382 = arith.addi %add3A_381, %mul3A_380 : vector<16xi32>
    %and3A_383 = arith.constant 127 : i32
    %and3A_384 = vector.broadcast %and3A_383 : i32 to vector<16xi32>
    %and3A_385 = arith.andi %min3A_374, %and3A_384 : vector<16xi32>
    %add3A_386 = arith.addi %add3A_382, %and3A_385 : vector<16xi32>
    %swap3A_387 = arith.constant 1 : i32
    %swap3A_388 = arith.index_cast %swap3A_387 : i32 to index
    %swap3A_389 = arith.constant 32 : index
    %swap3A_390 = tpu.vector_load %arg6[%swap3A_388, %swap3A_389] {strides = array<i32>} : memref<8x128xi32, #tpu.memory_space<vmem>>, vector<1x16xi32>,
    %swap3A_391 = vector.shape_cast %swap3A_390 : vector<1x16xi32> to vector<16xi32>
    %swap3A_392 = vector.shape_cast %add3A_386 : vector<16xi32> to vector<1x16xi32>
    tpu.vector_store %arg6[%swap3A_388, %swap3A_389], %swap3A_392 {strides = array<i32>} : memref<8x128xi32, #tpu.memory_space<vmem>>, vector<1x16xi32>,
    %get3A_393 = arith.constant 5 : i32
    %get3A_394 = arith.index_cast %get3A_393 : i32 to index
    %get3A_395 = arith.constant 4 : index
    %get3A_396 = tpu.vector_load %arg5[%get3A_394, %get3A_395] {strides = array<i32>} : memref<32x20xi32, #tpu.memory_space<vmem>>, vector<1x16xi32>,
    %get3A_397 = vector.shape_cast %get3A_396 : vector<1x16xi32> to vector<16xi32>
    %jit3A_398 = arith.constant 0 : i32
    %jit3A_399 = arith.constant 999 : i32
    %max3A_400 = vector.broadcast %jit3A_398 : i32 to vector<16xi32>
    %max3A_401 = arith.maxsi %max3A_400, %get3A_397 : vector<16xi32>
    %min3A_402 = vector.broadcast %jit3A_399 : i32 to vector<16xi32>
    %min3A_403 = arith.minsi %min3A_402, %max3A_401 : vector<16xi32>
    %shift_right_arithmetic3A_404 = arith.constant 7 : i32
    %shift_right_arithmetic3A_405 = vector.broadcast %shift_right_arithmetic3A_404 : i32 to vector<16xi32>
    %shift_right_arithmetic3A_406 = arith.shrsi %min3A_403, %shift_right_arithmetic3A_405 : vector<16xi32>
    %mul3A_407 = arith.constant 16384 : i32
    %mul3A_408 = vector.broadcast %mul3A_407 : i32 to vector<16xi32>
    %mul3A_409 = arith.muli %shift_right_arithmetic3A_406, %mul3A_408 : vector<16xi32>
    %add3A_410 = vector.broadcast %add3A_363 : i32 to vector<16xi32>
    %add3A_411 = arith.addi %add3A_410, %mul3A_409 : vector<16xi32>
    %and3A_412 = arith.constant 127 : i32
    %and3A_413 = vector.broadcast %and3A_412 : i32 to vector<16xi32>
    %and3A_414 = arith.andi %min3A_403, %and3A_413 : vector<16xi32>
    %add3A_415 = arith.addi %add3A_411, %and3A_414 : vector<16xi32>
    %swap3A_416 = arith.constant 1 : i32
    %swap3A_417 = arith.index_cast %swap3A_416 : i32 to index
    %swap3A_418 = arith.constant 48 : index
    %swap3A_419 = tpu.vector_load %arg6[%swap3A_417, %swap3A_418] {strides = array<i32>} : memref<8x128xi32, #tpu.memory_space<vmem>>, vector<1x16xi32>,
    %swap3A_420 = vector.shape_cast %swap3A_419 : vector<1x16xi32> to vector<16xi32>
    %swap3A_421 = vector.shape_cast %add3A_415 : vector<16xi32> to vector<1x16xi32>
    tpu.vector_store %arg6[%swap3A_417, %swap3A_418], %swap3A_421 {strides = array<i32>} : memref<8x128xi32, #tpu.memory_space<vmem>>, vector<1x16xi32>,
    %add3A_422 = arith.constant 6 : i32
    %add3A_423 = arith.addi %mul3A_2, %add3A_422 : i32
    %shift_right_arithmetic3A_424 = arith.constant 7 : i32
    %shift_right_arithmetic3A_425 = arith.shrsi %add3A_423, %shift_right_arithmetic3A_424 : i32
    %mul3A_426 = arith.constant 131072 : i32
    %mul3A_427 = arith.muli %shift_right_arithmetic3A_425, %mul3A_426 : i32
    %add3A_428 = arith.constant 6 : i32
    %add3A_429 = arith.addi %mul3A_2, %add3A_428 : i32
    %and3A_430 = arith.constant 127 : i32
    %and3A_431 = arith.andi %add3A_429, %and3A_430 : i32
    %mul3A_432 = arith.constant 128 : i32
    %mul3A_433 = arith.muli %and3A_431, %mul3A_432 : i32
    %add3A_434 = arith.addi %mul3A_427, %mul3A_433 : i32
    %get3A_435 = arith.constant 6 : i32
    %get3A_436 = arith.index_cast %get3A_435 : i32 to index
    %get3A_437 = arith.constant 0 : index
    %get3A_438 = tpu.vector_load %arg5[%get3A_436, %get3A_437] {strides = array<i32>} : memref<32x20xi32, #tpu.memory_space<vmem>>, vector<1x16xi32>,
    %get3A_439 = vector.shape_cast %get3A_438 : vector<1x16xi32> to vector<16xi32>
    %jit3A_440 = arith.constant 0 : i32
    %jit3A_441 = arith.constant 999 : i32
    %max3A_442 = vector.broadcast %jit3A_440 : i32 to vector<16xi32>
    %max3A_443 = arith.maxsi %max3A_442, %get3A_439 : vector<16xi32>
    %min3A_444 = vector.broadcast %jit3A_441 : i32 to vector<16xi32>
    %min3A_445 = arith.minsi %min3A_444, %max3A_443 : vector<16xi32>
    %shift_right_arithmetic3A_446 = arith.constant 7 : i32
    %shift_right_arithmetic3A_447 = vector.broadcast %shift_right_arithmetic3A_446 : i32 to vector<16xi32>
    %shift_right_arithmetic3A_448 = arith.shrsi %min3A_445, %shift_right_arithmetic3A_447 : vector<16xi32>
    %mul3A_449 = arith.constant 16384 : i32
    %mul3A_450 = vector.broadcast %mul3A_449 : i32 to vector<16xi32>
    %mul3A_451 = arith.muli %shift_right_arithmetic3A_448, %mul3A_450 : vector<16xi32>
    %add3A_452 = vector.broadcast %add3A_434 : i32 to vector<16xi32>
    %add3A_453 = arith.addi %add3A_452, %mul3A_451 : vector<16xi32>
    %and3A_454 = arith.constant 127 : i32
    %and3A_455 = vector.broadcast %and3A_454 : i32 to vector<16xi32>
    %and3A_456 = arith.andi %min3A_445, %and3A_455 : vector<16xi32>
    %add3A_457 = arith.addi %add3A_453, %and3A_456 : vector<16xi32>
    %swap3A_458 = arith.constant 1 : i32
    %swap3A_459 = arith.index_cast %swap3A_458 : i32 to index
    %swap3A_460 = arith.constant 64 : index
    %swap3A_461 = tpu.vector_load %arg6[%swap3A_459, %swap3A_460] {strides = array<i32>} : memref<8x128xi32, #tpu.memory_space<vmem>>, vector<1x16xi32>,
    %swap3A_462 = vector.shape_cast %swap3A_461 : vector<1x16xi32> to vector<16xi32>
    %swap3A_463 = vector.shape_cast %add3A_457 : vector<16xi32> to vector<1x16xi32>
    tpu.vector_store %arg6[%swap3A_459, %swap3A_460], %swap3A_463 {strides = array<i32>} : memref<8x128xi32, #tpu.memory_space<vmem>>, vector<1x16xi32>,
    %get3A_464 = arith.constant 6 : i32
    %get3A_465 = arith.index_cast %get3A_464 : i32 to index
    %get3A_466 = arith.constant 4 : index
    %get3A_467 = tpu.vector_load %arg5[%get3A_465, %get3A_466] {strides = array<i32>} : memref<32x20xi32, #tpu.memory_space<vmem>>, vector<1x16xi32>,
    %get3A_468 = vector.shape_cast %get3A_467 : vector<1x16xi32> to vector<16xi32>
    %jit3A_469 = arith.constant 0 : i32
    %jit3A_470 = arith.constant 999 : i32
    %max3A_471 = vector.broadcast %jit3A_469 : i32 to vector<16xi32>
    %max3A_472 = arith.maxsi %max3A_471, %get3A_468 : vector<16xi32>
    %min3A_473 = vector.broadcast %jit3A_470 : i32 to vector<16xi32>
    %min3A_474 = arith.minsi %min3A_473, %max3A_472 : vector<16xi32>
    %shift_right_arithmetic3A_475 = arith.constant 7 : i32
    %shift_right_arithmetic3A_476 = vector.broadcast %shift_right_arithmetic3A_475 : i32 to vector<16xi32>
    %shift_right_arithmetic3A_477 = arith.shrsi %min3A_474, %shift_right_arithmetic3A_476 : vector<16xi32>
    %mul3A_478 = arith.constant 16384 : i32
    %mul3A_479 = vector.broadcast %mul3A_478 : i32 to vector<16xi32>
    %mul3A_480 = arith.muli %shift_right_arithmetic3A_477, %mul3A_479 : vector<16xi32>
    %add3A_481 = vector.broadcast %add3A_434 : i32 to vector<16xi32>
    %add3A_482 = arith.addi %add3A_481, %mul3A_480 : vector<16xi32>
    %and3A_483 = arith.constant 127 : i32
    %and3A_484 = vector.broadcast %and3A_483 : i32 to vector<16xi32>
    %and3A_485 = arith.andi %min3A_474, %and3A_484 : vector<16xi32>
    %add3A_486 = arith.addi %add3A_482, %and3A_485 : vector<16xi32>
    %swap3A_487 = arith.constant 1 : i32
    %swap3A_488 = arith.index_cast %swap3A_487 : i32 to index
    %swap3A_489 = arith.constant 80 : index
    %swap3A_490 = tpu.vector_load %arg6[%swap3A_488, %swap3A_489] {strides = array<i32>} : memref<8x128xi32, #tpu.memory_space<vmem>>, vector<1x16xi32>,
    %swap3A_491 = vector.shape_cast %swap3A_490 : vector<1x16xi32> to vector<16xi32>
    %swap3A_492 = vector.shape_cast %add3A_486 : vector<16xi32> to vector<1x16xi32>
    tpu.vector_store %arg6[%swap3A_488, %swap3A_489], %swap3A_492 {strides = array<i32>} : memref<8x128xi32, #tpu.memory_space<vmem>>, vector<1x16xi32>,
    %add3A_493 = arith.constant 7 : i32
    %add3A_494 = arith.addi %mul3A_2, %add3A_493 : i32
    %shift_right_arithmetic3A_495 = arith.constant 7 : i32
    %shift_right_arithmetic3A_496 = arith.shrsi %add3A_494, %shift_right_arithmetic3A_495 : i32
    %mul3A_497 = arith.constant 131072 : i32
    %mul3A_498 = arith.muli %shift_right_arithmetic3A_496, %mul3A_497 : i32
    %add3A_499 = arith.constant 7 : i32
    %add3A_500 = arith.addi %mul3A_2, %add3A_499 : i32
    %and3A_501 = arith.constant 127 : i32
    %and3A_502 = arith.andi %add3A_500, %and3A_501 : i32
    %mul3A_503 = arith.constant 128 : i32
    %mul3A_504 = arith.muli %and3A_502, %mul3A_503 : i32
    %add3A_505 = arith.addi %mul3A_498, %mul3A_504 : i32
    %get3A_506 = arith.constant 7 : i32
    %get3A_507 = arith.index_cast %get3A_506 : i32 to index
    %get3A_508 = arith.constant 0 : index
    %get3A_509 = tpu.vector_load %arg5[%get3A_507, %get3A_508] {strides = array<i32>} : memref<32x20xi32, #tpu.memory_space<vmem>>, vector<1x16xi32>,
    %get3A_510 = vector.shape_cast %get3A_509 : vector<1x16xi32> to vector<16xi32>
    %jit3A_511 = arith.constant 0 : i32
    %jit3A_512 = arith.constant 999 : i32
    %max3A_513 = vector.broadcast %jit3A_511 : i32 to vector<16xi32>
    %max3A_514 = arith.maxsi %max3A_513, %get3A_510 : vector<16xi32>
    %min3A_515 = vector.broadcast %jit3A_512 : i32 to vector<16xi32>
    %min3A_516 = arith.minsi %min3A_515, %max3A_514 : vector<16xi32>
    %shift_right_arithmetic3A_517 = arith.constant 7 : i32
    %shift_right_arithmetic3A_518 = vector.broadcast %shift_right_arithmetic3A_517 : i32 to vector<16xi32>
    %shift_right_arithmetic3A_519 = arith.shrsi %min3A_516, %shift_right_arithmetic3A_518 : vector<16xi32>
    %mul3A_520 = arith.constant 16384 : i32
    %mul3A_521 = vector.broadcast %mul3A_520 : i32 to vector<16xi32>
    %mul3A_522 = arith.muli %shift_right_arithmetic3A_519, %mul3A_521 : vector<16xi32>
    %add3A_523 = vector.broadcast %add3A_505 : i32 to vector<16xi32>
    %add3A_524 = arith.addi %add3A_523, %mul3A_522 : vector<16xi32>
    %and3A_525 = arith.constant 127 : i32
    %and3A_526 = vector.broadcast %and3A_525 : i32 to vector<16xi32>
    %and3A_527 = arith.andi %min3A_516, %and3A_526 : vector<16xi32>
    %add3A_528 = arith.addi %add3A_524, %and3A_527 : vector<16xi32>
    %swap3A_529 = arith.constant 1 : i32
    %swap3A_530 = arith.index_cast %swap3A_529 : i32 to index
    %swap3A_531 = arith.constant 96 : index
    %swap3A_532 = tpu.vector_load %arg6[%swap3A_530, %swap3A_531] {strides = array<i32>} : memref<8x128xi32, #tpu.memory_space<vmem>>, vector<1x16xi32>,
    %swap3A_533 = vector.shape_cast %swap3A_532 : vector<1x16xi32> to vector<16xi32>
    %swap3A_534 = vector.shape_cast %add3A_528 : vector<16xi32> to vector<1x16xi32>
    tpu.vector_store %arg6[%swap3A_530, %swap3A_531], %swap3A_534 {strides = array<i32>} : memref<8x128xi32, #tpu.memory_space<vmem>>, vector<1x16xi32>,
    %get3A_535 = arith.constant 7 : i32
    %get3A_536 = arith.index_cast %get3A_535 : i32 to index
    %get3A_537 = arith.constant 4 : index
    %get3A_538 = tpu.vector_load %arg5[%get3A_536, %get3A_537] {strides = array<i32>} : memref<32x20xi32, #tpu.memory_space<vmem>>, vector<1x16xi32>,
    %get3A_539 = vector.shape_cast %get3A_538 : vector<1x16xi32> to vector<16xi32>
    %jit3A_540 = arith.constant 0 : i32
    %jit3A_541 = arith.constant 999 : i32
    %max3A_542 = vector.broadcast %jit3A_540 : i32 to vector<16xi32>
    %max3A_543 = arith.maxsi %max3A_542, %get3A_539 : vector<16xi32>
    %min3A_544 = vector.broadcast %jit3A_541 : i32 to vector<16xi32>
    %min3A_545 = arith.minsi %min3A_544, %max3A_543 : vector<16xi32>
    %shift_right_arithmetic3A_546 = arith.constant 7 : i32
    %shift_right_arithmetic3A_547 = vector.broadcast %shift_right_arithmetic3A_546 : i32 to vector<16xi32>
    %shift_right_arithmetic3A_548 = arith.shrsi %min3A_545, %shift_right_arithmetic3A_547 : vector<16xi32>
    %mul3A_549 = arith.constant 16384 : i32
    %mul3A_550 = vector.broadcast %mul3A_549 : i32 to vector<16xi32>
    %mul3A_551 = arith.muli %shift_right_arithmetic3A_548, %mul3A_550 : vector<16xi32>
    %add3A_552 = vector.broadcast %add3A_505 : i32 to vector<16xi32>
    %add3A_553 = arith.addi %add3A_552, %mul3A_551 : vector<16xi32>
    %and3A_554 = arith.constant 127 : i32
    %and3A_555 = vector.broadcast %and3A_554 : i32 to vector<16xi32>
    %and3A_556 = arith.andi %min3A_545, %and3A_555 : vector<16xi32>
    %add3A_557 = arith.addi %add3A_553, %and3A_556 : vector<16xi32>
    %swap3A_558 = arith.constant 1 : i32
    %swap3A_559 = arith.index_cast %swap3A_558 : i32 to index
    %swap3A_560 = arith.constant 112 : index
    %swap3A_561 = tpu.vector_load %arg6[%swap3A_559, %swap3A_560] {strides = array<i32>} : memref<8x128xi32, #tpu.memory_space<vmem>>, vector<1x16xi32>,
    %swap3A_562 = vector.shape_cast %swap3A_561 : vector<1x16xi32> to vector<16xi32>
    %swap3A_563 = vector.shape_cast %add3A_557 : vector<16xi32> to vector<1x16xi32>
    tpu.vector_store %arg6[%swap3A_559, %swap3A_560], %swap3A_563 {strides = array<i32>} : memref<8x128xi32, #tpu.memory_space<vmem>>, vector<1x16xi32>,
    %add3A_564 = arith.constant 8 : i32
    %add3A_565 = arith.addi %mul3A_2, %add3A_564 : i32
    %shift_right_arithmetic3A_566 = arith.constant 7 : i32
    %shift_right_arithmetic3A_567 = arith.shrsi %add3A_565, %shift_right_arithmetic3A_566 : i32
    %mul3A_568 = arith.constant 131072 : i32
    %mul3A_569 = arith.muli %shift_right_arithmetic3A_567, %mul3A_568 : i32
    %add3A_570 = arith.constant 8 : i32
    %add3A_571 = arith.addi %mul3A_2, %add3A_570 : i32
    %and3A_572 = arith.constant 127 : i32
    %and3A_573 = arith.andi %add3A_571, %and3A_572 : i32
    %mul3A_574 = arith.constant 128 : i32
    %mul3A_575 = arith.muli %and3A_573, %mul3A_574 : i32
    %add3A_576 = arith.addi %mul3A_569, %mul3A_575 : i32
    %get3A_577 = arith.constant 8 : i32
    %get3A_578 = arith.index_cast %get3A_577 : i32 to index
    %get3A_579 = arith.constant 0 : index
    %get3A_580 = tpu.vector_load %arg5[%get3A_578, %get3A_579] {strides = array<i32>} : memref<32x20xi32, #tpu.memory_space<vmem>>, vector<1x16xi32>,
    %get3A_581 = vector.shape_cast %get3A_580 : vector<1x16xi32> to vector<16xi32>
    %jit3A_582 = arith.constant 0 : i32
    %jit3A_583 = arith.constant 999 : i32
    %max3A_584 = vector.broadcast %jit3A_582 : i32 to vector<16xi32>
    %max3A_585 = arith.maxsi %max3A_584, %get3A_581 : vector<16xi32>
    %min3A_586 = vector.broadcast %jit3A_583 : i32 to vector<16xi32>
    %min3A_587 = arith.minsi %min3A_586, %max3A_585 : vector<16xi32>
    %shift_right_arithmetic3A_588 = arith.constant 7 : i32
    %shift_right_arithmetic3A_589 = vector.broadcast %shift_right_arithmetic3A_588 : i32 to vector<16xi32>
    %shift_right_arithmetic3A_590 = arith.shrsi %min3A_587, %shift_right_arithmetic3A_589 : vector<16xi32>
    %mul3A_591 = arith.constant 16384 : i32
    %mul3A_592 = vector.broadcast %mul3A_591 : i32 to vector<16xi32>
    %mul3A_593 = arith.muli %shift_right_arithmetic3A_590, %mul3A_592 : vector<16xi32>
    %add3A_594 = vector.broadcast %add3A_576 : i32 to vector<16xi32>
    %add3A_595 = arith.addi %add3A_594, %mul3A_593 : vector<16xi32>
    %and3A_596 = arith.constant 127 : i32
    %and3A_597 = vector.broadcast %and3A_596 : i32 to vector<16xi32>
    %and3A_598 = arith.andi %min3A_587, %and3A_597 : vector<16xi32>
    %add3A_599 = arith.addi %add3A_595, %and3A_598 : vector<16xi32>
    %swap3A_600 = arith.constant 2 : i32
    %swap3A_601 = arith.index_cast %swap3A_600 : i32 to index
    %swap3A_602 = arith.constant 0 : index
    %swap3A_603 = tpu.vector_load %arg6[%swap3A_601, %swap3A_602] {strides = array<i32>} : memref<8x128xi32, #tpu.memory_space<vmem>>, vector<1x16xi32>,
    %swap3A_604 = vector.shape_cast %swap3A_603 : vector<1x16xi32> to vector<16xi32>
    %swap3A_605 = vector.shape_cast %add3A_599 : vector<16xi32> to vector<1x16xi32>
    tpu.vector_store %arg6[%swap3A_601, %swap3A_602], %swap3A_605 {strides = array<i32>} : memref<8x128xi32, #tpu.memory_space<vmem>>, vector<1x16xi32>,
    %get3A_606 = arith.constant 8 : i32
    %get3A_607 = arith.index_cast %get3A_606 : i32 to index
    %get3A_608 = arith.constant 4 : index
    %get3A_609 = tpu.vector_load %arg5[%get3A_607, %get3A_608] {strides = array<i32>} : memref<32x20xi32, #tpu.memory_space<vmem>>, vector<1x16xi32>,
    %get3A_610 = vector.shape_cast %get3A_609 : vector<1x16xi32> to vector<16xi32>
    %jit3A_611 = arith.constant 0 : i32
    %jit3A_612 = arith.constant 999 : i32
    %max3A_613 = vector.broadcast %jit3A_611 : i32 to vector<16xi32>
    %max3A_614 = arith.maxsi %max3A_613, %get3A_610 : vector<16xi32>
    %min3A_615 = vector.broadcast %jit3A_612 : i32 to vector<16xi32>
    %min3A_616 = arith.minsi %min3A_615, %max3A_614 : vector<16xi32>
    %shift_right_arithmetic3A_617 = arith.constant 7 : i32
    %shift_right_arithmetic3A_618 = vector.broadcast %shift_right_arithmetic3A_617 : i32 to vector<16xi32>
    %shift_right_arithmetic3A_619 = arith.shrsi %min3A_616, %shift_right_arithmetic3A_618 : vector<16xi32>
    %mul3A_620 = arith.constant 16384 : i32
    %mul3A_621 = vector.broadcast %mul3A_620 : i32 to vector<16xi32>
    %mul3A_622 = arith.muli %shift_right_arithmetic3A_619, %mul3A_621 : vector<16xi32>
    %add3A_623 = vector.broadcast %add3A_576 : i32 to vector<16xi32>
    %add3A_624 = arith.addi %add3A_623, %mul3A_622 : vector<16xi32>
    %and3A_625 = arith.constant 127 : i32
    %and3A_626 = vector.broadcast %and3A_625 : i32 to vector<16xi32>
    %and3A_627 = arith.andi %min3A_616, %and3A_626 : vector<16xi32>
    %add3A_628 = arith.addi %add3A_624, %and3A_627 : vector<16xi32>
    %swap3A_629 = arith.constant 2 : i32
    %swap3A_630 = arith.index_cast %swap3A_629 : i32 to index
    %swap3A_631 = arith.constant 16 : index
    %swap3A_632 = tpu.vector_load %arg6[%swap3A_630, %swap3A_631] {strides = array<i32>} : memref<8x128xi32, #tpu.memory_space<vmem>>, vector<1x16xi32>,
    %swap3A_633 = vector.shape_cast %swap3A_632 : vector<1x16xi32> to vector<16xi32>
    %swap3A_634 = vector.shape_cast %add3A_628 : vector<16xi32> to vector<1x16xi32>
    tpu.vector_store %arg6[%swap3A_630, %swap3A_631], %swap3A_634 {strides = array<i32>} : memref<8x128xi32, #tpu.memory_space<vmem>>, vector<1x16xi32>,
    %add3A_635 = arith.constant 9 : i32
    %add3A_636 = arith.addi %mul3A_2, %add3A_635 : i32
    %shift_right_arithmetic3A_637 = arith.constant 7 : i32
    %shift_right_arithmetic3A_638 = arith.shrsi %add3A_636, %shift_right_arithmetic3A_637 : i32
    %mul3A_639 = arith.constant 131072 : i32
    %mul3A_640 = arith.muli %shift_right_arithmetic3A_638, %mul3A_639 : i32
    %add3A_641 = arith.constant 9 : i32
    %add3A_642 = arith.addi %mul3A_2, %add3A_641 : i32
    %and3A_643 = arith.constant 127 : i32
    %and3A_644 = arith.andi %add3A_642, %and3A_643 : i32
    %mul3A_645 = arith.constant 128 : i32
    %mul3A_646 = arith.muli %and3A_644, %mul3A_645 : i32
    %add3A_647 = arith.addi %mul3A_640, %mul3A_646 : i32
    %get3A_648 = arith.constant 9 : i32
    %get3A_649 = arith.index_cast %get3A_648 : i32 to index
    %get3A_650 = arith.constant 0 : index
    %get3A_651 = tpu.vector_load %arg5[%get3A_649, %get3A_650] {strides = array<i32>} : memref<32x20xi32, #tpu.memory_space<vmem>>, vector<1x16xi32>,
    %get3A_652 = vector.shape_cast %get3A_651 : vector<1x16xi32> to vector<16xi32>
    %jit3A_653 = arith.constant 0 : i32
    %jit3A_654 = arith.constant 999 : i32
    %max3A_655 = vector.broadcast %jit3A_653 : i32 to vector<16xi32>
    %max3A_656 = arith.maxsi %max3A_655, %get3A_652 : vector<16xi32>
    %min3A_657 = vector.broadcast %jit3A_654 : i32 to vector<16xi32>
    %min3A_658 = arith.minsi %min3A_657, %max3A_656 : vector<16xi32>
    %shift_right_arithmetic3A_659 = arith.constant 7 : i32
    %shift_right_arithmetic3A_660 = vector.broadcast %shift_right_arithmetic3A_659 : i32 to vector<16xi32>
    %shift_right_arithmetic3A_661 = arith.shrsi %min3A_658, %shift_right_arithmetic3A_660 : vector<16xi32>
    %mul3A_662 = arith.constant 16384 : i32
    %mul3A_663 = vector.broadcast %mul3A_662 : i32 to vector<16xi32>
    %mul3A_664 = arith.muli %shift_right_arithmetic3A_661, %mul3A_663 : vector<16xi32>
    %add3A_665 = vector.broadcast %add3A_647 : i32 to vector<16xi32>
    %add3A_666 = arith.addi %add3A_665, %mul3A_664 : vector<16xi32>
    %and3A_667 = arith.constant 127 : i32
    %and3A_668 = vector.broadcast %and3A_667 : i32 to vector<16xi32>
    %and3A_669 = arith.andi %min3A_658, %and3A_668 : vector<16xi32>
    %add3A_670 = arith.addi %add3A_666, %and3A_669 : vector<16xi32>
    %swap3A_671 = arith.constant 2 : i32
    %swap3A_672 = arith.index_cast %swap3A_671 : i32 to index
    %swap3A_673 = arith.constant 32 : index
    %swap3A_674 = tpu.vector_load %arg6[%swap3A_672, %swap3A_673] {strides = array<i32>} : memref<8x128xi32, #tpu.memory_space<vmem>>, vector<1x16xi32>,
    %swap3A_675 = vector.shape_cast %swap3A_674 : vector<1x16xi32> to vector<16xi32>
    %swap3A_676 = vector.shape_cast %add3A_670 : vector<16xi32> to vector<1x16xi32>
    tpu.vector_store %arg6[%swap3A_672, %swap3A_673], %swap3A_676 {strides = array<i32>} : memref<8x128xi32, #tpu.memory_space<vmem>>, vector<1x16xi32>,
    %get3A_677 = arith.constant 9 : i32
    %get3A_678 = arith.index_cast %get3A_677 : i32 to index
    %get3A_679 = arith.constant 4 : index
    %get3A_680 = tpu.vector_load %arg5[%get3A_678, %get3A_679] {strides = array<i32>} : memref<32x20xi32, #tpu.memory_space<vmem>>, vector<1x16xi32>,
    %get3A_681 = vector.shape_cast %get3A_680 : vector<1x16xi32> to vector<16xi32>
    %jit3A_682 = arith.constant 0 : i32
    %jit3A_683 = arith.constant 999 : i32
    %max3A_684 = vector.broadcast %jit3A_682 : i32 to vector<16xi32>
    %max3A_685 = arith.maxsi %max3A_684, %get3A_681 : vector<16xi32>
    %min3A_686 = vector.broadcast %jit3A_683 : i32 to vector<16xi32>
    %min3A_687 = arith.minsi %min3A_686, %max3A_685 : vector<16xi32>
    %shift_right_arithmetic3A_688 = arith.constant 7 : i32
    %shift_right_arithmetic3A_689 = vector.broadcast %shift_right_arithmetic3A_688 : i32 to vector<16xi32>
    %shift_right_arithmetic3A_690 = arith.shrsi %min3A_687, %shift_right_arithmetic3A_689 : vector<16xi32>
    %mul3A_691 = arith.constant 16384 : i32
    %mul3A_692 = vector.broadcast %mul3A_691 : i32 to vector<16xi32>
    %mul3A_693 = arith.muli %shift_right_arithmetic3A_690, %mul3A_692 : vector<16xi32>
    %add3A_694 = vector.broadcast %add3A_647 : i32 to vector<16xi32>
    %add3A_695 = arith.addi %add3A_694, %mul3A_693 : vector<16xi32>
    %and3A_696 = arith.constant 127 : i32
    %and3A_697 = vector.broadcast %and3A_696 : i32 to vector<16xi32>
    %and3A_698 = arith.andi %min3A_687, %and3A_697 : vector<16xi32>
    %add3A_699 = arith.addi %add3A_695, %and3A_698 : vector<16xi32>
    %swap3A_700 = arith.constant 2 : i32
    %swap3A_701 = arith.index_cast %swap3A_700 : i32 to index
    %swap3A_702 = arith.constant 48 : index
    %swap3A_703 = tpu.vector_load %arg6[%swap3A_701, %swap3A_702] {strides = array<i32>} : memref<8x128xi32, #tpu.memory_space<vmem>>, vector<1x16xi32>,
    %swap3A_704 = vector.shape_cast %swap3A_703 : vector<1x16xi32> to vector<16xi32>
    %swap3A_705 = vector.shape_cast %add3A_699 : vector<16xi32> to vector<1x16xi32>
    tpu.vector_store %arg6[%swap3A_701, %swap3A_702], %swap3A_705 {strides = array<i32>} : memref<8x128xi32, #tpu.memory_space<vmem>>, vector<1x16xi32>,
    %add3A_706 = arith.constant 10 : i32
    %add3A_707 = arith.addi %mul3A_2, %add3A_706 : i32
    %shift_right_arithmetic3A_708 = arith.constant 7 : i32
    %shift_right_arithmetic3A_709 = arith.shrsi %add3A_707, %shift_right_arithmetic3A_708 : i32
    %mul3A_710 = arith.constant 131072 : i32
    %mul3A_711 = arith.muli %shift_right_arithmetic3A_709, %mul3A_710 : i32
    %add3A_712 = arith.constant 10 : i32
    %add3A_713 = arith.addi %mul3A_2, %add3A_712 : i32
    %and3A_714 = arith.constant 127 : i32
    %and3A_715 = arith.andi %add3A_713, %and3A_714 : i32
    %mul3A_716 = arith.constant 128 : i32
    %mul3A_717 = arith.muli %and3A_715, %mul3A_716 : i32
    %add3A_718 = arith.addi %mul3A_711, %mul3A_717 : i32
    %get3A_719 = arith.constant 10 : i32
    %get3A_720 = arith.index_cast %get3A_719 : i32 to index
    %get3A_721 = arith.constant 0 : index
    %get3A_722 = tpu.vector_load %arg5[%get3A_720, %get3A_721] {strides = array<i32>} : memref<32x20xi32, #tpu.memory_space<vmem>>, vector<1x16xi32>,
    %get3A_723 = vector.shape_cast %get3A_722 : vector<1x16xi32> to vector<16xi32>
    %jit3A_724 = arith.constant 0 : i32
    %jit3A_725 = arith.constant 999 : i32
    %max3A_726 = vector.broadcast %jit3A_724 : i32 to vector<16xi32>
    %max3A_727 = arith.maxsi %max3A_726, %get3A_723 : vector<16xi32>
    %min3A_728 = vector.broadcast %jit3A_725 : i32 to vector<16xi32>
    %min3A_729 = arith.minsi %min3A_728, %max3A_727 : vector<16xi32>
    %shift_right_arithmetic3A_730 = arith.constant 7 : i32
    %shift_right_arithmetic3A_731 = vector.broadcast %shift_right_arithmetic3A_730 : i32 to vector<16xi32>
    %shift_right_arithmetic3A_732 = arith.shrsi %min3A_729, %shift_right_arithmetic3A_731 : vector<16xi32>
    %mul3A_733 = arith.constant 16384 : i32
    %mul3A_734 = vector.broadcast %mul3A_733 : i32 to vector<16xi32>
    %mul3A_735 = arith.muli %shift_right_arithmetic3A_732, %mul3A_734 : vector<16xi32>
    %add3A_736 = vector.broadcast %add3A_718 : i32 to vector<16xi32>
    %add3A_737 = arith.addi %add3A_736, %mul3A_735 : vector<16xi32>
    %and3A_738 = arith.constant 127 : i32
    %and3A_739 = vector.broadcast %and3A_738 : i32 to vector<16xi32>
    %and3A_740 = arith.andi %min3A_729, %and3A_739 : vector<16xi32>
    %add3A_741 = arith.addi %add3A_737, %and3A_740 : vector<16xi32>
    %swap3A_742 = arith.constant 2 : i32
    %swap3A_743 = arith.index_cast %swap3A_742 : i32 to index
    %swap3A_744 = arith.constant 64 : index
    %swap3A_745 = tpu.vector_load %arg6[%swap3A_743, %swap3A_744] {strides = array<i32>} : memref<8x128xi32, #tpu.memory_space<vmem>>, vector<1x16xi32>,
    %swap3A_746 = vector.shape_cast %swap3A_745 : vector<1x16xi32> to vector<16xi32>
    %swap3A_747 = vector.shape_cast %add3A_741 : vector<16xi32> to vector<1x16xi32>
    tpu.vector_store %arg6[%swap3A_743, %swap3A_744], %swap3A_747 {strides = array<i32>} : memref<8x128xi32, #tpu.memory_space<vmem>>, vector<1x16xi32>,
    %get3A_748 = arith.constant 10 : i32
    %get3A_749 = arith.index_cast %get3A_748 : i32 to index
    %get3A_750 = arith.constant 4 : index
    %get3A_751 = tpu.vector_load %arg5[%get3A_749, %get3A_750] {strides = array<i32>} : memref<32x20xi32, #tpu.memory_space<vmem>>, vector<1x16xi32>,
    %get3A_752 = vector.shape_cast %get3A_751 : vector<1x16xi32> to vector<16xi32>
    %jit3A_753 = arith.constant 0 : i32
    %jit3A_754 = arith.constant 999 : i32
    %max3A_755 = vector.broadcast %jit3A_753 : i32 to vector<16xi32>
    %max3A_756 = arith.maxsi %max3A_755, %get3A_752 : vector<16xi32>
    %min3A_757 = vector.broadcast %jit3A_754 : i32 to vector<16xi32>
    %min3A_758 = arith.minsi %min3A_757, %max3A_756 : vector<16xi32>
    %shift_right_arithmetic3A_759 = arith.constant 7 : i32
    %shift_right_arithmetic3A_760 = vector.broadcast %shift_right_arithmetic3A_759 : i32 to vector<16xi32>
    %shift_right_arithmetic3A_761 = arith.shrsi %min3A_758, %shift_right_arithmetic3A_760 : vector<16xi32>
    %mul3A_762 = arith.constant 16384 : i32
    %mul3A_763 = vector.broadcast %mul3A_762 : i32 to vector<16xi32>
    %mul3A_764 = arith.muli %shift_right_arithmetic3A_761, %mul3A_763 : vector<16xi32>
    %add3A_765 = vector.broadcast %add3A_718 : i32 to vector<16xi32>
    %add3A_766 = arith.addi %add3A_765, %mul3A_764 : vector<16xi32>
    %and3A_767 = arith.constant 127 : i32
    %and3A_768 = vector.broadcast %and3A_767 : i32 to vector<16xi32>
    %and3A_769 = arith.andi %min3A_758, %and3A_768 : vector<16xi32>
    %add3A_770 = arith.addi %add3A_766, %and3A_769 : vector<16xi32>
    %swap3A_771 = arith.constant 2 : i32
    %swap3A_772 = arith.index_cast %swap3A_771 : i32 to index
    %swap3A_773 = arith.constant 80 : index
    %swap3A_774 = tpu.vector_load %arg6[%swap3A_772, %swap3A_773] {strides = array<i32>} : memref<8x128xi32, #tpu.memory_space<vmem>>, vector<1x16xi32>,
    %swap3A_775 = vector.shape_cast %swap3A_774 : vector<1x16xi32> to vector<16xi32>
    %swap3A_776 = vector.shape_cast %add3A_770 : vector<16xi32> to vector<1x16xi32>
    tpu.vector_store %arg6[%swap3A_772, %swap3A_773], %swap3A_776 {strides = array<i32>} : memref<8x128xi32, #tpu.memory_space<vmem>>, vector<1x16xi32>,
    %add3A_777 = arith.constant 11 : i32
    %add3A_778 = arith.addi %mul3A_2, %add3A_777 : i32
    %shift_right_arithmetic3A_779 = arith.constant 7 : i32
    %shift_right_arithmetic3A_780 = arith.shrsi %add3A_778, %shift_right_arithmetic3A_779 : i32
    %mul3A_781 = arith.constant 131072 : i32
    %mul3A_782 = arith.muli %shift_right_arithmetic3A_780, %mul3A_781 : i32
    %add3A_783 = arith.constant 11 : i32
    %add3A_784 = arith.addi %mul3A_2, %add3A_783 : i32
    %and3A_785 = arith.constant 127 : i32
    %and3A_786 = arith.andi %add3A_784, %and3A_785 : i32
    %mul3A_787 = arith.constant 128 : i32
    %mul3A_788 = arith.muli %and3A_786, %mul3A_787 : i32
    %add3A_789 = arith.addi %mul3A_782, %mul3A_788 : i32
    %get3A_790 = arith.constant 11 : i32
    %get3A_791 = arith.index_cast %get3A_790 : i32 to index
    %get3A_792 = arith.constant 0 : index
    %get3A_793 = tpu.vector_load %arg5[%get3A_791, %get3A_792] {strides = array<i32>} : memref<32x20xi32, #tpu.memory_space<vmem>>, vector<1x16xi32>,
    %get3A_794 = vector.shape_cast %get3A_793 : vector<1x16xi32> to vector<16xi32>
    %jit3A_795 = arith.constant 0 : i32
    %jit3A_796 = arith.constant 999 : i32
    %max3A_797 = vector.broadcast %jit3A_795 : i32 to vector<16xi32>
    %max3A_798 = arith.maxsi %max3A_797, %get3A_794 : vector<16xi32>
    %min3A_799 = vector.broadcast %jit3A_796 : i32 to vector<16xi32>
    %min3A_800 = arith.minsi %min3A_799, %max3A_798 : vector<16xi32>
    %shift_right_arithmetic3A_801 = arith.constant 7 : i32
    %shift_right_arithmetic3A_802 = vector.broadcast %shift_right_arithmetic3A_801 : i32 to vector<16xi32>
    %shift_right_arithmetic3A_803 = arith.shrsi %min3A_800, %shift_right_arithmetic3A_802 : vector<16xi32>
    %mul3A_804 = arith.constant 16384 : i32
    %mul3A_805 = vector.broadcast %mul3A_804 : i32 to vector<16xi32>
    %mul3A_806 = arith.muli %shift_right_arithmetic3A_803, %mul3A_805 : vector<16xi32>
    %add3A_807 = vector.broadcast %add3A_789 : i32 to vector<16xi32>
    %add3A_808 = arith.addi %add3A_807, %mul3A_806 : vector<16xi32>
    %and3A_809 = arith.constant 127 : i32
    %and3A_810 = vector.broadcast %and3A_809 : i32 to vector<16xi32>
    %and3A_811 = arith.andi %min3A_800, %and3A_810 : vector<16xi32>
    %add3A_812 = arith.addi %add3A_808, %and3A_811 : vector<16xi32>
    %swap3A_813 = arith.constant 2 : i32
    %swap3A_814 = arith.index_cast %swap3A_813 : i32 to index
    %swap3A_815 = arith.constant 96 : index
    %swap3A_816 = tpu.vector_load %arg6[%swap3A_814, %swap3A_815] {strides = array<i32>} : memref<8x128xi32, #tpu.memory_space<vmem>>, vector<1x16xi32>,
    %swap3A_817 = vector.shape_cast %swap3A_816 : vector<1x16xi32> to vector<16xi32>
    %swap3A_818 = vector.shape_cast %add3A_812 : vector<16xi32> to vector<1x16xi32>
    tpu.vector_store %arg6[%swap3A_814, %swap3A_815], %swap3A_818 {strides = array<i32>} : memref<8x128xi32, #tpu.memory_space<vmem>>, vector<1x16xi32>,
    %get3A_819 = arith.constant 11 : i32
    %get3A_820 = arith.index_cast %get3A_819 : i32 to index
    %get3A_821 = arith.constant 4 : index
    %get3A_822 = tpu.vector_load %arg5[%get3A_820, %get3A_821] {strides = array<i32>} : memref<32x20xi32, #tpu.memory_space<vmem>>, vector<1x16xi32>,
    %get3A_823 = vector.shape_cast %get3A_822 : vector<1x16xi32> to vector<16xi32>
    %jit3A_824 = arith.constant 0 : i32
    %jit3A_825 = arith.constant 999 : i32
    %max3A_826 = vector.broadcast %jit3A_824 : i32 to vector<16xi32>
    %max3A_827 = arith.maxsi %max3A_826, %get3A_823 : vector<16xi32>
    %min3A_828 = vector.broadcast %jit3A_825 : i32 to vector<16xi32>
    %min3A_829 = arith.minsi %min3A_828, %max3A_827 : vector<16xi32>
    %shift_right_arithmetic3A_830 = arith.constant 7 : i32
    %shift_right_arithmetic3A_831 = vector.broadcast %shift_right_arithmetic3A_830 : i32 to vector<16xi32>
    %shift_right_arithmetic3A_832 = arith.shrsi %min3A_829, %shift_right_arithmetic3A_831 : vector<16xi32>
    %mul3A_833 = arith.constant 16384 : i32
    %mul3A_834 = vector.broadcast %mul3A_833 : i32 to vector<16xi32>
    %mul3A_835 = arith.muli %shift_right_arithmetic3A_832, %mul3A_834 : vector<16xi32>
    %add3A_836 = vector.broadcast %add3A_789 : i32 to vector<16xi32>
    %add3A_837 = arith.addi %add3A_836, %mul3A_835 : vector<16xi32>
    %and3A_838 = arith.constant 127 : i32
    %and3A_839 = vector.broadcast %and3A_838 : i32 to vector<16xi32>
    %and3A_840 = arith.andi %min3A_829, %and3A_839 : vector<16xi32>
    %add3A_841 = arith.addi %add3A_837, %and3A_840 : vector<16xi32>
    %swap3A_842 = arith.constant 2 : i32
    %swap3A_843 = arith.index_cast %swap3A_842 : i32 to index
    %swap3A_844 = arith.constant 112 : index
    %swap3A_845 = tpu.vector_load %arg6[%swap3A_843, %swap3A_844] {strides = array<i32>} : memref<8x128xi32, #tpu.memory_space<vmem>>, vector<1x16xi32>,
    %swap3A_846 = vector.shape_cast %swap3A_845 : vector<1x16xi32> to vector<16xi32>
    %swap3A_847 = vector.shape_cast %add3A_841 : vector<16xi32> to vector<1x16xi32>
    tpu.vector_store %arg6[%swap3A_843, %swap3A_844], %swap3A_847 {strides = array<i32>} : memref<8x128xi32, #tpu.memory_space<vmem>>, vector<1x16xi32>,
    %add3A_848 = arith.constant 12 : i32
    %add3A_849 = arith.addi %mul3A_2, %add3A_848 : i32
    %shift_right_arithmetic3A_850 = arith.constant 7 : i32
    %shift_right_arithmetic3A_851 = arith.shrsi %add3A_849, %shift_right_arithmetic3A_850 : i32
    %mul3A_852 = arith.constant 131072 : i32
    %mul3A_853 = arith.muli %shift_right_arithmetic3A_851, %mul3A_852 : i32
    %add3A_854 = arith.constant 12 : i32
    %add3A_855 = arith.addi %mul3A_2, %add3A_854 : i32
    %and3A_856 = arith.constant 127 : i32
    %and3A_857 = arith.andi %add3A_855, %and3A_856 : i32
    %mul3A_858 = arith.constant 128 : i32
    %mul3A_859 = arith.muli %and3A_857, %mul3A_858 : i32
    %add3A_860 = arith.addi %mul3A_853, %mul3A_859 : i32
    %get3A_861 = arith.constant 12 : i32
    %get3A_862 = arith.index_cast %get3A_861 : i32 to index
    %get3A_863 = arith.constant 0 : index
    %get3A_864 = tpu.vector_load %arg5[%get3A_862, %get3A_863] {strides = array<i32>} : memref<32x20xi32, #tpu.memory_space<vmem>>, vector<1x16xi32>,
    %get3A_865 = vector.shape_cast %get3A_864 : vector<1x16xi32> to vector<16xi32>
    %jit3A_866 = arith.constant 0 : i32
    %jit3A_867 = arith.constant 999 : i32
    %max3A_868 = vector.broadcast %jit3A_866 : i32 to vector<16xi32>
    %max3A_869 = arith.maxsi %max3A_868, %get3A_865 : vector<16xi32>
    %min3A_870 = vector.broadcast %jit3A_867 : i32 to vector<16xi32>
    %min3A_871 = arith.minsi %min3A_870, %max3A_869 : vector<16xi32>
    %shift_right_arithmetic3A_872 = arith.constant 7 : i32
    %shift_right_arithmetic3A_873 = vector.broadcast %shift_right_arithmetic3A_872 : i32 to vector<16xi32>
    %shift_right_arithmetic3A_874 = arith.shrsi %min3A_871, %shift_right_arithmetic3A_873 : vector<16xi32>
    %mul3A_875 = arith.constant 16384 : i32
    %mul3A_876 = vector.broadcast %mul3A_875 : i32 to vector<16xi32>
    %mul3A_877 = arith.muli %shift_right_arithmetic3A_874, %mul3A_876 : vector<16xi32>
    %add3A_878 = vector.broadcast %add3A_860 : i32 to vector<16xi32>
    %add3A_879 = arith.addi %add3A_878, %mul3A_877 : vector<16xi32>
    %and3A_880 = arith.constant 127 : i32
    %and3A_881 = vector.broadcast %and3A_880 : i32 to vector<16xi32>
    %and3A_882 = arith.andi %min3A_871, %and3A_881 : vector<16xi32>
    %add3A_883 = arith.addi %add3A_879, %and3A_882 : vector<16xi32>
    %swap3A_884 = arith.constant 3 : i32
    %swap3A_885 = arith.index_cast %swap3A_884 : i32 to index
    %swap3A_886 = arith.constant 0 : index
    %swap3A_887 = tpu.vector_load %arg6[%swap3A_885, %swap3A_886] {strides = array<i32>} : memref<8x128xi32, #tpu.memory_space<vmem>>, vector<1x16xi32>,
    %swap3A_888 = vector.shape_cast %swap3A_887 : vector<1x16xi32> to vector<16xi32>
    %swap3A_889 = vector.shape_cast %add3A_883 : vector<16xi32> to vector<1x16xi32>
    tpu.vector_store %arg6[%swap3A_885, %swap3A_886], %swap3A_889 {strides = array<i32>} : memref<8x128xi32, #tpu.memory_space<vmem>>, vector<1x16xi32>,
    %get3A_890 = arith.constant 12 : i32
    %get3A_891 = arith.index_cast %get3A_890 : i32 to index
    %get3A_892 = arith.constant 4 : index
    %get3A_893 = tpu.vector_load %arg5[%get3A_891, %get3A_892] {strides = array<i32>} : memref<32x20xi32, #tpu.memory_space<vmem>>, vector<1x16xi32>,
    %get3A_894 = vector.shape_cast %get3A_893 : vector<1x16xi32> to vector<16xi32>
    %jit3A_895 = arith.constant 0 : i32
    %jit3A_896 = arith.constant 999 : i32
    %max3A_897 = vector.broadcast %jit3A_895 : i32 to vector<16xi32>
    %max3A_898 = arith.maxsi %max3A_897, %get3A_894 : vector<16xi32>
    %min3A_899 = vector.broadcast %jit3A_896 : i32 to vector<16xi32>
    %min3A_900 = arith.minsi %min3A_899, %max3A_898 : vector<16xi32>
    %shift_right_arithmetic3A_901 = arith.constant 7 : i32
    %shift_right_arithmetic3A_902 = vector.broadcast %shift_right_arithmetic3A_901 : i32 to vector<16xi32>
    %shift_right_arithmetic3A_903 = arith.shrsi %min3A_900, %shift_right_arithmetic3A_902 : vector<16xi32>
    %mul3A_904 = arith.constant 16384 : i32
    %mul3A_905 = vector.broadcast %mul3A_904 : i32 to vector<16xi32>
    %mul3A_906 = arith.muli %shift_right_arithmetic3A_903, %mul3A_905 : vector<16xi32>
    %add3A_907 = vector.broadcast %add3A_860 : i32 to vector<16xi32>
    %add3A_908 = arith.addi %add3A_907, %mul3A_906 : vector<16xi32>
    %and3A_909 = arith.constant 127 : i32
    %and3A_910 = vector.broadcast %and3A_909 : i32 to vector<16xi32>
    %and3A_911 = arith.andi %min3A_900, %and3A_910 : vector<16xi32>
    %add3A_912 = arith.addi %add3A_908, %and3A_911 : vector<16xi32>
    %swap3A_913 = arith.constant 3 : i32
    %swap3A_914 = arith.index_cast %swap3A_913 : i32 to index
    %swap3A_915 = arith.constant 16 : index
    %swap3A_916 = tpu.vector_load %arg6[%swap3A_914, %swap3A_915] {strides = array<i32>} : memref<8x128xi32, #tpu.memory_space<vmem>>, vector<1x16xi32>,
    %swap3A_917 = vector.shape_cast %swap3A_916 : vector<1x16xi32> to vector<16xi32>
    %swap3A_918 = vector.shape_cast %add3A_912 : vector<16xi32> to vector<1x16xi32>
    tpu.vector_store %arg6[%swap3A_914, %swap3A_915], %swap3A_918 {strides = array<i32>} : memref<8x128xi32, #tpu.memory_space<vmem>>, vector<1x16xi32>,
    %add3A_919 = arith.constant 13 : i32
    %add3A_920 = arith.addi %mul3A_2, %add3A_919 : i32
    %shift_right_arithmetic3A_921 = arith.constant 7 : i32
    %shift_right_arithmetic3A_922 = arith.shrsi %add3A_920, %shift_right_arithmetic3A_921 : i32
    %mul3A_923 = arith.constant 131072 : i32
    %mul3A_924 = arith.muli %shift_right_arithmetic3A_922, %mul3A_923 : i32
    %add3A_925 = arith.constant 13 : i32
    %add3A_926 = arith.addi %mul3A_2, %add3A_925 : i32
    %and3A_927 = arith.constant 127 : i32
    %and3A_928 = arith.andi %add3A_926, %and3A_927 : i32
    %mul3A_929 = arith.constant 128 : i32
    %mul3A_930 = arith.muli %and3A_928, %mul3A_929 : i32
    %add3A_931 = arith.addi %mul3A_924, %mul3A_930 : i32
    %get3A_932 = arith.constant 13 : i32
    %get3A_933 = arith.index_cast %get3A_932 : i32 to index
    %get3A_934 = arith.constant 0 : index
    %get3A_935 = tpu.vector_load %arg5[%get3A_933, %get3A_934] {strides = array<i32>} : memref<32x20xi32, #tpu.memory_space<vmem>>, vector<1x16xi32>,
    %get3A_936 = vector.shape_cast %get3A_935 : vector<1x16xi32> to vector<16xi32>
    %jit3A_937 = arith.constant 0 : i32
    %jit3A_938 = arith.constant 999 : i32
    %max3A_939 = vector.broadcast %jit3A_937 : i32 to vector<16xi32>
    %max3A_940 = arith.maxsi %max3A_939, %get3A_936 : vector<16xi32>
    %min3A_941 = vector.broadcast %jit3A_938 : i32 to vector<16xi32>
    %min3A_942 = arith.minsi %min3A_941, %max3A_940 : vector<16xi32>
    %shift_right_arithmetic3A_943 = arith.constant 7 : i32
    %shift_right_arithmetic3A_944 = vector.broadcast %shift_right_arithmetic3A_943 : i32 to vector<16xi32>
    %shift_right_arithmetic3A_945 = arith.shrsi %min3A_942, %shift_right_arithmetic3A_944 : vector<16xi32>
    %mul3A_946 = arith.constant 16384 : i32
    %mul3A_947 = vector.broadcast %mul3A_946 : i32 to vector<16xi32>
    %mul3A_948 = arith.muli %shift_right_arithmetic3A_945, %mul3A_947 : vector<16xi32>
    %add3A_949 = vector.broadcast %add3A_931 : i32 to vector<16xi32>
    %add3A_950 = arith.addi %add3A_949, %mul3A_948 : vector<16xi32>
    %and3A_951 = arith.constant 127 : i32
    %and3A_952 = vector.broadcast %and3A_951 : i32 to vector<16xi32>
    %and3A_953 = arith.andi %min3A_942, %and3A_952 : vector<16xi32>
    %add3A_954 = arith.addi %add3A_950, %and3A_953 : vector<16xi32>
    %swap3A_955 = arith.constant 3 : i32
    %swap3A_956 = arith.index_cast %swap3A_955 : i32 to index
    %swap3A_957 = arith.constant 32 : index
    %swap3A_958 = tpu.vector_load %arg6[%swap3A_956, %swap3A_957] {strides = array<i32>} : memref<8x128xi32, #tpu.memory_space<vmem>>, vector<1x16xi32>,
    %swap3A_959 = vector.shape_cast %swap3A_958 : vector<1x16xi32> to vector<16xi32>
    %swap3A_960 = vector.shape_cast %add3A_954 : vector<16xi32> to vector<1x16xi32>
    tpu.vector_store %arg6[%swap3A_956, %swap3A_957], %swap3A_960 {strides = array<i32>} : memref<8x128xi32, #tpu.memory_space<vmem>>, vector<1x16xi32>,
    %get3A_961 = arith.constant 13 : i32
    %get3A_962 = arith.index_cast %get3A_961 : i32 to index
    %get3A_963 = arith.constant 4 : index
    %get3A_964 = tpu.vector_load %arg5[%get3A_962, %get3A_963] {strides = array<i32>} : memref<32x20xi32, #tpu.memory_space<vmem>>, vector<1x16xi32>,
    %get3A_965 = vector.shape_cast %get3A_964 : vector<1x16xi32> to vector<16xi32>
    %jit3A_966 = arith.constant 0 : i32
    %jit3A_967 = arith.constant 999 : i32
    %max3A_968 = vector.broadcast %jit3A_966 : i32 to vector<16xi32>
    %max3A_969 = arith.maxsi %max3A_968, %get3A_965 : vector<16xi32>
    %min3A_970 = vector.broadcast %jit3A_967 : i32 to vector<16xi32>
    %min3A_971 = arith.minsi %min3A_970, %max3A_969 : vector<16xi32>
    %shift_right_arithmetic3A_972 = arith.constant 7 : i32
    %shift_right_arithmetic3A_973 = vector.broadcast %shift_right_arithmetic3A_972 : i32 to vector<16xi32>
    %shift_right_arithmetic3A_974 = arith.shrsi %min3A_971, %shift_right_arithmetic3A_973 : vector<16xi32>
    %mul3A_975 = arith.constant 16384 : i32
    %mul3A_976 = vector.broadcast %mul3A_975 : i32 to vector<16xi32>
    %mul3A_977 = arith.muli %shift_right_arithmetic3A_974, %mul3A_976 : vector<16xi32>
    %add3A_978 = vector.broadcast %add3A_931 : i32 to vector<16xi32>
    %add3A_979 = arith.addi %add3A_978, %mul3A_977 : vector<16xi32>
    %and3A_980 = arith.constant 127 : i32
    %and3A_981 = vector.broadcast %and3A_980 : i32 to vector<16xi32>
    %and3A_982 = arith.andi %min3A_971, %and3A_981 : vector<16xi32>
    %add3A_983 = arith.addi %add3A_979, %and3A_982 : vector<16xi32>
    %swap3A_984 = arith.constant 3 : i32
    %swap3A_985 = arith.index_cast %swap3A_984 : i32 to index
    %swap3A_986 = arith.constant 48 : index
    %swap3A_987 = tpu.vector_load %arg6[%swap3A_985, %swap3A_986] {strides = array<i32>} : memref<8x128xi32, #tpu.memory_space<vmem>>, vector<1x16xi32>,
    %swap3A_988 = vector.shape_cast %swap3A_987 : vector<1x16xi32> to vector<16xi32>
    %swap3A_989 = vector.shape_cast %add3A_983 : vector<16xi32> to vector<1x16xi32>
    tpu.vector_store %arg6[%swap3A_985, %swap3A_986], %swap3A_989 {strides = array<i32>} : memref<8x128xi32, #tpu.memory_space<vmem>>, vector<1x16xi32>,
    %add3A_990 = arith.constant 14 : i32
    %add3A_991 = arith.addi %mul3A_2, %add3A_990 : i32
    %shift_right_arithmetic3A_992 = arith.constant 7 : i32
    %shift_right_arithmetic3A_993 = arith.shrsi %add3A_991, %shift_right_arithmetic3A_992 : i32
    %mul3A_994 = arith.constant 131072 : i32
    %mul3A_995 = arith.muli %shift_right_arithmetic3A_993, %mul3A_994 : i32
    %add3A_996 = arith.constant 14 : i32
    %add3A_997 = arith.addi %mul3A_2, %add3A_996 : i32
    %and3A_998 = arith.constant 127 : i32
    %and3A_999 = arith.andi %add3A_997, %and3A_998 : i32
    %mul3A_1000 = arith.constant 128 : i32
    %mul3A_1001 = arith.muli %and3A_999, %mul3A_1000 : i32
    %add3A_1002 = arith.addi %mul3A_995, %mul3A_1001 : i32
    %get3A_1003 = arith.constant 14 : i32
    %get3A_1004 = arith.index_cast %get3A_1003 : i32 to index
    %get3A_1005 = arith.constant 0 : index
    %get3A_1006 = tpu.vector_load %arg5[%get3A_1004, %get3A_1005] {strides = array<i32>} : memref<32x20xi32, #tpu.memory_space<vmem>>, vector<1x16xi32>,
    %get3A_1007 = vector.shape_cast %get3A_1006 : vector<1x16xi32> to vector<16xi32>
    %jit3A_1008 = arith.constant 0 : i32
    %jit3A_1009 = arith.constant 999 : i32
    %max3A_1010 = vector.broadcast %jit3A_1008 : i32 to vector<16xi32>
    %max3A_1011 = arith.maxsi %max3A_1010, %get3A_1007 : vector<16xi32>
    %min3A_1012 = vector.broadcast %jit3A_1009 : i32 to vector<16xi32>
    %min3A_1013 = arith.minsi %min3A_1012, %max3A_1011 : vector<16xi32>
    %shift_right_arithmetic3A_1014 = arith.constant 7 : i32
    %shift_right_arithmetic3A_1015 = vector.broadcast %shift_right_arithmetic3A_1014 : i32 to vector<16xi32>
    %shift_right_arithmetic3A_1016 = arith.shrsi %min3A_1013, %shift_right_arithmetic3A_1015 : vector<16xi32>
    %mul3A_1017 = arith.constant 16384 : i32
    %mul3A_1018 = vector.broadcast %mul3A_1017 : i32 to vector<16xi32>
    %mul3A_1019 = arith.muli %shift_right_arithmetic3A_1016, %mul3A_1018 : vector<16xi32>
    %add3A_1020 = vector.broadcast %add3A_1002 : i32 to vector<16xi32>
    %add3A_1021 = arith.addi %add3A_1020, %mul3A_1019 : vector<16xi32>
    %and3A_1022 = arith.constant 127 : i32
    %and3A_1023 = vector.broadcast %and3A_1022 : i32 to vector<16xi32>
    %and3A_1024 = arith.andi %min3A_1013, %and3A_1023 : vector<16xi32>
    %add3A_1025 = arith.addi %add3A_1021, %and3A_1024 : vector<16xi32>
    %swap3A_1026 = arith.constant 3 : i32
    %swap3A_1027 = arith.index_cast %swap3A_1026 : i32 to index
    %swap3A_1028 = arith.constant 64 : index
    %swap3A_1029 = tpu.vector_load %arg6[%swap3A_1027, %swap3A_1028] {strides = array<i32>} : memref<8x128xi32, #tpu.memory_space<vmem>>, vector<1x16xi32>,
    %swap3A_1030 = vector.shape_cast %swap3A_1029 : vector<1x16xi32> to vector<16xi32>
    %swap3A_1031 = vector.shape_cast %add3A_1025 : vector<16xi32> to vector<1x16xi32>
    tpu.vector_store %arg6[%swap3A_1027, %swap3A_1028], %swap3A_1031 {strides = array<i32>} : memref<8x128xi32, #tpu.memory_space<vmem>>, vector<1x16xi32>,
    %get3A_1032 = arith.constant 14 : i32
    %get3A_1033 = arith.index_cast %get3A_1032 : i32 to index
    %get3A_1034 = arith.constant 4 : index
    %get3A_1035 = tpu.vector_load %arg5[%get3A_1033, %get3A_1034] {strides = array<i32>} : memref<32x20xi32, #tpu.memory_space<vmem>>, vector<1x16xi32>,
    %get3A_1036 = vector.shape_cast %get3A_1035 : vector<1x16xi32> to vector<16xi32>
    %jit3A_1037 = arith.constant 0 : i32
    %jit3A_1038 = arith.constant 999 : i32
    %max3A_1039 = vector.broadcast %jit3A_1037 : i32 to vector<16xi32>
    %max3A_1040 = arith.maxsi %max3A_1039, %get3A_1036 : vector<16xi32>
    %min3A_1041 = vector.broadcast %jit3A_1038 : i32 to vector<16xi32>
    %min3A_1042 = arith.minsi %min3A_1041, %max3A_1040 : vector<16xi32>
    %shift_right_arithmetic3A_1043 = arith.constant 7 : i32
    %shift_right_arithmetic3A_1044 = vector.broadcast %shift_right_arithmetic3A_1043 : i32 to vector<16xi32>
    %shift_right_arithmetic3A_1045 = arith.shrsi %min3A_1042, %shift_right_arithmetic3A_1044 : vector<16xi32>
    %mul3A_1046 = arith.constant 16384 : i32
    %mul3A_1047 = vector.broadcast %mul3A_1046 : i32 to vector<16xi32>
    %mul3A_1048 = arith.muli %shift_right_arithmetic3A_1045, %mul3A_1047 : vector<16xi32>
    %add3A_1049 = vector.broadcast %add3A_1002 : i32 to vector<16xi32>
    %add3A_1050 = arith.addi %add3A_1049, %mul3A_1048 : vector<16xi32>
    %and3A_1051 = arith.constant 127 : i32
    %and3A_1052 = vector.broadcast %and3A_1051 : i32 to vector<16xi32>
    %and3A_1053 = arith.andi %min3A_1042, %and3A_1052 : vector<16xi32>
    %add3A_1054 = arith.addi %add3A_1050, %and3A_1053 : vector<16xi32>
    %swap3A_1055 = arith.constant 3 : i32
    %swap3A_1056 = arith.index_cast %swap3A_1055 : i32 to index
    %swap3A_1057 = arith.constant 80 : index
    %swap3A_1058 = tpu.vector_load %arg6[%swap3A_1056, %swap3A_1057] {strides = array<i32>} : memref<8x128xi32, #tpu.memory_space<vmem>>, vector<1x16xi32>,
    %swap3A_1059 = vector.shape_cast %swap3A_1058 : vector<1x16xi32> to vector<16xi32>
    %swap3A_1060 = vector.shape_cast %add3A_1054 : vector<16xi32> to vector<1x16xi32>
    tpu.vector_store %arg6[%swap3A_1056, %swap3A_1057], %swap3A_1060 {strides = array<i32>} : memref<8x128xi32, #tpu.memory_space<vmem>>, vector<1x16xi32>,
    %add3A_1061 = arith.constant 15 : i32
    %add3A_1062 = arith.addi %mul3A_2, %add3A_1061 : i32
    %shift_right_arithmetic3A_1063 = arith.constant 7 : i32
    %shift_right_arithmetic3A_1064 = arith.shrsi %add3A_1062, %shift_right_arithmetic3A_1063 : i32
    %mul3A_1065 = arith.constant 131072 : i32
    %mul3A_1066 = arith.muli %shift_right_arithmetic3A_1064, %mul3A_1065 : i32
    %add3A_1067 = arith.constant 15 : i32
    %add3A_1068 = arith.addi %mul3A_2, %add3A_1067 : i32
    %and3A_1069 = arith.constant 127 : i32
    %and3A_1070 = arith.andi %add3A_1068, %and3A_1069 : i32
    %mul3A_1071 = arith.constant 128 : i32
    %mul3A_1072 = arith.muli %and3A_1070, %mul3A_1071 : i32
    %add3A_1073 = arith.addi %mul3A_1066, %mul3A_1072 : i32
    %get3A_1074 = arith.constant 15 : i32
    %get3A_1075 = arith.index_cast %get3A_1074 : i32 to index
    %get3A_1076 = arith.constant 0 : index
    %get3A_1077 = tpu.vector_load %arg5[%get3A_1075, %get3A_1076] {strides = array<i32>} : memref<32x20xi32, #tpu.memory_space<vmem>>, vector<1x16xi32>,
    %get3A_1078 = vector.shape_cast %get3A_1077 : vector<1x16xi32> to vector<16xi32>
    %jit3A_1079 = arith.constant 0 : i32
    %jit3A_1080 = arith.constant 999 : i32
    %max3A_1081 = vector.broadcast %jit3A_1079 : i32 to vector<16xi32>
    %max3A_1082 = arith.maxsi %max3A_1081, %get3A_1078 : vector<16xi32>
    %min3A_1083 = vector.broadcast %jit3A_1080 : i32 to vector<16xi32>
    %min3A_1084 = arith.minsi %min3A_1083, %max3A_1082 : vector<16xi32>
    %shift_right_arithmetic3A_1085 = arith.constant 7 : i32
    %shift_right_arithmetic3A_1086 = vector.broadcast %shift_right_arithmetic3A_1085 : i32 to vector<16xi32>
    %shift_right_arithmetic3A_1087 = arith.shrsi %min3A_1084, %shift_right_arithmetic3A_1086 : vector<16xi32>
    %mul3A_1088 = arith.constant 16384 : i32
    %mul3A_1089 = vector.broadcast %mul3A_1088 : i32 to vector<16xi32>
    %mul3A_1090 = arith.muli %shift_right_arithmetic3A_1087, %mul3A_1089 : vector<16xi32>
    %add3A_1091 = vector.broadcast %add3A_1073 : i32 to vector<16xi32>
    %add3A_1092 = arith.addi %add3A_1091, %mul3A_1090 : vector<16xi32>
    %and3A_1093 = arith.constant 127 : i32
    %and3A_1094 = vector.broadcast %and3A_1093 : i32 to vector<16xi32>
    %and3A_1095 = arith.andi %min3A_1084, %and3A_1094 : vector<16xi32>
    %add3A_1096 = arith.addi %add3A_1092, %and3A_1095 : vector<16xi32>
    %swap3A_1097 = arith.constant 3 : i32
    %swap3A_1098 = arith.index_cast %swap3A_1097 : i32 to index
    %swap3A_1099 = arith.constant 96 : index
    %swap3A_1100 = tpu.vector_load %arg6[%swap3A_1098, %swap3A_1099] {strides = array<i32>} : memref<8x128xi32, #tpu.memory_space<vmem>>, vector<1x16xi32>,
    %swap3A_1101 = vector.shape_cast %swap3A_1100 : vector<1x16xi32> to vector<16xi32>
    %swap3A_1102 = vector.shape_cast %add3A_1096 : vector<16xi32> to vector<1x16xi32>
    tpu.vector_store %arg6[%swap3A_1098, %swap3A_1099], %swap3A_1102 {strides = array<i32>} : memref<8x128xi32, #tpu.memory_space<vmem>>, vector<1x16xi32>,
    %get3A_1103 = arith.constant 15 : i32
    %get3A_1104 = arith.index_cast %get3A_1103 : i32 to index
    %get3A_1105 = arith.constant 4 : index
    %get3A_1106 = tpu.vector_load %arg5[%get3A_1104, %get3A_1105] {strides = array<i32>} : memref<32x20xi32, #tpu.memory_space<vmem>>, vector<1x16xi32>,
    %get3A_1107 = vector.shape_cast %get3A_1106 : vector<1x16xi32> to vector<16xi32>
    %jit3A_1108 = arith.constant 0 : i32
    %jit3A_1109 = arith.constant 999 : i32
    %max3A_1110 = vector.broadcast %jit3A_1108 : i32 to vector<16xi32>
    %max3A_1111 = arith.maxsi %max3A_1110, %get3A_1107 : vector<16xi32>
    %min3A_1112 = vector.broadcast %jit3A_1109 : i32 to vector<16xi32>
    %min3A_1113 = arith.minsi %min3A_1112, %max3A_1111 : vector<16xi32>
    %shift_right_arithmetic3A_1114 = arith.constant 7 : i32
    %shift_right_arithmetic3A_1115 = vector.broadcast %shift_right_arithmetic3A_1114 : i32 to vector<16xi32>
    %shift_right_arithmetic3A_1116 = arith.shrsi %min3A_1113, %shift_right_arithmetic3A_1115 : vector<16xi32>
    %mul3A_1117 = arith.constant 16384 : i32
    %mul3A_1118 = vector.broadcast %mul3A_1117 : i32 to vector<16xi32>
    %mul3A_1119 = arith.muli %shift_right_arithmetic3A_1116, %mul3A_1118 : vector<16xi32>
    %add3A_1120 = vector.broadcast %add3A_1073 : i32 to vector<16xi32>
    %add3A_1121 = arith.addi %add3A_1120, %mul3A_1119 : vector<16xi32>
    %and3A_1122 = arith.constant 127 : i32
    %and3A_1123 = vector.broadcast %and3A_1122 : i32 to vector<16xi32>
    %and3A_1124 = arith.andi %min3A_1113, %and3A_1123 : vector<16xi32>
    %add3A_1125 = arith.addi %add3A_1121, %and3A_1124 : vector<16xi32>
    %swap3A_1126 = arith.constant 3 : i32
    %swap3A_1127 = arith.index_cast %swap3A_1126 : i32 to index
    %swap3A_1128 = arith.constant 112 : index
    %swap3A_1129 = tpu.vector_load %arg6[%swap3A_1127, %swap3A_1128] {strides = array<i32>} : memref<8x128xi32, #tpu.memory_space<vmem>>, vector<1x16xi32>,
    %swap3A_1130 = vector.shape_cast %swap3A_1129 : vector<1x16xi32> to vector<16xi32>
    %swap3A_1131 = vector.shape_cast %add3A_1125 : vector<16xi32> to vector<1x16xi32>
    tpu.vector_store %arg6[%swap3A_1127, %swap3A_1128], %swap3A_1131 {strides = array<i32>} : memref<8x128xi32, #tpu.memory_space<vmem>>, vector<1x16xi32>,
    %add3A_1132 = arith.constant 16 : i32
    %add3A_1133 = arith.addi %mul3A_2, %add3A_1132 : i32
    %shift_right_arithmetic3A_1134 = arith.constant 7 : i32
    %shift_right_arithmetic3A_1135 = arith.shrsi %add3A_1133, %shift_right_arithmetic3A_1134 : i32
    %mul3A_1136 = arith.constant 131072 : i32
    %mul3A_1137 = arith.muli %shift_right_arithmetic3A_1135, %mul3A_1136 : i32
    %add3A_1138 = arith.constant 16 : i32
    %add3A_1139 = arith.addi %mul3A_2, %add3A_1138 : i32
    %and3A_1140 = arith.constant 127 : i32
    %and3A_1141 = arith.andi %add3A_1139, %and3A_1140 : i32
    %mul3A_1142 = arith.constant 128 : i32
    %mul3A_1143 = arith.muli %and3A_1141, %mul3A_1142 : i32
    %add3A_1144 = arith.addi %mul3A_1137, %mul3A_1143 : i32
    %get3A_1145 = arith.constant 16 : i32
    %get3A_1146 = arith.index_cast %get3A_1145 : i32 to index
    %get3A_1147 = arith.constant 0 : index
    %get3A_1148 = tpu.vector_load %arg5[%get3A_1146, %get3A_1147] {strides = array<i32>} : memref<32x20xi32, #tpu.memory_space<vmem>>, vector<1x16xi32>,
    %get3A_1149 = vector.shape_cast %get3A_1148 : vector<1x16xi32> to vector<16xi32>
    %jit3A_1150 = arith.constant 0 : i32
    %jit3A_1151 = arith.constant 999 : i32
    %max3A_1152 = vector.broadcast %jit3A_1150 : i32 to vector<16xi32>
    %max3A_1153 = arith.maxsi %max3A_1152, %get3A_1149 : vector<16xi32>
    %min3A_1154 = vector.broadcast %jit3A_1151 : i32 to vector<16xi32>
    %min3A_1155 = arith.minsi %min3A_1154, %max3A_1153 : vector<16xi32>
    %shift_right_arithmetic3A_1156 = arith.constant 7 : i32
    %shift_right_arithmetic3A_1157 = vector.broadcast %shift_right_arithmetic3A_1156 : i32 to vector<16xi32>
    %shift_right_arithmetic3A_1158 = arith.shrsi %min3A_1155, %shift_right_arithmetic3A_1157 : vector<16xi32>
    %mul3A_1159 = arith.constant 16384 : i32
    %mul3A_1160 = vector.broadcast %mul3A_1159 : i32 to vector<16xi32>
    %mul3A_1161 = arith.muli %shift_right_arithmetic3A_1158, %mul3A_1160 : vector<16xi32>
    %add3A_1162 = vector.broadcast %add3A_1144 : i32 to vector<16xi32>
    %add3A_1163 = arith.addi %add3A_1162, %mul3A_1161 : vector<16xi32>
    %and3A_1164 = arith.constant 127 : i32
    %and3A_1165 = vector.broadcast %and3A_1164 : i32 to vector<16xi32>
    %and3A_1166 = arith.andi %min3A_1155, %and3A_1165 : vector<16xi32>
    %add3A_1167 = arith.addi %add3A_1163, %and3A_1166 : vector<16xi32>
    %swap3A_1168 = arith.constant 4 : i32
    %swap3A_1169 = arith.index_cast %swap3A_1168 : i32 to index
    %swap3A_1170 = arith.constant 0 : index
    %swap3A_1171 = tpu.vector_load %arg6[%swap3A_1169, %swap3A_1170] {strides = array<i32>} : memref<8x128xi32, #tpu.memory_space<vmem>>, vector<1x16xi32>,
    %swap3A_1172 = vector.shape_cast %swap3A_1171 : vector<1x16xi32> to vector<16xi32>
    %swap3A_1173 = vector.shape_cast %add3A_1167 : vector<16xi32> to vector<1x16xi32>
    tpu.vector_store %arg6[%swap3A_1169, %swap3A_1170], %swap3A_1173 {strides = array<i32>} : memref<8x128xi32, #tpu.memory_space<vmem>>, vector<1x16xi32>,
    %get3A_1174 = arith.constant 16 : i32
    %get3A_1175 = arith.index_cast %get3A_1174 : i32 to index
    %get3A_1176 = arith.constant 4 : index
    %get3A_1177 = tpu.vector_load %arg5[%get3A_1175, %get3A_1176] {strides = array<i32>} : memref<32x20xi32, #tpu.memory_space<vmem>>, vector<1x16xi32>,
    %get3A_1178 = vector.shape_cast %get3A_1177 : vector<1x16xi32> to vector<16xi32>
    %jit3A_1179 = arith.constant 0 : i32
    %jit3A_1180 = arith.constant 999 : i32
    %max3A_1181 = vector.broadcast %jit3A_1179 : i32 to vector<16xi32>
    %max3A_1182 = arith.maxsi %max3A_1181, %get3A_1178 : vector<16xi32>
    %min3A_1183 = vector.broadcast %jit3A_1180 : i32 to vector<16xi32>
    %min3A_1184 = arith.minsi %min3A_1183, %max3A_1182 : vector<16xi32>
    %shift_right_arithmetic3A_1185 = arith.constant 7 : i32
    %shift_right_arithmetic3A_1186 = vector.broadcast %shift_right_arithmetic3A_1185 : i32 to vector<16xi32>
    %shift_right_arithmetic3A_1187 = arith.shrsi %min3A_1184, %shift_right_arithmetic3A_1186 : vector<16xi32>
    %mul3A_1188 = arith.constant 16384 : i32
    %mul3A_1189 = vector.broadcast %mul3A_1188 : i32 to vector<16xi32>
    %mul3A_1190 = arith.muli %shift_right_arithmetic3A_1187, %mul3A_1189 : vector<16xi32>
    %add3A_1191 = vector.broadcast %add3A_1144 : i32 to vector<16xi32>
    %add3A_1192 = arith.addi %add3A_1191, %mul3A_1190 : vector<16xi32>
    %and3A_1193 = arith.constant 127 : i32
    %and3A_1194 = vector.broadcast %and3A_1193 : i32 to vector<16xi32>
    %and3A_1195 = arith.andi %min3A_1184, %and3A_1194 : vector<16xi32>
    %add3A_1196 = arith.addi %add3A_1192, %and3A_1195 : vector<16xi32>
    %swap3A_1197 = arith.constant 4 : i32
    %swap3A_1198 = arith.index_cast %swap3A_1197 : i32 to index
    %swap3A_1199 = arith.constant 16 : index
    %swap3A_1200 = tpu.vector_load %arg6[%swap3A_1198, %swap3A_1199] {strides = array<i32>} : memref<8x128xi32, #tpu.memory_space<vmem>>, vector<1x16xi32>,
    %swap3A_1201 = vector.shape_cast %swap3A_1200 : vector<1x16xi32> to vector<16xi32>
    %swap3A_1202 = vector.shape_cast %add3A_1196 : vector<16xi32> to vector<1x16xi32>
    tpu.vector_store %arg6[%swap3A_1198, %swap3A_1199], %swap3A_1202 {strides = array<i32>} : memref<8x128xi32, #tpu.memory_space<vmem>>, vector<1x16xi32>,
    %add3A_1203 = arith.constant 17 : i32
    %add3A_1204 = arith.addi %mul3A_2, %add3A_1203 : i32
    %shift_right_arithmetic3A_1205 = arith.constant 7 : i32
    %shift_right_arithmetic3A_1206 = arith.shrsi %add3A_1204, %shift_right_arithmetic3A_1205 : i32
    %mul3A_1207 = arith.constant 131072 : i32
    %mul3A_1208 = arith.muli %shift_right_arithmetic3A_1206, %mul3A_1207 : i32
    %add3A_1209 = arith.constant 17 : i32
    %add3A_1210 = arith.addi %mul3A_2, %add3A_1209 : i32
    %and3A_1211 = arith.constant 127 : i32
    %and3A_1212 = arith.andi %add3A_1210, %and3A_1211 : i32
    %mul3A_1213 = arith.constant 128 : i32
    %mul3A_1214 = arith.muli %and3A_1212, %mul3A_1213 : i32
    %add3A_1215 = arith.addi %mul3A_1208, %mul3A_1214 : i32
    %get3A_1216 = arith.constant 17 : i32
    %get3A_1217 = arith.index_cast %get3A_1216 : i32 to index
    %get3A_1218 = arith.constant 0 : index
    %get3A_1219 = tpu.vector_load %arg5[%get3A_1217, %get3A_1218] {strides = array<i32>} : memref<32x20xi32, #tpu.memory_space<vmem>>, vector<1x16xi32>,
    %get3A_1220 = vector.shape_cast %get3A_1219 : vector<1x16xi32> to vector<16xi32>
    %jit3A_1221 = arith.constant 0 : i32
    %jit3A_1222 = arith.constant 999 : i32
    %max3A_1223 = vector.broadcast %jit3A_1221 : i32 to vector<16xi32>
    %max3A_1224 = arith.maxsi %max3A_1223, %get3A_1220 : vector<16xi32>
    %min3A_1225 = vector.broadcast %jit3A_1222 : i32 to vector<16xi32>
    %min3A_1226 = arith.minsi %min3A_1225, %max3A_1224 : vector<16xi32>
    %shift_right_arithmetic3A_1227 = arith.constant 7 : i32
    %shift_right_arithmetic3A_1228 = vector.broadcast %shift_right_arithmetic3A_1227 : i32 to vector<16xi32>
    %shift_right_arithmetic3A_1229 = arith.shrsi %min3A_1226, %shift_right_arithmetic3A_1228 : vector<16xi32>
    %mul3A_1230 = arith.constant 16384 : i32
    %mul3A_1231 = vector.broadcast %mul3A_1230 : i32 to vector<16xi32>
    %mul3A_1232 = arith.muli %shift_right_arithmetic3A_1229, %mul3A_1231 : vector<16xi32>
    %add3A_1233 = vector.broadcast %add3A_1215 : i32 to vector<16xi32>
    %add3A_1234 = arith.addi %add3A_1233, %mul3A_1232 : vector<16xi32>
    %and3A_1235 = arith.constant 127 : i32
    %and3A_1236 = vector.broadcast %and3A_1235 : i32 to vector<16xi32>
    %and3A_1237 = arith.andi %min3A_1226, %and3A_1236 : vector<16xi32>
    %add3A_1238 = arith.addi %add3A_1234, %and3A_1237 : vector<16xi32>
    %swap3A_1239 = arith.constant 4 : i32
    %swap3A_1240 = arith.index_cast %swap3A_1239 : i32 to index
    %swap3A_1241 = arith.constant 32 : index
    %swap3A_1242 = tpu.vector_load %arg6[%swap3A_1240, %swap3A_1241] {strides = array<i32>} : memref<8x128xi32, #tpu.memory_space<vmem>>, vector<1x16xi32>,
    %swap3A_1243 = vector.shape_cast %swap3A_1242 : vector<1x16xi32> to vector<16xi32>
    %swap3A_1244 = vector.shape_cast %add3A_1238 : vector<16xi32> to vector<1x16xi32>
    tpu.vector_store %arg6[%swap3A_1240, %swap3A_1241], %swap3A_1244 {strides = array<i32>} : memref<8x128xi32, #tpu.memory_space<vmem>>, vector<1x16xi32>,
    %get3A_1245 = arith.constant 17 : i32
    %get3A_1246 = arith.index_cast %get3A_1245 : i32 to index
    %get3A_1247 = arith.constant 4 : index
    %get3A_1248 = tpu.vector_load %arg5[%get3A_1246, %get3A_1247] {strides = array<i32>} : memref<32x20xi32, #tpu.memory_space<vmem>>, vector<1x16xi32>,
    %get3A_1249 = vector.shape_cast %get3A_1248 : vector<1x16xi32> to vector<16xi32>
    %jit3A_1250 = arith.constant 0 : i32
    %jit3A_1251 = arith.constant 999 : i32
    %max3A_1252 = vector.broadcast %jit3A_1250 : i32 to vector<16xi32>
    %max3A_1253 = arith.maxsi %max3A_1252, %get3A_1249 : vector<16xi32>
    %min3A_1254 = vector.broadcast %jit3A_1251 : i32 to vector<16xi32>
    %min3A_1255 = arith.minsi %min3A_1254, %max3A_1253 : vector<16xi32>
    %shift_right_arithmetic3A_1256 = arith.constant 7 : i32
    %shift_right_arithmetic3A_1257 = vector.broadcast %shift_right_arithmetic3A_1256 : i32 to vector<16xi32>
    %shift_right_arithmetic3A_1258 = arith.shrsi %min3A_1255, %shift_right_arithmetic3A_1257 : vector<16xi32>
    %mul3A_1259 = arith.constant 16384 : i32
    %mul3A_1260 = vector.broadcast %mul3A_1259 : i32 to vector<16xi32>
    %mul3A_1261 = arith.muli %shift_right_arithmetic3A_1258, %mul3A_1260 : vector<16xi32>
    %add3A_1262 = vector.broadcast %add3A_1215 : i32 to vector<16xi32>
    %add3A_1263 = arith.addi %add3A_1262, %mul3A_1261 : vector<16xi32>
    %and3A_1264 = arith.constant 127 : i32
    %and3A_1265 = vector.broadcast %and3A_1264 : i32 to vector<16xi32>
    %and3A_1266 = arith.andi %min3A_1255, %and3A_1265 : vector<16xi32>
    %add3A_1267 = arith.addi %add3A_1263, %and3A_1266 : vector<16xi32>
    %swap3A_1268 = arith.constant 4 : i32
    %swap3A_1269 = arith.index_cast %swap3A_1268 : i32 to index
    %swap3A_1270 = arith.constant 48 : index
    %swap3A_1271 = tpu.vector_load %arg6[%swap3A_1269, %swap3A_1270] {strides = array<i32>} : memref<8x128xi32, #tpu.memory_space<vmem>>, vector<1x16xi32>,
    %swap3A_1272 = vector.shape_cast %swap3A_1271 : vector<1x16xi32> to vector<16xi32>
    %swap3A_1273 = vector.shape_cast %add3A_1267 : vector<16xi32> to vector<1x16xi32>
    tpu.vector_store %arg6[%swap3A_1269, %swap3A_1270], %swap3A_1273 {strides = array<i32>} : memref<8x128xi32, #tpu.memory_space<vmem>>, vector<1x16xi32>,
    %add3A_1274 = arith.constant 18 : i32
    %add3A_1275 = arith.addi %mul3A_2, %add3A_1274 : i32
    %shift_right_arithmetic3A_1276 = arith.constant 7 : i32
    %shift_right_arithmetic3A_1277 = arith.shrsi %add3A_1275, %shift_right_arithmetic3A_1276 : i32
    %mul3A_1278 = arith.constant 131072 : i32
    %mul3A_1279 = arith.muli %shift_right_arithmetic3A_1277, %mul3A_1278 : i32
    %add3A_1280 = arith.constant 18 : i32
    %add3A_1281 = arith.addi %mul3A_2, %add3A_1280 : i32
    %and3A_1282 = arith.constant 127 : i32
    %and3A_1283 = arith.andi %add3A_1281, %and3A_1282 : i32
    %mul3A_1284 = arith.constant 128 : i32
    %mul3A_1285 = arith.muli %and3A_1283, %mul3A_1284 : i32
    %add3A_1286 = arith.addi %mul3A_1279, %mul3A_1285 : i32
    %get3A_1287 = arith.constant 18 : i32
    %get3A_1288 = arith.index_cast %get3A_1287 : i32 to index
    %get3A_1289 = arith.constant 0 : index
    %get3A_1290 = tpu.vector_load %arg5[%get3A_1288, %get3A_1289] {strides = array<i32>} : memref<32x20xi32, #tpu.memory_space<vmem>>, vector<1x16xi32>,
    %get3A_1291 = vector.shape_cast %get3A_1290 : vector<1x16xi32> to vector<16xi32>
    %jit3A_1292 = arith.constant 0 : i32
    %jit3A_1293 = arith.constant 999 : i32
    %max3A_1294 = vector.broadcast %jit3A_1292 : i32 to vector<16xi32>
    %max3A_1295 = arith.maxsi %max3A_1294, %get3A_1291 : vector<16xi32>
    %min3A_1296 = vector.broadcast %jit3A_1293 : i32 to vector<16xi32>
    %min3A_1297 = arith.minsi %min3A_1296, %max3A_1295 : vector<16xi32>
    %shift_right_arithmetic3A_1298 = arith.constant 7 : i32
    %shift_right_arithmetic3A_1299 = vector.broadcast %shift_right_arithmetic3A_1298 : i32 to vector<16xi32>
    %shift_right_arithmetic3A_1300 = arith.shrsi %min3A_1297, %shift_right_arithmetic3A_1299 : vector<16xi32>
    %mul3A_1301 = arith.constant 16384 : i32
    %mul3A_1302 = vector.broadcast %mul3A_1301 : i32 to vector<16xi32>
    %mul3A_1303 = arith.muli %shift_right_arithmetic3A_1300, %mul3A_1302 : vector<16xi32>
    %add3A_1304 = vector.broadcast %add3A_1286 : i32 to vector<16xi32>
    %add3A_1305 = arith.addi %add3A_1304, %mul3A_1303 : vector<16xi32>
    %and3A_1306 = arith.constant 127 : i32
    %and3A_1307 = vector.broadcast %and3A_1306 : i32 to vector<16xi32>
    %and3A_1308 = arith.andi %min3A_1297, %and3A_1307 : vector<16xi32>
    %add3A_1309 = arith.addi %add3A_1305, %and3A_1308 : vector<16xi32>
    %swap3A_1310 = arith.constant 4 : i32
    %swap3A_1311 = arith.index_cast %swap3A_1310 : i32 to index
    %swap3A_1312 = arith.constant 64 : index
    %swap3A_1313 = tpu.vector_load %arg6[%swap3A_1311, %swap3A_1312] {strides = array<i32>} : memref<8x128xi32, #tpu.memory_space<vmem>>, vector<1x16xi32>,
    %swap3A_1314 = vector.shape_cast %swap3A_1313 : vector<1x16xi32> to vector<16xi32>
    %swap3A_1315 = vector.shape_cast %add3A_1309 : vector<16xi32> to vector<1x16xi32>
    tpu.vector_store %arg6[%swap3A_1311, %swap3A_1312], %swap3A_1315 {strides = array<i32>} : memref<8x128xi32, #tpu.memory_space<vmem>>, vector<1x16xi32>,
    %get3A_1316 = arith.constant 18 : i32
    %get3A_1317 = arith.index_cast %get3A_1316 : i32 to index
    %get3A_1318 = arith.constant 4 : index
    %get3A_1319 = tpu.vector_load %arg5[%get3A_1317, %get3A_1318] {strides = array<i32>} : memref<32x20xi32, #tpu.memory_space<vmem>>, vector<1x16xi32>,
    %get3A_1320 = vector.shape_cast %get3A_1319 : vector<1x16xi32> to vector<16xi32>
    %jit3A_1321 = arith.constant 0 : i32
    %jit3A_1322 = arith.constant 999 : i32
    %max3A_1323 = vector.broadcast %jit3A_1321 : i32 to vector<16xi32>
    %max3A_1324 = arith.maxsi %max3A_1323, %get3A_1320 : vector<16xi32>
    %min3A_1325 = vector.broadcast %jit3A_1322 : i32 to vector<16xi32>
    %min3A_1326 = arith.minsi %min3A_1325, %max3A_1324 : vector<16xi32>
    %shift_right_arithmetic3A_1327 = arith.constant 7 : i32
    %shift_right_arithmetic3A_1328 = vector.broadcast %shift_right_arithmetic3A_1327 : i32 to vector<16xi32>
    %shift_right_arithmetic3A_1329 = arith.shrsi %min3A_1326, %shift_right_arithmetic3A_1328 : vector<16xi32>
    %mul3A_1330 = arith.constant 16384 : i32
    %mul3A_1331 = vector.broadcast %mul3A_1330 : i32 to vector<16xi32>
    %mul3A_1332 = arith.muli %shift_right_arithmetic3A_1329, %mul3A_1331 : vector<16xi32>
    %add3A_1333 = vector.broadcast %add3A_1286 : i32 to vector<16xi32>
    %add3A_1334 = arith.addi %add3A_1333, %mul3A_1332 : vector<16xi32>
    %and3A_1335 = arith.constant 127 : i32
    %and3A_1336 = vector.broadcast %and3A_1335 : i32 to vector<16xi32>
    %and3A_1337 = arith.andi %min3A_1326, %and3A_1336 : vector<16xi32>
    %add3A_1338 = arith.addi %add3A_1334, %and3A_1337 : vector<16xi32>
    %swap3A_1339 = arith.constant 4 : i32
    %swap3A_1340 = arith.index_cast %swap3A_1339 : i32 to index
    %swap3A_1341 = arith.constant 80 : index
    %swap3A_1342 = tpu.vector_load %arg6[%swap3A_1340, %swap3A_1341] {strides = array<i32>} : memref<8x128xi32, #tpu.memory_space<vmem>>, vector<1x16xi32>,
    %swap3A_1343 = vector.shape_cast %swap3A_1342 : vector<1x16xi32> to vector<16xi32>
    %swap3A_1344 = vector.shape_cast %add3A_1338 : vector<16xi32> to vector<1x16xi32>
    tpu.vector_store %arg6[%swap3A_1340, %swap3A_1341], %swap3A_1344 {strides = array<i32>} : memref<8x128xi32, #tpu.memory_space<vmem>>, vector<1x16xi32>,
    %add3A_1345 = arith.constant 19 : i32
    %add3A_1346 = arith.addi %mul3A_2, %add3A_1345 : i32
    %shift_right_arithmetic3A_1347 = arith.constant 7 : i32
    %shift_right_arithmetic3A_1348 = arith.shrsi %add3A_1346, %shift_right_arithmetic3A_1347 : i32
    %mul3A_1349 = arith.constant 131072 : i32
    %mul3A_1350 = arith.muli %shift_right_arithmetic3A_1348, %mul3A_1349 : i32
    %add3A_1351 = arith.constant 19 : i32
    %add3A_1352 = arith.addi %mul3A_2, %add3A_1351 : i32
    %and3A_1353 = arith.constant 127 : i32
    %and3A_1354 = arith.andi %add3A_1352, %and3A_1353 : i32
    %mul3A_1355 = arith.constant 128 : i32
    %mul3A_1356 = arith.muli %and3A_1354, %mul3A_1355 : i32
    %add3A_1357 = arith.addi %mul3A_1350, %mul3A_1356 : i32
    %get3A_1358 = arith.constant 19 : i32
    %get3A_1359 = arith.index_cast %get3A_1358 : i32 to index
    %get3A_1360 = arith.constant 0 : index
    %get3A_1361 = tpu.vector_load %arg5[%get3A_1359, %get3A_1360] {strides = array<i32>} : memref<32x20xi32, #tpu.memory_space<vmem>>, vector<1x16xi32>,
    %get3A_1362 = vector.shape_cast %get3A_1361 : vector<1x16xi32> to vector<16xi32>
    %jit3A_1363 = arith.constant 0 : i32
    %jit3A_1364 = arith.constant 999 : i32
    %max3A_1365 = vector.broadcast %jit3A_1363 : i32 to vector<16xi32>
    %max3A_1366 = arith.maxsi %max3A_1365, %get3A_1362 : vector<16xi32>
    %min3A_1367 = vector.broadcast %jit3A_1364 : i32 to vector<16xi32>
    %min3A_1368 = arith.minsi %min3A_1367, %max3A_1366 : vector<16xi32>
    %shift_right_arithmetic3A_1369 = arith.constant 7 : i32
    %shift_right_arithmetic3A_1370 = vector.broadcast %shift_right_arithmetic3A_1369 : i32 to vector<16xi32>
    %shift_right_arithmetic3A_1371 = arith.shrsi %min3A_1368, %shift_right_arithmetic3A_1370 : vector<16xi32>
    %mul3A_1372 = arith.constant 16384 : i32
    %mul3A_1373 = vector.broadcast %mul3A_1372 : i32 to vector<16xi32>
    %mul3A_1374 = arith.muli %shift_right_arithmetic3A_1371, %mul3A_1373 : vector<16xi32>
    %add3A_1375 = vector.broadcast %add3A_1357 : i32 to vector<16xi32>
    %add3A_1376 = arith.addi %add3A_1375, %mul3A_1374 : vector<16xi32>
    %and3A_1377 = arith.constant 127 : i32
    %and3A_1378 = vector.broadcast %and3A_1377 : i32 to vector<16xi32>
    %and3A_1379 = arith.andi %min3A_1368, %and3A_1378 : vector<16xi32>
    %add3A_1380 = arith.addi %add3A_1376, %and3A_1379 : vector<16xi32>
    %swap3A_1381 = arith.constant 4 : i32
    %swap3A_1382 = arith.index_cast %swap3A_1381 : i32 to index
    %swap3A_1383 = arith.constant 96 : index
    %swap3A_1384 = tpu.vector_load %arg6[%swap3A_1382, %swap3A_1383] {strides = array<i32>} : memref<8x128xi32, #tpu.memory_space<vmem>>, vector<1x16xi32>,
    %swap3A_1385 = vector.shape_cast %swap3A_1384 : vector<1x16xi32> to vector<16xi32>
    %swap3A_1386 = vector.shape_cast %add3A_1380 : vector<16xi32> to vector<1x16xi32>
    tpu.vector_store %arg6[%swap3A_1382, %swap3A_1383], %swap3A_1386 {strides = array<i32>} : memref<8x128xi32, #tpu.memory_space<vmem>>, vector<1x16xi32>,
    %get3A_1387 = arith.constant 19 : i32
    %get3A_1388 = arith.index_cast %get3A_1387 : i32 to index
    %get3A_1389 = arith.constant 4 : index
    %get3A_1390 = tpu.vector_load %arg5[%get3A_1388, %get3A_1389] {strides = array<i32>} : memref<32x20xi32, #tpu.memory_space<vmem>>, vector<1x16xi32>,
    %get3A_1391 = vector.shape_cast %get3A_1390 : vector<1x16xi32> to vector<16xi32>
    %jit3A_1392 = arith.constant 0 : i32
    %jit3A_1393 = arith.constant 999 : i32
    %max3A_1394 = vector.broadcast %jit3A_1392 : i32 to vector<16xi32>
    %max3A_1395 = arith.maxsi %max3A_1394, %get3A_1391 : vector<16xi32>
    %min3A_1396 = vector.broadcast %jit3A_1393 : i32 to vector<16xi32>
    %min3A_1397 = arith.minsi %min3A_1396, %max3A_1395 : vector<16xi32>
    %shift_right_arithmetic3A_1398 = arith.constant 7 : i32
    %shift_right_arithmetic3A_1399 = vector.broadcast %shift_right_arithmetic3A_1398 : i32 to vector<16xi32>
    %shift_right_arithmetic3A_1400 = arith.shrsi %min3A_1397, %shift_right_arithmetic3A_1399 : vector<16xi32>
    %mul3A_1401 = arith.constant 16384 : i32
    %mul3A_1402 = vector.broadcast %mul3A_1401 : i32 to vector<16xi32>
    %mul3A_1403 = arith.muli %shift_right_arithmetic3A_1400, %mul3A_1402 : vector<16xi32>
    %add3A_1404 = vector.broadcast %add3A_1357 : i32 to vector<16xi32>
    %add3A_1405 = arith.addi %add3A_1404, %mul3A_1403 : vector<16xi32>
    %and3A_1406 = arith.constant 127 : i32
    %and3A_1407 = vector.broadcast %and3A_1406 : i32 to vector<16xi32>
    %and3A_1408 = arith.andi %min3A_1397, %and3A_1407 : vector<16xi32>
    %add3A_1409 = arith.addi %add3A_1405, %and3A_1408 : vector<16xi32>
    %swap3A_1410 = arith.constant 4 : i32
    %swap3A_1411 = arith.index_cast %swap3A_1410 : i32 to index
    %swap3A_1412 = arith.constant 112 : index
    %swap3A_1413 = tpu.vector_load %arg6[%swap3A_1411, %swap3A_1412] {strides = array<i32>} : memref<8x128xi32, #tpu.memory_space<vmem>>, vector<1x16xi32>,
    %swap3A_1414 = vector.shape_cast %swap3A_1413 : vector<1x16xi32> to vector<16xi32>
    %swap3A_1415 = vector.shape_cast %add3A_1409 : vector<16xi32> to vector<1x16xi32>
    tpu.vector_store %arg6[%swap3A_1411, %swap3A_1412], %swap3A_1415 {strides = array<i32>} : memref<8x128xi32, #tpu.memory_space<vmem>>, vector<1x16xi32>,
    %add3A_1416 = arith.constant 20 : i32
    %add3A_1417 = arith.addi %mul3A_2, %add3A_1416 : i32
    %shift_right_arithmetic3A_1418 = arith.constant 7 : i32
    %shift_right_arithmetic3A_1419 = arith.shrsi %add3A_1417, %shift_right_arithmetic3A_1418 : i32
    %mul3A_1420 = arith.constant 131072 : i32
    %mul3A_1421 = arith.muli %shift_right_arithmetic3A_1419, %mul3A_1420 : i32
    %add3A_1422 = arith.constant 20 : i32
    %add3A_1423 = arith.addi %mul3A_2, %add3A_1422 : i32
    %and3A_1424 = arith.constant 127 : i32
    %and3A_1425 = arith.andi %add3A_1423, %and3A_1424 : i32
    %mul3A_1426 = arith.constant 128 : i32
    %mul3A_1427 = arith.muli %and3A_1425, %mul3A_1426 : i32
    %add3A_1428 = arith.addi %mul3A_1421, %mul3A_1427 : i32
    %get3A_1429 = arith.constant 20 : i32
    %get3A_1430 = arith.index_cast %get3A_1429 : i32 to index
    %get3A_1431 = arith.constant 0 : index
    %get3A_1432 = tpu.vector_load %arg5[%get3A_1430, %get3A_1431] {strides = array<i32>} : memref<32x20xi32, #tpu.memory_space<vmem>>, vector<1x16xi32>,
    %get3A_1433 = vector.shape_cast %get3A_1432 : vector<1x16xi32> to vector<16xi32>
    %jit3A_1434 = arith.constant 0 : i32
    %jit3A_1435 = arith.constant 999 : i32
    %max3A_1436 = vector.broadcast %jit3A_1434 : i32 to vector<16xi32>
    %max3A_1437 = arith.maxsi %max3A_1436, %get3A_1433 : vector<16xi32>
    %min3A_1438 = vector.broadcast %jit3A_1435 : i32 to vector<16xi32>
    %min3A_1439 = arith.minsi %min3A_1438, %max3A_1437 : vector<16xi32>
    %shift_right_arithmetic3A_1440 = arith.constant 7 : i32
    %shift_right_arithmetic3A_1441 = vector.broadcast %shift_right_arithmetic3A_1440 : i32 to vector<16xi32>
    %shift_right_arithmetic3A_1442 = arith.shrsi %min3A_1439, %shift_right_arithmetic3A_1441 : vector<16xi32>
    %mul3A_1443 = arith.constant 16384 : i32
    %mul3A_1444 = vector.broadcast %mul3A_1443 : i32 to vector<16xi32>
    %mul3A_1445 = arith.muli %shift_right_arithmetic3A_1442, %mul3A_1444 : vector<16xi32>
    %add3A_1446 = vector.broadcast %add3A_1428 : i32 to vector<16xi32>
    %add3A_1447 = arith.addi %add3A_1446, %mul3A_1445 : vector<16xi32>
    %and3A_1448 = arith.constant 127 : i32
    %and3A_1449 = vector.broadcast %and3A_1448 : i32 to vector<16xi32>
    %and3A_1450 = arith.andi %min3A_1439, %and3A_1449 : vector<16xi32>
    %add3A_1451 = arith.addi %add3A_1447, %and3A_1450 : vector<16xi32>
    %swap3A_1452 = arith.constant 5 : i32
    %swap3A_1453 = arith.index_cast %swap3A_1452 : i32 to index
    %swap3A_1454 = arith.constant 0 : index
    %swap3A_1455 = tpu.vector_load %arg6[%swap3A_1453, %swap3A_1454] {strides = array<i32>} : memref<8x128xi32, #tpu.memory_space<vmem>>, vector<1x16xi32>,
    %swap3A_1456 = vector.shape_cast %swap3A_1455 : vector<1x16xi32> to vector<16xi32>
    %swap3A_1457 = vector.shape_cast %add3A_1451 : vector<16xi32> to vector<1x16xi32>
    tpu.vector_store %arg6[%swap3A_1453, %swap3A_1454], %swap3A_1457 {strides = array<i32>} : memref<8x128xi32, #tpu.memory_space<vmem>>, vector<1x16xi32>,
    %get3A_1458 = arith.constant 20 : i32
    %get3A_1459 = arith.index_cast %get3A_1458 : i32 to index
    %get3A_1460 = arith.constant 4 : index
    %get3A_1461 = tpu.vector_load %arg5[%get3A_1459, %get3A_1460] {strides = array<i32>} : memref<32x20xi32, #tpu.memory_space<vmem>>, vector<1x16xi32>,
    %get3A_1462 = vector.shape_cast %get3A_1461 : vector<1x16xi32> to vector<16xi32>
    %jit3A_1463 = arith.constant 0 : i32
    %jit3A_1464 = arith.constant 999 : i32
    %max3A_1465 = vector.broadcast %jit3A_1463 : i32 to vector<16xi32>
    %max3A_1466 = arith.maxsi %max3A_1465, %get3A_1462 : vector<16xi32>
    %min3A_1467 = vector.broadcast %jit3A_1464 : i32 to vector<16xi32>
    %min3A_1468 = arith.minsi %min3A_1467, %max3A_1466 : vector<16xi32>
    %shift_right_arithmetic3A_1469 = arith.constant 7 : i32
    %shift_right_arithmetic3A_1470 = vector.broadcast %shift_right_arithmetic3A_1469 : i32 to vector<16xi32>
    %shift_right_arithmetic3A_1471 = arith.shrsi %min3A_1468, %shift_right_arithmetic3A_1470 : vector<16xi32>
    %mul3A_1472 = arith.constant 16384 : i32
    %mul3A_1473 = vector.broadcast %mul3A_1472 : i32 to vector<16xi32>
    %mul3A_1474 = arith.muli %shift_right_arithmetic3A_1471, %mul3A_1473 : vector<16xi32>
    %add3A_1475 = vector.broadcast %add3A_1428 : i32 to vector<16xi32>
    %add3A_1476 = arith.addi %add3A_1475, %mul3A_1474 : vector<16xi32>
    %and3A_1477 = arith.constant 127 : i32
    %and3A_1478 = vector.broadcast %and3A_1477 : i32 to vector<16xi32>
    %and3A_1479 = arith.andi %min3A_1468, %and3A_1478 : vector<16xi32>
    %add3A_1480 = arith.addi %add3A_1476, %and3A_1479 : vector<16xi32>
    %swap3A_1481 = arith.constant 5 : i32
    %swap3A_1482 = arith.index_cast %swap3A_1481 : i32 to index
    %swap3A_1483 = arith.constant 16 : index
    %swap3A_1484 = tpu.vector_load %arg6[%swap3A_1482, %swap3A_1483] {strides = array<i32>} : memref<8x128xi32, #tpu.memory_space<vmem>>, vector<1x16xi32>,
    %swap3A_1485 = vector.shape_cast %swap3A_1484 : vector<1x16xi32> to vector<16xi32>
    %swap3A_1486 = vector.shape_cast %add3A_1480 : vector<16xi32> to vector<1x16xi32>
    tpu.vector_store %arg6[%swap3A_1482, %swap3A_1483], %swap3A_1486 {strides = array<i32>} : memref<8x128xi32, #tpu.memory_space<vmem>>, vector<1x16xi32>,
    %add3A_1487 = arith.constant 21 : i32
    %add3A_1488 = arith.addi %mul3A_2, %add3A_1487 : i32
    %shift_right_arithmetic3A_1489 = arith.constant 7 : i32
    %shift_right_arithmetic3A_1490 = arith.shrsi %add3A_1488, %shift_right_arithmetic3A_1489 : i32
    %mul3A_1491 = arith.constant 131072 : i32
    %mul3A_1492 = arith.muli %shift_right_arithmetic3A_1490, %mul3A_1491 : i32
    %add3A_1493 = arith.constant 21 : i32
    %add3A_1494 = arith.addi %mul3A_2, %add3A_1493 : i32
    %and3A_1495 = arith.constant 127 : i32
    %and3A_1496 = arith.andi %add3A_1494, %and3A_1495 : i32
    %mul3A_1497 = arith.constant 128 : i32
    %mul3A_1498 = arith.muli %and3A_1496, %mul3A_1497 : i32
    %add3A_1499 = arith.addi %mul3A_1492, %mul3A_1498 : i32
    %get3A_1500 = arith.constant 21 : i32
    %get3A_1501 = arith.index_cast %get3A_1500 : i32 to index
    %get3A_1502 = arith.constant 0 : index
    %get3A_1503 = tpu.vector_load %arg5[%get3A_1501, %get3A_1502] {strides = array<i32>} : memref<32x20xi32, #tpu.memory_space<vmem>>, vector<1x16xi32>,
    %get3A_1504 = vector.shape_cast %get3A_1503 : vector<1x16xi32> to vector<16xi32>
    %jit3A_1505 = arith.constant 0 : i32
    %jit3A_1506 = arith.constant 999 : i32
    %max3A_1507 = vector.broadcast %jit3A_1505 : i32 to vector<16xi32>
    %max3A_1508 = arith.maxsi %max3A_1507, %get3A_1504 : vector<16xi32>
    %min3A_1509 = vector.broadcast %jit3A_1506 : i32 to vector<16xi32>
    %min3A_1510 = arith.minsi %min3A_1509, %max3A_1508 : vector<16xi32>
    %shift_right_arithmetic3A_1511 = arith.constant 7 : i32
    %shift_right_arithmetic3A_1512 = vector.broadcast %shift_right_arithmetic3A_1511 : i32 to vector<16xi32>
    %shift_right_arithmetic3A_1513 = arith.shrsi %min3A_1510, %shift_right_arithmetic3A_1512 : vector<16xi32>
    %mul3A_1514 = arith.constant 16384 : i32
    %mul3A_1515 = vector.broadcast %mul3A_1514 : i32 to vector<16xi32>
    %mul3A_1516 = arith.muli %shift_right_arithmetic3A_1513, %mul3A_1515 : vector<16xi32>
    %add3A_1517 = vector.broadcast %add3A_1499 : i32 to vector<16xi32>
    %add3A_1518 = arith.addi %add3A_1517, %mul3A_1516 : vector<16xi32>
    %and3A_1519 = arith.constant 127 : i32
    %and3A_1520 = vector.broadcast %and3A_1519 : i32 to vector<16xi32>
    %and3A_1521 = arith.andi %min3A_1510, %and3A_1520 : vector<16xi32>
    %add3A_1522 = arith.addi %add3A_1518, %and3A_1521 : vector<16xi32>
    %swap3A_1523 = arith.constant 5 : i32
    %swap3A_1524 = arith.index_cast %swap3A_1523 : i32 to index
    %swap3A_1525 = arith.constant 32 : index
    %swap3A_1526 = tpu.vector_load %arg6[%swap3A_1524, %swap3A_1525] {strides = array<i32>} : memref<8x128xi32, #tpu.memory_space<vmem>>, vector<1x16xi32>,
    %swap3A_1527 = vector.shape_cast %swap3A_1526 : vector<1x16xi32> to vector<16xi32>
    %swap3A_1528 = vector.shape_cast %add3A_1522 : vector<16xi32> to vector<1x16xi32>
    tpu.vector_store %arg6[%swap3A_1524, %swap3A_1525], %swap3A_1528 {strides = array<i32>} : memref<8x128xi32, #tpu.memory_space<vmem>>, vector<1x16xi32>,
    %get3A_1529 = arith.constant 21 : i32
    %get3A_1530 = arith.index_cast %get3A_1529 : i32 to index
    %get3A_1531 = arith.constant 4 : index
    %get3A_1532 = tpu.vector_load %arg5[%get3A_1530, %get3A_1531] {strides = array<i32>} : memref<32x20xi32, #tpu.memory_space<vmem>>, vector<1x16xi32>,
    %get3A_1533 = vector.shape_cast %get3A_1532 : vector<1x16xi32> to vector<16xi32>
    %jit3A_1534 = arith.constant 0 : i32
    %jit3A_1535 = arith.constant 999 : i32
    %max3A_1536 = vector.broadcast %jit3A_1534 : i32 to vector<16xi32>
    %max3A_1537 = arith.maxsi %max3A_1536, %get3A_1533 : vector<16xi32>
    %min3A_1538 = vector.broadcast %jit3A_1535 : i32 to vector<16xi32>
    %min3A_1539 = arith.minsi %min3A_1538, %max3A_1537 : vector<16xi32>
    %shift_right_arithmetic3A_1540 = arith.constant 7 : i32
    %shift_right_arithmetic3A_1541 = vector.broadcast %shift_right_arithmetic3A_1540 : i32 to vector<16xi32>
    %shift_right_arithmetic3A_1542 = arith.shrsi %min3A_1539, %shift_right_arithmetic3A_1541 : vector<16xi32>
    %mul3A_1543 = arith.constant 16384 : i32
    %mul3A_1544 = vector.broadcast %mul3A_1543 : i32 to vector<16xi32>
    %mul3A_1545 = arith.muli %shift_right_arithmetic3A_1542, %mul3A_1544 : vector<16xi32>
    %add3A_1546 = vector.broadcast %add3A_1499 : i32 to vector<16xi32>
    %add3A_1547 = arith.addi %add3A_1546, %mul3A_1545 : vector<16xi32>
    %and3A_1548 = arith.constant 127 : i32
    %and3A_1549 = vector.broadcast %and3A_1548 : i32 to vector<16xi32>
    %and3A_1550 = arith.andi %min3A_1539, %and3A_1549 : vector<16xi32>
    %add3A_1551 = arith.addi %add3A_1547, %and3A_1550 : vector<16xi32>
    %swap3A_1552 = arith.constant 5 : i32
    %swap3A_1553 = arith.index_cast %swap3A_1552 : i32 to index
    %swap3A_1554 = arith.constant 48 : index
    %swap3A_1555 = tpu.vector_load %arg6[%swap3A_1553, %swap3A_1554] {strides = array<i32>} : memref<8x128xi32, #tpu.memory_space<vmem>>, vector<1x16xi32>,
    %swap3A_1556 = vector.shape_cast %swap3A_1555 : vector<1x16xi32> to vector<16xi32>
    %swap3A_1557 = vector.shape_cast %add3A_1551 : vector<16xi32> to vector<1x16xi32>
    tpu.vector_store %arg6[%swap3A_1553, %swap3A_1554], %swap3A_1557 {strides = array<i32>} : memref<8x128xi32, #tpu.memory_space<vmem>>, vector<1x16xi32>,
    %add3A_1558 = arith.constant 22 : i32
    %add3A_1559 = arith.addi %mul3A_2, %add3A_1558 : i32
    %shift_right_arithmetic3A_1560 = arith.constant 7 : i32
    %shift_right_arithmetic3A_1561 = arith.shrsi %add3A_1559, %shift_right_arithmetic3A_1560 : i32
    %mul3A_1562 = arith.constant 131072 : i32
    %mul3A_1563 = arith.muli %shift_right_arithmetic3A_1561, %mul3A_1562 : i32
    %add3A_1564 = arith.constant 22 : i32
    %add3A_1565 = arith.addi %mul3A_2, %add3A_1564 : i32
    %and3A_1566 = arith.constant 127 : i32
    %and3A_1567 = arith.andi %add3A_1565, %and3A_1566 : i32
    %mul3A_1568 = arith.constant 128 : i32
    %mul3A_1569 = arith.muli %and3A_1567, %mul3A_1568 : i32
    %add3A_1570 = arith.addi %mul3A_1563, %mul3A_1569 : i32
    %get3A_1571 = arith.constant 22 : i32
    %get3A_1572 = arith.index_cast %get3A_1571 : i32 to index
    %get3A_1573 = arith.constant 0 : index
    %get3A_1574 = tpu.vector_load %arg5[%get3A_1572, %get3A_1573] {strides = array<i32>} : memref<32x20xi32, #tpu.memory_space<vmem>>, vector<1x16xi32>,
    %get3A_1575 = vector.shape_cast %get3A_1574 : vector<1x16xi32> to vector<16xi32>
    %jit3A_1576 = arith.constant 0 : i32
    %jit3A_1577 = arith.constant 999 : i32
    %max3A_1578 = vector.broadcast %jit3A_1576 : i32 to vector<16xi32>
    %max3A_1579 = arith.maxsi %max3A_1578, %get3A_1575 : vector<16xi32>
    %min3A_1580 = vector.broadcast %jit3A_1577 : i32 to vector<16xi32>
    %min3A_1581 = arith.minsi %min3A_1580, %max3A_1579 : vector<16xi32>
    %shift_right_arithmetic3A_1582 = arith.constant 7 : i32
    %shift_right_arithmetic3A_1583 = vector.broadcast %shift_right_arithmetic3A_1582 : i32 to vector<16xi32>
    %shift_right_arithmetic3A_1584 = arith.shrsi %min3A_1581, %shift_right_arithmetic3A_1583 : vector<16xi32>
    %mul3A_1585 = arith.constant 16384 : i32
    %mul3A_1586 = vector.broadcast %mul3A_1585 : i32 to vector<16xi32>
    %mul3A_1587 = arith.muli %shift_right_arithmetic3A_1584, %mul3A_1586 : vector<16xi32>
    %add3A_1588 = vector.broadcast %add3A_1570 : i32 to vector<16xi32>
    %add3A_1589 = arith.addi %add3A_1588, %mul3A_1587 : vector<16xi32>
    %and3A_1590 = arith.constant 127 : i32
    %and3A_1591 = vector.broadcast %and3A_1590 : i32 to vector<16xi32>
    %and3A_1592 = arith.andi %min3A_1581, %and3A_1591 : vector<16xi32>
    %add3A_1593 = arith.addi %add3A_1589, %and3A_1592 : vector<16xi32>
    %swap3A_1594 = arith.constant 5 : i32
    %swap3A_1595 = arith.index_cast %swap3A_1594 : i32 to index
    %swap3A_1596 = arith.constant 64 : index
    %swap3A_1597 = tpu.vector_load %arg6[%swap3A_1595, %swap3A_1596] {strides = array<i32>} : memref<8x128xi32, #tpu.memory_space<vmem>>, vector<1x16xi32>,
    %swap3A_1598 = vector.shape_cast %swap3A_1597 : vector<1x16xi32> to vector<16xi32>
    %swap3A_1599 = vector.shape_cast %add3A_1593 : vector<16xi32> to vector<1x16xi32>
    tpu.vector_store %arg6[%swap3A_1595, %swap3A_1596], %swap3A_1599 {strides = array<i32>} : memref<8x128xi32, #tpu.memory_space<vmem>>, vector<1x16xi32>,
    %get3A_1600 = arith.constant 22 : i32
    %get3A_1601 = arith.index_cast %get3A_1600 : i32 to index
    %get3A_1602 = arith.constant 4 : index
    %get3A_1603 = tpu.vector_load %arg5[%get3A_1601, %get3A_1602] {strides = array<i32>} : memref<32x20xi32, #tpu.memory_space<vmem>>, vector<1x16xi32>,
    %get3A_1604 = vector.shape_cast %get3A_1603 : vector<1x16xi32> to vector<16xi32>
    %jit3A_1605 = arith.constant 0 : i32
    %jit3A_1606 = arith.constant 999 : i32
    %max3A_1607 = vector.broadcast %jit3A_1605 : i32 to vector<16xi32>
    %max3A_1608 = arith.maxsi %max3A_1607, %get3A_1604 : vector<16xi32>
    %min3A_1609 = vector.broadcast %jit3A_1606 : i32 to vector<16xi32>
    %min3A_1610 = arith.minsi %min3A_1609, %max3A_1608 : vector<16xi32>
    %shift_right_arithmetic3A_1611 = arith.constant 7 : i32
    %shift_right_arithmetic3A_1612 = vector.broadcast %shift_right_arithmetic3A_1611 : i32 to vector<16xi32>
    %shift_right_arithmetic3A_1613 = arith.shrsi %min3A_1610, %shift_right_arithmetic3A_1612 : vector<16xi32>
    %mul3A_1614 = arith.constant 16384 : i32
    %mul3A_1615 = vector.broadcast %mul3A_1614 : i32 to vector<16xi32>
    %mul3A_1616 = arith.muli %shift_right_arithmetic3A_1613, %mul3A_1615 : vector<16xi32>
    %add3A_1617 = vector.broadcast %add3A_1570 : i32 to vector<16xi32>
    %add3A_1618 = arith.addi %add3A_1617, %mul3A_1616 : vector<16xi32>
    %and3A_1619 = arith.constant 127 : i32
    %and3A_1620 = vector.broadcast %and3A_1619 : i32 to vector<16xi32>
    %and3A_1621 = arith.andi %min3A_1610, %and3A_1620 : vector<16xi32>
    %add3A_1622 = arith.addi %add3A_1618, %and3A_1621 : vector<16xi32>
    %swap3A_1623 = arith.constant 5 : i32
    %swap3A_1624 = arith.index_cast %swap3A_1623 : i32 to index
    %swap3A_1625 = arith.constant 80 : index
    %swap3A_1626 = tpu.vector_load %arg6[%swap3A_1624, %swap3A_1625] {strides = array<i32>} : memref<8x128xi32, #tpu.memory_space<vmem>>, vector<1x16xi32>,
    %swap3A_1627 = vector.shape_cast %swap3A_1626 : vector<1x16xi32> to vector<16xi32>
    %swap3A_1628 = vector.shape_cast %add3A_1622 : vector<16xi32> to vector<1x16xi32>
    tpu.vector_store %arg6[%swap3A_1624, %swap3A_1625], %swap3A_1628 {strides = array<i32>} : memref<8x128xi32, #tpu.memory_space<vmem>>, vector<1x16xi32>,
    %add3A_1629 = arith.constant 23 : i32
    %add3A_1630 = arith.addi %mul3A_2, %add3A_1629 : i32
    %shift_right_arithmetic3A_1631 = arith.constant 7 : i32
    %shift_right_arithmetic3A_1632 = arith.shrsi %add3A_1630, %shift_right_arithmetic3A_1631 : i32
    %mul3A_1633 = arith.constant 131072 : i32
    %mul3A_1634 = arith.muli %shift_right_arithmetic3A_1632, %mul3A_1633 : i32
    %add3A_1635 = arith.constant 23 : i32
    %add3A_1636 = arith.addi %mul3A_2, %add3A_1635 : i32
    %and3A_1637 = arith.constant 127 : i32
    %and3A_1638 = arith.andi %add3A_1636, %and3A_1637 : i32
    %mul3A_1639 = arith.constant 128 : i32
    %mul3A_1640 = arith.muli %and3A_1638, %mul3A_1639 : i32
    %add3A_1641 = arith.addi %mul3A_1634, %mul3A_1640 : i32
    %get3A_1642 = arith.constant 23 : i32
    %get3A_1643 = arith.index_cast %get3A_1642 : i32 to index
    %get3A_1644 = arith.constant 0 : index
    %get3A_1645 = tpu.vector_load %arg5[%get3A_1643, %get3A_1644] {strides = array<i32>} : memref<32x20xi32, #tpu.memory_space<vmem>>, vector<1x16xi32>,
    %get3A_1646 = vector.shape_cast %get3A_1645 : vector<1x16xi32> to vector<16xi32>
    %jit3A_1647 = arith.constant 0 : i32
    %jit3A_1648 = arith.constant 999 : i32
    %max3A_1649 = vector.broadcast %jit3A_1647 : i32 to vector<16xi32>
    %max3A_1650 = arith.maxsi %max3A_1649, %get3A_1646 : vector<16xi32>
    %min3A_1651 = vector.broadcast %jit3A_1648 : i32 to vector<16xi32>
    %min3A_1652 = arith.minsi %min3A_1651, %max3A_1650 : vector<16xi32>
    %shift_right_arithmetic3A_1653 = arith.constant 7 : i32
    %shift_right_arithmetic3A_1654 = vector.broadcast %shift_right_arithmetic3A_1653 : i32 to vector<16xi32>
    %shift_right_arithmetic3A_1655 = arith.shrsi %min3A_1652, %shift_right_arithmetic3A_1654 : vector<16xi32>
    %mul3A_1656 = arith.constant 16384 : i32
    %mul3A_1657 = vector.broadcast %mul3A_1656 : i32 to vector<16xi32>
    %mul3A_1658 = arith.muli %shift_right_arithmetic3A_1655, %mul3A_1657 : vector<16xi32>
    %add3A_1659 = vector.broadcast %add3A_1641 : i32 to vector<16xi32>
    %add3A_1660 = arith.addi %add3A_1659, %mul3A_1658 : vector<16xi32>
    %and3A_1661 = arith.constant 127 : i32
    %and3A_1662 = vector.broadcast %and3A_1661 : i32 to vector<16xi32>
    %and3A_1663 = arith.andi %min3A_1652, %and3A_1662 : vector<16xi32>
    %add3A_1664 = arith.addi %add3A_1660, %and3A_1663 : vector<16xi32>
    %swap3A_1665 = arith.constant 5 : i32
    %swap3A_1666 = arith.index_cast %swap3A_1665 : i32 to index
    %swap3A_1667 = arith.constant 96 : index
    %swap3A_1668 = tpu.vector_load %arg6[%swap3A_1666, %swap3A_1667] {strides = array<i32>} : memref<8x128xi32, #tpu.memory_space<vmem>>, vector<1x16xi32>,
    %swap3A_1669 = vector.shape_cast %swap3A_1668 : vector<1x16xi32> to vector<16xi32>
    %swap3A_1670 = vector.shape_cast %add3A_1664 : vector<16xi32> to vector<1x16xi32>
    tpu.vector_store %arg6[%swap3A_1666, %swap3A_1667], %swap3A_1670 {strides = array<i32>} : memref<8x128xi32, #tpu.memory_space<vmem>>, vector<1x16xi32>,
    %get3A_1671 = arith.constant 23 : i32
    %get3A_1672 = arith.index_cast %get3A_1671 : i32 to index
    %get3A_1673 = arith.constant 4 : index
    %get3A_1674 = tpu.vector_load %arg5[%get3A_1672, %get3A_1673] {strides = array<i32>} : memref<32x20xi32, #tpu.memory_space<vmem>>, vector<1x16xi32>,
    %get3A_1675 = vector.shape_cast %get3A_1674 : vector<1x16xi32> to vector<16xi32>
    %jit3A_1676 = arith.constant 0 : i32
    %jit3A_1677 = arith.constant 999 : i32
    %max3A_1678 = vector.broadcast %jit3A_1676 : i32 to vector<16xi32>
    %max3A_1679 = arith.maxsi %max3A_1678, %get3A_1675 : vector<16xi32>
    %min3A_1680 = vector.broadcast %jit3A_1677 : i32 to vector<16xi32>
    %min3A_1681 = arith.minsi %min3A_1680, %max3A_1679 : vector<16xi32>
    %shift_right_arithmetic3A_1682 = arith.constant 7 : i32
    %shift_right_arithmetic3A_1683 = vector.broadcast %shift_right_arithmetic3A_1682 : i32 to vector<16xi32>
    %shift_right_arithmetic3A_1684 = arith.shrsi %min3A_1681, %shift_right_arithmetic3A_1683 : vector<16xi32>
    %mul3A_1685 = arith.constant 16384 : i32
    %mul3A_1686 = vector.broadcast %mul3A_1685 : i32 to vector<16xi32>
    %mul3A_1687 = arith.muli %shift_right_arithmetic3A_1684, %mul3A_1686 : vector<16xi32>
    %add3A_1688 = vector.broadcast %add3A_1641 : i32 to vector<16xi32>
    %add3A_1689 = arith.addi %add3A_1688, %mul3A_1687 : vector<16xi32>
    %and3A_1690 = arith.constant 127 : i32
    %and3A_1691 = vector.broadcast %and3A_1690 : i32 to vector<16xi32>
    %and3A_1692 = arith.andi %min3A_1681, %and3A_1691 : vector<16xi32>
    %add3A_1693 = arith.addi %add3A_1689, %and3A_1692 : vector<16xi32>
    %swap3A_1694 = arith.constant 5 : i32
    %swap3A_1695 = arith.index_cast %swap3A_1694 : i32 to index
    %swap3A_1696 = arith.constant 112 : index
    %swap3A_1697 = tpu.vector_load %arg6[%swap3A_1695, %swap3A_1696] {strides = array<i32>} : memref<8x128xi32, #tpu.memory_space<vmem>>, vector<1x16xi32>,
    %swap3A_1698 = vector.shape_cast %swap3A_1697 : vector<1x16xi32> to vector<16xi32>
    %swap3A_1699 = vector.shape_cast %add3A_1693 : vector<16xi32> to vector<1x16xi32>
    tpu.vector_store %arg6[%swap3A_1695, %swap3A_1696], %swap3A_1699 {strides = array<i32>} : memref<8x128xi32, #tpu.memory_space<vmem>>, vector<1x16xi32>,
    %add3A_1700 = arith.constant 24 : i32
    %add3A_1701 = arith.addi %mul3A_2, %add3A_1700 : i32
    %shift_right_arithmetic3A_1702 = arith.constant 7 : i32
    %shift_right_arithmetic3A_1703 = arith.shrsi %add3A_1701, %shift_right_arithmetic3A_1702 : i32
    %mul3A_1704 = arith.constant 131072 : i32
    %mul3A_1705 = arith.muli %shift_right_arithmetic3A_1703, %mul3A_1704 : i32
    %add3A_1706 = arith.constant 24 : i32
    %add3A_1707 = arith.addi %mul3A_2, %add3A_1706 : i32
    %and3A_1708 = arith.constant 127 : i32
    %and3A_1709 = arith.andi %add3A_1707, %and3A_1708 : i32
    %mul3A_1710 = arith.constant 128 : i32
    %mul3A_1711 = arith.muli %and3A_1709, %mul3A_1710 : i32
    %add3A_1712 = arith.addi %mul3A_1705, %mul3A_1711 : i32
    %get3A_1713 = arith.constant 24 : i32
    %get3A_1714 = arith.index_cast %get3A_1713 : i32 to index
    %get3A_1715 = arith.constant 0 : index
    %get3A_1716 = tpu.vector_load %arg5[%get3A_1714, %get3A_1715] {strides = array<i32>} : memref<32x20xi32, #tpu.memory_space<vmem>>, vector<1x16xi32>,
    %get3A_1717 = vector.shape_cast %get3A_1716 : vector<1x16xi32> to vector<16xi32>
    %jit3A_1718 = arith.constant 0 : i32
    %jit3A_1719 = arith.constant 999 : i32
    %max3A_1720 = vector.broadcast %jit3A_1718 : i32 to vector<16xi32>
    %max3A_1721 = arith.maxsi %max3A_1720, %get3A_1717 : vector<16xi32>
    %min3A_1722 = vector.broadcast %jit3A_1719 : i32 to vector<16xi32>
    %min3A_1723 = arith.minsi %min3A_1722, %max3A_1721 : vector<16xi32>
    %shift_right_arithmetic3A_1724 = arith.constant 7 : i32
    %shift_right_arithmetic3A_1725 = vector.broadcast %shift_right_arithmetic3A_1724 : i32 to vector<16xi32>
    %shift_right_arithmetic3A_1726 = arith.shrsi %min3A_1723, %shift_right_arithmetic3A_1725 : vector<16xi32>
    %mul3A_1727 = arith.constant 16384 : i32
    %mul3A_1728 = vector.broadcast %mul3A_1727 : i32 to vector<16xi32>
    %mul3A_1729 = arith.muli %shift_right_arithmetic3A_1726, %mul3A_1728 : vector<16xi32>
    %add3A_1730 = vector.broadcast %add3A_1712 : i32 to vector<16xi32>
    %add3A_1731 = arith.addi %add3A_1730, %mul3A_1729 : vector<16xi32>
    %and3A_1732 = arith.constant 127 : i32
    %and3A_1733 = vector.broadcast %and3A_1732 : i32 to vector<16xi32>
    %and3A_1734 = arith.andi %min3A_1723, %and3A_1733 : vector<16xi32>
    %add3A_1735 = arith.addi %add3A_1731, %and3A_1734 : vector<16xi32>
    %swap3A_1736 = arith.constant 6 : i32
    %swap3A_1737 = arith.index_cast %swap3A_1736 : i32 to index
    %swap3A_1738 = arith.constant 0 : index
    %swap3A_1739 = tpu.vector_load %arg6[%swap3A_1737, %swap3A_1738] {strides = array<i32>} : memref<8x128xi32, #tpu.memory_space<vmem>>, vector<1x16xi32>,
    %swap3A_1740 = vector.shape_cast %swap3A_1739 : vector<1x16xi32> to vector<16xi32>
    %swap3A_1741 = vector.shape_cast %add3A_1735 : vector<16xi32> to vector<1x16xi32>
    tpu.vector_store %arg6[%swap3A_1737, %swap3A_1738], %swap3A_1741 {strides = array<i32>} : memref<8x128xi32, #tpu.memory_space<vmem>>, vector<1x16xi32>,
    %get3A_1742 = arith.constant 24 : i32
    %get3A_1743 = arith.index_cast %get3A_1742 : i32 to index
    %get3A_1744 = arith.constant 4 : index
    %get3A_1745 = tpu.vector_load %arg5[%get3A_1743, %get3A_1744] {strides = array<i32>} : memref<32x20xi32, #tpu.memory_space<vmem>>, vector<1x16xi32>,
    %get3A_1746 = vector.shape_cast %get3A_1745 : vector<1x16xi32> to vector<16xi32>
    %jit3A_1747 = arith.constant 0 : i32
    %jit3A_1748 = arith.constant 999 : i32
    %max3A_1749 = vector.broadcast %jit3A_1747 : i32 to vector<16xi32>
    %max3A_1750 = arith.maxsi %max3A_1749, %get3A_1746 : vector<16xi32>
    %min3A_1751 = vector.broadcast %jit3A_1748 : i32 to vector<16xi32>
    %min3A_1752 = arith.minsi %min3A_1751, %max3A_1750 : vector<16xi32>
    %shift_right_arithmetic3A_1753 = arith.constant 7 : i32
    %shift_right_arithmetic3A_1754 = vector.broadcast %shift_right_arithmetic3A_1753 : i32 to vector<16xi32>
    %shift_right_arithmetic3A_1755 = arith.shrsi %min3A_1752, %shift_right_arithmetic3A_1754 : vector<16xi32>
    %mul3A_1756 = arith.constant 16384 : i32
    %mul3A_1757 = vector.broadcast %mul3A_1756 : i32 to vector<16xi32>
    %mul3A_1758 = arith.muli %shift_right_arithmetic3A_1755, %mul3A_1757 : vector<16xi32>
    %add3A_1759 = vector.broadcast %add3A_1712 : i32 to vector<16xi32>
    %add3A_1760 = arith.addi %add3A_1759, %mul3A_1758 : vector<16xi32>
    %and3A_1761 = arith.constant 127 : i32
    %and3A_1762 = vector.broadcast %and3A_1761 : i32 to vector<16xi32>
    %and3A_1763 = arith.andi %min3A_1752, %and3A_1762 : vector<16xi32>
    %add3A_1764 = arith.addi %add3A_1760, %and3A_1763 : vector<16xi32>
    %swap3A_1765 = arith.constant 6 : i32
    %swap3A_1766 = arith.index_cast %swap3A_1765 : i32 to index
    %swap3A_1767 = arith.constant 16 : index
    %swap3A_1768 = tpu.vector_load %arg6[%swap3A_1766, %swap3A_1767] {strides = array<i32>} : memref<8x128xi32, #tpu.memory_space<vmem>>, vector<1x16xi32>,
    %swap3A_1769 = vector.shape_cast %swap3A_1768 : vector<1x16xi32> to vector<16xi32>
    %swap3A_1770 = vector.shape_cast %add3A_1764 : vector<16xi32> to vector<1x16xi32>
    tpu.vector_store %arg6[%swap3A_1766, %swap3A_1767], %swap3A_1770 {strides = array<i32>} : memref<8x128xi32, #tpu.memory_space<vmem>>, vector<1x16xi32>,
    %add3A_1771 = arith.constant 25 : i32
    %add3A_1772 = arith.addi %mul3A_2, %add3A_1771 : i32
    %shift_right_arithmetic3A_1773 = arith.constant 7 : i32
    %shift_right_arithmetic3A_1774 = arith.shrsi %add3A_1772, %shift_right_arithmetic3A_1773 : i32
    %mul3A_1775 = arith.constant 131072 : i32
    %mul3A_1776 = arith.muli %shift_right_arithmetic3A_1774, %mul3A_1775 : i32
    %add3A_1777 = arith.constant 25 : i32
    %add3A_1778 = arith.addi %mul3A_2, %add3A_1777 : i32
    %and3A_1779 = arith.constant 127 : i32
    %and3A_1780 = arith.andi %add3A_1778, %and3A_1779 : i32
    %mul3A_1781 = arith.constant 128 : i32
    %mul3A_1782 = arith.muli %and3A_1780, %mul3A_1781 : i32
    %add3A_1783 = arith.addi %mul3A_1776, %mul3A_1782 : i32
    %get3A_1784 = arith.constant 25 : i32
    %get3A_1785 = arith.index_cast %get3A_1784 : i32 to index
    %get3A_1786 = arith.constant 0 : index
    %get3A_1787 = tpu.vector_load %arg5[%get3A_1785, %get3A_1786] {strides = array<i32>} : memref<32x20xi32, #tpu.memory_space<vmem>>, vector<1x16xi32>,
    %get3A_1788 = vector.shape_cast %get3A_1787 : vector<1x16xi32> to vector<16xi32>
    %jit3A_1789 = arith.constant 0 : i32
    %jit3A_1790 = arith.constant 999 : i32
    %max3A_1791 = vector.broadcast %jit3A_1789 : i32 to vector<16xi32>
    %max3A_1792 = arith.maxsi %max3A_1791, %get3A_1788 : vector<16xi32>
    %min3A_1793 = vector.broadcast %jit3A_1790 : i32 to vector<16xi32>
    %min3A_1794 = arith.minsi %min3A_1793, %max3A_1792 : vector<16xi32>
    %shift_right_arithmetic3A_1795 = arith.constant 7 : i32
    %shift_right_arithmetic3A_1796 = vector.broadcast %shift_right_arithmetic3A_1795 : i32 to vector<16xi32>
    %shift_right_arithmetic3A_1797 = arith.shrsi %min3A_1794, %shift_right_arithmetic3A_1796 : vector<16xi32>
    %mul3A_1798 = arith.constant 16384 : i32
    %mul3A_1799 = vector.broadcast %mul3A_1798 : i32 to vector<16xi32>
    %mul3A_1800 = arith.muli %shift_right_arithmetic3A_1797, %mul3A_1799 : vector<16xi32>
    %add3A_1801 = vector.broadcast %add3A_1783 : i32 to vector<16xi32>
    %add3A_1802 = arith.addi %add3A_1801, %mul3A_1800 : vector<16xi32>
    %and3A_1803 = arith.constant 127 : i32
    %and3A_1804 = vector.broadcast %and3A_1803 : i32 to vector<16xi32>
    %and3A_1805 = arith.andi %min3A_1794, %and3A_1804 : vector<16xi32>
    %add3A_1806 = arith.addi %add3A_1802, %and3A_1805 : vector<16xi32>
    %swap3A_1807 = arith.constant 6 : i32
    %swap3A_1808 = arith.index_cast %swap3A_1807 : i32 to index
    %swap3A_1809 = arith.constant 32 : index
    %swap3A_1810 = tpu.vector_load %arg6[%swap3A_1808, %swap3A_1809] {strides = array<i32>} : memref<8x128xi32, #tpu.memory_space<vmem>>, vector<1x16xi32>,
    %swap3A_1811 = vector.shape_cast %swap3A_1810 : vector<1x16xi32> to vector<16xi32>
    %swap3A_1812 = vector.shape_cast %add3A_1806 : vector<16xi32> to vector<1x16xi32>
    tpu.vector_store %arg6[%swap3A_1808, %swap3A_1809], %swap3A_1812 {strides = array<i32>} : memref<8x128xi32, #tpu.memory_space<vmem>>, vector<1x16xi32>,
    %get3A_1813 = arith.constant 25 : i32
    %get3A_1814 = arith.index_cast %get3A_1813 : i32 to index
    %get3A_1815 = arith.constant 4 : index
    %get3A_1816 = tpu.vector_load %arg5[%get3A_1814, %get3A_1815] {strides = array<i32>} : memref<32x20xi32, #tpu.memory_space<vmem>>, vector<1x16xi32>,
    %get3A_1817 = vector.shape_cast %get3A_1816 : vector<1x16xi32> to vector<16xi32>
    %jit3A_1818 = arith.constant 0 : i32
    %jit3A_1819 = arith.constant 999 : i32
    %max3A_1820 = vector.broadcast %jit3A_1818 : i32 to vector<16xi32>
    %max3A_1821 = arith.maxsi %max3A_1820, %get3A_1817 : vector<16xi32>
    %min3A_1822 = vector.broadcast %jit3A_1819 : i32 to vector<16xi32>
    %min3A_1823 = arith.minsi %min3A_1822, %max3A_1821 : vector<16xi32>
    %shift_right_arithmetic3A_1824 = arith.constant 7 : i32
    %shift_right_arithmetic3A_1825 = vector.broadcast %shift_right_arithmetic3A_1824 : i32 to vector<16xi32>
    %shift_right_arithmetic3A_1826 = arith.shrsi %min3A_1823, %shift_right_arithmetic3A_1825 : vector<16xi32>
    %mul3A_1827 = arith.constant 16384 : i32
    %mul3A_1828 = vector.broadcast %mul3A_1827 : i32 to vector<16xi32>
    %mul3A_1829 = arith.muli %shift_right_arithmetic3A_1826, %mul3A_1828 : vector<16xi32>
    %add3A_1830 = vector.broadcast %add3A_1783 : i32 to vector<16xi32>
    %add3A_1831 = arith.addi %add3A_1830, %mul3A_1829 : vector<16xi32>
    %and3A_1832 = arith.constant 127 : i32
    %and3A_1833 = vector.broadcast %and3A_1832 : i32 to vector<16xi32>
    %and3A_1834 = arith.andi %min3A_1823, %and3A_1833 : vector<16xi32>
    %add3A_1835 = arith.addi %add3A_1831, %and3A_1834 : vector<16xi32>
    %swap3A_1836 = arith.constant 6 : i32
    %swap3A_1837 = arith.index_cast %swap3A_1836 : i32 to index
    %swap3A_1838 = arith.constant 48 : index
    %swap3A_1839 = tpu.vector_load %arg6[%swap3A_1837, %swap3A_1838] {strides = array<i32>} : memref<8x128xi32, #tpu.memory_space<vmem>>, vector<1x16xi32>,
    %swap3A_1840 = vector.shape_cast %swap3A_1839 : vector<1x16xi32> to vector<16xi32>
    %swap3A_1841 = vector.shape_cast %add3A_1835 : vector<16xi32> to vector<1x16xi32>
    tpu.vector_store %arg6[%swap3A_1837, %swap3A_1838], %swap3A_1841 {strides = array<i32>} : memref<8x128xi32, #tpu.memory_space<vmem>>, vector<1x16xi32>,
    %add3A_1842 = arith.constant 26 : i32
    %add3A_1843 = arith.addi %mul3A_2, %add3A_1842 : i32
    %shift_right_arithmetic3A_1844 = arith.constant 7 : i32
    %shift_right_arithmetic3A_1845 = arith.shrsi %add3A_1843, %shift_right_arithmetic3A_1844 : i32
    %mul3A_1846 = arith.constant 131072 : i32
    %mul3A_1847 = arith.muli %shift_right_arithmetic3A_1845, %mul3A_1846 : i32
    %add3A_1848 = arith.constant 26 : i32
    %add3A_1849 = arith.addi %mul3A_2, %add3A_1848 : i32
    %and3A_1850 = arith.constant 127 : i32
    %and3A_1851 = arith.andi %add3A_1849, %and3A_1850 : i32
    %mul3A_1852 = arith.constant 128 : i32
    %mul3A_1853 = arith.muli %and3A_1851, %mul3A_1852 : i32
    %add3A_1854 = arith.addi %mul3A_1847, %mul3A_1853 : i32
    %get3A_1855 = arith.constant 26 : i32
    %get3A_1856 = arith.index_cast %get3A_1855 : i32 to index
    %get3A_1857 = arith.constant 0 : index
    %get3A_1858 = tpu.vector_load %arg5[%get3A_1856, %get3A_1857] {strides = array<i32>} : memref<32x20xi32, #tpu.memory_space<vmem>>, vector<1x16xi32>,
    %get3A_1859 = vector.shape_cast %get3A_1858 : vector<1x16xi32> to vector<16xi32>
    %jit3A_1860 = arith.constant 0 : i32
    %jit3A_1861 = arith.constant 999 : i32
    %max3A_1862 = vector.broadcast %jit3A_1860 : i32 to vector<16xi32>
    %max3A_1863 = arith.maxsi %max3A_1862, %get3A_1859 : vector<16xi32>
    %min3A_1864 = vector.broadcast %jit3A_1861 : i32 to vector<16xi32>
    %min3A_1865 = arith.minsi %min3A_1864, %max3A_1863 : vector<16xi32>
    %shift_right_arithmetic3A_1866 = arith.constant 7 : i32
    %shift_right_arithmetic3A_1867 = vector.broadcast %shift_right_arithmetic3A_1866 : i32 to vector<16xi32>
    %shift_right_arithmetic3A_1868 = arith.shrsi %min3A_1865, %shift_right_arithmetic3A_1867 : vector<16xi32>
    %mul3A_1869 = arith.constant 16384 : i32
    %mul3A_1870 = vector.broadcast %mul3A_1869 : i32 to vector<16xi32>
    %mul3A_1871 = arith.muli %shift_right_arithmetic3A_1868, %mul3A_1870 : vector<16xi32>
    %add3A_1872 = vector.broadcast %add3A_1854 : i32 to vector<16xi32>
    %add3A_1873 = arith.addi %add3A_1872, %mul3A_1871 : vector<16xi32>
    %and3A_1874 = arith.constant 127 : i32
    %and3A_1875 = vector.broadcast %and3A_1874 : i32 to vector<16xi32>
    %and3A_1876 = arith.andi %min3A_1865, %and3A_1875 : vector<16xi32>
    %add3A_1877 = arith.addi %add3A_1873, %and3A_1876 : vector<16xi32>
    %swap3A_1878 = arith.constant 6 : i32
    %swap3A_1879 = arith.index_cast %swap3A_1878 : i32 to index
    %swap3A_1880 = arith.constant 64 : index
    %swap3A_1881 = tpu.vector_load %arg6[%swap3A_1879, %swap3A_1880] {strides = array<i32>} : memref<8x128xi32, #tpu.memory_space<vmem>>, vector<1x16xi32>,
    %swap3A_1882 = vector.shape_cast %swap3A_1881 : vector<1x16xi32> to vector<16xi32>
    %swap3A_1883 = vector.shape_cast %add3A_1877 : vector<16xi32> to vector<1x16xi32>
    tpu.vector_store %arg6[%swap3A_1879, %swap3A_1880], %swap3A_1883 {strides = array<i32>} : memref<8x128xi32, #tpu.memory_space<vmem>>, vector<1x16xi32>,
    %get3A_1884 = arith.constant 26 : i32
    %get3A_1885 = arith.index_cast %get3A_1884 : i32 to index
    %get3A_1886 = arith.constant 4 : index
    %get3A_1887 = tpu.vector_load %arg5[%get3A_1885, %get3A_1886] {strides = array<i32>} : memref<32x20xi32, #tpu.memory_space<vmem>>, vector<1x16xi32>,
    %get3A_1888 = vector.shape_cast %get3A_1887 : vector<1x16xi32> to vector<16xi32>
    %jit3A_1889 = arith.constant 0 : i32
    %jit3A_1890 = arith.constant 999 : i32
    %max3A_1891 = vector.broadcast %jit3A_1889 : i32 to vector<16xi32>
    %max3A_1892 = arith.maxsi %max3A_1891, %get3A_1888 : vector<16xi32>
    %min3A_1893 = vector.broadcast %jit3A_1890 : i32 to vector<16xi32>
    %min3A_1894 = arith.minsi %min3A_1893, %max3A_1892 : vector<16xi32>
    %shift_right_arithmetic3A_1895 = arith.constant 7 : i32
    %shift_right_arithmetic3A_1896 = vector.broadcast %shift_right_arithmetic3A_1895 : i32 to vector<16xi32>
    %shift_right_arithmetic3A_1897 = arith.shrsi %min3A_1894, %shift_right_arithmetic3A_1896 : vector<16xi32>
    %mul3A_1898 = arith.constant 16384 : i32
    %mul3A_1899 = vector.broadcast %mul3A_1898 : i32 to vector<16xi32>
    %mul3A_1900 = arith.muli %shift_right_arithmetic3A_1897, %mul3A_1899 : vector<16xi32>
    %add3A_1901 = vector.broadcast %add3A_1854 : i32 to vector<16xi32>
    %add3A_1902 = arith.addi %add3A_1901, %mul3A_1900 : vector<16xi32>
    %and3A_1903 = arith.constant 127 : i32
    %and3A_1904 = vector.broadcast %and3A_1903 : i32 to vector<16xi32>
    %and3A_1905 = arith.andi %min3A_1894, %and3A_1904 : vector<16xi32>
    %add3A_1906 = arith.addi %add3A_1902, %and3A_1905 : vector<16xi32>
    %swap3A_1907 = arith.constant 6 : i32
    %swap3A_1908 = arith.index_cast %swap3A_1907 : i32 to index
    %swap3A_1909 = arith.constant 80 : index
    %swap3A_1910 = tpu.vector_load %arg6[%swap3A_1908, %swap3A_1909] {strides = array<i32>} : memref<8x128xi32, #tpu.memory_space<vmem>>, vector<1x16xi32>,
    %swap3A_1911 = vector.shape_cast %swap3A_1910 : vector<1x16xi32> to vector<16xi32>
    %swap3A_1912 = vector.shape_cast %add3A_1906 : vector<16xi32> to vector<1x16xi32>
    tpu.vector_store %arg6[%swap3A_1908, %swap3A_1909], %swap3A_1912 {strides = array<i32>} : memref<8x128xi32, #tpu.memory_space<vmem>>, vector<1x16xi32>,
    %add3A_1913 = arith.constant 27 : i32
    %add3A_1914 = arith.addi %mul3A_2, %add3A_1913 : i32
    %shift_right_arithmetic3A_1915 = arith.constant 7 : i32
    %shift_right_arithmetic3A_1916 = arith.shrsi %add3A_1914, %shift_right_arithmetic3A_1915 : i32
    %mul3A_1917 = arith.constant 131072 : i32
    %mul3A_1918 = arith.muli %shift_right_arithmetic3A_1916, %mul3A_1917 : i32
    %add3A_1919 = arith.constant 27 : i32
    %add3A_1920 = arith.addi %mul3A_2, %add3A_1919 : i32
    %and3A_1921 = arith.constant 127 : i32
    %and3A_1922 = arith.andi %add3A_1920, %and3A_1921 : i32
    %mul3A_1923 = arith.constant 128 : i32
    %mul3A_1924 = arith.muli %and3A_1922, %mul3A_1923 : i32
    %add3A_1925 = arith.addi %mul3A_1918, %mul3A_1924 : i32
    %get3A_1926 = arith.constant 27 : i32
    %get3A_1927 = arith.index_cast %get3A_1926 : i32 to index
    %get3A_1928 = arith.constant 0 : index
    %get3A_1929 = tpu.vector_load %arg5[%get3A_1927, %get3A_1928] {strides = array<i32>} : memref<32x20xi32, #tpu.memory_space<vmem>>, vector<1x16xi32>,
    %get3A_1930 = vector.shape_cast %get3A_1929 : vector<1x16xi32> to vector<16xi32>
    %jit3A_1931 = arith.constant 0 : i32
    %jit3A_1932 = arith.constant 999 : i32
    %max3A_1933 = vector.broadcast %jit3A_1931 : i32 to vector<16xi32>
    %max3A_1934 = arith.maxsi %max3A_1933, %get3A_1930 : vector<16xi32>
    %min3A_1935 = vector.broadcast %jit3A_1932 : i32 to vector<16xi32>
    %min3A_1936 = arith.minsi %min3A_1935, %max3A_1934 : vector<16xi32>
    %shift_right_arithmetic3A_1937 = arith.constant 7 : i32
    %shift_right_arithmetic3A_1938 = vector.broadcast %shift_right_arithmetic3A_1937 : i32 to vector<16xi32>
    %shift_right_arithmetic3A_1939 = arith.shrsi %min3A_1936, %shift_right_arithmetic3A_1938 : vector<16xi32>
    %mul3A_1940 = arith.constant 16384 : i32
    %mul3A_1941 = vector.broadcast %mul3A_1940 : i32 to vector<16xi32>
    %mul3A_1942 = arith.muli %shift_right_arithmetic3A_1939, %mul3A_1941 : vector<16xi32>
    %add3A_1943 = vector.broadcast %add3A_1925 : i32 to vector<16xi32>
    %add3A_1944 = arith.addi %add3A_1943, %mul3A_1942 : vector<16xi32>
    %and3A_1945 = arith.constant 127 : i32
    %and3A_1946 = vector.broadcast %and3A_1945 : i32 to vector<16xi32>
    %and3A_1947 = arith.andi %min3A_1936, %and3A_1946 : vector<16xi32>
    %add3A_1948 = arith.addi %add3A_1944, %and3A_1947 : vector<16xi32>
    %swap3A_1949 = arith.constant 6 : i32
    %swap3A_1950 = arith.index_cast %swap3A_1949 : i32 to index
    %swap3A_1951 = arith.constant 96 : index
    %swap3A_1952 = tpu.vector_load %arg6[%swap3A_1950, %swap3A_1951] {strides = array<i32>} : memref<8x128xi32, #tpu.memory_space<vmem>>, vector<1x16xi32>,
    %swap3A_1953 = vector.shape_cast %swap3A_1952 : vector<1x16xi32> to vector<16xi32>
    %swap3A_1954 = vector.shape_cast %add3A_1948 : vector<16xi32> to vector<1x16xi32>
    tpu.vector_store %arg6[%swap3A_1950, %swap3A_1951], %swap3A_1954 {strides = array<i32>} : memref<8x128xi32, #tpu.memory_space<vmem>>, vector<1x16xi32>,
    %get3A_1955 = arith.constant 27 : i32
    %get3A_1956 = arith.index_cast %get3A_1955 : i32 to index
    %get3A_1957 = arith.constant 4 : index
    %get3A_1958 = tpu.vector_load %arg5[%get3A_1956, %get3A_1957] {strides = array<i32>} : memref<32x20xi32, #tpu.memory_space<vmem>>, vector<1x16xi32>,
    %get3A_1959 = vector.shape_cast %get3A_1958 : vector<1x16xi32> to vector<16xi32>
    %jit3A_1960 = arith.constant 0 : i32
    %jit3A_1961 = arith.constant 999 : i32
    %max3A_1962 = vector.broadcast %jit3A_1960 : i32 to vector<16xi32>
    %max3A_1963 = arith.maxsi %max3A_1962, %get3A_1959 : vector<16xi32>
    %min3A_1964 = vector.broadcast %jit3A_1961 : i32 to vector<16xi32>
    %min3A_1965 = arith.minsi %min3A_1964, %max3A_1963 : vector<16xi32>
    %shift_right_arithmetic3A_1966 = arith.constant 7 : i32
    %shift_right_arithmetic3A_1967 = vector.broadcast %shift_right_arithmetic3A_1966 : i32 to vector<16xi32>
    %shift_right_arithmetic3A_1968 = arith.shrsi %min3A_1965, %shift_right_arithmetic3A_1967 : vector<16xi32>
    %mul3A_1969 = arith.constant 16384 : i32
    %mul3A_1970 = vector.broadcast %mul3A_1969 : i32 to vector<16xi32>
    %mul3A_1971 = arith.muli %shift_right_arithmetic3A_1968, %mul3A_1970 : vector<16xi32>
    %add3A_1972 = vector.broadcast %add3A_1925 : i32 to vector<16xi32>
    %add3A_1973 = arith.addi %add3A_1972, %mul3A_1971 : vector<16xi32>
    %and3A_1974 = arith.constant 127 : i32
    %and3A_1975 = vector.broadcast %and3A_1974 : i32 to vector<16xi32>
    %and3A_1976 = arith.andi %min3A_1965, %and3A_1975 : vector<16xi32>
    %add3A_1977 = arith.addi %add3A_1973, %and3A_1976 : vector<16xi32>
    %swap3A_1978 = arith.constant 6 : i32
    %swap3A_1979 = arith.index_cast %swap3A_1978 : i32 to index
    %swap3A_1980 = arith.constant 112 : index
    %swap3A_1981 = tpu.vector_load %arg6[%swap3A_1979, %swap3A_1980] {strides = array<i32>} : memref<8x128xi32, #tpu.memory_space<vmem>>, vector<1x16xi32>,
    %swap3A_1982 = vector.shape_cast %swap3A_1981 : vector<1x16xi32> to vector<16xi32>
    %swap3A_1983 = vector.shape_cast %add3A_1977 : vector<16xi32> to vector<1x16xi32>
    tpu.vector_store %arg6[%swap3A_1979, %swap3A_1980], %swap3A_1983 {strides = array<i32>} : memref<8x128xi32, #tpu.memory_space<vmem>>, vector<1x16xi32>,
    %add3A_1984 = arith.constant 28 : i32
    %add3A_1985 = arith.addi %mul3A_2, %add3A_1984 : i32
    %shift_right_arithmetic3A_1986 = arith.constant 7 : i32
    %shift_right_arithmetic3A_1987 = arith.shrsi %add3A_1985, %shift_right_arithmetic3A_1986 : i32
    %mul3A_1988 = arith.constant 131072 : i32
    %mul3A_1989 = arith.muli %shift_right_arithmetic3A_1987, %mul3A_1988 : i32
    %add3A_1990 = arith.constant 28 : i32
    %add3A_1991 = arith.addi %mul3A_2, %add3A_1990 : i32
    %and3A_1992 = arith.constant 127 : i32
    %and3A_1993 = arith.andi %add3A_1991, %and3A_1992 : i32
    %mul3A_1994 = arith.constant 128 : i32
    %mul3A_1995 = arith.muli %and3A_1993, %mul3A_1994 : i32
    %add3A_1996 = arith.addi %mul3A_1989, %mul3A_1995 : i32
    %get3A_1997 = arith.constant 28 : i32
    %get3A_1998 = arith.index_cast %get3A_1997 : i32 to index
    %get3A_1999 = arith.constant 0 : index
    %get3A_2000 = tpu.vector_load %arg5[%get3A_1998, %get3A_1999] {strides = array<i32>} : memref<32x20xi32, #tpu.memory_space<vmem>>, vector<1x16xi32>,
    %get3A_2001 = vector.shape_cast %get3A_2000 : vector<1x16xi32> to vector<16xi32>
    %jit3A_2002 = arith.constant 0 : i32
    %jit3A_2003 = arith.constant 999 : i32
    %max3A_2004 = vector.broadcast %jit3A_2002 : i32 to vector<16xi32>
    %max3A_2005 = arith.maxsi %max3A_2004, %get3A_2001 : vector<16xi32>
    %min3A_2006 = vector.broadcast %jit3A_2003 : i32 to vector<16xi32>
    %min3A_2007 = arith.minsi %min3A_2006, %max3A_2005 : vector<16xi32>
    %shift_right_arithmetic3A_2008 = arith.constant 7 : i32
    %shift_right_arithmetic3A_2009 = vector.broadcast %shift_right_arithmetic3A_2008 : i32 to vector<16xi32>
    %shift_right_arithmetic3A_2010 = arith.shrsi %min3A_2007, %shift_right_arithmetic3A_2009 : vector<16xi32>
    %mul3A_2011 = arith.constant 16384 : i32
    %mul3A_2012 = vector.broadcast %mul3A_2011 : i32 to vector<16xi32>
    %mul3A_2013 = arith.muli %shift_right_arithmetic3A_2010, %mul3A_2012 : vector<16xi32>
    %add3A_2014 = vector.broadcast %add3A_1996 : i32 to vector<16xi32>
    %add3A_2015 = arith.addi %add3A_2014, %mul3A_2013 : vector<16xi32>
    %and3A_2016 = arith.constant 127 : i32
    %and3A_2017 = vector.broadcast %and3A_2016 : i32 to vector<16xi32>
    %and3A_2018 = arith.andi %min3A_2007, %and3A_2017 : vector<16xi32>
    %add3A_2019 = arith.addi %add3A_2015, %and3A_2018 : vector<16xi32>
    %swap3A_2020 = arith.constant 7 : i32
    %swap3A_2021 = arith.index_cast %swap3A_2020 : i32 to index
    %swap3A_2022 = arith.constant 0 : index
    %swap3A_2023 = tpu.vector_load %arg6[%swap3A_2021, %swap3A_2022] {strides = array<i32>} : memref<8x128xi32, #tpu.memory_space<vmem>>, vector<1x16xi32>,
    %swap3A_2024 = vector.shape_cast %swap3A_2023 : vector<1x16xi32> to vector<16xi32>
    %swap3A_2025 = vector.shape_cast %add3A_2019 : vector<16xi32> to vector<1x16xi32>
    tpu.vector_store %arg6[%swap3A_2021, %swap3A_2022], %swap3A_2025 {strides = array<i32>} : memref<8x128xi32, #tpu.memory_space<vmem>>, vector<1x16xi32>,
    %get3A_2026 = arith.constant 28 : i32
    %get3A_2027 = arith.index_cast %get3A_2026 : i32 to index
    %get3A_2028 = arith.constant 4 : index
    %get3A_2029 = tpu.vector_load %arg5[%get3A_2027, %get3A_2028] {strides = array<i32>} : memref<32x20xi32, #tpu.memory_space<vmem>>, vector<1x16xi32>,
    %get3A_2030 = vector.shape_cast %get3A_2029 : vector<1x16xi32> to vector<16xi32>
    %jit3A_2031 = arith.constant 0 : i32
    %jit3A_2032 = arith.constant 999 : i32
    %max3A_2033 = vector.broadcast %jit3A_2031 : i32 to vector<16xi32>
    %max3A_2034 = arith.maxsi %max3A_2033, %get3A_2030 : vector<16xi32>
    %min3A_2035 = vector.broadcast %jit3A_2032 : i32 to vector<16xi32>
    %min3A_2036 = arith.minsi %min3A_2035, %max3A_2034 : vector<16xi32>
    %shift_right_arithmetic3A_2037 = arith.constant 7 : i32
    %shift_right_arithmetic3A_2038 = vector.broadcast %shift_right_arithmetic3A_2037 : i32 to vector<16xi32>
    %shift_right_arithmetic3A_2039 = arith.shrsi %min3A_2036, %shift_right_arithmetic3A_2038 : vector<16xi32>
    %mul3A_2040 = arith.constant 16384 : i32
    %mul3A_2041 = vector.broadcast %mul3A_2040 : i32 to vector<16xi32>
    %mul3A_2042 = arith.muli %shift_right_arithmetic3A_2039, %mul3A_2041 : vector<16xi32>
    %add3A_2043 = vector.broadcast %add3A_1996 : i32 to vector<16xi32>
    %add3A_2044 = arith.addi %add3A_2043, %mul3A_2042 : vector<16xi32>
    %and3A_2045 = arith.constant 127 : i32
    %and3A_2046 = vector.broadcast %and3A_2045 : i32 to vector<16xi32>
    %and3A_2047 = arith.andi %min3A_2036, %and3A_2046 : vector<16xi32>
    %add3A_2048 = arith.addi %add3A_2044, %and3A_2047 : vector<16xi32>
    %swap3A_2049 = arith.constant 7 : i32
    %swap3A_2050 = arith.index_cast %swap3A_2049 : i32 to index
    %swap3A_2051 = arith.constant 16 : index
    %swap3A_2052 = tpu.vector_load %arg6[%swap3A_2050, %swap3A_2051] {strides = array<i32>} : memref<8x128xi32, #tpu.memory_space<vmem>>, vector<1x16xi32>,
    %swap3A_2053 = vector.shape_cast %swap3A_2052 : vector<1x16xi32> to vector<16xi32>
    %swap3A_2054 = vector.shape_cast %add3A_2048 : vector<16xi32> to vector<1x16xi32>
    tpu.vector_store %arg6[%swap3A_2050, %swap3A_2051], %swap3A_2054 {strides = array<i32>} : memref<8x128xi32, #tpu.memory_space<vmem>>, vector<1x16xi32>,
    %add3A_2055 = arith.constant 29 : i32
    %add3A_2056 = arith.addi %mul3A_2, %add3A_2055 : i32
    %shift_right_arithmetic3A_2057 = arith.constant 7 : i32
    %shift_right_arithmetic3A_2058 = arith.shrsi %add3A_2056, %shift_right_arithmetic3A_2057 : i32
    %mul3A_2059 = arith.constant 131072 : i32
    %mul3A_2060 = arith.muli %shift_right_arithmetic3A_2058, %mul3A_2059 : i32
    %add3A_2061 = arith.constant 29 : i32
    %add3A_2062 = arith.addi %mul3A_2, %add3A_2061 : i32
    %and3A_2063 = arith.constant 127 : i32
    %and3A_2064 = arith.andi %add3A_2062, %and3A_2063 : i32
    %mul3A_2065 = arith.constant 128 : i32
    %mul3A_2066 = arith.muli %and3A_2064, %mul3A_2065 : i32
    %add3A_2067 = arith.addi %mul3A_2060, %mul3A_2066 : i32
    %get3A_2068 = arith.constant 29 : i32
    %get3A_2069 = arith.index_cast %get3A_2068 : i32 to index
    %get3A_2070 = arith.constant 0 : index
    %get3A_2071 = tpu.vector_load %arg5[%get3A_2069, %get3A_2070] {strides = array<i32>} : memref<32x20xi32, #tpu.memory_space<vmem>>, vector<1x16xi32>,
    %get3A_2072 = vector.shape_cast %get3A_2071 : vector<1x16xi32> to vector<16xi32>
    %jit3A_2073 = arith.constant 0 : i32
    %jit3A_2074 = arith.constant 999 : i32
    %max3A_2075 = vector.broadcast %jit3A_2073 : i32 to vector<16xi32>
    %max3A_2076 = arith.maxsi %max3A_2075, %get3A_2072 : vector<16xi32>
    %min3A_2077 = vector.broadcast %jit3A_2074 : i32 to vector<16xi32>
    %min3A_2078 = arith.minsi %min3A_2077, %max3A_2076 : vector<16xi32>
    %shift_right_arithmetic3A_2079 = arith.constant 7 : i32
    %shift_right_arithmetic3A_2080 = vector.broadcast %shift_right_arithmetic3A_2079 : i32 to vector<16xi32>
    %shift_right_arithmetic3A_2081 = arith.shrsi %min3A_2078, %shift_right_arithmetic3A_2080 : vector<16xi32>
    %mul3A_2082 = arith.constant 16384 : i32
    %mul3A_2083 = vector.broadcast %mul3A_2082 : i32 to vector<16xi32>
    %mul3A_2084 = arith.muli %shift_right_arithmetic3A_2081, %mul3A_2083 : vector<16xi32>
    %add3A_2085 = vector.broadcast %add3A_2067 : i32 to vector<16xi32>
    %add3A_2086 = arith.addi %add3A_2085, %mul3A_2084 : vector<16xi32>
    %and3A_2087 = arith.constant 127 : i32
    %and3A_2088 = vector.broadcast %and3A_2087 : i32 to vector<16xi32>
    %and3A_2089 = arith.andi %min3A_2078, %and3A_2088 : vector<16xi32>
    %add3A_2090 = arith.addi %add3A_2086, %and3A_2089 : vector<16xi32>
    %swap3A_2091 = arith.constant 7 : i32
    %swap3A_2092 = arith.index_cast %swap3A_2091 : i32 to index
    %swap3A_2093 = arith.constant 32 : index
    %swap3A_2094 = tpu.vector_load %arg6[%swap3A_2092, %swap3A_2093] {strides = array<i32>} : memref<8x128xi32, #tpu.memory_space<vmem>>, vector<1x16xi32>,
    %swap3A_2095 = vector.shape_cast %swap3A_2094 : vector<1x16xi32> to vector<16xi32>
    %swap3A_2096 = vector.shape_cast %add3A_2090 : vector<16xi32> to vector<1x16xi32>
    tpu.vector_store %arg6[%swap3A_2092, %swap3A_2093], %swap3A_2096 {strides = array<i32>} : memref<8x128xi32, #tpu.memory_space<vmem>>, vector<1x16xi32>,
    %get3A_2097 = arith.constant 29 : i32
    %get3A_2098 = arith.index_cast %get3A_2097 : i32 to index
    %get3A_2099 = arith.constant 4 : index
    %get3A_2100 = tpu.vector_load %arg5[%get3A_2098, %get3A_2099] {strides = array<i32>} : memref<32x20xi32, #tpu.memory_space<vmem>>, vector<1x16xi32>,
    %get3A_2101 = vector.shape_cast %get3A_2100 : vector<1x16xi32> to vector<16xi32>
    %jit3A_2102 = arith.constant 0 : i32
    %jit3A_2103 = arith.constant 999 : i32
    %max3A_2104 = vector.broadcast %jit3A_2102 : i32 to vector<16xi32>
    %max3A_2105 = arith.maxsi %max3A_2104, %get3A_2101 : vector<16xi32>
    %min3A_2106 = vector.broadcast %jit3A_2103 : i32 to vector<16xi32>
    %min3A_2107 = arith.minsi %min3A_2106, %max3A_2105 : vector<16xi32>
    %shift_right_arithmetic3A_2108 = arith.constant 7 : i32
    %shift_right_arithmetic3A_2109 = vector.broadcast %shift_right_arithmetic3A_2108 : i32 to vector<16xi32>
    %shift_right_arithmetic3A_2110 = arith.shrsi %min3A_2107, %shift_right_arithmetic3A_2109 : vector<16xi32>
    %mul3A_2111 = arith.constant 16384 : i32
    %mul3A_2112 = vector.broadcast %mul3A_2111 : i32 to vector<16xi32>
    %mul3A_2113 = arith.muli %shift_right_arithmetic3A_2110, %mul3A_2112 : vector<16xi32>
    %add3A_2114 = vector.broadcast %add3A_2067 : i32 to vector<16xi32>
    %add3A_2115 = arith.addi %add3A_2114, %mul3A_2113 : vector<16xi32>
    %and3A_2116 = arith.constant 127 : i32
    %and3A_2117 = vector.broadcast %and3A_2116 : i32 to vector<16xi32>
    %and3A_2118 = arith.andi %min3A_2107, %and3A_2117 : vector<16xi32>
    %add3A_2119 = arith.addi %add3A_2115, %and3A_2118 : vector<16xi32>
    %swap3A_2120 = arith.constant 7 : i32
    %swap3A_2121 = arith.index_cast %swap3A_2120 : i32 to index
    %swap3A_2122 = arith.constant 48 : index
    %swap3A_2123 = tpu.vector_load %arg6[%swap3A_2121, %swap3A_2122] {strides = array<i32>} : memref<8x128xi32, #tpu.memory_space<vmem>>, vector<1x16xi32>,
    %swap3A_2124 = vector.shape_cast %swap3A_2123 : vector<1x16xi32> to vector<16xi32>
    %swap3A_2125 = vector.shape_cast %add3A_2119 : vector<16xi32> to vector<1x16xi32>
    tpu.vector_store %arg6[%swap3A_2121, %swap3A_2122], %swap3A_2125 {strides = array<i32>} : memref<8x128xi32, #tpu.memory_space<vmem>>, vector<1x16xi32>,
    %add3A_2126 = arith.constant 30 : i32
    %add3A_2127 = arith.addi %mul3A_2, %add3A_2126 : i32
    %shift_right_arithmetic3A_2128 = arith.constant 7 : i32
    %shift_right_arithmetic3A_2129 = arith.shrsi %add3A_2127, %shift_right_arithmetic3A_2128 : i32
    %mul3A_2130 = arith.constant 131072 : i32
    %mul3A_2131 = arith.muli %shift_right_arithmetic3A_2129, %mul3A_2130 : i32
    %add3A_2132 = arith.constant 30 : i32
    %add3A_2133 = arith.addi %mul3A_2, %add3A_2132 : i32
    %and3A_2134 = arith.constant 127 : i32
    %and3A_2135 = arith.andi %add3A_2133, %and3A_2134 : i32
    %mul3A_2136 = arith.constant 128 : i32
    %mul3A_2137 = arith.muli %and3A_2135, %mul3A_2136 : i32
    %add3A_2138 = arith.addi %mul3A_2131, %mul3A_2137 : i32
    %get3A_2139 = arith.constant 30 : i32
    %get3A_2140 = arith.index_cast %get3A_2139 : i32 to index
    %get3A_2141 = arith.constant 0 : index
    %get3A_2142 = tpu.vector_load %arg5[%get3A_2140, %get3A_2141] {strides = array<i32>} : memref<32x20xi32, #tpu.memory_space<vmem>>, vector<1x16xi32>,
    %get3A_2143 = vector.shape_cast %get3A_2142 : vector<1x16xi32> to vector<16xi32>
    %jit3A_2144 = arith.constant 0 : i32
    %jit3A_2145 = arith.constant 999 : i32
    %max3A_2146 = vector.broadcast %jit3A_2144 : i32 to vector<16xi32>
    %max3A_2147 = arith.maxsi %max3A_2146, %get3A_2143 : vector<16xi32>
    %min3A_2148 = vector.broadcast %jit3A_2145 : i32 to vector<16xi32>
    %min3A_2149 = arith.minsi %min3A_2148, %max3A_2147 : vector<16xi32>
    %shift_right_arithmetic3A_2150 = arith.constant 7 : i32
    %shift_right_arithmetic3A_2151 = vector.broadcast %shift_right_arithmetic3A_2150 : i32 to vector<16xi32>
    %shift_right_arithmetic3A_2152 = arith.shrsi %min3A_2149, %shift_right_arithmetic3A_2151 : vector<16xi32>
    %mul3A_2153 = arith.constant 16384 : i32
    %mul3A_2154 = vector.broadcast %mul3A_2153 : i32 to vector<16xi32>
    %mul3A_2155 = arith.muli %shift_right_arithmetic3A_2152, %mul3A_2154 : vector<16xi32>
    %add3A_2156 = vector.broadcast %add3A_2138 : i32 to vector<16xi32>
    %add3A_2157 = arith.addi %add3A_2156, %mul3A_2155 : vector<16xi32>
    %and3A_2158 = arith.constant 127 : i32
    %and3A_2159 = vector.broadcast %and3A_2158 : i32 to vector<16xi32>
    %and3A_2160 = arith.andi %min3A_2149, %and3A_2159 : vector<16xi32>
    %add3A_2161 = arith.addi %add3A_2157, %and3A_2160 : vector<16xi32>
    %swap3A_2162 = arith.constant 7 : i32
    %swap3A_2163 = arith.index_cast %swap3A_2162 : i32 to index
    %swap3A_2164 = arith.constant 64 : index
    %swap3A_2165 = tpu.vector_load %arg6[%swap3A_2163, %swap3A_2164] {strides = array<i32>} : memref<8x128xi32, #tpu.memory_space<vmem>>, vector<1x16xi32>,
    %swap3A_2166 = vector.shape_cast %swap3A_2165 : vector<1x16xi32> to vector<16xi32>
    %swap3A_2167 = vector.shape_cast %add3A_2161 : vector<16xi32> to vector<1x16xi32>
    tpu.vector_store %arg6[%swap3A_2163, %swap3A_2164], %swap3A_2167 {strides = array<i32>} : memref<8x128xi32, #tpu.memory_space<vmem>>, vector<1x16xi32>,
    %get3A_2168 = arith.constant 30 : i32
    %get3A_2169 = arith.index_cast %get3A_2168 : i32 to index
    %get3A_2170 = arith.constant 4 : index
    %get3A_2171 = tpu.vector_load %arg5[%get3A_2169, %get3A_2170] {strides = array<i32>} : memref<32x20xi32, #tpu.memory_space<vmem>>, vector<1x16xi32>,
    %get3A_2172 = vector.shape_cast %get3A_2171 : vector<1x16xi32> to vector<16xi32>
    %jit3A_2173 = arith.constant 0 : i32
    %jit3A_2174 = arith.constant 999 : i32
    %max3A_2175 = vector.broadcast %jit3A_2173 : i32 to vector<16xi32>
    %max3A_2176 = arith.maxsi %max3A_2175, %get3A_2172 : vector<16xi32>
    %min3A_2177 = vector.broadcast %jit3A_2174 : i32 to vector<16xi32>
    %min3A_2178 = arith.minsi %min3A_2177, %max3A_2176 : vector<16xi32>
    %shift_right_arithmetic3A_2179 = arith.constant 7 : i32
    %shift_right_arithmetic3A_2180 = vector.broadcast %shift_right_arithmetic3A_2179 : i32 to vector<16xi32>
    %shift_right_arithmetic3A_2181 = arith.shrsi %min3A_2178, %shift_right_arithmetic3A_2180 : vector<16xi32>
    %mul3A_2182 = arith.constant 16384 : i32
    %mul3A_2183 = vector.broadcast %mul3A_2182 : i32 to vector<16xi32>
    %mul3A_2184 = arith.muli %shift_right_arithmetic3A_2181, %mul3A_2183 : vector<16xi32>
    %add3A_2185 = vector.broadcast %add3A_2138 : i32 to vector<16xi32>
    %add3A_2186 = arith.addi %add3A_2185, %mul3A_2184 : vector<16xi32>
    %and3A_2187 = arith.constant 127 : i32
    %and3A_2188 = vector.broadcast %and3A_2187 : i32 to vector<16xi32>
    %and3A_2189 = arith.andi %min3A_2178, %and3A_2188 : vector<16xi32>
    %add3A_2190 = arith.addi %add3A_2186, %and3A_2189 : vector<16xi32>
    %swap3A_2191 = arith.constant 7 : i32
    %swap3A_2192 = arith.index_cast %swap3A_2191 : i32 to index
    %swap3A_2193 = arith.constant 80 : index
    %swap3A_2194 = tpu.vector_load %arg6[%swap3A_2192, %swap3A_2193] {strides = array<i32>} : memref<8x128xi32, #tpu.memory_space<vmem>>, vector<1x16xi32>,
    %swap3A_2195 = vector.shape_cast %swap3A_2194 : vector<1x16xi32> to vector<16xi32>
    %swap3A_2196 = vector.shape_cast %add3A_2190 : vector<16xi32> to vector<1x16xi32>
    tpu.vector_store %arg6[%swap3A_2192, %swap3A_2193], %swap3A_2196 {strides = array<i32>} : memref<8x128xi32, #tpu.memory_space<vmem>>, vector<1x16xi32>,
    %add3A_2197 = arith.constant 31 : i32
    %add3A_2198 = arith.addi %mul3A_2, %add3A_2197 : i32
    %shift_right_arithmetic3A_2199 = arith.constant 7 : i32
    %shift_right_arithmetic3A_2200 = arith.shrsi %add3A_2198, %shift_right_arithmetic3A_2199 : i32
    %mul3A_2201 = arith.constant 131072 : i32
    %mul3A_2202 = arith.muli %shift_right_arithmetic3A_2200, %mul3A_2201 : i32
    %add3A_2203 = arith.constant 31 : i32
    %add3A_2204 = arith.addi %mul3A_2, %add3A_2203 : i32
    %and3A_2205 = arith.constant 127 : i32
    %and3A_2206 = arith.andi %add3A_2204, %and3A_2205 : i32
    %mul3A_2207 = arith.constant 128 : i32
    %mul3A_2208 = arith.muli %and3A_2206, %mul3A_2207 : i32
    %add3A_2209 = arith.addi %mul3A_2202, %mul3A_2208 : i32
    %get3A_2210 = arith.constant 31 : i32
    %get3A_2211 = arith.index_cast %get3A_2210 : i32 to index
    %get3A_2212 = arith.constant 0 : index
    %get3A_2213 = tpu.vector_load %arg5[%get3A_2211, %get3A_2212] {strides = array<i32>} : memref<32x20xi32, #tpu.memory_space<vmem>>, vector<1x16xi32>,
    %get3A_2214 = vector.shape_cast %get3A_2213 : vector<1x16xi32> to vector<16xi32>
    %jit3A_2215 = arith.constant 0 : i32
    %jit3A_2216 = arith.constant 999 : i32
    %max3A_2217 = vector.broadcast %jit3A_2215 : i32 to vector<16xi32>
    %max3A_2218 = arith.maxsi %max3A_2217, %get3A_2214 : vector<16xi32>
    %min3A_2219 = vector.broadcast %jit3A_2216 : i32 to vector<16xi32>
    %min3A_2220 = arith.minsi %min3A_2219, %max3A_2218 : vector<16xi32>
    %shift_right_arithmetic3A_2221 = arith.constant 7 : i32
    %shift_right_arithmetic3A_2222 = vector.broadcast %shift_right_arithmetic3A_2221 : i32 to vector<16xi32>
    %shift_right_arithmetic3A_2223 = arith.shrsi %min3A_2220, %shift_right_arithmetic3A_2222 : vector<16xi32>
    %mul3A_2224 = arith.constant 16384 : i32
    %mul3A_2225 = vector.broadcast %mul3A_2224 : i32 to vector<16xi32>
    %mul3A_2226 = arith.muli %shift_right_arithmetic3A_2223, %mul3A_2225 : vector<16xi32>
    %add3A_2227 = vector.broadcast %add3A_2209 : i32 to vector<16xi32>
    %add3A_2228 = arith.addi %add3A_2227, %mul3A_2226 : vector<16xi32>
    %and3A_2229 = arith.constant 127 : i32
    %and3A_2230 = vector.broadcast %and3A_2229 : i32 to vector<16xi32>
    %and3A_2231 = arith.andi %min3A_2220, %and3A_2230 : vector<16xi32>
    %add3A_2232 = arith.addi %add3A_2228, %and3A_2231 : vector<16xi32>
    %swap3A_2233 = arith.constant 7 : i32
    %swap3A_2234 = arith.index_cast %swap3A_2233 : i32 to index
    %swap3A_2235 = arith.constant 96 : index
    %swap3A_2236 = tpu.vector_load %arg6[%swap3A_2234, %swap3A_2235] {strides = array<i32>} : memref<8x128xi32, #tpu.memory_space<vmem>>, vector<1x16xi32>,
    %swap3A_2237 = vector.shape_cast %swap3A_2236 : vector<1x16xi32> to vector<16xi32>
    %swap3A_2238 = vector.shape_cast %add3A_2232 : vector<16xi32> to vector<1x16xi32>
    tpu.vector_store %arg6[%swap3A_2234, %swap3A_2235], %swap3A_2238 {strides = array<i32>} : memref<8x128xi32, #tpu.memory_space<vmem>>, vector<1x16xi32>,
    %get3A_2239 = arith.constant 31 : i32
    %get3A_2240 = arith.index_cast %get3A_2239 : i32 to index
    %get3A_2241 = arith.constant 4 : index
    %get3A_2242 = tpu.vector_load %arg5[%get3A_2240, %get3A_2241] {strides = array<i32>} : memref<32x20xi32, #tpu.memory_space<vmem>>, vector<1x16xi32>,
    %get3A_2243 = vector.shape_cast %get3A_2242 : vector<1x16xi32> to vector<16xi32>
    %jit3A_2244 = arith.constant 0 : i32
    %jit3A_2245 = arith.constant 999 : i32
    %max3A_2246 = vector.broadcast %jit3A_2244 : i32 to vector<16xi32>
    %max3A_2247 = arith.maxsi %max3A_2246, %get3A_2243 : vector<16xi32>
    %min3A_2248 = vector.broadcast %jit3A_2245 : i32 to vector<16xi32>
    %min3A_2249 = arith.minsi %min3A_2248, %max3A_2247 : vector<16xi32>
    %shift_right_arithmetic3A_2250 = arith.constant 7 : i32
    %shift_right_arithmetic3A_2251 = vector.broadcast %shift_right_arithmetic3A_2250 : i32 to vector<16xi32>
    %shift_right_arithmetic3A_2252 = arith.shrsi %min3A_2249, %shift_right_arithmetic3A_2251 : vector<16xi32>
    %mul3A_2253 = arith.constant 16384 : i32
    %mul3A_2254 = vector.broadcast %mul3A_2253 : i32 to vector<16xi32>
    %mul3A_2255 = arith.muli %shift_right_arithmetic3A_2252, %mul3A_2254 : vector<16xi32>
    %add3A_2256 = vector.broadcast %add3A_2209 : i32 to vector<16xi32>
    %add3A_2257 = arith.addi %add3A_2256, %mul3A_2255 : vector<16xi32>
    %and3A_2258 = arith.constant 127 : i32
    %and3A_2259 = vector.broadcast %and3A_2258 : i32 to vector<16xi32>
    %and3A_2260 = arith.andi %min3A_2249, %and3A_2259 : vector<16xi32>
    %add3A_2261 = arith.addi %add3A_2257, %and3A_2260 : vector<16xi32>
    %swap3A_2262 = arith.constant 7 : i32
    %swap3A_2263 = arith.index_cast %swap3A_2262 : i32 to index
    %swap3A_2264 = arith.constant 112 : index
    %swap3A_2265 = tpu.vector_load %arg6[%swap3A_2263, %swap3A_2264] {strides = array<i32>} : memref<8x128xi32, #tpu.memory_space<vmem>>, vector<1x16xi32>,
    %swap3A_2266 = vector.shape_cast %swap3A_2265 : vector<1x16xi32> to vector<16xi32>
    %swap3A_2267 = vector.shape_cast %add3A_2261 : vector<16xi32> to vector<1x16xi32>
    tpu.vector_store %arg6[%swap3A_2263, %swap3A_2264], %swap3A_2267 {strides = array<i32>} : memref<8x128xi32, #tpu.memory_space<vmem>>, vector<1x16xi32>,
    %dma_start3A = arith.constant 0 : i32
    %dma_start3A_2268 = arith.constant 0 : i32
    %dma_start3A_2269 = arith.constant 0 : i32
    %dma_start3A_2270 = tpu.memref_slice %arg7[%dma_start3A_2268, %dma_start3A_2269] : memref<8x128xf32, #tpu.memory_space<vmem>> -> memref<1x128xf32, #tpu.memory_space<vmem>>
    %dma_start3A_2271 = tpu.memref_squeeze %dma_start3A_2270 : memref<1x128xf32, #tpu.memory_space<vmem>> -> memref<128xf32, #tpu.memory_space<vmem>>
    %dma_start3A_2272 = arith.constant 0 : i32
    %dma_start3A_2273 = tpu.memref_slice %arg6[%dma_start3A, %dma_start3A_2272] : memref<8x128xi32, #tpu.memory_space<vmem>> -> memref<1x128xi32, #tpu.memory_space<vmem>>
    %dma_start3A_2274 = tpu.memref_squeeze %dma_start3A_2273 : memref<1x128xi32, #tpu.memory_space<vmem>> -> memref<128xi32, #tpu.memory_space<vmem>>
    %dma_start3A_2275 = arith.constant 0 : i32
    %dma_start3A_2276 = tpu.memref_slice %arg2[%dma_start3A_2275] : memref<1048576xf32, #tpu.memory_space<hbm>> -> memref<1048576xf32, #tpu.memory_space<hbm>>
    tpu.enqueue_indirect_dma source(%dma_start3A_2276 : memref<1048576xf32, #tpu.memory_space<hbm>>) target(%dma_start3A_2271 : memref<128xf32, #tpu.memory_space<vmem>>) offsets(%dma_start3A_2274 : memref<128xi32, #tpu.memory_space<vmem>>) semaphore(%arg9 : memref<!tpu.dma_semaphore, #tpu.memory_space<semaphore_mem>>)
    %dma_start3A_2277 = arith.constant 1 : i32
    %dma_start3A_2278 = arith.constant 1 : i32
    %dma_start3A_2279 = arith.constant 0 : i32
    %dma_start3A_2280 = tpu.memref_slice %arg7[%dma_start3A_2278, %dma_start3A_2279] : memref<8x128xf32, #tpu.memory_space<vmem>> -> memref<1x128xf32, #tpu.memory_space<vmem>>
    %dma_start3A_2281 = tpu.memref_squeeze %dma_start3A_2280 : memref<1x128xf32, #tpu.memory_space<vmem>> -> memref<128xf32, #tpu.memory_space<vmem>>
    %dma_start3A_2282 = arith.constant 0 : i32
    %dma_start3A_2283 = tpu.memref_slice %arg6[%dma_start3A_2277, %dma_start3A_2282] : memref<8x128xi32, #tpu.memory_space<vmem>> -> memref<1x128xi32, #tpu.memory_space<vmem>>
    %dma_start3A_2284 = tpu.memref_squeeze %dma_start3A_2283 : memref<1x128xi32, #tpu.memory_space<vmem>> -> memref<128xi32, #tpu.memory_space<vmem>>
    %dma_start3A_2285 = arith.constant 0 : i32
    %dma_start3A_2286 = tpu.memref_slice %arg2[%dma_start3A_2285] : memref<1048576xf32, #tpu.memory_space<hbm>> -> memref<1048576xf32, #tpu.memory_space<hbm>>
    tpu.enqueue_indirect_dma source(%dma_start3A_2286 : memref<1048576xf32, #tpu.memory_space<hbm>>) target(%dma_start3A_2281 : memref<128xf32, #tpu.memory_space<vmem>>) offsets(%dma_start3A_2284 : memref<128xi32, #tpu.memory_space<vmem>>) semaphore(%arg9 : memref<!tpu.dma_semaphore, #tpu.memory_space<semaphore_mem>>)
    %dma_start3A_2287 = arith.constant 2 : i32
    %dma_start3A_2288 = arith.constant 2 : i32
    %dma_start3A_2289 = arith.constant 0 : i32
    %dma_start3A_2290 = tpu.memref_slice %arg7[%dma_start3A_2288, %dma_start3A_2289] : memref<8x128xf32, #tpu.memory_space<vmem>> -> memref<1x128xf32, #tpu.memory_space<vmem>>
    %dma_start3A_2291 = tpu.memref_squeeze %dma_start3A_2290 : memref<1x128xf32, #tpu.memory_space<vmem>> -> memref<128xf32, #tpu.memory_space<vmem>>
    %dma_start3A_2292 = arith.constant 0 : i32
    %dma_start3A_2293 = tpu.memref_slice %arg6[%dma_start3A_2287, %dma_start3A_2292] : memref<8x128xi32, #tpu.memory_space<vmem>> -> memref<1x128xi32, #tpu.memory_space<vmem>>
    %dma_start3A_2294 = tpu.memref_squeeze %dma_start3A_2293 : memref<1x128xi32, #tpu.memory_space<vmem>> -> memref<128xi32, #tpu.memory_space<vmem>>
    %dma_start3A_2295 = arith.constant 0 : i32
    %dma_start3A_2296 = tpu.memref_slice %arg2[%dma_start3A_2295] : memref<1048576xf32, #tpu.memory_space<hbm>> -> memref<1048576xf32, #tpu.memory_space<hbm>>
    tpu.enqueue_indirect_dma source(%dma_start3A_2296 : memref<1048576xf32, #tpu.memory_space<hbm>>) target(%dma_start3A_2291 : memref<128xf32, #tpu.memory_space<vmem>>) offsets(%dma_start3A_2294 : memref<128xi32, #tpu.memory_space<vmem>>) semaphore(%arg9 : memref<!tpu.dma_semaphore, #tpu.memory_space<semaphore_mem>>)
    %dma_start3A_2297 = arith.constant 3 : i32
    %dma_start3A_2298 = arith.constant 3 : i32
    %dma_start3A_2299 = arith.constant 0 : i32
    %dma_start3A_2300 = tpu.memref_slice %arg7[%dma_start3A_2298, %dma_start3A_2299] : memref<8x128xf32, #tpu.memory_space<vmem>> -> memref<1x128xf32, #tpu.memory_space<vmem>>
    %dma_start3A_2301 = tpu.memref_squeeze %dma_start3A_2300 : memref<1x128xf32, #tpu.memory_space<vmem>> -> memref<128xf32, #tpu.memory_space<vmem>>
    %dma_start3A_2302 = arith.constant 0 : i32
    %dma_start3A_2303 = tpu.memref_slice %arg6[%dma_start3A_2297, %dma_start3A_2302] : memref<8x128xi32, #tpu.memory_space<vmem>> -> memref<1x128xi32, #tpu.memory_space<vmem>>
    %dma_start3A_2304 = tpu.memref_squeeze %dma_start3A_2303 : memref<1x128xi32, #tpu.memory_space<vmem>> -> memref<128xi32, #tpu.memory_space<vmem>>
    %dma_start3A_2305 = arith.constant 0 : i32
    %dma_start3A_2306 = tpu.memref_slice %arg2[%dma_start3A_2305] : memref<1048576xf32, #tpu.memory_space<hbm>> -> memref<1048576xf32, #tpu.memory_space<hbm>>
    tpu.enqueue_indirect_dma source(%dma_start3A_2306 : memref<1048576xf32, #tpu.memory_space<hbm>>) target(%dma_start3A_2301 : memref<128xf32, #tpu.memory_space<vmem>>) offsets(%dma_start3A_2304 : memref<128xi32, #tpu.memory_space<vmem>>) semaphore(%arg9 : memref<!tpu.dma_semaphore, #tpu.memory_space<semaphore_mem>>)
    %dma_start3A_2307 = arith.constant 4 : i32
    %dma_start3A_2308 = arith.constant 4 : i32
    %dma_start3A_2309 = arith.constant 0 : i32
    %dma_start3A_2310 = tpu.memref_slice %arg7[%dma_start3A_2308, %dma_start3A_2309] : memref<8x128xf32, #tpu.memory_space<vmem>> -> memref<1x128xf32, #tpu.memory_space<vmem>>
    %dma_start3A_2311 = tpu.memref_squeeze %dma_start3A_2310 : memref<1x128xf32, #tpu.memory_space<vmem>> -> memref<128xf32, #tpu.memory_space<vmem>>
    %dma_start3A_2312 = arith.constant 0 : i32
    %dma_start3A_2313 = tpu.memref_slice %arg6[%dma_start3A_2307, %dma_start3A_2312] : memref<8x128xi32, #tpu.memory_space<vmem>> -> memref<1x128xi32, #tpu.memory_space<vmem>>
    %dma_start3A_2314 = tpu.memref_squeeze %dma_start3A_2313 : memref<1x128xi32, #tpu.memory_space<vmem>> -> memref<128xi32, #tpu.memory_space<vmem>>
    %dma_start3A_2315 = arith.constant 0 : i32
    %dma_start3A_2316 = tpu.memref_slice %arg2[%dma_start3A_2315] : memref<1048576xf32, #tpu.memory_space<hbm>> -> memref<1048576xf32, #tpu.memory_space<hbm>>
    tpu.enqueue_indirect_dma source(%dma_start3A_2316 : memref<1048576xf32, #tpu.memory_space<hbm>>) target(%dma_start3A_2311 : memref<128xf32, #tpu.memory_space<vmem>>) offsets(%dma_start3A_2314 : memref<128xi32, #tpu.memory_space<vmem>>) semaphore(%arg9 : memref<!tpu.dma_semaphore, #tpu.memory_space<semaphore_mem>>)
    %dma_start3A_2317 = arith.constant 5 : i32
    %dma_start3A_2318 = arith.constant 5 : i32
    %dma_start3A_2319 = arith.constant 0 : i32
    %dma_start3A_2320 = tpu.memref_slice %arg7[%dma_start3A_2318, %dma_start3A_2319] : memref<8x128xf32, #tpu.memory_space<vmem>> -> memref<1x128xf32, #tpu.memory_space<vmem>>
    %dma_start3A_2321 = tpu.memref_squeeze %dma_start3A_2320 : memref<1x128xf32, #tpu.memory_space<vmem>> -> memref<128xf32, #tpu.memory_space<vmem>>
    %dma_start3A_2322 = arith.constant 0 : i32
    %dma_start3A_2323 = tpu.memref_slice %arg6[%dma_start3A_2317, %dma_start3A_2322] : memref<8x128xi32, #tpu.memory_space<vmem>> -> memref<1x128xi32, #tpu.memory_space<vmem>>
    %dma_start3A_2324 = tpu.memref_squeeze %dma_start3A_2323 : memref<1x128xi32, #tpu.memory_space<vmem>> -> memref<128xi32, #tpu.memory_space<vmem>>
    %dma_start3A_2325 = arith.constant 0 : i32
    %dma_start3A_2326 = tpu.memref_slice %arg2[%dma_start3A_2325] : memref<1048576xf32, #tpu.memory_space<hbm>> -> memref<1048576xf32, #tpu.memory_space<hbm>>
    tpu.enqueue_indirect_dma source(%dma_start3A_2326 : memref<1048576xf32, #tpu.memory_space<hbm>>) target(%dma_start3A_2321 : memref<128xf32, #tpu.memory_space<vmem>>) offsets(%dma_start3A_2324 : memref<128xi32, #tpu.memory_space<vmem>>) semaphore(%arg9 : memref<!tpu.dma_semaphore, #tpu.memory_space<semaphore_mem>>)
    %dma_start3A_2327 = arith.constant 6 : i32
    %dma_start3A_2328 = arith.constant 6 : i32
    %dma_start3A_2329 = arith.constant 0 : i32
    %dma_start3A_2330 = tpu.memref_slice %arg7[%dma_start3A_2328, %dma_start3A_2329] : memref<8x128xf32, #tpu.memory_space<vmem>> -> memref<1x128xf32, #tpu.memory_space<vmem>>
    %dma_start3A_2331 = tpu.memref_squeeze %dma_start3A_2330 : memref<1x128xf32, #tpu.memory_space<vmem>> -> memref<128xf32, #tpu.memory_space<vmem>>
    %dma_start3A_2332 = arith.constant 0 : i32
    %dma_start3A_2333 = tpu.memref_slice %arg6[%dma_start3A_2327, %dma_start3A_2332] : memref<8x128xi32, #tpu.memory_space<vmem>> -> memref<1x128xi32, #tpu.memory_space<vmem>>
    %dma_start3A_2334 = tpu.memref_squeeze %dma_start3A_2333 : memref<1x128xi32, #tpu.memory_space<vmem>> -> memref<128xi32, #tpu.memory_space<vmem>>
    %dma_start3A_2335 = arith.constant 0 : i32
    %dma_start3A_2336 = tpu.memref_slice %arg2[%dma_start3A_2335] : memref<1048576xf32, #tpu.memory_space<hbm>> -> memref<1048576xf32, #tpu.memory_space<hbm>>
    tpu.enqueue_indirect_dma source(%dma_start3A_2336 : memref<1048576xf32, #tpu.memory_space<hbm>>) target(%dma_start3A_2331 : memref<128xf32, #tpu.memory_space<vmem>>) offsets(%dma_start3A_2334 : memref<128xi32, #tpu.memory_space<vmem>>) semaphore(%arg9 : memref<!tpu.dma_semaphore, #tpu.memory_space<semaphore_mem>>)
    %dma_start3A_2337 = arith.constant 7 : i32
    %dma_start3A_2338 = arith.constant 7 : i32
    %dma_start3A_2339 = arith.constant 0 : i32
    %dma_start3A_2340 = tpu.memref_slice %arg7[%dma_start3A_2338, %dma_start3A_2339] : memref<8x128xf32, #tpu.memory_space<vmem>> -> memref<1x128xf32, #tpu.memory_space<vmem>>
    %dma_start3A_2341 = tpu.memref_squeeze %dma_start3A_2340 : memref<1x128xf32, #tpu.memory_space<vmem>> -> memref<128xf32, #tpu.memory_space<vmem>>
    %dma_start3A_2342 = arith.constant 0 : i32
    %dma_start3A_2343 = tpu.memref_slice %arg6[%dma_start3A_2337, %dma_start3A_2342] : memref<8x128xi32, #tpu.memory_space<vmem>> -> memref<1x128xi32, #tpu.memory_space<vmem>>
    %dma_start3A_2344 = tpu.memref_squeeze %dma_start3A_2343 : memref<1x128xi32, #tpu.memory_space<vmem>> -> memref<128xi32, #tpu.memory_space<vmem>>
    %dma_start3A_2345 = arith.constant 0 : i32
    %dma_start3A_2346 = tpu.memref_slice %arg2[%dma_start3A_2345] : memref<1048576xf32, #tpu.memory_space<hbm>> -> memref<1048576xf32, #tpu.memory_space<hbm>>
    tpu.enqueue_indirect_dma source(%dma_start3A_2346 : memref<1048576xf32, #tpu.memory_space<hbm>>) target(%dma_start3A_2341 : memref<128xf32, #tpu.memory_space<vmem>>) offsets(%dma_start3A_2344 : memref<128xi32, #tpu.memory_space<vmem>>) semaphore(%arg9 : memref<!tpu.dma_semaphore, #tpu.memory_space<semaphore_mem>>)
    %dma_wait3A = arith.constant 0 : i32
    %dma_wait3A_2347 = arith.constant 0 : i32
    %dma_wait3A_2348 = arith.constant 0 : i32
    %dma_wait3A_2349 = tpu.memref_slice %arg7[%dma_wait3A_2347, %dma_wait3A_2348] : memref<8x128xf32, #tpu.memory_space<vmem>> -> memref<1x128xf32, #tpu.memory_space<vmem>>
    %dma_wait3A_2350 = tpu.memref_squeeze %dma_wait3A_2349 : memref<1x128xf32, #tpu.memory_space<vmem>> -> memref<128xf32, #tpu.memory_space<vmem>>
    %dma_wait3A_2351 = arith.constant 0 : i32
    %dma_wait3A_2352 = tpu.memref_slice %arg6[%dma_wait3A, %dma_wait3A_2351] : memref<8x128xi32, #tpu.memory_space<vmem>> -> memref<1x128xi32, #tpu.memory_space<vmem>>
    %dma_wait3A_2353 = tpu.memref_squeeze %dma_wait3A_2352 : memref<1x128xi32, #tpu.memory_space<vmem>> -> memref<128xi32, #tpu.memory_space<vmem>>
    %dma_wait3A_2354 = arith.constant 0 : i32
    %dma_wait3A_2355 = tpu.memref_slice %arg2[%dma_wait3A_2354] : memref<1048576xf32, #tpu.memory_space<hbm>> -> memref<1048576xf32, #tpu.memory_space<hbm>>
    tpu.wait_indirect_dma semaphore(%arg9 : memref<!tpu.dma_semaphore, #tpu.memory_space<semaphore_mem>>) src(%dma_wait3A_2355 : memref<1048576xf32, #tpu.memory_space<hbm>>) dst(%dma_wait3A_2350 : memref<128xf32, #tpu.memory_space<vmem>>)
    %dma_wait3A_2356 = arith.constant 1 : i32
    %dma_wait3A_2357 = arith.constant 1 : i32
    %dma_wait3A_2358 = arith.constant 0 : i32
    %dma_wait3A_2359 = tpu.memref_slice %arg7[%dma_wait3A_2357, %dma_wait3A_2358] : memref<8x128xf32, #tpu.memory_space<vmem>> -> memref<1x128xf32, #tpu.memory_space<vmem>>
    %dma_wait3A_2360 = tpu.memref_squeeze %dma_wait3A_2359 : memref<1x128xf32, #tpu.memory_space<vmem>> -> memref<128xf32, #tpu.memory_space<vmem>>
    %dma_wait3A_2361 = arith.constant 0 : i32
    %dma_wait3A_2362 = tpu.memref_slice %arg6[%dma_wait3A_2356, %dma_wait3A_2361] : memref<8x128xi32, #tpu.memory_space<vmem>> -> memref<1x128xi32, #tpu.memory_space<vmem>>
    %dma_wait3A_2363 = tpu.memref_squeeze %dma_wait3A_2362 : memref<1x128xi32, #tpu.memory_space<vmem>> -> memref<128xi32, #tpu.memory_space<vmem>>
    %dma_wait3A_2364 = arith.constant 0 : i32
    %dma_wait3A_2365 = tpu.memref_slice %arg2[%dma_wait3A_2364] : memref<1048576xf32, #tpu.memory_space<hbm>> -> memref<1048576xf32, #tpu.memory_space<hbm>>
    tpu.wait_indirect_dma semaphore(%arg9 : memref<!tpu.dma_semaphore, #tpu.memory_space<semaphore_mem>>) src(%dma_wait3A_2365 : memref<1048576xf32, #tpu.memory_space<hbm>>) dst(%dma_wait3A_2360 : memref<128xf32, #tpu.memory_space<vmem>>)
    %dma_wait3A_2366 = arith.constant 2 : i32
    %dma_wait3A_2367 = arith.constant 2 : i32
    %dma_wait3A_2368 = arith.constant 0 : i32
    %dma_wait3A_2369 = tpu.memref_slice %arg7[%dma_wait3A_2367, %dma_wait3A_2368] : memref<8x128xf32, #tpu.memory_space<vmem>> -> memref<1x128xf32, #tpu.memory_space<vmem>>
    %dma_wait3A_2370 = tpu.memref_squeeze %dma_wait3A_2369 : memref<1x128xf32, #tpu.memory_space<vmem>> -> memref<128xf32, #tpu.memory_space<vmem>>
    %dma_wait3A_2371 = arith.constant 0 : i32
    %dma_wait3A_2372 = tpu.memref_slice %arg6[%dma_wait3A_2366, %dma_wait3A_2371] : memref<8x128xi32, #tpu.memory_space<vmem>> -> memref<1x128xi32, #tpu.memory_space<vmem>>
    %dma_wait3A_2373 = tpu.memref_squeeze %dma_wait3A_2372 : memref<1x128xi32, #tpu.memory_space<vmem>> -> memref<128xi32, #tpu.memory_space<vmem>>
    %dma_wait3A_2374 = arith.constant 0 : i32
    %dma_wait3A_2375 = tpu.memref_slice %arg2[%dma_wait3A_2374] : memref<1048576xf32, #tpu.memory_space<hbm>> -> memref<1048576xf32, #tpu.memory_space<hbm>>
    tpu.wait_indirect_dma semaphore(%arg9 : memref<!tpu.dma_semaphore, #tpu.memory_space<semaphore_mem>>) src(%dma_wait3A_2375 : memref<1048576xf32, #tpu.memory_space<hbm>>) dst(%dma_wait3A_2370 : memref<128xf32, #tpu.memory_space<vmem>>)
    %dma_wait3A_2376 = arith.constant 3 : i32
    %dma_wait3A_2377 = arith.constant 3 : i32
    %dma_wait3A_2378 = arith.constant 0 : i32
    %dma_wait3A_2379 = tpu.memref_slice %arg7[%dma_wait3A_2377, %dma_wait3A_2378] : memref<8x128xf32, #tpu.memory_space<vmem>> -> memref<1x128xf32, #tpu.memory_space<vmem>>
    %dma_wait3A_2380 = tpu.memref_squeeze %dma_wait3A_2379 : memref<1x128xf32, #tpu.memory_space<vmem>> -> memref<128xf32, #tpu.memory_space<vmem>>
    %dma_wait3A_2381 = arith.constant 0 : i32
    %dma_wait3A_2382 = tpu.memref_slice %arg6[%dma_wait3A_2376, %dma_wait3A_2381] : memref<8x128xi32, #tpu.memory_space<vmem>> -> memref<1x128xi32, #tpu.memory_space<vmem>>
    %dma_wait3A_2383 = tpu.memref_squeeze %dma_wait3A_2382 : memref<1x128xi32, #tpu.memory_space<vmem>> -> memref<128xi32, #tpu.memory_space<vmem>>
    %dma_wait3A_2384 = arith.constant 0 : i32
    %dma_wait3A_2385 = tpu.memref_slice %arg2[%dma_wait3A_2384] : memref<1048576xf32, #tpu.memory_space<hbm>> -> memref<1048576xf32, #tpu.memory_space<hbm>>
    tpu.wait_indirect_dma semaphore(%arg9 : memref<!tpu.dma_semaphore, #tpu.memory_space<semaphore_mem>>) src(%dma_wait3A_2385 : memref<1048576xf32, #tpu.memory_space<hbm>>) dst(%dma_wait3A_2380 : memref<128xf32, #tpu.memory_space<vmem>>)
    %dma_wait3A_2386 = arith.constant 4 : i32
    %dma_wait3A_2387 = arith.constant 4 : i32
    %dma_wait3A_2388 = arith.constant 0 : i32
    %dma_wait3A_2389 = tpu.memref_slice %arg7[%dma_wait3A_2387, %dma_wait3A_2388] : memref<8x128xf32, #tpu.memory_space<vmem>> -> memref<1x128xf32, #tpu.memory_space<vmem>>
    %dma_wait3A_2390 = tpu.memref_squeeze %dma_wait3A_2389 : memref<1x128xf32, #tpu.memory_space<vmem>> -> memref<128xf32, #tpu.memory_space<vmem>>
    %dma_wait3A_2391 = arith.constant 0 : i32
    %dma_wait3A_2392 = tpu.memref_slice %arg6[%dma_wait3A_2386, %dma_wait3A_2391] : memref<8x128xi32, #tpu.memory_space<vmem>> -> memref<1x128xi32, #tpu.memory_space<vmem>>
    %dma_wait3A_2393 = tpu.memref_squeeze %dma_wait3A_2392 : memref<1x128xi32, #tpu.memory_space<vmem>> -> memref<128xi32, #tpu.memory_space<vmem>>
    %dma_wait3A_2394 = arith.constant 0 : i32
    %dma_wait3A_2395 = tpu.memref_slice %arg2[%dma_wait3A_2394] : memref<1048576xf32, #tpu.memory_space<hbm>> -> memref<1048576xf32, #tpu.memory_space<hbm>>
    tpu.wait_indirect_dma semaphore(%arg9 : memref<!tpu.dma_semaphore, #tpu.memory_space<semaphore_mem>>) src(%dma_wait3A_2395 : memref<1048576xf32, #tpu.memory_space<hbm>>) dst(%dma_wait3A_2390 : memref<128xf32, #tpu.memory_space<vmem>>)
    %dma_wait3A_2396 = arith.constant 5 : i32
    %dma_wait3A_2397 = arith.constant 5 : i32
    %dma_wait3A_2398 = arith.constant 0 : i32
    %dma_wait3A_2399 = tpu.memref_slice %arg7[%dma_wait3A_2397, %dma_wait3A_2398] : memref<8x128xf32, #tpu.memory_space<vmem>> -> memref<1x128xf32, #tpu.memory_space<vmem>>
    %dma_wait3A_2400 = tpu.memref_squeeze %dma_wait3A_2399 : memref<1x128xf32, #tpu.memory_space<vmem>> -> memref<128xf32, #tpu.memory_space<vmem>>
    %dma_wait3A_2401 = arith.constant 0 : i32
    %dma_wait3A_2402 = tpu.memref_slice %arg6[%dma_wait3A_2396, %dma_wait3A_2401] : memref<8x128xi32, #tpu.memory_space<vmem>> -> memref<1x128xi32, #tpu.memory_space<vmem>>
    %dma_wait3A_2403 = tpu.memref_squeeze %dma_wait3A_2402 : memref<1x128xi32, #tpu.memory_space<vmem>> -> memref<128xi32, #tpu.memory_space<vmem>>
    %dma_wait3A_2404 = arith.constant 0 : i32
    %dma_wait3A_2405 = tpu.memref_slice %arg2[%dma_wait3A_2404] : memref<1048576xf32, #tpu.memory_space<hbm>> -> memref<1048576xf32, #tpu.memory_space<hbm>>
    tpu.wait_indirect_dma semaphore(%arg9 : memref<!tpu.dma_semaphore, #tpu.memory_space<semaphore_mem>>) src(%dma_wait3A_2405 : memref<1048576xf32, #tpu.memory_space<hbm>>) dst(%dma_wait3A_2400 : memref<128xf32, #tpu.memory_space<vmem>>)
    %dma_wait3A_2406 = arith.constant 6 : i32
    %dma_wait3A_2407 = arith.constant 6 : i32
    %dma_wait3A_2408 = arith.constant 0 : i32
    %dma_wait3A_2409 = tpu.memref_slice %arg7[%dma_wait3A_2407, %dma_wait3A_2408] : memref<8x128xf32, #tpu.memory_space<vmem>> -> memref<1x128xf32, #tpu.memory_space<vmem>>
    %dma_wait3A_2410 = tpu.memref_squeeze %dma_wait3A_2409 : memref<1x128xf32, #tpu.memory_space<vmem>> -> memref<128xf32, #tpu.memory_space<vmem>>
    %dma_wait3A_2411 = arith.constant 0 : i32
    %dma_wait3A_2412 = tpu.memref_slice %arg6[%dma_wait3A_2406, %dma_wait3A_2411] : memref<8x128xi32, #tpu.memory_space<vmem>> -> memref<1x128xi32, #tpu.memory_space<vmem>>
    %dma_wait3A_2413 = tpu.memref_squeeze %dma_wait3A_2412 : memref<1x128xi32, #tpu.memory_space<vmem>> -> memref<128xi32, #tpu.memory_space<vmem>>
    %dma_wait3A_2414 = arith.constant 0 : i32
    %dma_wait3A_2415 = tpu.memref_slice %arg2[%dma_wait3A_2414] : memref<1048576xf32, #tpu.memory_space<hbm>> -> memref<1048576xf32, #tpu.memory_space<hbm>>
    tpu.wait_indirect_dma semaphore(%arg9 : memref<!tpu.dma_semaphore, #tpu.memory_space<semaphore_mem>>) src(%dma_wait3A_2415 : memref<1048576xf32, #tpu.memory_space<hbm>>) dst(%dma_wait3A_2410 : memref<128xf32, #tpu.memory_space<vmem>>)
    %dma_wait3A_2416 = arith.constant 7 : i32
    %dma_wait3A_2417 = arith.constant 7 : i32
    %dma_wait3A_2418 = arith.constant 0 : i32
    %dma_wait3A_2419 = tpu.memref_slice %arg7[%dma_wait3A_2417, %dma_wait3A_2418] : memref<8x128xf32, #tpu.memory_space<vmem>> -> memref<1x128xf32, #tpu.memory_space<vmem>>
    %dma_wait3A_2420 = tpu.memref_squeeze %dma_wait3A_2419 : memref<1x128xf32, #tpu.memory_space<vmem>> -> memref<128xf32, #tpu.memory_space<vmem>>
    %dma_wait3A_2421 = arith.constant 0 : i32
    %dma_wait3A_2422 = tpu.memref_slice %arg6[%dma_wait3A_2416, %dma_wait3A_2421] : memref<8x128xi32, #tpu.memory_space<vmem>> -> memref<1x128xi32, #tpu.memory_space<vmem>>
    %dma_wait3A_2423 = tpu.memref_squeeze %dma_wait3A_2422 : memref<1x128xi32, #tpu.memory_space<vmem>> -> memref<128xi32, #tpu.memory_space<vmem>>
    %dma_wait3A_2424 = arith.constant 0 : i32
    %dma_wait3A_2425 = tpu.memref_slice %arg2[%dma_wait3A_2424] : memref<1048576xf32, #tpu.memory_space<hbm>> -> memref<1048576xf32, #tpu.memory_space<hbm>>
    tpu.wait_indirect_dma semaphore(%arg9 : memref<!tpu.dma_semaphore, #tpu.memory_space<semaphore_mem>>) src(%dma_wait3A_2425 : memref<1048576xf32, #tpu.memory_space<hbm>>) dst(%dma_wait3A_2420 : memref<128xf32, #tpu.memory_space<vmem>>)
    %get3A_2426 = arith.constant 0 : i32
    %get3A_2427 = arith.index_cast %get3A_2426 : i32 to index
    %get3A_2428 = arith.constant 0 : index
    %get3A_2429 = tpu.vector_load %arg7[%get3A_2427, %get3A_2428] {strides = array<i32>} : memref<8x128xf32, #tpu.memory_space<vmem>>, vector<1x16xf32>,
    %get3A_2430 = vector.shape_cast %get3A_2429 : vector<1x16xf32> to vector<16xf32>
    %swap3A_2431 = arith.constant 0 : i32
    %swap3A_2432 = arith.index_cast %swap3A_2431 : i32 to index
    %swap3A_2433 = arith.constant 0 : index
    %swap3A_2434 = tpu.vector_load %arg8[%swap3A_2432, %swap3A_2433] {strides = array<i32>} : memref<32x32xf32, #tpu.memory_space<vmem>>, vector<1x16xf32>,
    %swap3A_2435 = vector.shape_cast %swap3A_2434 : vector<1x16xf32> to vector<16xf32>
    %swap3A_2436 = vector.shape_cast %get3A_2430 : vector<16xf32> to vector<1x16xf32>
    tpu.vector_store %arg8[%swap3A_2432, %swap3A_2433], %swap3A_2436 {strides = array<i32>} : memref<32x32xf32, #tpu.memory_space<vmem>>, vector<1x16xf32>,
    %get3A_2437 = arith.constant 0 : i32
    %get3A_2438 = arith.index_cast %get3A_2437 : i32 to index
    %get3A_2439 = arith.constant 16 : index
    %get3A_2440 = tpu.vector_load %arg7[%get3A_2438, %get3A_2439] {strides = array<i32>} : memref<8x128xf32, #tpu.memory_space<vmem>>, vector<1x16xf32>,
    %get3A_2441 = vector.shape_cast %get3A_2440 : vector<1x16xf32> to vector<16xf32>
    %swap3A_2442 = arith.constant 0 : i32
    %swap3A_2443 = arith.index_cast %swap3A_2442 : i32 to index
    %swap3A_2444 = arith.constant 16 : index
    %swap3A_2445 = tpu.vector_load %arg8[%swap3A_2443, %swap3A_2444] {strides = array<i32>} : memref<32x32xf32, #tpu.memory_space<vmem>>, vector<1x16xf32>,
    %swap3A_2446 = vector.shape_cast %swap3A_2445 : vector<1x16xf32> to vector<16xf32>
    %swap3A_2447 = vector.shape_cast %get3A_2441 : vector<16xf32> to vector<1x16xf32>
    tpu.vector_store %arg8[%swap3A_2443, %swap3A_2444], %swap3A_2447 {strides = array<i32>} : memref<32x32xf32, #tpu.memory_space<vmem>>, vector<1x16xf32>,
    %get3A_2448 = arith.constant 0 : i32
    %get3A_2449 = arith.index_cast %get3A_2448 : i32 to index
    %get3A_2450 = arith.constant 32 : index
    %get3A_2451 = tpu.vector_load %arg7[%get3A_2449, %get3A_2450] {strides = array<i32>} : memref<8x128xf32, #tpu.memory_space<vmem>>, vector<1x16xf32>,
    %get3A_2452 = vector.shape_cast %get3A_2451 : vector<1x16xf32> to vector<16xf32>
    %swap3A_2453 = arith.constant 1 : i32
    %swap3A_2454 = arith.index_cast %swap3A_2453 : i32 to index
    %swap3A_2455 = arith.constant 0 : index
    %swap3A_2456 = tpu.vector_load %arg8[%swap3A_2454, %swap3A_2455] {strides = array<i32>} : memref<32x32xf32, #tpu.memory_space<vmem>>, vector<1x16xf32>,
    %swap3A_2457 = vector.shape_cast %swap3A_2456 : vector<1x16xf32> to vector<16xf32>
    %swap3A_2458 = vector.shape_cast %get3A_2452 : vector<16xf32> to vector<1x16xf32>
    tpu.vector_store %arg8[%swap3A_2454, %swap3A_2455], %swap3A_2458 {strides = array<i32>} : memref<32x32xf32, #tpu.memory_space<vmem>>, vector<1x16xf32>,
    %get3A_2459 = arith.constant 0 : i32
    %get3A_2460 = arith.index_cast %get3A_2459 : i32 to index
    %get3A_2461 = arith.constant 48 : index
    %get3A_2462 = tpu.vector_load %arg7[%get3A_2460, %get3A_2461] {strides = array<i32>} : memref<8x128xf32, #tpu.memory_space<vmem>>, vector<1x16xf32>,
    %get3A_2463 = vector.shape_cast %get3A_2462 : vector<1x16xf32> to vector<16xf32>
    %swap3A_2464 = arith.constant 1 : i32
    %swap3A_2465 = arith.index_cast %swap3A_2464 : i32 to index
    %swap3A_2466 = arith.constant 16 : index
    %swap3A_2467 = tpu.vector_load %arg8[%swap3A_2465, %swap3A_2466] {strides = array<i32>} : memref<32x32xf32, #tpu.memory_space<vmem>>, vector<1x16xf32>,
    %swap3A_2468 = vector.shape_cast %swap3A_2467 : vector<1x16xf32> to vector<16xf32>
    %swap3A_2469 = vector.shape_cast %get3A_2463 : vector<16xf32> to vector<1x16xf32>
    tpu.vector_store %arg8[%swap3A_2465, %swap3A_2466], %swap3A_2469 {strides = array<i32>} : memref<32x32xf32, #tpu.memory_space<vmem>>, vector<1x16xf32>,
    %get3A_2470 = arith.constant 0 : i32
    %get3A_2471 = arith.index_cast %get3A_2470 : i32 to index
    %get3A_2472 = arith.constant 64 : index
    %get3A_2473 = tpu.vector_load %arg7[%get3A_2471, %get3A_2472] {strides = array<i32>} : memref<8x128xf32, #tpu.memory_space<vmem>>, vector<1x16xf32>,
    %get3A_2474 = vector.shape_cast %get3A_2473 : vector<1x16xf32> to vector<16xf32>
    %swap3A_2475 = arith.constant 2 : i32
    %swap3A_2476 = arith.index_cast %swap3A_2475 : i32 to index
    %swap3A_2477 = arith.constant 0 : index
    %swap3A_2478 = tpu.vector_load %arg8[%swap3A_2476, %swap3A_2477] {strides = array<i32>} : memref<32x32xf32, #tpu.memory_space<vmem>>, vector<1x16xf32>,
    %swap3A_2479 = vector.shape_cast %swap3A_2478 : vector<1x16xf32> to vector<16xf32>
    %swap3A_2480 = vector.shape_cast %get3A_2474 : vector<16xf32> to vector<1x16xf32>
    tpu.vector_store %arg8[%swap3A_2476, %swap3A_2477], %swap3A_2480 {strides = array<i32>} : memref<32x32xf32, #tpu.memory_space<vmem>>, vector<1x16xf32>,
    %get3A_2481 = arith.constant 0 : i32
    %get3A_2482 = arith.index_cast %get3A_2481 : i32 to index
    %get3A_2483 = arith.constant 80 : index
    %get3A_2484 = tpu.vector_load %arg7[%get3A_2482, %get3A_2483] {strides = array<i32>} : memref<8x128xf32, #tpu.memory_space<vmem>>, vector<1x16xf32>,
    %get3A_2485 = vector.shape_cast %get3A_2484 : vector<1x16xf32> to vector<16xf32>
    %swap3A_2486 = arith.constant 2 : i32
    %swap3A_2487 = arith.index_cast %swap3A_2486 : i32 to index
    %swap3A_2488 = arith.constant 16 : index
    %swap3A_2489 = tpu.vector_load %arg8[%swap3A_2487, %swap3A_2488] {strides = array<i32>} : memref<32x32xf32, #tpu.memory_space<vmem>>, vector<1x16xf32>,
    %swap3A_2490 = vector.shape_cast %swap3A_2489 : vector<1x16xf32> to vector<16xf32>
    %swap3A_2491 = vector.shape_cast %get3A_2485 : vector<16xf32> to vector<1x16xf32>
    tpu.vector_store %arg8[%swap3A_2487, %swap3A_2488], %swap3A_2491 {strides = array<i32>} : memref<32x32xf32, #tpu.memory_space<vmem>>, vector<1x16xf32>,
    %get3A_2492 = arith.constant 0 : i32
    %get3A_2493 = arith.index_cast %get3A_2492 : i32 to index
    %get3A_2494 = arith.constant 96 : index
    %get3A_2495 = tpu.vector_load %arg7[%get3A_2493, %get3A_2494] {strides = array<i32>} : memref<8x128xf32, #tpu.memory_space<vmem>>, vector<1x16xf32>,
    %get3A_2496 = vector.shape_cast %get3A_2495 : vector<1x16xf32> to vector<16xf32>
    %swap3A_2497 = arith.constant 3 : i32
    %swap3A_2498 = arith.index_cast %swap3A_2497 : i32 to index
    %swap3A_2499 = arith.constant 0 : index
    %swap3A_2500 = tpu.vector_load %arg8[%swap3A_2498, %swap3A_2499] {strides = array<i32>} : memref<32x32xf32, #tpu.memory_space<vmem>>, vector<1x16xf32>,
    %swap3A_2501 = vector.shape_cast %swap3A_2500 : vector<1x16xf32> to vector<16xf32>
    %swap3A_2502 = vector.shape_cast %get3A_2496 : vector<16xf32> to vector<1x16xf32>
    tpu.vector_store %arg8[%swap3A_2498, %swap3A_2499], %swap3A_2502 {strides = array<i32>} : memref<32x32xf32, #tpu.memory_space<vmem>>, vector<1x16xf32>,
    %get3A_2503 = arith.constant 0 : i32
    %get3A_2504 = arith.index_cast %get3A_2503 : i32 to index
    %get3A_2505 = arith.constant 112 : index
    %get3A_2506 = tpu.vector_load %arg7[%get3A_2504, %get3A_2505] {strides = array<i32>} : memref<8x128xf32, #tpu.memory_space<vmem>>, vector<1x16xf32>,
    %get3A_2507 = vector.shape_cast %get3A_2506 : vector<1x16xf32> to vector<16xf32>
    %swap3A_2508 = arith.constant 3 : i32
    %swap3A_2509 = arith.index_cast %swap3A_2508 : i32 to index
    %swap3A_2510 = arith.constant 16 : index
    %swap3A_2511 = tpu.vector_load %arg8[%swap3A_2509, %swap3A_2510] {strides = array<i32>} : memref<32x32xf32, #tpu.memory_space<vmem>>, vector<1x16xf32>,
    %swap3A_2512 = vector.shape_cast %swap3A_2511 : vector<1x16xf32> to vector<16xf32>
    %swap3A_2513 = vector.shape_cast %get3A_2507 : vector<16xf32> to vector<1x16xf32>
    tpu.vector_store %arg8[%swap3A_2509, %swap3A_2510], %swap3A_2513 {strides = array<i32>} : memref<32x32xf32, #tpu.memory_space<vmem>>, vector<1x16xf32>,
    %get3A_2514 = arith.constant 1 : i32
    %get3A_2515 = arith.index_cast %get3A_2514 : i32 to index
    %get3A_2516 = arith.constant 0 : index
    %get3A_2517 = tpu.vector_load %arg7[%get3A_2515, %get3A_2516] {strides = array<i32>} : memref<8x128xf32, #tpu.memory_space<vmem>>, vector<1x16xf32>,
    %get3A_2518 = vector.shape_cast %get3A_2517 : vector<1x16xf32> to vector<16xf32>
    %swap3A_2519 = arith.constant 4 : i32
    %swap3A_2520 = arith.index_cast %swap3A_2519 : i32 to index
    %swap3A_2521 = arith.constant 0 : index
    %swap3A_2522 = tpu.vector_load %arg8[%swap3A_2520, %swap3A_2521] {strides = array<i32>} : memref<32x32xf32, #tpu.memory_space<vmem>>, vector<1x16xf32>,
    %swap3A_2523 = vector.shape_cast %swap3A_2522 : vector<1x16xf32> to vector<16xf32>
    %swap3A_2524 = vector.shape_cast %get3A_2518 : vector<16xf32> to vector<1x16xf32>
    tpu.vector_store %arg8[%swap3A_2520, %swap3A_2521], %swap3A_2524 {strides = array<i32>} : memref<32x32xf32, #tpu.memory_space<vmem>>, vector<1x16xf32>,
    %get3A_2525 = arith.constant 1 : i32
    %get3A_2526 = arith.index_cast %get3A_2525 : i32 to index
    %get3A_2527 = arith.constant 16 : index
    %get3A_2528 = tpu.vector_load %arg7[%get3A_2526, %get3A_2527] {strides = array<i32>} : memref<8x128xf32, #tpu.memory_space<vmem>>, vector<1x16xf32>,
    %get3A_2529 = vector.shape_cast %get3A_2528 : vector<1x16xf32> to vector<16xf32>
    %swap3A_2530 = arith.constant 4 : i32
    %swap3A_2531 = arith.index_cast %swap3A_2530 : i32 to index
    %swap3A_2532 = arith.constant 16 : index
    %swap3A_2533 = tpu.vector_load %arg8[%swap3A_2531, %swap3A_2532] {strides = array<i32>} : memref<32x32xf32, #tpu.memory_space<vmem>>, vector<1x16xf32>,
    %swap3A_2534 = vector.shape_cast %swap3A_2533 : vector<1x16xf32> to vector<16xf32>
    %swap3A_2535 = vector.shape_cast %get3A_2529 : vector<16xf32> to vector<1x16xf32>
    tpu.vector_store %arg8[%swap3A_2531, %swap3A_2532], %swap3A_2535 {strides = array<i32>} : memref<32x32xf32, #tpu.memory_space<vmem>>, vector<1x16xf32>,
    %get3A_2536 = arith.constant 1 : i32
    %get3A_2537 = arith.index_cast %get3A_2536 : i32 to index
    %get3A_2538 = arith.constant 32 : index
    %get3A_2539 = tpu.vector_load %arg7[%get3A_2537, %get3A_2538] {strides = array<i32>} : memref<8x128xf32, #tpu.memory_space<vmem>>, vector<1x16xf32>,
    %get3A_2540 = vector.shape_cast %get3A_2539 : vector<1x16xf32> to vector<16xf32>
    %swap3A_2541 = arith.constant 5 : i32
    %swap3A_2542 = arith.index_cast %swap3A_2541 : i32 to index
    %swap3A_2543 = arith.constant 0 : index
    %swap3A_2544 = tpu.vector_load %arg8[%swap3A_2542, %swap3A_2543] {strides = array<i32>} : memref<32x32xf32, #tpu.memory_space<vmem>>, vector<1x16xf32>,
    %swap3A_2545 = vector.shape_cast %swap3A_2544 : vector<1x16xf32> to vector<16xf32>
    %swap3A_2546 = vector.shape_cast %get3A_2540 : vector<16xf32> to vector<1x16xf32>
    tpu.vector_store %arg8[%swap3A_2542, %swap3A_2543], %swap3A_2546 {strides = array<i32>} : memref<32x32xf32, #tpu.memory_space<vmem>>, vector<1x16xf32>,
    %get3A_2547 = arith.constant 1 : i32
    %get3A_2548 = arith.index_cast %get3A_2547 : i32 to index
    %get3A_2549 = arith.constant 48 : index
    %get3A_2550 = tpu.vector_load %arg7[%get3A_2548, %get3A_2549] {strides = array<i32>} : memref<8x128xf32, #tpu.memory_space<vmem>>, vector<1x16xf32>,
    %get3A_2551 = vector.shape_cast %get3A_2550 : vector<1x16xf32> to vector<16xf32>
    %swap3A_2552 = arith.constant 5 : i32
    %swap3A_2553 = arith.index_cast %swap3A_2552 : i32 to index
    %swap3A_2554 = arith.constant 16 : index
    %swap3A_2555 = tpu.vector_load %arg8[%swap3A_2553, %swap3A_2554] {strides = array<i32>} : memref<32x32xf32, #tpu.memory_space<vmem>>, vector<1x16xf32>,
    %swap3A_2556 = vector.shape_cast %swap3A_2555 : vector<1x16xf32> to vector<16xf32>
    %swap3A_2557 = vector.shape_cast %get3A_2551 : vector<16xf32> to vector<1x16xf32>
    tpu.vector_store %arg8[%swap3A_2553, %swap3A_2554], %swap3A_2557 {strides = array<i32>} : memref<32x32xf32, #tpu.memory_space<vmem>>, vector<1x16xf32>,
    %get3A_2558 = arith.constant 1 : i32
    %get3A_2559 = arith.index_cast %get3A_2558 : i32 to index
    %get3A_2560 = arith.constant 64 : index
    %get3A_2561 = tpu.vector_load %arg7[%get3A_2559, %get3A_2560] {strides = array<i32>} : memref<8x128xf32, #tpu.memory_space<vmem>>, vector<1x16xf32>,
    %get3A_2562 = vector.shape_cast %get3A_2561 : vector<1x16xf32> to vector<16xf32>
    %swap3A_2563 = arith.constant 6 : i32
    %swap3A_2564 = arith.index_cast %swap3A_2563 : i32 to index
    %swap3A_2565 = arith.constant 0 : index
    %swap3A_2566 = tpu.vector_load %arg8[%swap3A_2564, %swap3A_2565] {strides = array<i32>} : memref<32x32xf32, #tpu.memory_space<vmem>>, vector<1x16xf32>,
    %swap3A_2567 = vector.shape_cast %swap3A_2566 : vector<1x16xf32> to vector<16xf32>
    %swap3A_2568 = vector.shape_cast %get3A_2562 : vector<16xf32> to vector<1x16xf32>
    tpu.vector_store %arg8[%swap3A_2564, %swap3A_2565], %swap3A_2568 {strides = array<i32>} : memref<32x32xf32, #tpu.memory_space<vmem>>, vector<1x16xf32>,
    %get3A_2569 = arith.constant 1 : i32
    %get3A_2570 = arith.index_cast %get3A_2569 : i32 to index
    %get3A_2571 = arith.constant 80 : index
    %get3A_2572 = tpu.vector_load %arg7[%get3A_2570, %get3A_2571] {strides = array<i32>} : memref<8x128xf32, #tpu.memory_space<vmem>>, vector<1x16xf32>,
    %get3A_2573 = vector.shape_cast %get3A_2572 : vector<1x16xf32> to vector<16xf32>
    %swap3A_2574 = arith.constant 6 : i32
    %swap3A_2575 = arith.index_cast %swap3A_2574 : i32 to index
    %swap3A_2576 = arith.constant 16 : index
    %swap3A_2577 = tpu.vector_load %arg8[%swap3A_2575, %swap3A_2576] {strides = array<i32>} : memref<32x32xf32, #tpu.memory_space<vmem>>, vector<1x16xf32>,
    %swap3A_2578 = vector.shape_cast %swap3A_2577 : vector<1x16xf32> to vector<16xf32>
    %swap3A_2579 = vector.shape_cast %get3A_2573 : vector<16xf32> to vector<1x16xf32>
    tpu.vector_store %arg8[%swap3A_2575, %swap3A_2576], %swap3A_2579 {strides = array<i32>} : memref<32x32xf32, #tpu.memory_space<vmem>>, vector<1x16xf32>,
    %get3A_2580 = arith.constant 1 : i32
    %get3A_2581 = arith.index_cast %get3A_2580 : i32 to index
    %get3A_2582 = arith.constant 96 : index
    %get3A_2583 = tpu.vector_load %arg7[%get3A_2581, %get3A_2582] {strides = array<i32>} : memref<8x128xf32, #tpu.memory_space<vmem>>, vector<1x16xf32>,
    %get3A_2584 = vector.shape_cast %get3A_2583 : vector<1x16xf32> to vector<16xf32>
    %swap3A_2585 = arith.constant 7 : i32
    %swap3A_2586 = arith.index_cast %swap3A_2585 : i32 to index
    %swap3A_2587 = arith.constant 0 : index
    %swap3A_2588 = tpu.vector_load %arg8[%swap3A_2586, %swap3A_2587] {strides = array<i32>} : memref<32x32xf32, #tpu.memory_space<vmem>>, vector<1x16xf32>,
    %swap3A_2589 = vector.shape_cast %swap3A_2588 : vector<1x16xf32> to vector<16xf32>
    %swap3A_2590 = vector.shape_cast %get3A_2584 : vector<16xf32> to vector<1x16xf32>
    tpu.vector_store %arg8[%swap3A_2586, %swap3A_2587], %swap3A_2590 {strides = array<i32>} : memref<32x32xf32, #tpu.memory_space<vmem>>, vector<1x16xf32>,
    %get3A_2591 = arith.constant 1 : i32
    %get3A_2592 = arith.index_cast %get3A_2591 : i32 to index
    %get3A_2593 = arith.constant 112 : index
    %get3A_2594 = tpu.vector_load %arg7[%get3A_2592, %get3A_2593] {strides = array<i32>} : memref<8x128xf32, #tpu.memory_space<vmem>>, vector<1x16xf32>,
    %get3A_2595 = vector.shape_cast %get3A_2594 : vector<1x16xf32> to vector<16xf32>
    %swap3A_2596 = arith.constant 7 : i32
    %swap3A_2597 = arith.index_cast %swap3A_2596 : i32 to index
    %swap3A_2598 = arith.constant 16 : index
    %swap3A_2599 = tpu.vector_load %arg8[%swap3A_2597, %swap3A_2598] {strides = array<i32>} : memref<32x32xf32, #tpu.memory_space<vmem>>, vector<1x16xf32>,
    %swap3A_2600 = vector.shape_cast %swap3A_2599 : vector<1x16xf32> to vector<16xf32>
    %swap3A_2601 = vector.shape_cast %get3A_2595 : vector<16xf32> to vector<1x16xf32>
    tpu.vector_store %arg8[%swap3A_2597, %swap3A_2598], %swap3A_2601 {strides = array<i32>} : memref<32x32xf32, #tpu.memory_space<vmem>>, vector<1x16xf32>,
    %get3A_2602 = arith.constant 2 : i32
    %get3A_2603 = arith.index_cast %get3A_2602 : i32 to index
    %get3A_2604 = arith.constant 0 : index
    %get3A_2605 = tpu.vector_load %arg7[%get3A_2603, %get3A_2604] {strides = array<i32>} : memref<8x128xf32, #tpu.memory_space<vmem>>, vector<1x16xf32>,
    %get3A_2606 = vector.shape_cast %get3A_2605 : vector<1x16xf32> to vector<16xf32>
    %swap3A_2607 = arith.constant 8 : i32
    %swap3A_2608 = arith.index_cast %swap3A_2607 : i32 to index
    %swap3A_2609 = arith.constant 0 : index
    %swap3A_2610 = tpu.vector_load %arg8[%swap3A_2608, %swap3A_2609] {strides = array<i32>} : memref<32x32xf32, #tpu.memory_space<vmem>>, vector<1x16xf32>,
    %swap3A_2611 = vector.shape_cast %swap3A_2610 : vector<1x16xf32> to vector<16xf32>
    %swap3A_2612 = vector.shape_cast %get3A_2606 : vector<16xf32> to vector<1x16xf32>
    tpu.vector_store %arg8[%swap3A_2608, %swap3A_2609], %swap3A_2612 {strides = array<i32>} : memref<32x32xf32, #tpu.memory_space<vmem>>, vector<1x16xf32>,
    %get3A_2613 = arith.constant 2 : i32
    %get3A_2614 = arith.index_cast %get3A_2613 : i32 to index
    %get3A_2615 = arith.constant 16 : index
    %get3A_2616 = tpu.vector_load %arg7[%get3A_2614, %get3A_2615] {strides = array<i32>} : memref<8x128xf32, #tpu.memory_space<vmem>>, vector<1x16xf32>,
    %get3A_2617 = vector.shape_cast %get3A_2616 : vector<1x16xf32> to vector<16xf32>
    %swap3A_2618 = arith.constant 8 : i32
    %swap3A_2619 = arith.index_cast %swap3A_2618 : i32 to index
    %swap3A_2620 = arith.constant 16 : index
    %swap3A_2621 = tpu.vector_load %arg8[%swap3A_2619, %swap3A_2620] {strides = array<i32>} : memref<32x32xf32, #tpu.memory_space<vmem>>, vector<1x16xf32>,
    %swap3A_2622 = vector.shape_cast %swap3A_2621 : vector<1x16xf32> to vector<16xf32>
    %swap3A_2623 = vector.shape_cast %get3A_2617 : vector<16xf32> to vector<1x16xf32>
    tpu.vector_store %arg8[%swap3A_2619, %swap3A_2620], %swap3A_2623 {strides = array<i32>} : memref<32x32xf32, #tpu.memory_space<vmem>>, vector<1x16xf32>,
    %get3A_2624 = arith.constant 2 : i32
    %get3A_2625 = arith.index_cast %get3A_2624 : i32 to index
    %get3A_2626 = arith.constant 32 : index
    %get3A_2627 = tpu.vector_load %arg7[%get3A_2625, %get3A_2626] {strides = array<i32>} : memref<8x128xf32, #tpu.memory_space<vmem>>, vector<1x16xf32>,
    %get3A_2628 = vector.shape_cast %get3A_2627 : vector<1x16xf32> to vector<16xf32>
    %swap3A_2629 = arith.constant 9 : i32
    %swap3A_2630 = arith.index_cast %swap3A_2629 : i32 to index
    %swap3A_2631 = arith.constant 0 : index
    %swap3A_2632 = tpu.vector_load %arg8[%swap3A_2630, %swap3A_2631] {strides = array<i32>} : memref<32x32xf32, #tpu.memory_space<vmem>>, vector<1x16xf32>,
    %swap3A_2633 = vector.shape_cast %swap3A_2632 : vector<1x16xf32> to vector<16xf32>
    %swap3A_2634 = vector.shape_cast %get3A_2628 : vector<16xf32> to vector<1x16xf32>
    tpu.vector_store %arg8[%swap3A_2630, %swap3A_2631], %swap3A_2634 {strides = array<i32>} : memref<32x32xf32, #tpu.memory_space<vmem>>, vector<1x16xf32>,
    %get3A_2635 = arith.constant 2 : i32
    %get3A_2636 = arith.index_cast %get3A_2635 : i32 to index
    %get3A_2637 = arith.constant 48 : index
    %get3A_2638 = tpu.vector_load %arg7[%get3A_2636, %get3A_2637] {strides = array<i32>} : memref<8x128xf32, #tpu.memory_space<vmem>>, vector<1x16xf32>,
    %get3A_2639 = vector.shape_cast %get3A_2638 : vector<1x16xf32> to vector<16xf32>
    %swap3A_2640 = arith.constant 9 : i32
    %swap3A_2641 = arith.index_cast %swap3A_2640 : i32 to index
    %swap3A_2642 = arith.constant 16 : index
    %swap3A_2643 = tpu.vector_load %arg8[%swap3A_2641, %swap3A_2642] {strides = array<i32>} : memref<32x32xf32, #tpu.memory_space<vmem>>, vector<1x16xf32>,
    %swap3A_2644 = vector.shape_cast %swap3A_2643 : vector<1x16xf32> to vector<16xf32>
    %swap3A_2645 = vector.shape_cast %get3A_2639 : vector<16xf32> to vector<1x16xf32>
    tpu.vector_store %arg8[%swap3A_2641, %swap3A_2642], %swap3A_2645 {strides = array<i32>} : memref<32x32xf32, #tpu.memory_space<vmem>>, vector<1x16xf32>,
    %get3A_2646 = arith.constant 2 : i32
    %get3A_2647 = arith.index_cast %get3A_2646 : i32 to index
    %get3A_2648 = arith.constant 64 : index
    %get3A_2649 = tpu.vector_load %arg7[%get3A_2647, %get3A_2648] {strides = array<i32>} : memref<8x128xf32, #tpu.memory_space<vmem>>, vector<1x16xf32>,
    %get3A_2650 = vector.shape_cast %get3A_2649 : vector<1x16xf32> to vector<16xf32>
    %swap3A_2651 = arith.constant 10 : i32
    %swap3A_2652 = arith.index_cast %swap3A_2651 : i32 to index
    %swap3A_2653 = arith.constant 0 : index
    %swap3A_2654 = tpu.vector_load %arg8[%swap3A_2652, %swap3A_2653] {strides = array<i32>} : memref<32x32xf32, #tpu.memory_space<vmem>>, vector<1x16xf32>,
    %swap3A_2655 = vector.shape_cast %swap3A_2654 : vector<1x16xf32> to vector<16xf32>
    %swap3A_2656 = vector.shape_cast %get3A_2650 : vector<16xf32> to vector<1x16xf32>
    tpu.vector_store %arg8[%swap3A_2652, %swap3A_2653], %swap3A_2656 {strides = array<i32>} : memref<32x32xf32, #tpu.memory_space<vmem>>, vector<1x16xf32>,
    %get3A_2657 = arith.constant 2 : i32
    %get3A_2658 = arith.index_cast %get3A_2657 : i32 to index
    %get3A_2659 = arith.constant 80 : index
    %get3A_2660 = tpu.vector_load %arg7[%get3A_2658, %get3A_2659] {strides = array<i32>} : memref<8x128xf32, #tpu.memory_space<vmem>>, vector<1x16xf32>,
    %get3A_2661 = vector.shape_cast %get3A_2660 : vector<1x16xf32> to vector<16xf32>
    %swap3A_2662 = arith.constant 10 : i32
    %swap3A_2663 = arith.index_cast %swap3A_2662 : i32 to index
    %swap3A_2664 = arith.constant 16 : index
    %swap3A_2665 = tpu.vector_load %arg8[%swap3A_2663, %swap3A_2664] {strides = array<i32>} : memref<32x32xf32, #tpu.memory_space<vmem>>, vector<1x16xf32>,
    %swap3A_2666 = vector.shape_cast %swap3A_2665 : vector<1x16xf32> to vector<16xf32>
    %swap3A_2667 = vector.shape_cast %get3A_2661 : vector<16xf32> to vector<1x16xf32>
    tpu.vector_store %arg8[%swap3A_2663, %swap3A_2664], %swap3A_2667 {strides = array<i32>} : memref<32x32xf32, #tpu.memory_space<vmem>>, vector<1x16xf32>,
    %get3A_2668 = arith.constant 2 : i32
    %get3A_2669 = arith.index_cast %get3A_2668 : i32 to index
    %get3A_2670 = arith.constant 96 : index
    %get3A_2671 = tpu.vector_load %arg7[%get3A_2669, %get3A_2670] {strides = array<i32>} : memref<8x128xf32, #tpu.memory_space<vmem>>, vector<1x16xf32>,
    %get3A_2672 = vector.shape_cast %get3A_2671 : vector<1x16xf32> to vector<16xf32>
    %swap3A_2673 = arith.constant 11 : i32
    %swap3A_2674 = arith.index_cast %swap3A_2673 : i32 to index
    %swap3A_2675 = arith.constant 0 : index
    %swap3A_2676 = tpu.vector_load %arg8[%swap3A_2674, %swap3A_2675] {strides = array<i32>} : memref<32x32xf32, #tpu.memory_space<vmem>>, vector<1x16xf32>,
    %swap3A_2677 = vector.shape_cast %swap3A_2676 : vector<1x16xf32> to vector<16xf32>
    %swap3A_2678 = vector.shape_cast %get3A_2672 : vector<16xf32> to vector<1x16xf32>
    tpu.vector_store %arg8[%swap3A_2674, %swap3A_2675], %swap3A_2678 {strides = array<i32>} : memref<32x32xf32, #tpu.memory_space<vmem>>, vector<1x16xf32>,
    %get3A_2679 = arith.constant 2 : i32
    %get3A_2680 = arith.index_cast %get3A_2679 : i32 to index
    %get3A_2681 = arith.constant 112 : index
    %get3A_2682 = tpu.vector_load %arg7[%get3A_2680, %get3A_2681] {strides = array<i32>} : memref<8x128xf32, #tpu.memory_space<vmem>>, vector<1x16xf32>,
    %get3A_2683 = vector.shape_cast %get3A_2682 : vector<1x16xf32> to vector<16xf32>
    %swap3A_2684 = arith.constant 11 : i32
    %swap3A_2685 = arith.index_cast %swap3A_2684 : i32 to index
    %swap3A_2686 = arith.constant 16 : index
    %swap3A_2687 = tpu.vector_load %arg8[%swap3A_2685, %swap3A_2686] {strides = array<i32>} : memref<32x32xf32, #tpu.memory_space<vmem>>, vector<1x16xf32>,
    %swap3A_2688 = vector.shape_cast %swap3A_2687 : vector<1x16xf32> to vector<16xf32>
    %swap3A_2689 = vector.shape_cast %get3A_2683 : vector<16xf32> to vector<1x16xf32>
    tpu.vector_store %arg8[%swap3A_2685, %swap3A_2686], %swap3A_2689 {strides = array<i32>} : memref<32x32xf32, #tpu.memory_space<vmem>>, vector<1x16xf32>,
    %get3A_2690 = arith.constant 3 : i32
    %get3A_2691 = arith.index_cast %get3A_2690 : i32 to index
    %get3A_2692 = arith.constant 0 : index
    %get3A_2693 = tpu.vector_load %arg7[%get3A_2691, %get3A_2692] {strides = array<i32>} : memref<8x128xf32, #tpu.memory_space<vmem>>, vector<1x16xf32>,
    %get3A_2694 = vector.shape_cast %get3A_2693 : vector<1x16xf32> to vector<16xf32>
    %swap3A_2695 = arith.constant 12 : i32
    %swap3A_2696 = arith.index_cast %swap3A_2695 : i32 to index
    %swap3A_2697 = arith.constant 0 : index
    %swap3A_2698 = tpu.vector_load %arg8[%swap3A_2696, %swap3A_2697] {strides = array<i32>} : memref<32x32xf32, #tpu.memory_space<vmem>>, vector<1x16xf32>,
    %swap3A_2699 = vector.shape_cast %swap3A_2698 : vector<1x16xf32> to vector<16xf32>
    %swap3A_2700 = vector.shape_cast %get3A_2694 : vector<16xf32> to vector<1x16xf32>
    tpu.vector_store %arg8[%swap3A_2696, %swap3A_2697], %swap3A_2700 {strides = array<i32>} : memref<32x32xf32, #tpu.memory_space<vmem>>, vector<1x16xf32>,
    %get3A_2701 = arith.constant 3 : i32
    %get3A_2702 = arith.index_cast %get3A_2701 : i32 to index
    %get3A_2703 = arith.constant 16 : index
    %get3A_2704 = tpu.vector_load %arg7[%get3A_2702, %get3A_2703] {strides = array<i32>} : memref<8x128xf32, #tpu.memory_space<vmem>>, vector<1x16xf32>,
    %get3A_2705 = vector.shape_cast %get3A_2704 : vector<1x16xf32> to vector<16xf32>
    %swap3A_2706 = arith.constant 12 : i32
    %swap3A_2707 = arith.index_cast %swap3A_2706 : i32 to index
    %swap3A_2708 = arith.constant 16 : index
    %swap3A_2709 = tpu.vector_load %arg8[%swap3A_2707, %swap3A_2708] {strides = array<i32>} : memref<32x32xf32, #tpu.memory_space<vmem>>, vector<1x16xf32>,
    %swap3A_2710 = vector.shape_cast %swap3A_2709 : vector<1x16xf32> to vector<16xf32>
    %swap3A_2711 = vector.shape_cast %get3A_2705 : vector<16xf32> to vector<1x16xf32>
    tpu.vector_store %arg8[%swap3A_2707, %swap3A_2708], %swap3A_2711 {strides = array<i32>} : memref<32x32xf32, #tpu.memory_space<vmem>>, vector<1x16xf32>,
    %get3A_2712 = arith.constant 3 : i32
    %get3A_2713 = arith.index_cast %get3A_2712 : i32 to index
    %get3A_2714 = arith.constant 32 : index
    %get3A_2715 = tpu.vector_load %arg7[%get3A_2713, %get3A_2714] {strides = array<i32>} : memref<8x128xf32, #tpu.memory_space<vmem>>, vector<1x16xf32>,
    %get3A_2716 = vector.shape_cast %get3A_2715 : vector<1x16xf32> to vector<16xf32>
    %swap3A_2717 = arith.constant 13 : i32
    %swap3A_2718 = arith.index_cast %swap3A_2717 : i32 to index
    %swap3A_2719 = arith.constant 0 : index
    %swap3A_2720 = tpu.vector_load %arg8[%swap3A_2718, %swap3A_2719] {strides = array<i32>} : memref<32x32xf32, #tpu.memory_space<vmem>>, vector<1x16xf32>,
    %swap3A_2721 = vector.shape_cast %swap3A_2720 : vector<1x16xf32> to vector<16xf32>
    %swap3A_2722 = vector.shape_cast %get3A_2716 : vector<16xf32> to vector<1x16xf32>
    tpu.vector_store %arg8[%swap3A_2718, %swap3A_2719], %swap3A_2722 {strides = array<i32>} : memref<32x32xf32, #tpu.memory_space<vmem>>, vector<1x16xf32>,
    %get3A_2723 = arith.constant 3 : i32
    %get3A_2724 = arith.index_cast %get3A_2723 : i32 to index
    %get3A_2725 = arith.constant 48 : index
    %get3A_2726 = tpu.vector_load %arg7[%get3A_2724, %get3A_2725] {strides = array<i32>} : memref<8x128xf32, #tpu.memory_space<vmem>>, vector<1x16xf32>,
    %get3A_2727 = vector.shape_cast %get3A_2726 : vector<1x16xf32> to vector<16xf32>
    %swap3A_2728 = arith.constant 13 : i32
    %swap3A_2729 = arith.index_cast %swap3A_2728 : i32 to index
    %swap3A_2730 = arith.constant 16 : index
    %swap3A_2731 = tpu.vector_load %arg8[%swap3A_2729, %swap3A_2730] {strides = array<i32>} : memref<32x32xf32, #tpu.memory_space<vmem>>, vector<1x16xf32>,
    %swap3A_2732 = vector.shape_cast %swap3A_2731 : vector<1x16xf32> to vector<16xf32>
    %swap3A_2733 = vector.shape_cast %get3A_2727 : vector<16xf32> to vector<1x16xf32>
    tpu.vector_store %arg8[%swap3A_2729, %swap3A_2730], %swap3A_2733 {strides = array<i32>} : memref<32x32xf32, #tpu.memory_space<vmem>>, vector<1x16xf32>,
    %get3A_2734 = arith.constant 3 : i32
    %get3A_2735 = arith.index_cast %get3A_2734 : i32 to index
    %get3A_2736 = arith.constant 64 : index
    %get3A_2737 = tpu.vector_load %arg7[%get3A_2735, %get3A_2736] {strides = array<i32>} : memref<8x128xf32, #tpu.memory_space<vmem>>, vector<1x16xf32>,
    %get3A_2738 = vector.shape_cast %get3A_2737 : vector<1x16xf32> to vector<16xf32>
    %swap3A_2739 = arith.constant 14 : i32
    %swap3A_2740 = arith.index_cast %swap3A_2739 : i32 to index
    %swap3A_2741 = arith.constant 0 : index
    %swap3A_2742 = tpu.vector_load %arg8[%swap3A_2740, %swap3A_2741] {strides = array<i32>} : memref<32x32xf32, #tpu.memory_space<vmem>>, vector<1x16xf32>,
    %swap3A_2743 = vector.shape_cast %swap3A_2742 : vector<1x16xf32> to vector<16xf32>
    %swap3A_2744 = vector.shape_cast %get3A_2738 : vector<16xf32> to vector<1x16xf32>
    tpu.vector_store %arg8[%swap3A_2740, %swap3A_2741], %swap3A_2744 {strides = array<i32>} : memref<32x32xf32, #tpu.memory_space<vmem>>, vector<1x16xf32>,
    %get3A_2745 = arith.constant 3 : i32
    %get3A_2746 = arith.index_cast %get3A_2745 : i32 to index
    %get3A_2747 = arith.constant 80 : index
    %get3A_2748 = tpu.vector_load %arg7[%get3A_2746, %get3A_2747] {strides = array<i32>} : memref<8x128xf32, #tpu.memory_space<vmem>>, vector<1x16xf32>,
    %get3A_2749 = vector.shape_cast %get3A_2748 : vector<1x16xf32> to vector<16xf32>
    %swap3A_2750 = arith.constant 14 : i32
    %swap3A_2751 = arith.index_cast %swap3A_2750 : i32 to index
    %swap3A_2752 = arith.constant 16 : index
    %swap3A_2753 = tpu.vector_load %arg8[%swap3A_2751, %swap3A_2752] {strides = array<i32>} : memref<32x32xf32, #tpu.memory_space<vmem>>, vector<1x16xf32>,
    %swap3A_2754 = vector.shape_cast %swap3A_2753 : vector<1x16xf32> to vector<16xf32>
    %swap3A_2755 = vector.shape_cast %get3A_2749 : vector<16xf32> to vector<1x16xf32>
    tpu.vector_store %arg8[%swap3A_2751, %swap3A_2752], %swap3A_2755 {strides = array<i32>} : memref<32x32xf32, #tpu.memory_space<vmem>>, vector<1x16xf32>,
    %get3A_2756 = arith.constant 3 : i32
    %get3A_2757 = arith.index_cast %get3A_2756 : i32 to index
    %get3A_2758 = arith.constant 96 : index
    %get3A_2759 = tpu.vector_load %arg7[%get3A_2757, %get3A_2758] {strides = array<i32>} : memref<8x128xf32, #tpu.memory_space<vmem>>, vector<1x16xf32>,
    %get3A_2760 = vector.shape_cast %get3A_2759 : vector<1x16xf32> to vector<16xf32>
    %swap3A_2761 = arith.constant 15 : i32
    %swap3A_2762 = arith.index_cast %swap3A_2761 : i32 to index
    %swap3A_2763 = arith.constant 0 : index
    %swap3A_2764 = tpu.vector_load %arg8[%swap3A_2762, %swap3A_2763] {strides = array<i32>} : memref<32x32xf32, #tpu.memory_space<vmem>>, vector<1x16xf32>,
    %swap3A_2765 = vector.shape_cast %swap3A_2764 : vector<1x16xf32> to vector<16xf32>
    %swap3A_2766 = vector.shape_cast %get3A_2760 : vector<16xf32> to vector<1x16xf32>
    tpu.vector_store %arg8[%swap3A_2762, %swap3A_2763], %swap3A_2766 {strides = array<i32>} : memref<32x32xf32, #tpu.memory_space<vmem>>, vector<1x16xf32>,
    %get3A_2767 = arith.constant 3 : i32
    %get3A_2768 = arith.index_cast %get3A_2767 : i32 to index
    %get3A_2769 = arith.constant 112 : index
    %get3A_2770 = tpu.vector_load %arg7[%get3A_2768, %get3A_2769] {strides = array<i32>} : memref<8x128xf32, #tpu.memory_space<vmem>>, vector<1x16xf32>,
    %get3A_2771 = vector.shape_cast %get3A_2770 : vector<1x16xf32> to vector<16xf32>
    %swap3A_2772 = arith.constant 15 : i32
    %swap3A_2773 = arith.index_cast %swap3A_2772 : i32 to index
    %swap3A_2774 = arith.constant 16 : index
    %swap3A_2775 = tpu.vector_load %arg8[%swap3A_2773, %swap3A_2774] {strides = array<i32>} : memref<32x32xf32, #tpu.memory_space<vmem>>, vector<1x16xf32>,
    %swap3A_2776 = vector.shape_cast %swap3A_2775 : vector<1x16xf32> to vector<16xf32>
    %swap3A_2777 = vector.shape_cast %get3A_2771 : vector<16xf32> to vector<1x16xf32>
    tpu.vector_store %arg8[%swap3A_2773, %swap3A_2774], %swap3A_2777 {strides = array<i32>} : memref<32x32xf32, #tpu.memory_space<vmem>>, vector<1x16xf32>,
    %get3A_2778 = arith.constant 4 : i32
    %get3A_2779 = arith.index_cast %get3A_2778 : i32 to index
    %get3A_2780 = arith.constant 0 : index
    %get3A_2781 = tpu.vector_load %arg7[%get3A_2779, %get3A_2780] {strides = array<i32>} : memref<8x128xf32, #tpu.memory_space<vmem>>, vector<1x16xf32>,
    %get3A_2782 = vector.shape_cast %get3A_2781 : vector<1x16xf32> to vector<16xf32>
    %swap3A_2783 = arith.constant 16 : i32
    %swap3A_2784 = arith.index_cast %swap3A_2783 : i32 to index
    %swap3A_2785 = arith.constant 0 : index
    %swap3A_2786 = tpu.vector_load %arg8[%swap3A_2784, %swap3A_2785] {strides = array<i32>} : memref<32x32xf32, #tpu.memory_space<vmem>>, vector<1x16xf32>,
    %swap3A_2787 = vector.shape_cast %swap3A_2786 : vector<1x16xf32> to vector<16xf32>
    %swap3A_2788 = vector.shape_cast %get3A_2782 : vector<16xf32> to vector<1x16xf32>
    tpu.vector_store %arg8[%swap3A_2784, %swap3A_2785], %swap3A_2788 {strides = array<i32>} : memref<32x32xf32, #tpu.memory_space<vmem>>, vector<1x16xf32>,
    %get3A_2789 = arith.constant 4 : i32
    %get3A_2790 = arith.index_cast %get3A_2789 : i32 to index
    %get3A_2791 = arith.constant 16 : index
    %get3A_2792 = tpu.vector_load %arg7[%get3A_2790, %get3A_2791] {strides = array<i32>} : memref<8x128xf32, #tpu.memory_space<vmem>>, vector<1x16xf32>,
    %get3A_2793 = vector.shape_cast %get3A_2792 : vector<1x16xf32> to vector<16xf32>
    %swap3A_2794 = arith.constant 16 : i32
    %swap3A_2795 = arith.index_cast %swap3A_2794 : i32 to index
    %swap3A_2796 = arith.constant 16 : index
    %swap3A_2797 = tpu.vector_load %arg8[%swap3A_2795, %swap3A_2796] {strides = array<i32>} : memref<32x32xf32, #tpu.memory_space<vmem>>, vector<1x16xf32>,
    %swap3A_2798 = vector.shape_cast %swap3A_2797 : vector<1x16xf32> to vector<16xf32>
    %swap3A_2799 = vector.shape_cast %get3A_2793 : vector<16xf32> to vector<1x16xf32>
    tpu.vector_store %arg8[%swap3A_2795, %swap3A_2796], %swap3A_2799 {strides = array<i32>} : memref<32x32xf32, #tpu.memory_space<vmem>>, vector<1x16xf32>,
    %get3A_2800 = arith.constant 4 : i32
    %get3A_2801 = arith.index_cast %get3A_2800 : i32 to index
    %get3A_2802 = arith.constant 32 : index
    %get3A_2803 = tpu.vector_load %arg7[%get3A_2801, %get3A_2802] {strides = array<i32>} : memref<8x128xf32, #tpu.memory_space<vmem>>, vector<1x16xf32>,
    %get3A_2804 = vector.shape_cast %get3A_2803 : vector<1x16xf32> to vector<16xf32>
    %swap3A_2805 = arith.constant 17 : i32
    %swap3A_2806 = arith.index_cast %swap3A_2805 : i32 to index
    %swap3A_2807 = arith.constant 0 : index
    %swap3A_2808 = tpu.vector_load %arg8[%swap3A_2806, %swap3A_2807] {strides = array<i32>} : memref<32x32xf32, #tpu.memory_space<vmem>>, vector<1x16xf32>,
    %swap3A_2809 = vector.shape_cast %swap3A_2808 : vector<1x16xf32> to vector<16xf32>
    %swap3A_2810 = vector.shape_cast %get3A_2804 : vector<16xf32> to vector<1x16xf32>
    tpu.vector_store %arg8[%swap3A_2806, %swap3A_2807], %swap3A_2810 {strides = array<i32>} : memref<32x32xf32, #tpu.memory_space<vmem>>, vector<1x16xf32>,
    %get3A_2811 = arith.constant 4 : i32
    %get3A_2812 = arith.index_cast %get3A_2811 : i32 to index
    %get3A_2813 = arith.constant 48 : index
    %get3A_2814 = tpu.vector_load %arg7[%get3A_2812, %get3A_2813] {strides = array<i32>} : memref<8x128xf32, #tpu.memory_space<vmem>>, vector<1x16xf32>,
    %get3A_2815 = vector.shape_cast %get3A_2814 : vector<1x16xf32> to vector<16xf32>
    %swap3A_2816 = arith.constant 17 : i32
    %swap3A_2817 = arith.index_cast %swap3A_2816 : i32 to index
    %swap3A_2818 = arith.constant 16 : index
    %swap3A_2819 = tpu.vector_load %arg8[%swap3A_2817, %swap3A_2818] {strides = array<i32>} : memref<32x32xf32, #tpu.memory_space<vmem>>, vector<1x16xf32>,
    %swap3A_2820 = vector.shape_cast %swap3A_2819 : vector<1x16xf32> to vector<16xf32>
    %swap3A_2821 = vector.shape_cast %get3A_2815 : vector<16xf32> to vector<1x16xf32>
    tpu.vector_store %arg8[%swap3A_2817, %swap3A_2818], %swap3A_2821 {strides = array<i32>} : memref<32x32xf32, #tpu.memory_space<vmem>>, vector<1x16xf32>,
    %get3A_2822 = arith.constant 4 : i32
    %get3A_2823 = arith.index_cast %get3A_2822 : i32 to index
    %get3A_2824 = arith.constant 64 : index
    %get3A_2825 = tpu.vector_load %arg7[%get3A_2823, %get3A_2824] {strides = array<i32>} : memref<8x128xf32, #tpu.memory_space<vmem>>, vector<1x16xf32>,
    %get3A_2826 = vector.shape_cast %get3A_2825 : vector<1x16xf32> to vector<16xf32>
    %swap3A_2827 = arith.constant 18 : i32
    %swap3A_2828 = arith.index_cast %swap3A_2827 : i32 to index
    %swap3A_2829 = arith.constant 0 : index
    %swap3A_2830 = tpu.vector_load %arg8[%swap3A_2828, %swap3A_2829] {strides = array<i32>} : memref<32x32xf32, #tpu.memory_space<vmem>>, vector<1x16xf32>,
    %swap3A_2831 = vector.shape_cast %swap3A_2830 : vector<1x16xf32> to vector<16xf32>
    %swap3A_2832 = vector.shape_cast %get3A_2826 : vector<16xf32> to vector<1x16xf32>
    tpu.vector_store %arg8[%swap3A_2828, %swap3A_2829], %swap3A_2832 {strides = array<i32>} : memref<32x32xf32, #tpu.memory_space<vmem>>, vector<1x16xf32>,
    %get3A_2833 = arith.constant 4 : i32
    %get3A_2834 = arith.index_cast %get3A_2833 : i32 to index
    %get3A_2835 = arith.constant 80 : index
    %get3A_2836 = tpu.vector_load %arg7[%get3A_2834, %get3A_2835] {strides = array<i32>} : memref<8x128xf32, #tpu.memory_space<vmem>>, vector<1x16xf32>,
    %get3A_2837 = vector.shape_cast %get3A_2836 : vector<1x16xf32> to vector<16xf32>
    %swap3A_2838 = arith.constant 18 : i32
    %swap3A_2839 = arith.index_cast %swap3A_2838 : i32 to index
    %swap3A_2840 = arith.constant 16 : index
    %swap3A_2841 = tpu.vector_load %arg8[%swap3A_2839, %swap3A_2840] {strides = array<i32>} : memref<32x32xf32, #tpu.memory_space<vmem>>, vector<1x16xf32>,
    %swap3A_2842 = vector.shape_cast %swap3A_2841 : vector<1x16xf32> to vector<16xf32>
    %swap3A_2843 = vector.shape_cast %get3A_2837 : vector<16xf32> to vector<1x16xf32>
    tpu.vector_store %arg8[%swap3A_2839, %swap3A_2840], %swap3A_2843 {strides = array<i32>} : memref<32x32xf32, #tpu.memory_space<vmem>>, vector<1x16xf32>,
    %get3A_2844 = arith.constant 4 : i32
    %get3A_2845 = arith.index_cast %get3A_2844 : i32 to index
    %get3A_2846 = arith.constant 96 : index
    %get3A_2847 = tpu.vector_load %arg7[%get3A_2845, %get3A_2846] {strides = array<i32>} : memref<8x128xf32, #tpu.memory_space<vmem>>, vector<1x16xf32>,
    %get3A_2848 = vector.shape_cast %get3A_2847 : vector<1x16xf32> to vector<16xf32>
    %swap3A_2849 = arith.constant 19 : i32
    %swap3A_2850 = arith.index_cast %swap3A_2849 : i32 to index
    %swap3A_2851 = arith.constant 0 : index
    %swap3A_2852 = tpu.vector_load %arg8[%swap3A_2850, %swap3A_2851] {strides = array<i32>} : memref<32x32xf32, #tpu.memory_space<vmem>>, vector<1x16xf32>,
    %swap3A_2853 = vector.shape_cast %swap3A_2852 : vector<1x16xf32> to vector<16xf32>
    %swap3A_2854 = vector.shape_cast %get3A_2848 : vector<16xf32> to vector<1x16xf32>
    tpu.vector_store %arg8[%swap3A_2850, %swap3A_2851], %swap3A_2854 {strides = array<i32>} : memref<32x32xf32, #tpu.memory_space<vmem>>, vector<1x16xf32>,
    %get3A_2855 = arith.constant 4 : i32
    %get3A_2856 = arith.index_cast %get3A_2855 : i32 to index
    %get3A_2857 = arith.constant 112 : index
    %get3A_2858 = tpu.vector_load %arg7[%get3A_2856, %get3A_2857] {strides = array<i32>} : memref<8x128xf32, #tpu.memory_space<vmem>>, vector<1x16xf32>,
    %get3A_2859 = vector.shape_cast %get3A_2858 : vector<1x16xf32> to vector<16xf32>
    %swap3A_2860 = arith.constant 19 : i32
    %swap3A_2861 = arith.index_cast %swap3A_2860 : i32 to index
    %swap3A_2862 = arith.constant 16 : index
    %swap3A_2863 = tpu.vector_load %arg8[%swap3A_2861, %swap3A_2862] {strides = array<i32>} : memref<32x32xf32, #tpu.memory_space<vmem>>, vector<1x16xf32>,
    %swap3A_2864 = vector.shape_cast %swap3A_2863 : vector<1x16xf32> to vector<16xf32>
    %swap3A_2865 = vector.shape_cast %get3A_2859 : vector<16xf32> to vector<1x16xf32>
    tpu.vector_store %arg8[%swap3A_2861, %swap3A_2862], %swap3A_2865 {strides = array<i32>} : memref<32x32xf32, #tpu.memory_space<vmem>>, vector<1x16xf32>,
    %get3A_2866 = arith.constant 5 : i32
    %get3A_2867 = arith.index_cast %get3A_2866 : i32 to index
    %get3A_2868 = arith.constant 0 : index
    %get3A_2869 = tpu.vector_load %arg7[%get3A_2867, %get3A_2868] {strides = array<i32>} : memref<8x128xf32, #tpu.memory_space<vmem>>, vector<1x16xf32>,
    %get3A_2870 = vector.shape_cast %get3A_2869 : vector<1x16xf32> to vector<16xf32>
    %swap3A_2871 = arith.constant 20 : i32
    %swap3A_2872 = arith.index_cast %swap3A_2871 : i32 to index
    %swap3A_2873 = arith.constant 0 : index
    %swap3A_2874 = tpu.vector_load %arg8[%swap3A_2872, %swap3A_2873] {strides = array<i32>} : memref<32x32xf32, #tpu.memory_space<vmem>>, vector<1x16xf32>,
    %swap3A_2875 = vector.shape_cast %swap3A_2874 : vector<1x16xf32> to vector<16xf32>
    %swap3A_2876 = vector.shape_cast %get3A_2870 : vector<16xf32> to vector<1x16xf32>
    tpu.vector_store %arg8[%swap3A_2872, %swap3A_2873], %swap3A_2876 {strides = array<i32>} : memref<32x32xf32, #tpu.memory_space<vmem>>, vector<1x16xf32>,
    %get3A_2877 = arith.constant 5 : i32
    %get3A_2878 = arith.index_cast %get3A_2877 : i32 to index
    %get3A_2879 = arith.constant 16 : index
    %get3A_2880 = tpu.vector_load %arg7[%get3A_2878, %get3A_2879] {strides = array<i32>} : memref<8x128xf32, #tpu.memory_space<vmem>>, vector<1x16xf32>,
    %get3A_2881 = vector.shape_cast %get3A_2880 : vector<1x16xf32> to vector<16xf32>
    %swap3A_2882 = arith.constant 20 : i32
    %swap3A_2883 = arith.index_cast %swap3A_2882 : i32 to index
    %swap3A_2884 = arith.constant 16 : index
    %swap3A_2885 = tpu.vector_load %arg8[%swap3A_2883, %swap3A_2884] {strides = array<i32>} : memref<32x32xf32, #tpu.memory_space<vmem>>, vector<1x16xf32>,
    %swap3A_2886 = vector.shape_cast %swap3A_2885 : vector<1x16xf32> to vector<16xf32>
    %swap3A_2887 = vector.shape_cast %get3A_2881 : vector<16xf32> to vector<1x16xf32>
    tpu.vector_store %arg8[%swap3A_2883, %swap3A_2884], %swap3A_2887 {strides = array<i32>} : memref<32x32xf32, #tpu.memory_space<vmem>>, vector<1x16xf32>,
    %get3A_2888 = arith.constant 5 : i32
    %get3A_2889 = arith.index_cast %get3A_2888 : i32 to index
    %get3A_2890 = arith.constant 32 : index
    %get3A_2891 = tpu.vector_load %arg7[%get3A_2889, %get3A_2890] {strides = array<i32>} : memref<8x128xf32, #tpu.memory_space<vmem>>, vector<1x16xf32>,
    %get3A_2892 = vector.shape_cast %get3A_2891 : vector<1x16xf32> to vector<16xf32>
    %swap3A_2893 = arith.constant 21 : i32
    %swap3A_2894 = arith.index_cast %swap3A_2893 : i32 to index
    %swap3A_2895 = arith.constant 0 : index
    %swap3A_2896 = tpu.vector_load %arg8[%swap3A_2894, %swap3A_2895] {strides = array<i32>} : memref<32x32xf32, #tpu.memory_space<vmem>>, vector<1x16xf32>,
    %swap3A_2897 = vector.shape_cast %swap3A_2896 : vector<1x16xf32> to vector<16xf32>
    %swap3A_2898 = vector.shape_cast %get3A_2892 : vector<16xf32> to vector<1x16xf32>
    tpu.vector_store %arg8[%swap3A_2894, %swap3A_2895], %swap3A_2898 {strides = array<i32>} : memref<32x32xf32, #tpu.memory_space<vmem>>, vector<1x16xf32>,
    %get3A_2899 = arith.constant 5 : i32
    %get3A_2900 = arith.index_cast %get3A_2899 : i32 to index
    %get3A_2901 = arith.constant 48 : index
    %get3A_2902 = tpu.vector_load %arg7[%get3A_2900, %get3A_2901] {strides = array<i32>} : memref<8x128xf32, #tpu.memory_space<vmem>>, vector<1x16xf32>,
    %get3A_2903 = vector.shape_cast %get3A_2902 : vector<1x16xf32> to vector<16xf32>
    %swap3A_2904 = arith.constant 21 : i32
    %swap3A_2905 = arith.index_cast %swap3A_2904 : i32 to index
    %swap3A_2906 = arith.constant 16 : index
    %swap3A_2907 = tpu.vector_load %arg8[%swap3A_2905, %swap3A_2906] {strides = array<i32>} : memref<32x32xf32, #tpu.memory_space<vmem>>, vector<1x16xf32>,
    %swap3A_2908 = vector.shape_cast %swap3A_2907 : vector<1x16xf32> to vector<16xf32>
    %swap3A_2909 = vector.shape_cast %get3A_2903 : vector<16xf32> to vector<1x16xf32>
    tpu.vector_store %arg8[%swap3A_2905, %swap3A_2906], %swap3A_2909 {strides = array<i32>} : memref<32x32xf32, #tpu.memory_space<vmem>>, vector<1x16xf32>,
    %get3A_2910 = arith.constant 5 : i32
    %get3A_2911 = arith.index_cast %get3A_2910 : i32 to index
    %get3A_2912 = arith.constant 64 : index
    %get3A_2913 = tpu.vector_load %arg7[%get3A_2911, %get3A_2912] {strides = array<i32>} : memref<8x128xf32, #tpu.memory_space<vmem>>, vector<1x16xf32>,
    %get3A_2914 = vector.shape_cast %get3A_2913 : vector<1x16xf32> to vector<16xf32>
    %swap3A_2915 = arith.constant 22 : i32
    %swap3A_2916 = arith.index_cast %swap3A_2915 : i32 to index
    %swap3A_2917 = arith.constant 0 : index
    %swap3A_2918 = tpu.vector_load %arg8[%swap3A_2916, %swap3A_2917] {strides = array<i32>} : memref<32x32xf32, #tpu.memory_space<vmem>>, vector<1x16xf32>,
    %swap3A_2919 = vector.shape_cast %swap3A_2918 : vector<1x16xf32> to vector<16xf32>
    %swap3A_2920 = vector.shape_cast %get3A_2914 : vector<16xf32> to vector<1x16xf32>
    tpu.vector_store %arg8[%swap3A_2916, %swap3A_2917], %swap3A_2920 {strides = array<i32>} : memref<32x32xf32, #tpu.memory_space<vmem>>, vector<1x16xf32>,
    %get3A_2921 = arith.constant 5 : i32
    %get3A_2922 = arith.index_cast %get3A_2921 : i32 to index
    %get3A_2923 = arith.constant 80 : index
    %get3A_2924 = tpu.vector_load %arg7[%get3A_2922, %get3A_2923] {strides = array<i32>} : memref<8x128xf32, #tpu.memory_space<vmem>>, vector<1x16xf32>,
    %get3A_2925 = vector.shape_cast %get3A_2924 : vector<1x16xf32> to vector<16xf32>
    %swap3A_2926 = arith.constant 22 : i32
    %swap3A_2927 = arith.index_cast %swap3A_2926 : i32 to index
    %swap3A_2928 = arith.constant 16 : index
    %swap3A_2929 = tpu.vector_load %arg8[%swap3A_2927, %swap3A_2928] {strides = array<i32>} : memref<32x32xf32, #tpu.memory_space<vmem>>, vector<1x16xf32>,
    %swap3A_2930 = vector.shape_cast %swap3A_2929 : vector<1x16xf32> to vector<16xf32>
    %swap3A_2931 = vector.shape_cast %get3A_2925 : vector<16xf32> to vector<1x16xf32>
    tpu.vector_store %arg8[%swap3A_2927, %swap3A_2928], %swap3A_2931 {strides = array<i32>} : memref<32x32xf32, #tpu.memory_space<vmem>>, vector<1x16xf32>,
    %get3A_2932 = arith.constant 5 : i32
    %get3A_2933 = arith.index_cast %get3A_2932 : i32 to index
    %get3A_2934 = arith.constant 96 : index
    %get3A_2935 = tpu.vector_load %arg7[%get3A_2933, %get3A_2934] {strides = array<i32>} : memref<8x128xf32, #tpu.memory_space<vmem>>, vector<1x16xf32>,
    %get3A_2936 = vector.shape_cast %get3A_2935 : vector<1x16xf32> to vector<16xf32>
    %swap3A_2937 = arith.constant 23 : i32
    %swap3A_2938 = arith.index_cast %swap3A_2937 : i32 to index
    %swap3A_2939 = arith.constant 0 : index
    %swap3A_2940 = tpu.vector_load %arg8[%swap3A_2938, %swap3A_2939] {strides = array<i32>} : memref<32x32xf32, #tpu.memory_space<vmem>>, vector<1x16xf32>,
    %swap3A_2941 = vector.shape_cast %swap3A_2940 : vector<1x16xf32> to vector<16xf32>
    %swap3A_2942 = vector.shape_cast %get3A_2936 : vector<16xf32> to vector<1x16xf32>
    tpu.vector_store %arg8[%swap3A_2938, %swap3A_2939], %swap3A_2942 {strides = array<i32>} : memref<32x32xf32, #tpu.memory_space<vmem>>, vector<1x16xf32>,
    %get3A_2943 = arith.constant 5 : i32
    %get3A_2944 = arith.index_cast %get3A_2943 : i32 to index
    %get3A_2945 = arith.constant 112 : index
    %get3A_2946 = tpu.vector_load %arg7[%get3A_2944, %get3A_2945] {strides = array<i32>} : memref<8x128xf32, #tpu.memory_space<vmem>>, vector<1x16xf32>,
    %get3A_2947 = vector.shape_cast %get3A_2946 : vector<1x16xf32> to vector<16xf32>
    %swap3A_2948 = arith.constant 23 : i32
    %swap3A_2949 = arith.index_cast %swap3A_2948 : i32 to index
    %swap3A_2950 = arith.constant 16 : index
    %swap3A_2951 = tpu.vector_load %arg8[%swap3A_2949, %swap3A_2950] {strides = array<i32>} : memref<32x32xf32, #tpu.memory_space<vmem>>, vector<1x16xf32>,
    %swap3A_2952 = vector.shape_cast %swap3A_2951 : vector<1x16xf32> to vector<16xf32>
    %swap3A_2953 = vector.shape_cast %get3A_2947 : vector<16xf32> to vector<1x16xf32>
    tpu.vector_store %arg8[%swap3A_2949, %swap3A_2950], %swap3A_2953 {strides = array<i32>} : memref<32x32xf32, #tpu.memory_space<vmem>>, vector<1x16xf32>,
    %get3A_2954 = arith.constant 6 : i32
    %get3A_2955 = arith.index_cast %get3A_2954 : i32 to index
    %get3A_2956 = arith.constant 0 : index
    %get3A_2957 = tpu.vector_load %arg7[%get3A_2955, %get3A_2956] {strides = array<i32>} : memref<8x128xf32, #tpu.memory_space<vmem>>, vector<1x16xf32>,
    %get3A_2958 = vector.shape_cast %get3A_2957 : vector<1x16xf32> to vector<16xf32>
    %swap3A_2959 = arith.constant 24 : i32
    %swap3A_2960 = arith.index_cast %swap3A_2959 : i32 to index
    %swap3A_2961 = arith.constant 0 : index
    %swap3A_2962 = tpu.vector_load %arg8[%swap3A_2960, %swap3A_2961] {strides = array<i32>} : memref<32x32xf32, #tpu.memory_space<vmem>>, vector<1x16xf32>,
    %swap3A_2963 = vector.shape_cast %swap3A_2962 : vector<1x16xf32> to vector<16xf32>
    %swap3A_2964 = vector.shape_cast %get3A_2958 : vector<16xf32> to vector<1x16xf32>
    tpu.vector_store %arg8[%swap3A_2960, %swap3A_2961], %swap3A_2964 {strides = array<i32>} : memref<32x32xf32, #tpu.memory_space<vmem>>, vector<1x16xf32>,
    %get3A_2965 = arith.constant 6 : i32
    %get3A_2966 = arith.index_cast %get3A_2965 : i32 to index
    %get3A_2967 = arith.constant 16 : index
    %get3A_2968 = tpu.vector_load %arg7[%get3A_2966, %get3A_2967] {strides = array<i32>} : memref<8x128xf32, #tpu.memory_space<vmem>>, vector<1x16xf32>,
    %get3A_2969 = vector.shape_cast %get3A_2968 : vector<1x16xf32> to vector<16xf32>
    %swap3A_2970 = arith.constant 24 : i32
    %swap3A_2971 = arith.index_cast %swap3A_2970 : i32 to index
    %swap3A_2972 = arith.constant 16 : index
    %swap3A_2973 = tpu.vector_load %arg8[%swap3A_2971, %swap3A_2972] {strides = array<i32>} : memref<32x32xf32, #tpu.memory_space<vmem>>, vector<1x16xf32>,
    %swap3A_2974 = vector.shape_cast %swap3A_2973 : vector<1x16xf32> to vector<16xf32>
    %swap3A_2975 = vector.shape_cast %get3A_2969 : vector<16xf32> to vector<1x16xf32>
    tpu.vector_store %arg8[%swap3A_2971, %swap3A_2972], %swap3A_2975 {strides = array<i32>} : memref<32x32xf32, #tpu.memory_space<vmem>>, vector<1x16xf32>,
    %get3A_2976 = arith.constant 6 : i32
    %get3A_2977 = arith.index_cast %get3A_2976 : i32 to index
    %get3A_2978 = arith.constant 32 : index
    %get3A_2979 = tpu.vector_load %arg7[%get3A_2977, %get3A_2978] {strides = array<i32>} : memref<8x128xf32, #tpu.memory_space<vmem>>, vector<1x16xf32>,
    %get3A_2980 = vector.shape_cast %get3A_2979 : vector<1x16xf32> to vector<16xf32>
    %swap3A_2981 = arith.constant 25 : i32
    %swap3A_2982 = arith.index_cast %swap3A_2981 : i32 to index
    %swap3A_2983 = arith.constant 0 : index
    %swap3A_2984 = tpu.vector_load %arg8[%swap3A_2982, %swap3A_2983] {strides = array<i32>} : memref<32x32xf32, #tpu.memory_space<vmem>>, vector<1x16xf32>,
    %swap3A_2985 = vector.shape_cast %swap3A_2984 : vector<1x16xf32> to vector<16xf32>
    %swap3A_2986 = vector.shape_cast %get3A_2980 : vector<16xf32> to vector<1x16xf32>
    tpu.vector_store %arg8[%swap3A_2982, %swap3A_2983], %swap3A_2986 {strides = array<i32>} : memref<32x32xf32, #tpu.memory_space<vmem>>, vector<1x16xf32>,
    %get3A_2987 = arith.constant 6 : i32
    %get3A_2988 = arith.index_cast %get3A_2987 : i32 to index
    %get3A_2989 = arith.constant 48 : index
    %get3A_2990 = tpu.vector_load %arg7[%get3A_2988, %get3A_2989] {strides = array<i32>} : memref<8x128xf32, #tpu.memory_space<vmem>>, vector<1x16xf32>,
    %get3A_2991 = vector.shape_cast %get3A_2990 : vector<1x16xf32> to vector<16xf32>
    %swap3A_2992 = arith.constant 25 : i32
    %swap3A_2993 = arith.index_cast %swap3A_2992 : i32 to index
    %swap3A_2994 = arith.constant 16 : index
    %swap3A_2995 = tpu.vector_load %arg8[%swap3A_2993, %swap3A_2994] {strides = array<i32>} : memref<32x32xf32, #tpu.memory_space<vmem>>, vector<1x16xf32>,
    %swap3A_2996 = vector.shape_cast %swap3A_2995 : vector<1x16xf32> to vector<16xf32>
    %swap3A_2997 = vector.shape_cast %get3A_2991 : vector<16xf32> to vector<1x16xf32>
    tpu.vector_store %arg8[%swap3A_2993, %swap3A_2994], %swap3A_2997 {strides = array<i32>} : memref<32x32xf32, #tpu.memory_space<vmem>>, vector<1x16xf32>,
    %get3A_2998 = arith.constant 6 : i32
    %get3A_2999 = arith.index_cast %get3A_2998 : i32 to index
    %get3A_3000 = arith.constant 64 : index
    %get3A_3001 = tpu.vector_load %arg7[%get3A_2999, %get3A_3000] {strides = array<i32>} : memref<8x128xf32, #tpu.memory_space<vmem>>, vector<1x16xf32>,
    %get3A_3002 = vector.shape_cast %get3A_3001 : vector<1x16xf32> to vector<16xf32>
    %swap3A_3003 = arith.constant 26 : i32
    %swap3A_3004 = arith.index_cast %swap3A_3003 : i32 to index
    %swap3A_3005 = arith.constant 0 : index
    %swap3A_3006 = tpu.vector_load %arg8[%swap3A_3004, %swap3A_3005] {strides = array<i32>} : memref<32x32xf32, #tpu.memory_space<vmem>>, vector<1x16xf32>,
    %swap3A_3007 = vector.shape_cast %swap3A_3006 : vector<1x16xf32> to vector<16xf32>
    %swap3A_3008 = vector.shape_cast %get3A_3002 : vector<16xf32> to vector<1x16xf32>
    tpu.vector_store %arg8[%swap3A_3004, %swap3A_3005], %swap3A_3008 {strides = array<i32>} : memref<32x32xf32, #tpu.memory_space<vmem>>, vector<1x16xf32>,
    %get3A_3009 = arith.constant 6 : i32
    %get3A_3010 = arith.index_cast %get3A_3009 : i32 to index
    %get3A_3011 = arith.constant 80 : index
    %get3A_3012 = tpu.vector_load %arg7[%get3A_3010, %get3A_3011] {strides = array<i32>} : memref<8x128xf32, #tpu.memory_space<vmem>>, vector<1x16xf32>,
    %get3A_3013 = vector.shape_cast %get3A_3012 : vector<1x16xf32> to vector<16xf32>
    %swap3A_3014 = arith.constant 26 : i32
    %swap3A_3015 = arith.index_cast %swap3A_3014 : i32 to index
    %swap3A_3016 = arith.constant 16 : index
    %swap3A_3017 = tpu.vector_load %arg8[%swap3A_3015, %swap3A_3016] {strides = array<i32>} : memref<32x32xf32, #tpu.memory_space<vmem>>, vector<1x16xf32>,
    %swap3A_3018 = vector.shape_cast %swap3A_3017 : vector<1x16xf32> to vector<16xf32>
    %swap3A_3019 = vector.shape_cast %get3A_3013 : vector<16xf32> to vector<1x16xf32>
    tpu.vector_store %arg8[%swap3A_3015, %swap3A_3016], %swap3A_3019 {strides = array<i32>} : memref<32x32xf32, #tpu.memory_space<vmem>>, vector<1x16xf32>,
    %get3A_3020 = arith.constant 6 : i32
    %get3A_3021 = arith.index_cast %get3A_3020 : i32 to index
    %get3A_3022 = arith.constant 96 : index
    %get3A_3023 = tpu.vector_load %arg7[%get3A_3021, %get3A_3022] {strides = array<i32>} : memref<8x128xf32, #tpu.memory_space<vmem>>, vector<1x16xf32>,
    %get3A_3024 = vector.shape_cast %get3A_3023 : vector<1x16xf32> to vector<16xf32>
    %swap3A_3025 = arith.constant 27 : i32
    %swap3A_3026 = arith.index_cast %swap3A_3025 : i32 to index
    %swap3A_3027 = arith.constant 0 : index
    %swap3A_3028 = tpu.vector_load %arg8[%swap3A_3026, %swap3A_3027] {strides = array<i32>} : memref<32x32xf32, #tpu.memory_space<vmem>>, vector<1x16xf32>,
    %swap3A_3029 = vector.shape_cast %swap3A_3028 : vector<1x16xf32> to vector<16xf32>
    %swap3A_3030 = vector.shape_cast %get3A_3024 : vector<16xf32> to vector<1x16xf32>
    tpu.vector_store %arg8[%swap3A_3026, %swap3A_3027], %swap3A_3030 {strides = array<i32>} : memref<32x32xf32, #tpu.memory_space<vmem>>, vector<1x16xf32>,
    %get3A_3031 = arith.constant 6 : i32
    %get3A_3032 = arith.index_cast %get3A_3031 : i32 to index
    %get3A_3033 = arith.constant 112 : index
    %get3A_3034 = tpu.vector_load %arg7[%get3A_3032, %get3A_3033] {strides = array<i32>} : memref<8x128xf32, #tpu.memory_space<vmem>>, vector<1x16xf32>,
    %get3A_3035 = vector.shape_cast %get3A_3034 : vector<1x16xf32> to vector<16xf32>
    %swap3A_3036 = arith.constant 27 : i32
    %swap3A_3037 = arith.index_cast %swap3A_3036 : i32 to index
    %swap3A_3038 = arith.constant 16 : index
    %swap3A_3039 = tpu.vector_load %arg8[%swap3A_3037, %swap3A_3038] {strides = array<i32>} : memref<32x32xf32, #tpu.memory_space<vmem>>, vector<1x16xf32>,
    %swap3A_3040 = vector.shape_cast %swap3A_3039 : vector<1x16xf32> to vector<16xf32>
    %swap3A_3041 = vector.shape_cast %get3A_3035 : vector<16xf32> to vector<1x16xf32>
    tpu.vector_store %arg8[%swap3A_3037, %swap3A_3038], %swap3A_3041 {strides = array<i32>} : memref<32x32xf32, #tpu.memory_space<vmem>>, vector<1x16xf32>,
    %get3A_3042 = arith.constant 7 : i32
    %get3A_3043 = arith.index_cast %get3A_3042 : i32 to index
    %get3A_3044 = arith.constant 0 : index
    %get3A_3045 = tpu.vector_load %arg7[%get3A_3043, %get3A_3044] {strides = array<i32>} : memref<8x128xf32, #tpu.memory_space<vmem>>, vector<1x16xf32>,
    %get3A_3046 = vector.shape_cast %get3A_3045 : vector<1x16xf32> to vector<16xf32>
    %swap3A_3047 = arith.constant 28 : i32
    %swap3A_3048 = arith.index_cast %swap3A_3047 : i32 to index
    %swap3A_3049 = arith.constant 0 : index
    %swap3A_3050 = tpu.vector_load %arg8[%swap3A_3048, %swap3A_3049] {strides = array<i32>} : memref<32x32xf32, #tpu.memory_space<vmem>>, vector<1x16xf32>,
    %swap3A_3051 = vector.shape_cast %swap3A_3050 : vector<1x16xf32> to vector<16xf32>
    %swap3A_3052 = vector.shape_cast %get3A_3046 : vector<16xf32> to vector<1x16xf32>
    tpu.vector_store %arg8[%swap3A_3048, %swap3A_3049], %swap3A_3052 {strides = array<i32>} : memref<32x32xf32, #tpu.memory_space<vmem>>, vector<1x16xf32>,
    %get3A_3053 = arith.constant 7 : i32
    %get3A_3054 = arith.index_cast %get3A_3053 : i32 to index
    %get3A_3055 = arith.constant 16 : index
    %get3A_3056 = tpu.vector_load %arg7[%get3A_3054, %get3A_3055] {strides = array<i32>} : memref<8x128xf32, #tpu.memory_space<vmem>>, vector<1x16xf32>,
    %get3A_3057 = vector.shape_cast %get3A_3056 : vector<1x16xf32> to vector<16xf32>
    %swap3A_3058 = arith.constant 28 : i32
    %swap3A_3059 = arith.index_cast %swap3A_3058 : i32 to index
    %swap3A_3060 = arith.constant 16 : index
    %swap3A_3061 = tpu.vector_load %arg8[%swap3A_3059, %swap3A_3060] {strides = array<i32>} : memref<32x32xf32, #tpu.memory_space<vmem>>, vector<1x16xf32>,
    %swap3A_3062 = vector.shape_cast %swap3A_3061 : vector<1x16xf32> to vector<16xf32>
    %swap3A_3063 = vector.shape_cast %get3A_3057 : vector<16xf32> to vector<1x16xf32>
    tpu.vector_store %arg8[%swap3A_3059, %swap3A_3060], %swap3A_3063 {strides = array<i32>} : memref<32x32xf32, #tpu.memory_space<vmem>>, vector<1x16xf32>,
    %get3A_3064 = arith.constant 7 : i32
    %get3A_3065 = arith.index_cast %get3A_3064 : i32 to index
    %get3A_3066 = arith.constant 32 : index
    %get3A_3067 = tpu.vector_load %arg7[%get3A_3065, %get3A_3066] {strides = array<i32>} : memref<8x128xf32, #tpu.memory_space<vmem>>, vector<1x16xf32>,
    %get3A_3068 = vector.shape_cast %get3A_3067 : vector<1x16xf32> to vector<16xf32>
    %swap3A_3069 = arith.constant 29 : i32
    %swap3A_3070 = arith.index_cast %swap3A_3069 : i32 to index
    %swap3A_3071 = arith.constant 0 : index
    %swap3A_3072 = tpu.vector_load %arg8[%swap3A_3070, %swap3A_3071] {strides = array<i32>} : memref<32x32xf32, #tpu.memory_space<vmem>>, vector<1x16xf32>,
    %swap3A_3073 = vector.shape_cast %swap3A_3072 : vector<1x16xf32> to vector<16xf32>
    %swap3A_3074 = vector.shape_cast %get3A_3068 : vector<16xf32> to vector<1x16xf32>
    tpu.vector_store %arg8[%swap3A_3070, %swap3A_3071], %swap3A_3074 {strides = array<i32>} : memref<32x32xf32, #tpu.memory_space<vmem>>, vector<1x16xf32>,
    %get3A_3075 = arith.constant 7 : i32
    %get3A_3076 = arith.index_cast %get3A_3075 : i32 to index
    %get3A_3077 = arith.constant 48 : index
    %get3A_3078 = tpu.vector_load %arg7[%get3A_3076, %get3A_3077] {strides = array<i32>} : memref<8x128xf32, #tpu.memory_space<vmem>>, vector<1x16xf32>,
    %get3A_3079 = vector.shape_cast %get3A_3078 : vector<1x16xf32> to vector<16xf32>
    %swap3A_3080 = arith.constant 29 : i32
    %swap3A_3081 = arith.index_cast %swap3A_3080 : i32 to index
    %swap3A_3082 = arith.constant 16 : index
    %swap3A_3083 = tpu.vector_load %arg8[%swap3A_3081, %swap3A_3082] {strides = array<i32>} : memref<32x32xf32, #tpu.memory_space<vmem>>, vector<1x16xf32>,
    %swap3A_3084 = vector.shape_cast %swap3A_3083 : vector<1x16xf32> to vector<16xf32>
    %swap3A_3085 = vector.shape_cast %get3A_3079 : vector<16xf32> to vector<1x16xf32>
    tpu.vector_store %arg8[%swap3A_3081, %swap3A_3082], %swap3A_3085 {strides = array<i32>} : memref<32x32xf32, #tpu.memory_space<vmem>>, vector<1x16xf32>,
    %get3A_3086 = arith.constant 7 : i32
    %get3A_3087 = arith.index_cast %get3A_3086 : i32 to index
    %get3A_3088 = arith.constant 64 : index
    %get3A_3089 = tpu.vector_load %arg7[%get3A_3087, %get3A_3088] {strides = array<i32>} : memref<8x128xf32, #tpu.memory_space<vmem>>, vector<1x16xf32>,
    %get3A_3090 = vector.shape_cast %get3A_3089 : vector<1x16xf32> to vector<16xf32>
    %swap3A_3091 = arith.constant 30 : i32
    %swap3A_3092 = arith.index_cast %swap3A_3091 : i32 to index
    %swap3A_3093 = arith.constant 0 : index
    %swap3A_3094 = tpu.vector_load %arg8[%swap3A_3092, %swap3A_3093] {strides = array<i32>} : memref<32x32xf32, #tpu.memory_space<vmem>>, vector<1x16xf32>,
    %swap3A_3095 = vector.shape_cast %swap3A_3094 : vector<1x16xf32> to vector<16xf32>
    %swap3A_3096 = vector.shape_cast %get3A_3090 : vector<16xf32> to vector<1x16xf32>
    tpu.vector_store %arg8[%swap3A_3092, %swap3A_3093], %swap3A_3096 {strides = array<i32>} : memref<32x32xf32, #tpu.memory_space<vmem>>, vector<1x16xf32>,
    %get3A_3097 = arith.constant 7 : i32
    %get3A_3098 = arith.index_cast %get3A_3097 : i32 to index
    %get3A_3099 = arith.constant 80 : index
    %get3A_3100 = tpu.vector_load %arg7[%get3A_3098, %get3A_3099] {strides = array<i32>} : memref<8x128xf32, #tpu.memory_space<vmem>>, vector<1x16xf32>,
    %get3A_3101 = vector.shape_cast %get3A_3100 : vector<1x16xf32> to vector<16xf32>
    %swap3A_3102 = arith.constant 30 : i32
    %swap3A_3103 = arith.index_cast %swap3A_3102 : i32 to index
    %swap3A_3104 = arith.constant 16 : index
    %swap3A_3105 = tpu.vector_load %arg8[%swap3A_3103, %swap3A_3104] {strides = array<i32>} : memref<32x32xf32, #tpu.memory_space<vmem>>, vector<1x16xf32>,
    %swap3A_3106 = vector.shape_cast %swap3A_3105 : vector<1x16xf32> to vector<16xf32>
    %swap3A_3107 = vector.shape_cast %get3A_3101 : vector<16xf32> to vector<1x16xf32>
    tpu.vector_store %arg8[%swap3A_3103, %swap3A_3104], %swap3A_3107 {strides = array<i32>} : memref<32x32xf32, #tpu.memory_space<vmem>>, vector<1x16xf32>,
    %get3A_3108 = arith.constant 7 : i32
    %get3A_3109 = arith.index_cast %get3A_3108 : i32 to index
    %get3A_3110 = arith.constant 96 : index
    %get3A_3111 = tpu.vector_load %arg7[%get3A_3109, %get3A_3110] {strides = array<i32>} : memref<8x128xf32, #tpu.memory_space<vmem>>, vector<1x16xf32>,
    %get3A_3112 = vector.shape_cast %get3A_3111 : vector<1x16xf32> to vector<16xf32>
    %swap3A_3113 = arith.constant 31 : i32
    %swap3A_3114 = arith.index_cast %swap3A_3113 : i32 to index
    %swap3A_3115 = arith.constant 0 : index
    %swap3A_3116 = tpu.vector_load %arg8[%swap3A_3114, %swap3A_3115] {strides = array<i32>} : memref<32x32xf32, #tpu.memory_space<vmem>>, vector<1x16xf32>,
    %swap3A_3117 = vector.shape_cast %swap3A_3116 : vector<1x16xf32> to vector<16xf32>
    %swap3A_3118 = vector.shape_cast %get3A_3112 : vector<16xf32> to vector<1x16xf32>
    tpu.vector_store %arg8[%swap3A_3114, %swap3A_3115], %swap3A_3118 {strides = array<i32>} : memref<32x32xf32, #tpu.memory_space<vmem>>, vector<1x16xf32>,
    %get3A_3119 = arith.constant 7 : i32
    %get3A_3120 = arith.index_cast %get3A_3119 : i32 to index
    %get3A_3121 = arith.constant 112 : index
    %get3A_3122 = tpu.vector_load %arg7[%get3A_3120, %get3A_3121] {strides = array<i32>} : memref<8x128xf32, #tpu.memory_space<vmem>>, vector<1x16xf32>,
    %get3A_3123 = vector.shape_cast %get3A_3122 : vector<1x16xf32> to vector<16xf32>
    %swap3A_3124 = arith.constant 31 : i32
    %swap3A_3125 = arith.index_cast %swap3A_3124 : i32 to index
    %swap3A_3126 = arith.constant 16 : index
    %swap3A_3127 = tpu.vector_load %arg8[%swap3A_3125, %swap3A_3126] {strides = array<i32>} : memref<32x32xf32, #tpu.memory_space<vmem>>, vector<1x16xf32>,
    %swap3A_3128 = vector.shape_cast %swap3A_3127 : vector<1x16xf32> to vector<16xf32>
    %swap3A_3129 = vector.shape_cast %get3A_3123 : vector<16xf32> to vector<1x16xf32>
    tpu.vector_store %arg8[%swap3A_3125, %swap3A_3126], %swap3A_3129 {strides = array<i32>} : memref<32x32xf32, #tpu.memory_space<vmem>>, vector<1x16xf32>,
    "tpu.region"() ({
      %run_scoped3A = tpu.sem_alloc : memref<!tpu.dma_semaphore, #tpu.memory_space<semaphore_mem>>
      %dma_start3A_3130 = arith.constant 0 : i32
      %dma_start3A_3131 = tpu.memref_slice %arg4[%mul3A_2, %dma_start3A_3130] : memref<1024x32xf32, #tpu.memory_space<hbm>> -> memref<32x32xf32, #tpu.memory_space<hbm>>
      %dma_start3A_3132 = arith.constant 0 : i32
      %dma_start3A_3133 = tpu.memref_slice %arg4[%mul3A_2, %dma_start3A_3132] : memref<1024x32xf32, #tpu.memory_space<hbm>> -> memref<32x32xf32, #tpu.memory_space<hbm>>
      tpu.enqueue_dma source(%arg8 : memref<32x32xf32, #tpu.memory_space<vmem>>) target(%dma_start3A_3133 : memref<32x32xf32, #tpu.memory_space<hbm>>) target_semaphore(%run_scoped3A : memref<!tpu.dma_semaphore, #tpu.memory_space<semaphore_mem>>)
      %dma_wait3A_3134 = arith.constant 0 : i32
      %dma_wait3A_3135 = tpu.memref_slice %arg4[%mul3A_2, %dma_wait3A_3134] : memref<1024x32xf32, #tpu.memory_space<hbm>> -> memref<32x32xf32, #tpu.memory_space<hbm>>
      %dma_wait3A_3136 = arith.constant 0 : i32
      %dma_wait3A_3137 = tpu.memref_slice %arg4[%mul3A_2, %dma_wait3A_3136] : memref<1024x32xf32, #tpu.memory_space<hbm>> -> memref<32x32xf32, #tpu.memory_space<hbm>>
      tpu.wait_dma2 semaphore(%run_scoped3A : memref<!tpu.dma_semaphore, #tpu.memory_space<semaphore_mem>>) src(%arg8 : memref<32x32xf32, #tpu.memory_space<vmem>>) dst(%dma_wait3A_3137 : memref<32x32xf32, #tpu.memory_space<hbm>>)
      tpu.yield
    }) : () -> ()
    return
  }
}

module attributes {stable_mosaic.version = 14 : i64} {
  func.func @_tc2_body(%arg0: memref<1024x32xf32, #tpu.memory_space<vmem>>, %arg1: memref<1024x1xf32, #tpu.memory_space<vmem>>, %arg2: memref<1x1xf32, #tpu.memory_space<smem>>) attributes {dimension_semantics = [], scalar_prefetch = 0 : i64, scratch_operands = 0 : i64, tpu.core_type = #tpu.core_type<tc>} {
    %get3A = arith.constant 0 : index
    %get3A_0 = arith.constant 0 : index
    %get3A_1 = vector.load %arg0[%get3A, %get3A_0] : memref<1024x32xf32, #tpu.memory_space<vmem>>, vector<1024x32xf32>
    %iota3A = tpu.iota {dimensions = array<i32: 1>} : vector<1024x32xi32>
    %lt3A = arith.constant 16 : i32
    %lt3A_2 = vector.broadcast %lt3A : i32 to vector<1024x32xi32>
    %lt3A_3 = arith.cmpi slt, %iota3A, %lt3A_2 : vector<1024x32xi32>
    %ge3A = arith.constant 28 : i32
    %ge3A_4 = vector.broadcast %ge3A : i32 to vector<1024x32xi32>
    %ge3A_5 = arith.cmpi sge, %iota3A, %ge3A_4 : vector<1024x32xi32>
    %or3A = arith.ori %lt3A_3, %ge3A_5 : vector<1024x32xi1>
    %exp3A = math.exp %get3A_1 : vector<1024x32xf32>
    %jit3A = arith.constant 0.000000e+00 : f32
    %broadcast_in_dim3A = vector.broadcast %jit3A : f32 to vector<1024x32xf32>
    %select_n3A = arith.select %or3A, %exp3A, %broadcast_in_dim3A : vector<1024x32xi1>, vector<1024x32xf32>
    %reduce_sum3A = arith.constant dense<0.000000e+00> : vector<1024xf32>
    %reduce_sum3A_6 = vector.multi_reduction <add>, %select_n3A, %reduce_sum3A [1] : vector<1024x32xf32> to vector<1024xf32>
    %broadcast_in_dim3A_7 = vector.shape_cast %reduce_sum3A_6 : vector<1024xf32> to vector<1024x1xf32>
    %get3A_8 = arith.constant 0 : index
    %get3A_9 = arith.constant 0 : index
    %get3A_10 = vector.load %arg1[%get3A_8, %get3A_9] : memref<1024x1xf32, #tpu.memory_space<vmem>>, vector<1024x1xf32>
    %mul3A = arith.mulf %broadcast_in_dim3A_7, %get3A_10 : vector<1024x1xf32>
    %reduce_sum3A_11 = vector.shape_cast %mul3A : vector<1024x1xf32> to vector<1x1024x1xf32>
    %reduce_sum3A_12 = arith.constant dense<0.000000e+00> : vector<1xf32>
    %reduce_sum3A_13 = vector.multi_reduction <add>, %reduce_sum3A_11, %reduce_sum3A_12 [1, 2] : vector<1x1024x1xf32> to vector<1xf32>
    %reduce_sum3A_14 = vector.shape_cast %reduce_sum3A_13 : vector<1xf32> to vector<1x1x1xf32>
    %reduce_sum3A_15 = vector.extract %reduce_sum3A_14[0, 0, 0] : f32 from vector<1x1x1xf32>
    %sub3A = arith.constant 2.048000e+04 : f32
    %sub3A_16 = arith.subf %reduce_sum3A_15, %sub3A : f32
    %add3A = arith.constant 1.000000e+00 : f32
    %add3A_17 = arith.addf %add3A, %sub3A_16 : f32
    %log3A = math.log %add3A_17 : f32
    %div3A = arith.constant 1.000000e+03 : f32
    %div3A_18 = arith.divf %log3A, %div3A : f32
    %swap3A = arith.constant 0 : index
    %swap3A_19 = arith.constant 0 : index
    %swap3A_20 = memref.load %arg2[%swap3A, %swap3A_19] : memref<1x1xf32, #tpu.memory_space<smem>>
    memref.store %div3A_18, %arg2[%swap3A, %swap3A_19] : memref<1x1xf32, #tpu.memory_space<smem>>
    return
  }
}

module attributes {stable_mosaic.version = 14 : i64} {
  func.func @_tc1_body(%arg0: memref<1024x1000xf32, #tpu.memory_space<hbm>>, %arg1: memref<64x128x128xf32, #tpu.memory_space<hbm>>, %arg2: memref<1024x1xf32, #tpu.memory_space<hbm>>, %arg3: memref<2x128x1000xf32, #tpu.memory_space<vmem>>, %arg4: memref<2x128x1024xf32, #tpu.memory_space<vmem>>, %arg5: memref<2x128x1xf32, #tpu.memory_space<vmem>>, %arg6: memref<!tpu.dma_semaphore, #tpu.memory_space<semaphore_mem>>, %arg7: memref<!tpu.dma_semaphore, #tpu.memory_space<semaphore_mem>>, %arg8: memref<!tpu.dma_semaphore, #tpu.memory_space<semaphore_mem>>) attributes {dimension_semantics = [], scalar_prefetch = 0 : i64, scratch_operands = 6 : i64, tpu.core_type = #tpu.core_type<tc>} {
    %dma_start3A = arith.constant 0 : i32
    %dma_start3A_0 = arith.constant 0 : i32
    %dma_start3A_1 = arith.constant 0 : i32
    %dma_start3A_2 = tpu.memref_slice %arg3[%dma_start3A, %dma_start3A_0, %dma_start3A_1] : memref<2x128x1000xf32, #tpu.memory_space<vmem>> -> memref<1x128x1000xf32, #tpu.memory_space<vmem>>
    %dma_start3A_3 = tpu.memref_squeeze %dma_start3A_2 : memref<1x128x1000xf32, #tpu.memory_space<vmem>> -> memref<128x1000xf32, #tpu.memory_space<vmem>>
    %dma_start3A_4 = arith.constant 0 : i32
    %dma_start3A_5 = arith.constant 0 : i32
    %dma_start3A_6 = tpu.memref_slice %arg0[%dma_start3A_4, %dma_start3A_5] : memref<1024x1000xf32, #tpu.memory_space<hbm>> -> memref<128x1000xf32, #tpu.memory_space<hbm>>
    tpu.enqueue_dma source(%dma_start3A_6 : memref<128x1000xf32, #tpu.memory_space<hbm>>) target(%dma_start3A_3 : memref<128x1000xf32, #tpu.memory_space<vmem>>) target_semaphore(%arg6 : memref<!tpu.dma_semaphore, #tpu.memory_space<semaphore_mem>>)
    %dma_start3A_7 = arith.constant 1 : i32
    %dma_start3A_8 = arith.constant 0 : i32
    %dma_start3A_9 = arith.constant 0 : i32
    %dma_start3A_10 = tpu.memref_slice %arg3[%dma_start3A_7, %dma_start3A_8, %dma_start3A_9] : memref<2x128x1000xf32, #tpu.memory_space<vmem>> -> memref<1x128x1000xf32, #tpu.memory_space<vmem>>
    %dma_start3A_11 = tpu.memref_squeeze %dma_start3A_10 : memref<1x128x1000xf32, #tpu.memory_space<vmem>> -> memref<128x1000xf32, #tpu.memory_space<vmem>>
    %dma_start3A_12 = arith.constant 128 : i32
    %dma_start3A_13 = arith.constant 0 : i32
    %dma_start3A_14 = tpu.memref_slice %arg0[%dma_start3A_12, %dma_start3A_13] : memref<1024x1000xf32, #tpu.memory_space<hbm>> -> memref<128x1000xf32, #tpu.memory_space<hbm>>
    tpu.enqueue_dma source(%dma_start3A_14 : memref<128x1000xf32, #tpu.memory_space<hbm>>) target(%dma_start3A_11 : memref<128x1000xf32, #tpu.memory_space<vmem>>) target_semaphore(%arg6 : memref<!tpu.dma_semaphore, #tpu.memory_space<semaphore_mem>>)
    %dma_wait3A = arith.constant 0 : i32
    %dma_wait3A_15 = arith.constant 0 : i32
    %dma_wait3A_16 = arith.constant 0 : i32
    %dma_wait3A_17 = tpu.memref_slice %arg3[%dma_wait3A, %dma_wait3A_15, %dma_wait3A_16] : memref<2x128x1000xf32, #tpu.memory_space<vmem>> -> memref<1x128x1000xf32, #tpu.memory_space<vmem>>
    %dma_wait3A_18 = tpu.memref_squeeze %dma_wait3A_17 : memref<1x128x1000xf32, #tpu.memory_space<vmem>> -> memref<128x1000xf32, #tpu.memory_space<vmem>>
    %dma_wait3A_19 = arith.constant 0 : i32
    %dma_wait3A_20 = arith.constant 0 : i32
    %dma_wait3A_21 = tpu.memref_slice %arg0[%dma_wait3A_19, %dma_wait3A_20] : memref<1024x1000xf32, #tpu.memory_space<hbm>> -> memref<128x1000xf32, #tpu.memory_space<hbm>>
    tpu.wait_dma2 semaphore(%arg6 : memref<!tpu.dma_semaphore, #tpu.memory_space<semaphore_mem>>) src(%dma_wait3A_21 : memref<128x1000xf32, #tpu.memory_space<hbm>>) dst(%dma_wait3A_18 : memref<128x1000xf32, #tpu.memory_space<vmem>>)
    %get3A = arith.constant 0 : index
    %get3A_22 = arith.constant 0 : index
    %get3A_23 = arith.constant 0 : index
    %get3A_24 = vector.load %arg3[%get3A, %get3A_22, %get3A_23] : memref<2x128x1000xf32, #tpu.memory_space<vmem>>, vector<1x128x1000xf32>
    %get3A_25 = vector.shape_cast %get3A_24 : vector<1x128x1000xf32> to vector<128x1000xf32>
    %swap3A = arith.constant 0 : index
    %swap3A_26 = arith.constant 0 : index
    %swap3A_27 = arith.constant 0 : index
    %swap3A_28 = vector.load %arg4[%swap3A, %swap3A_26, %swap3A_27] : memref<2x128x1024xf32, #tpu.memory_space<vmem>>, vector<1x128x1000xf32>
    %swap3A_29 = vector.shape_cast %swap3A_28 : vector<1x128x1000xf32> to vector<128x1000xf32>
    %swap3A_30 = vector.shape_cast %get3A_25 : vector<128x1000xf32> to vector<1x128x1000xf32>
    tpu.vector_store %arg4[%swap3A, %swap3A_26, %swap3A_27], %swap3A_30 {strides = array<i32>} : memref<2x128x1024xf32, #tpu.memory_space<vmem>>, vector<1x128x1000xf32>,
    %neg3A = arith.constant 0.000000e+00 : f32
    %neg3A_31 = vector.broadcast %neg3A : f32 to vector<128x1000xf32>
    %neg3A_32 = arith.subf %neg3A_31, %get3A_25 : vector<128x1000xf32>
    %exp3A = math.exp %neg3A_32 : vector<128x1000xf32>
    %reduce_sum3A = arith.constant dense<0.000000e+00> : vector<128xf32>
    %reduce_sum3A_33 = vector.multi_reduction <add>, %exp3A, %reduce_sum3A [1] : vector<128x1000xf32> to vector<128xf32>
    %broadcast_in_dim3A = vector.shape_cast %reduce_sum3A_33 : vector<128xf32> to vector<128x1xf32>
    %swap3A_34 = arith.constant 0 : index
    %swap3A_35 = arith.constant 0 : index
    %swap3A_36 = arith.constant 0 : index
    %swap3A_37 = vector.load %arg5[%swap3A_34, %swap3A_35, %swap3A_36] : memref<2x128x1xf32, #tpu.memory_space<vmem>>, vector<1x128x1xf32>
    %swap3A_38 = vector.shape_cast %swap3A_37 : vector<1x128x1xf32> to vector<128x1xf32>
    %swap3A_39 = vector.shape_cast %broadcast_in_dim3A : vector<128x1xf32> to vector<1x128x1xf32>
    tpu.vector_store %arg5[%swap3A_34, %swap3A_35, %swap3A_36], %swap3A_39 {strides = array<i32>} : memref<2x128x1xf32, #tpu.memory_space<vmem>>, vector<1x128x1xf32>,
    %dma_start3A_40 = arith.constant 0 : i32
    %dma_start3A_41 = arith.constant 0 : i32
    %dma_start3A_42 = arith.constant 0 : i32
    %dma_start3A_43 = arith.constant 0 : i32
    %dma_start3A_44 = tpu.memref_slice %arg1[%dma_start3A_41, %dma_start3A_42, %dma_start3A_43] : memref<64x128x128xf32, #tpu.memory_space<hbm>> -> memref<1x128x128xf32, #tpu.memory_space<hbm>>
    %dma_start3A_45 = tpu.memref_squeeze %dma_start3A_44 : memref<1x128x128xf32, #tpu.memory_space<hbm>> -> memref<128x128xf32, #tpu.memory_space<hbm>>
    %dma_start3A_46 = arith.constant 0 : i32
    %dma_start3A_47 = arith.constant 0 : i32
    %dma_start3A_48 = tpu.memref_slice %arg4[%dma_start3A_40, %dma_start3A_46, %dma_start3A_47] : memref<2x128x1024xf32, #tpu.memory_space<vmem>> -> memref<1x128x128xf32, #tpu.memory_space<vmem>>
    %dma_start3A_49 = tpu.memref_squeeze %dma_start3A_48 : memref<1x128x128xf32, #tpu.memory_space<vmem>> -> memref<128x128xf32, #tpu.memory_space<vmem>>
    tpu.enqueue_dma source(%dma_start3A_49 : memref<128x128xf32, #tpu.memory_space<vmem>>) target(%dma_start3A_45 : memref<128x128xf32, #tpu.memory_space<hbm>>) target_semaphore(%arg7 : memref<!tpu.dma_semaphore, #tpu.memory_space<semaphore_mem>>)
    %dma_start3A_50 = arith.constant 0 : i32
    %dma_start3A_51 = arith.constant 1 : i32
    %dma_start3A_52 = arith.constant 0 : i32
    %dma_start3A_53 = arith.constant 0 : i32
    %dma_start3A_54 = tpu.memref_slice %arg1[%dma_start3A_51, %dma_start3A_52, %dma_start3A_53] : memref<64x128x128xf32, #tpu.memory_space<hbm>> -> memref<1x128x128xf32, #tpu.memory_space<hbm>>
    %dma_start3A_55 = tpu.memref_squeeze %dma_start3A_54 : memref<1x128x128xf32, #tpu.memory_space<hbm>> -> memref<128x128xf32, #tpu.memory_space<hbm>>
    %dma_start3A_56 = arith.constant 0 : i32
    %dma_start3A_57 = arith.constant 128 : i32
    %dma_start3A_58 = tpu.memref_slice %arg4[%dma_start3A_50, %dma_start3A_56, %dma_start3A_57] : memref<2x128x1024xf32, #tpu.memory_space<vmem>> -> memref<1x128x128xf32, #tpu.memory_space<vmem>>
    %dma_start3A_59 = tpu.memref_squeeze %dma_start3A_58 : memref<1x128x128xf32, #tpu.memory_space<vmem>> -> memref<128x128xf32, #tpu.memory_space<vmem>>
    tpu.enqueue_dma source(%dma_start3A_59 : memref<128x128xf32, #tpu.memory_space<vmem>>) target(%dma_start3A_55 : memref<128x128xf32, #tpu.memory_space<hbm>>) target_semaphore(%arg7 : memref<!tpu.dma_semaphore, #tpu.memory_space<semaphore_mem>>)
    %dma_start3A_60 = arith.constant 0 : i32
    %dma_start3A_61 = arith.constant 2 : i32
    %dma_start3A_62 = arith.constant 0 : i32
    %dma_start3A_63 = arith.constant 0 : i32
    %dma_start3A_64 = tpu.memref_slice %arg1[%dma_start3A_61, %dma_start3A_62, %dma_start3A_63] : memref<64x128x128xf32, #tpu.memory_space<hbm>> -> memref<1x128x128xf32, #tpu.memory_space<hbm>>
    %dma_start3A_65 = tpu.memref_squeeze %dma_start3A_64 : memref<1x128x128xf32, #tpu.memory_space<hbm>> -> memref<128x128xf32, #tpu.memory_space<hbm>>
    %dma_start3A_66 = arith.constant 0 : i32
    %dma_start3A_67 = arith.constant 256 : i32
    %dma_start3A_68 = tpu.memref_slice %arg4[%dma_start3A_60, %dma_start3A_66, %dma_start3A_67] : memref<2x128x1024xf32, #tpu.memory_space<vmem>> -> memref<1x128x128xf32, #tpu.memory_space<vmem>>
    %dma_start3A_69 = tpu.memref_squeeze %dma_start3A_68 : memref<1x128x128xf32, #tpu.memory_space<vmem>> -> memref<128x128xf32, #tpu.memory_space<vmem>>
    tpu.enqueue_dma source(%dma_start3A_69 : memref<128x128xf32, #tpu.memory_space<vmem>>) target(%dma_start3A_65 : memref<128x128xf32, #tpu.memory_space<hbm>>) target_semaphore(%arg7 : memref<!tpu.dma_semaphore, #tpu.memory_space<semaphore_mem>>)
    %dma_start3A_70 = arith.constant 0 : i32
    %dma_start3A_71 = arith.constant 3 : i32
    %dma_start3A_72 = arith.constant 0 : i32
    %dma_start3A_73 = arith.constant 0 : i32
    %dma_start3A_74 = tpu.memref_slice %arg1[%dma_start3A_71, %dma_start3A_72, %dma_start3A_73] : memref<64x128x128xf32, #tpu.memory_space<hbm>> -> memref<1x128x128xf32, #tpu.memory_space<hbm>>
    %dma_start3A_75 = tpu.memref_squeeze %dma_start3A_74 : memref<1x128x128xf32, #tpu.memory_space<hbm>> -> memref<128x128xf32, #tpu.memory_space<hbm>>
    %dma_start3A_76 = arith.constant 0 : i32
    %dma_start3A_77 = arith.constant 384 : i32
    %dma_start3A_78 = tpu.memref_slice %arg4[%dma_start3A_70, %dma_start3A_76, %dma_start3A_77] : memref<2x128x1024xf32, #tpu.memory_space<vmem>> -> memref<1x128x128xf32, #tpu.memory_space<vmem>>
    %dma_start3A_79 = tpu.memref_squeeze %dma_start3A_78 : memref<1x128x128xf32, #tpu.memory_space<vmem>> -> memref<128x128xf32, #tpu.memory_space<vmem>>
    tpu.enqueue_dma source(%dma_start3A_79 : memref<128x128xf32, #tpu.memory_space<vmem>>) target(%dma_start3A_75 : memref<128x128xf32, #tpu.memory_space<hbm>>) target_semaphore(%arg7 : memref<!tpu.dma_semaphore, #tpu.memory_space<semaphore_mem>>)
    %dma_start3A_80 = arith.constant 0 : i32
    %dma_start3A_81 = arith.constant 4 : i32
    %dma_start3A_82 = arith.constant 0 : i32
    %dma_start3A_83 = arith.constant 0 : i32
    %dma_start3A_84 = tpu.memref_slice %arg1[%dma_start3A_81, %dma_start3A_82, %dma_start3A_83] : memref<64x128x128xf32, #tpu.memory_space<hbm>> -> memref<1x128x128xf32, #tpu.memory_space<hbm>>
    %dma_start3A_85 = tpu.memref_squeeze %dma_start3A_84 : memref<1x128x128xf32, #tpu.memory_space<hbm>> -> memref<128x128xf32, #tpu.memory_space<hbm>>
    %dma_start3A_86 = arith.constant 0 : i32
    %dma_start3A_87 = arith.constant 512 : i32
    %dma_start3A_88 = tpu.memref_slice %arg4[%dma_start3A_80, %dma_start3A_86, %dma_start3A_87] : memref<2x128x1024xf32, #tpu.memory_space<vmem>> -> memref<1x128x128xf32, #tpu.memory_space<vmem>>
    %dma_start3A_89 = tpu.memref_squeeze %dma_start3A_88 : memref<1x128x128xf32, #tpu.memory_space<vmem>> -> memref<128x128xf32, #tpu.memory_space<vmem>>
    tpu.enqueue_dma source(%dma_start3A_89 : memref<128x128xf32, #tpu.memory_space<vmem>>) target(%dma_start3A_85 : memref<128x128xf32, #tpu.memory_space<hbm>>) target_semaphore(%arg7 : memref<!tpu.dma_semaphore, #tpu.memory_space<semaphore_mem>>)
    %dma_start3A_90 = arith.constant 0 : i32
    %dma_start3A_91 = arith.constant 5 : i32
    %dma_start3A_92 = arith.constant 0 : i32
    %dma_start3A_93 = arith.constant 0 : i32
    %dma_start3A_94 = tpu.memref_slice %arg1[%dma_start3A_91, %dma_start3A_92, %dma_start3A_93] : memref<64x128x128xf32, #tpu.memory_space<hbm>> -> memref<1x128x128xf32, #tpu.memory_space<hbm>>
    %dma_start3A_95 = tpu.memref_squeeze %dma_start3A_94 : memref<1x128x128xf32, #tpu.memory_space<hbm>> -> memref<128x128xf32, #tpu.memory_space<hbm>>
    %dma_start3A_96 = arith.constant 0 : i32
    %dma_start3A_97 = arith.constant 640 : i32
    %dma_start3A_98 = tpu.memref_slice %arg4[%dma_start3A_90, %dma_start3A_96, %dma_start3A_97] : memref<2x128x1024xf32, #tpu.memory_space<vmem>> -> memref<1x128x128xf32, #tpu.memory_space<vmem>>
    %dma_start3A_99 = tpu.memref_squeeze %dma_start3A_98 : memref<1x128x128xf32, #tpu.memory_space<vmem>> -> memref<128x128xf32, #tpu.memory_space<vmem>>
    tpu.enqueue_dma source(%dma_start3A_99 : memref<128x128xf32, #tpu.memory_space<vmem>>) target(%dma_start3A_95 : memref<128x128xf32, #tpu.memory_space<hbm>>) target_semaphore(%arg7 : memref<!tpu.dma_semaphore, #tpu.memory_space<semaphore_mem>>)
    %dma_start3A_100 = arith.constant 0 : i32
    %dma_start3A_101 = arith.constant 6 : i32
    %dma_start3A_102 = arith.constant 0 : i32
    %dma_start3A_103 = arith.constant 0 : i32
    %dma_start3A_104 = tpu.memref_slice %arg1[%dma_start3A_101, %dma_start3A_102, %dma_start3A_103] : memref<64x128x128xf32, #tpu.memory_space<hbm>> -> memref<1x128x128xf32, #tpu.memory_space<hbm>>
    %dma_start3A_105 = tpu.memref_squeeze %dma_start3A_104 : memref<1x128x128xf32, #tpu.memory_space<hbm>> -> memref<128x128xf32, #tpu.memory_space<hbm>>
    %dma_start3A_106 = arith.constant 0 : i32
    %dma_start3A_107 = arith.constant 768 : i32
    %dma_start3A_108 = tpu.memref_slice %arg4[%dma_start3A_100, %dma_start3A_106, %dma_start3A_107] : memref<2x128x1024xf32, #tpu.memory_space<vmem>> -> memref<1x128x128xf32, #tpu.memory_space<vmem>>
    %dma_start3A_109 = tpu.memref_squeeze %dma_start3A_108 : memref<1x128x128xf32, #tpu.memory_space<vmem>> -> memref<128x128xf32, #tpu.memory_space<vmem>>
    tpu.enqueue_dma source(%dma_start3A_109 : memref<128x128xf32, #tpu.memory_space<vmem>>) target(%dma_start3A_105 : memref<128x128xf32, #tpu.memory_space<hbm>>) target_semaphore(%arg7 : memref<!tpu.dma_semaphore, #tpu.memory_space<semaphore_mem>>)
    %dma_start3A_110 = arith.constant 0 : i32
    %dma_start3A_111 = arith.constant 7 : i32
    %dma_start3A_112 = arith.constant 0 : i32
    %dma_start3A_113 = arith.constant 0 : i32
    %dma_start3A_114 = tpu.memref_slice %arg1[%dma_start3A_111, %dma_start3A_112, %dma_start3A_113] : memref<64x128x128xf32, #tpu.memory_space<hbm>> -> memref<1x128x128xf32, #tpu.memory_space<hbm>>
    %dma_start3A_115 = tpu.memref_squeeze %dma_start3A_114 : memref<1x128x128xf32, #tpu.memory_space<hbm>> -> memref<128x128xf32, #tpu.memory_space<hbm>>
    %dma_start3A_116 = arith.constant 0 : i32
    %dma_start3A_117 = arith.constant 896 : i32
    %dma_start3A_118 = tpu.memref_slice %arg4[%dma_start3A_110, %dma_start3A_116, %dma_start3A_117] : memref<2x128x1024xf32, #tpu.memory_space<vmem>> -> memref<1x128x128xf32, #tpu.memory_space<vmem>>
    %dma_start3A_119 = tpu.memref_squeeze %dma_start3A_118 : memref<1x128x128xf32, #tpu.memory_space<vmem>> -> memref<128x128xf32, #tpu.memory_space<vmem>>
    tpu.enqueue_dma source(%dma_start3A_119 : memref<128x128xf32, #tpu.memory_space<vmem>>) target(%dma_start3A_115 : memref<128x128xf32, #tpu.memory_space<hbm>>) target_semaphore(%arg7 : memref<!tpu.dma_semaphore, #tpu.memory_space<semaphore_mem>>)
    %dma_start3A_120 = arith.constant 0 : i32
    %dma_start3A_121 = arith.constant 0 : i32
    %dma_start3A_122 = arith.constant 0 : i32
    %dma_start3A_123 = tpu.memref_slice %arg2[%dma_start3A_121, %dma_start3A_122] : memref<1024x1xf32, #tpu.memory_space<hbm>> -> memref<128x1xf32, #tpu.memory_space<hbm>>
    %dma_start3A_124 = arith.constant 0 : i32
    %dma_start3A_125 = arith.constant 0 : i32
    %dma_start3A_126 = tpu.memref_slice %arg5[%dma_start3A_120, %dma_start3A_124, %dma_start3A_125] : memref<2x128x1xf32, #tpu.memory_space<vmem>> -> memref<1x128x1xf32, #tpu.memory_space<vmem>>
    %dma_start3A_127 = tpu.memref_squeeze %dma_start3A_126 : memref<1x128x1xf32, #tpu.memory_space<vmem>> -> memref<128x1xf32, #tpu.memory_space<vmem>>
    tpu.enqueue_dma source(%dma_start3A_127 : memref<128x1xf32, #tpu.memory_space<vmem>>) target(%dma_start3A_123 : memref<128x1xf32, #tpu.memory_space<hbm>>) target_semaphore(%arg8 : memref<!tpu.dma_semaphore, #tpu.memory_space<semaphore_mem>>)
    %dma_start3A_128 = arith.constant 0 : i32
    %dma_start3A_129 = arith.constant 0 : i32
    %dma_start3A_130 = arith.constant 0 : i32
    %dma_start3A_131 = tpu.memref_slice %arg3[%dma_start3A_128, %dma_start3A_129, %dma_start3A_130] : memref<2x128x1000xf32, #tpu.memory_space<vmem>> -> memref<1x128x1000xf32, #tpu.memory_space<vmem>>
    %dma_start3A_132 = tpu.memref_squeeze %dma_start3A_131 : memref<1x128x1000xf32, #tpu.memory_space<vmem>> -> memref<128x1000xf32, #tpu.memory_space<vmem>>
    %dma_start3A_133 = arith.constant 256 : i32
    %dma_start3A_134 = arith.constant 0 : i32
    %dma_start3A_135 = tpu.memref_slice %arg0[%dma_start3A_133, %dma_start3A_134] : memref<1024x1000xf32, #tpu.memory_space<hbm>> -> memref<128x1000xf32, #tpu.memory_space<hbm>>
    tpu.enqueue_dma source(%dma_start3A_135 : memref<128x1000xf32, #tpu.memory_space<hbm>>) target(%dma_start3A_132 : memref<128x1000xf32, #tpu.memory_space<vmem>>) target_semaphore(%arg6 : memref<!tpu.dma_semaphore, #tpu.memory_space<semaphore_mem>>)
    %dma_wait3A_136 = arith.constant 1 : i32
    %dma_wait3A_137 = arith.constant 0 : i32
    %dma_wait3A_138 = arith.constant 0 : i32
    %dma_wait3A_139 = tpu.memref_slice %arg3[%dma_wait3A_136, %dma_wait3A_137, %dma_wait3A_138] : memref<2x128x1000xf32, #tpu.memory_space<vmem>> -> memref<1x128x1000xf32, #tpu.memory_space<vmem>>
    %dma_wait3A_140 = tpu.memref_squeeze %dma_wait3A_139 : memref<1x128x1000xf32, #tpu.memory_space<vmem>> -> memref<128x1000xf32, #tpu.memory_space<vmem>>
    %dma_wait3A_141 = arith.constant 128 : i32
    %dma_wait3A_142 = arith.constant 0 : i32
    %dma_wait3A_143 = tpu.memref_slice %arg0[%dma_wait3A_141, %dma_wait3A_142] : memref<1024x1000xf32, #tpu.memory_space<hbm>> -> memref<128x1000xf32, #tpu.memory_space<hbm>>
    tpu.wait_dma2 semaphore(%arg6 : memref<!tpu.dma_semaphore, #tpu.memory_space<semaphore_mem>>) src(%dma_wait3A_143 : memref<128x1000xf32, #tpu.memory_space<hbm>>) dst(%dma_wait3A_140 : memref<128x1000xf32, #tpu.memory_space<vmem>>)
    %get3A_144 = arith.constant 1 : index
    %get3A_145 = arith.constant 0 : index
    %get3A_146 = arith.constant 0 : index
    %get3A_147 = vector.load %arg3[%get3A_144, %get3A_145, %get3A_146] : memref<2x128x1000xf32, #tpu.memory_space<vmem>>, vector<1x128x1000xf32>
    %get3A_148 = vector.shape_cast %get3A_147 : vector<1x128x1000xf32> to vector<128x1000xf32>
    %swap3A_149 = arith.constant 1 : index
    %swap3A_150 = arith.constant 0 : index
    %swap3A_151 = arith.constant 0 : index
    %swap3A_152 = vector.load %arg4[%swap3A_149, %swap3A_150, %swap3A_151] : memref<2x128x1024xf32, #tpu.memory_space<vmem>>, vector<1x128x1000xf32>
    %swap3A_153 = vector.shape_cast %swap3A_152 : vector<1x128x1000xf32> to vector<128x1000xf32>
    %swap3A_154 = vector.shape_cast %get3A_148 : vector<128x1000xf32> to vector<1x128x1000xf32>
    tpu.vector_store %arg4[%swap3A_149, %swap3A_150, %swap3A_151], %swap3A_154 {strides = array<i32>} : memref<2x128x1024xf32, #tpu.memory_space<vmem>>, vector<1x128x1000xf32>,
    %neg3A_155 = arith.constant 0.000000e+00 : f32
    %neg3A_156 = vector.broadcast %neg3A_155 : f32 to vector<128x1000xf32>
    %neg3A_157 = arith.subf %neg3A_156, %get3A_148 : vector<128x1000xf32>
    %exp3A_158 = math.exp %neg3A_157 : vector<128x1000xf32>
    %reduce_sum3A_159 = arith.constant dense<0.000000e+00> : vector<128xf32>
    %reduce_sum3A_160 = vector.multi_reduction <add>, %exp3A_158, %reduce_sum3A_159 [1] : vector<128x1000xf32> to vector<128xf32>
    %broadcast_in_dim3A_161 = vector.shape_cast %reduce_sum3A_160 : vector<128xf32> to vector<128x1xf32>
    %swap3A_162 = arith.constant 1 : index
    %swap3A_163 = arith.constant 0 : index
    %swap3A_164 = arith.constant 0 : index
    %swap3A_165 = vector.load %arg5[%swap3A_162, %swap3A_163, %swap3A_164] : memref<2x128x1xf32, #tpu.memory_space<vmem>>, vector<1x128x1xf32>
    %swap3A_166 = vector.shape_cast %swap3A_165 : vector<1x128x1xf32> to vector<128x1xf32>
    %swap3A_167 = vector.shape_cast %broadcast_in_dim3A_161 : vector<128x1xf32> to vector<1x128x1xf32>
    tpu.vector_store %arg5[%swap3A_162, %swap3A_163, %swap3A_164], %swap3A_167 {strides = array<i32>} : memref<2x128x1xf32, #tpu.memory_space<vmem>>, vector<1x128x1xf32>,
    %dma_start3A_168 = arith.constant 1 : i32
    %dma_start3A_169 = arith.constant 8 : i32
    %dma_start3A_170 = arith.constant 0 : i32
    %dma_start3A_171 = arith.constant 0 : i32
    %dma_start3A_172 = tpu.memref_slice %arg1[%dma_start3A_169, %dma_start3A_170, %dma_start3A_171] : memref<64x128x128xf32, #tpu.memory_space<hbm>> -> memref<1x128x128xf32, #tpu.memory_space<hbm>>
    %dma_start3A_173 = tpu.memref_squeeze %dma_start3A_172 : memref<1x128x128xf32, #tpu.memory_space<hbm>> -> memref<128x128xf32, #tpu.memory_space<hbm>>
    %dma_start3A_174 = arith.constant 0 : i32
    %dma_start3A_175 = arith.constant 0 : i32
    %dma_start3A_176 = tpu.memref_slice %arg4[%dma_start3A_168, %dma_start3A_174, %dma_start3A_175] : memref<2x128x1024xf32, #tpu.memory_space<vmem>> -> memref<1x128x128xf32, #tpu.memory_space<vmem>>
    %dma_start3A_177 = tpu.memref_squeeze %dma_start3A_176 : memref<1x128x128xf32, #tpu.memory_space<vmem>> -> memref<128x128xf32, #tpu.memory_space<vmem>>
    tpu.enqueue_dma source(%dma_start3A_177 : memref<128x128xf32, #tpu.memory_space<vmem>>) target(%dma_start3A_173 : memref<128x128xf32, #tpu.memory_space<hbm>>) target_semaphore(%arg7 : memref<!tpu.dma_semaphore, #tpu.memory_space<semaphore_mem>>)
    %dma_start3A_178 = arith.constant 1 : i32
    %dma_start3A_179 = arith.constant 9 : i32
    %dma_start3A_180 = arith.constant 0 : i32
    %dma_start3A_181 = arith.constant 0 : i32
    %dma_start3A_182 = tpu.memref_slice %arg1[%dma_start3A_179, %dma_start3A_180, %dma_start3A_181] : memref<64x128x128xf32, #tpu.memory_space<hbm>> -> memref<1x128x128xf32, #tpu.memory_space<hbm>>
    %dma_start3A_183 = tpu.memref_squeeze %dma_start3A_182 : memref<1x128x128xf32, #tpu.memory_space<hbm>> -> memref<128x128xf32, #tpu.memory_space<hbm>>
    %dma_start3A_184 = arith.constant 0 : i32
    %dma_start3A_185 = arith.constant 128 : i32
    %dma_start3A_186 = tpu.memref_slice %arg4[%dma_start3A_178, %dma_start3A_184, %dma_start3A_185] : memref<2x128x1024xf32, #tpu.memory_space<vmem>> -> memref<1x128x128xf32, #tpu.memory_space<vmem>>
    %dma_start3A_187 = tpu.memref_squeeze %dma_start3A_186 : memref<1x128x128xf32, #tpu.memory_space<vmem>> -> memref<128x128xf32, #tpu.memory_space<vmem>>
    tpu.enqueue_dma source(%dma_start3A_187 : memref<128x128xf32, #tpu.memory_space<vmem>>) target(%dma_start3A_183 : memref<128x128xf32, #tpu.memory_space<hbm>>) target_semaphore(%arg7 : memref<!tpu.dma_semaphore, #tpu.memory_space<semaphore_mem>>)
    %dma_start3A_188 = arith.constant 1 : i32
    %dma_start3A_189 = arith.constant 10 : i32
    %dma_start3A_190 = arith.constant 0 : i32
    %dma_start3A_191 = arith.constant 0 : i32
    %dma_start3A_192 = tpu.memref_slice %arg1[%dma_start3A_189, %dma_start3A_190, %dma_start3A_191] : memref<64x128x128xf32, #tpu.memory_space<hbm>> -> memref<1x128x128xf32, #tpu.memory_space<hbm>>
    %dma_start3A_193 = tpu.memref_squeeze %dma_start3A_192 : memref<1x128x128xf32, #tpu.memory_space<hbm>> -> memref<128x128xf32, #tpu.memory_space<hbm>>
    %dma_start3A_194 = arith.constant 0 : i32
    %dma_start3A_195 = arith.constant 256 : i32
    %dma_start3A_196 = tpu.memref_slice %arg4[%dma_start3A_188, %dma_start3A_194, %dma_start3A_195] : memref<2x128x1024xf32, #tpu.memory_space<vmem>> -> memref<1x128x128xf32, #tpu.memory_space<vmem>>
    %dma_start3A_197 = tpu.memref_squeeze %dma_start3A_196 : memref<1x128x128xf32, #tpu.memory_space<vmem>> -> memref<128x128xf32, #tpu.memory_space<vmem>>
    tpu.enqueue_dma source(%dma_start3A_197 : memref<128x128xf32, #tpu.memory_space<vmem>>) target(%dma_start3A_193 : memref<128x128xf32, #tpu.memory_space<hbm>>) target_semaphore(%arg7 : memref<!tpu.dma_semaphore, #tpu.memory_space<semaphore_mem>>)
    %dma_start3A_198 = arith.constant 1 : i32
    %dma_start3A_199 = arith.constant 11 : i32
    %dma_start3A_200 = arith.constant 0 : i32
    %dma_start3A_201 = arith.constant 0 : i32
    %dma_start3A_202 = tpu.memref_slice %arg1[%dma_start3A_199, %dma_start3A_200, %dma_start3A_201] : memref<64x128x128xf32, #tpu.memory_space<hbm>> -> memref<1x128x128xf32, #tpu.memory_space<hbm>>
    %dma_start3A_203 = tpu.memref_squeeze %dma_start3A_202 : memref<1x128x128xf32, #tpu.memory_space<hbm>> -> memref<128x128xf32, #tpu.memory_space<hbm>>
    %dma_start3A_204 = arith.constant 0 : i32
    %dma_start3A_205 = arith.constant 384 : i32
    %dma_start3A_206 = tpu.memref_slice %arg4[%dma_start3A_198, %dma_start3A_204, %dma_start3A_205] : memref<2x128x1024xf32, #tpu.memory_space<vmem>> -> memref<1x128x128xf32, #tpu.memory_space<vmem>>
    %dma_start3A_207 = tpu.memref_squeeze %dma_start3A_206 : memref<1x128x128xf32, #tpu.memory_space<vmem>> -> memref<128x128xf32, #tpu.memory_space<vmem>>
    tpu.enqueue_dma source(%dma_start3A_207 : memref<128x128xf32, #tpu.memory_space<vmem>>) target(%dma_start3A_203 : memref<128x128xf32, #tpu.memory_space<hbm>>) target_semaphore(%arg7 : memref<!tpu.dma_semaphore, #tpu.memory_space<semaphore_mem>>)
    %dma_start3A_208 = arith.constant 1 : i32
    %dma_start3A_209 = arith.constant 12 : i32
    %dma_start3A_210 = arith.constant 0 : i32
    %dma_start3A_211 = arith.constant 0 : i32
    %dma_start3A_212 = tpu.memref_slice %arg1[%dma_start3A_209, %dma_start3A_210, %dma_start3A_211] : memref<64x128x128xf32, #tpu.memory_space<hbm>> -> memref<1x128x128xf32, #tpu.memory_space<hbm>>
    %dma_start3A_213 = tpu.memref_squeeze %dma_start3A_212 : memref<1x128x128xf32, #tpu.memory_space<hbm>> -> memref<128x128xf32, #tpu.memory_space<hbm>>
    %dma_start3A_214 = arith.constant 0 : i32
    %dma_start3A_215 = arith.constant 512 : i32
    %dma_start3A_216 = tpu.memref_slice %arg4[%dma_start3A_208, %dma_start3A_214, %dma_start3A_215] : memref<2x128x1024xf32, #tpu.memory_space<vmem>> -> memref<1x128x128xf32, #tpu.memory_space<vmem>>
    %dma_start3A_217 = tpu.memref_squeeze %dma_start3A_216 : memref<1x128x128xf32, #tpu.memory_space<vmem>> -> memref<128x128xf32, #tpu.memory_space<vmem>>
    tpu.enqueue_dma source(%dma_start3A_217 : memref<128x128xf32, #tpu.memory_space<vmem>>) target(%dma_start3A_213 : memref<128x128xf32, #tpu.memory_space<hbm>>) target_semaphore(%arg7 : memref<!tpu.dma_semaphore, #tpu.memory_space<semaphore_mem>>)
    %dma_start3A_218 = arith.constant 1 : i32
    %dma_start3A_219 = arith.constant 13 : i32
    %dma_start3A_220 = arith.constant 0 : i32
    %dma_start3A_221 = arith.constant 0 : i32
    %dma_start3A_222 = tpu.memref_slice %arg1[%dma_start3A_219, %dma_start3A_220, %dma_start3A_221] : memref<64x128x128xf32, #tpu.memory_space<hbm>> -> memref<1x128x128xf32, #tpu.memory_space<hbm>>
    %dma_start3A_223 = tpu.memref_squeeze %dma_start3A_222 : memref<1x128x128xf32, #tpu.memory_space<hbm>> -> memref<128x128xf32, #tpu.memory_space<hbm>>
    %dma_start3A_224 = arith.constant 0 : i32
    %dma_start3A_225 = arith.constant 640 : i32
    %dma_start3A_226 = tpu.memref_slice %arg4[%dma_start3A_218, %dma_start3A_224, %dma_start3A_225] : memref<2x128x1024xf32, #tpu.memory_space<vmem>> -> memref<1x128x128xf32, #tpu.memory_space<vmem>>
    %dma_start3A_227 = tpu.memref_squeeze %dma_start3A_226 : memref<1x128x128xf32, #tpu.memory_space<vmem>> -> memref<128x128xf32, #tpu.memory_space<vmem>>
    tpu.enqueue_dma source(%dma_start3A_227 : memref<128x128xf32, #tpu.memory_space<vmem>>) target(%dma_start3A_223 : memref<128x128xf32, #tpu.memory_space<hbm>>) target_semaphore(%arg7 : memref<!tpu.dma_semaphore, #tpu.memory_space<semaphore_mem>>)
    %dma_start3A_228 = arith.constant 1 : i32
    %dma_start3A_229 = arith.constant 14 : i32
    %dma_start3A_230 = arith.constant 0 : i32
    %dma_start3A_231 = arith.constant 0 : i32
    %dma_start3A_232 = tpu.memref_slice %arg1[%dma_start3A_229, %dma_start3A_230, %dma_start3A_231] : memref<64x128x128xf32, #tpu.memory_space<hbm>> -> memref<1x128x128xf32, #tpu.memory_space<hbm>>
    %dma_start3A_233 = tpu.memref_squeeze %dma_start3A_232 : memref<1x128x128xf32, #tpu.memory_space<hbm>> -> memref<128x128xf32, #tpu.memory_space<hbm>>
    %dma_start3A_234 = arith.constant 0 : i32
    %dma_start3A_235 = arith.constant 768 : i32
    %dma_start3A_236 = tpu.memref_slice %arg4[%dma_start3A_228, %dma_start3A_234, %dma_start3A_235] : memref<2x128x1024xf32, #tpu.memory_space<vmem>> -> memref<1x128x128xf32, #tpu.memory_space<vmem>>
    %dma_start3A_237 = tpu.memref_squeeze %dma_start3A_236 : memref<1x128x128xf32, #tpu.memory_space<vmem>> -> memref<128x128xf32, #tpu.memory_space<vmem>>
    tpu.enqueue_dma source(%dma_start3A_237 : memref<128x128xf32, #tpu.memory_space<vmem>>) target(%dma_start3A_233 : memref<128x128xf32, #tpu.memory_space<hbm>>) target_semaphore(%arg7 : memref<!tpu.dma_semaphore, #tpu.memory_space<semaphore_mem>>)
    %dma_start3A_238 = arith.constant 1 : i32
    %dma_start3A_239 = arith.constant 15 : i32
    %dma_start3A_240 = arith.constant 0 : i32
    %dma_start3A_241 = arith.constant 0 : i32
    %dma_start3A_242 = tpu.memref_slice %arg1[%dma_start3A_239, %dma_start3A_240, %dma_start3A_241] : memref<64x128x128xf32, #tpu.memory_space<hbm>> -> memref<1x128x128xf32, #tpu.memory_space<hbm>>
    %dma_start3A_243 = tpu.memref_squeeze %dma_start3A_242 : memref<1x128x128xf32, #tpu.memory_space<hbm>> -> memref<128x128xf32, #tpu.memory_space<hbm>>
    %dma_start3A_244 = arith.constant 0 : i32
    %dma_start3A_245 = arith.constant 896 : i32
    %dma_start3A_246 = tpu.memref_slice %arg4[%dma_start3A_238, %dma_start3A_244, %dma_start3A_245] : memref<2x128x1024xf32, #tpu.memory_space<vmem>> -> memref<1x128x128xf32, #tpu.memory_space<vmem>>
    %dma_start3A_247 = tpu.memref_squeeze %dma_start3A_246 : memref<1x128x128xf32, #tpu.memory_space<vmem>> -> memref<128x128xf32, #tpu.memory_space<vmem>>
    tpu.enqueue_dma source(%dma_start3A_247 : memref<128x128xf32, #tpu.memory_space<vmem>>) target(%dma_start3A_243 : memref<128x128xf32, #tpu.memory_space<hbm>>) target_semaphore(%arg7 : memref<!tpu.dma_semaphore, #tpu.memory_space<semaphore_mem>>)
    %dma_start3A_248 = arith.constant 1 : i32
    %dma_start3A_249 = arith.constant 128 : i32
    %dma_start3A_250 = arith.constant 0 : i32
    %dma_start3A_251 = tpu.memref_slice %arg2[%dma_start3A_249, %dma_start3A_250] : memref<1024x1xf32, #tpu.memory_space<hbm>> -> memref<128x1xf32, #tpu.memory_space<hbm>>
    %dma_start3A_252 = arith.constant 0 : i32
    %dma_start3A_253 = arith.constant 0 : i32
    %dma_start3A_254 = tpu.memref_slice %arg5[%dma_start3A_248, %dma_start3A_252, %dma_start3A_253] : memref<2x128x1xf32, #tpu.memory_space<vmem>> -> memref<1x128x1xf32, #tpu.memory_space<vmem>>
    %dma_start3A_255 = tpu.memref_squeeze %dma_start3A_254 : memref<1x128x1xf32, #tpu.memory_space<vmem>> -> memref<128x1xf32, #tpu.memory_space<vmem>>
    tpu.enqueue_dma source(%dma_start3A_255 : memref<128x1xf32, #tpu.memory_space<vmem>>) target(%dma_start3A_251 : memref<128x1xf32, #tpu.memory_space<hbm>>) target_semaphore(%arg8 : memref<!tpu.dma_semaphore, #tpu.memory_space<semaphore_mem>>)
    %dma_start3A_256 = arith.constant 1 : i32
    %dma_start3A_257 = arith.constant 0 : i32
    %dma_start3A_258 = arith.constant 0 : i32
    %dma_start3A_259 = tpu.memref_slice %arg3[%dma_start3A_256, %dma_start3A_257, %dma_start3A_258] : memref<2x128x1000xf32, #tpu.memory_space<vmem>> -> memref<1x128x1000xf32, #tpu.memory_space<vmem>>
    %dma_start3A_260 = tpu.memref_squeeze %dma_start3A_259 : memref<1x128x1000xf32, #tpu.memory_space<vmem>> -> memref<128x1000xf32, #tpu.memory_space<vmem>>
    %dma_start3A_261 = arith.constant 384 : i32
    %dma_start3A_262 = arith.constant 0 : i32
    %dma_start3A_263 = tpu.memref_slice %arg0[%dma_start3A_261, %dma_start3A_262] : memref<1024x1000xf32, #tpu.memory_space<hbm>> -> memref<128x1000xf32, #tpu.memory_space<hbm>>
    tpu.enqueue_dma source(%dma_start3A_263 : memref<128x1000xf32, #tpu.memory_space<hbm>>) target(%dma_start3A_260 : memref<128x1000xf32, #tpu.memory_space<vmem>>) target_semaphore(%arg6 : memref<!tpu.dma_semaphore, #tpu.memory_space<semaphore_mem>>)
    %dma_wait3A_264 = arith.constant 0 : i32
    %dma_wait3A_265 = arith.constant 0 : i32
    %dma_wait3A_266 = arith.constant 0 : i32
    %dma_wait3A_267 = arith.constant 0 : i32
    %dma_wait3A_268 = tpu.memref_slice %arg1[%dma_wait3A_265, %dma_wait3A_266, %dma_wait3A_267] : memref<64x128x128xf32, #tpu.memory_space<hbm>> -> memref<1x128x128xf32, #tpu.memory_space<hbm>>
    %dma_wait3A_269 = tpu.memref_squeeze %dma_wait3A_268 : memref<1x128x128xf32, #tpu.memory_space<hbm>> -> memref<128x128xf32, #tpu.memory_space<hbm>>
    %dma_wait3A_270 = arith.constant 0 : i32
    %dma_wait3A_271 = arith.constant 0 : i32
    %dma_wait3A_272 = tpu.memref_slice %arg4[%dma_wait3A_264, %dma_wait3A_270, %dma_wait3A_271] : memref<2x128x1024xf32, #tpu.memory_space<vmem>> -> memref<1x128x128xf32, #tpu.memory_space<vmem>>
    %dma_wait3A_273 = tpu.memref_squeeze %dma_wait3A_272 : memref<1x128x128xf32, #tpu.memory_space<vmem>> -> memref<128x128xf32, #tpu.memory_space<vmem>>
    tpu.wait_dma2 semaphore(%arg7 : memref<!tpu.dma_semaphore, #tpu.memory_space<semaphore_mem>>) src(%dma_wait3A_273 : memref<128x128xf32, #tpu.memory_space<vmem>>) dst(%dma_wait3A_269 : memref<128x128xf32, #tpu.memory_space<hbm>>)
    %dma_wait3A_274 = arith.constant 0 : i32
    %dma_wait3A_275 = arith.constant 1 : i32
    %dma_wait3A_276 = arith.constant 0 : i32
    %dma_wait3A_277 = arith.constant 0 : i32
    %dma_wait3A_278 = tpu.memref_slice %arg1[%dma_wait3A_275, %dma_wait3A_276, %dma_wait3A_277] : memref<64x128x128xf32, #tpu.memory_space<hbm>> -> memref<1x128x128xf32, #tpu.memory_space<hbm>>
    %dma_wait3A_279 = tpu.memref_squeeze %dma_wait3A_278 : memref<1x128x128xf32, #tpu.memory_space<hbm>> -> memref<128x128xf32, #tpu.memory_space<hbm>>
    %dma_wait3A_280 = arith.constant 0 : i32
    %dma_wait3A_281 = arith.constant 128 : i32
    %dma_wait3A_282 = tpu.memref_slice %arg4[%dma_wait3A_274, %dma_wait3A_280, %dma_wait3A_281] : memref<2x128x1024xf32, #tpu.memory_space<vmem>> -> memref<1x128x128xf32, #tpu.memory_space<vmem>>
    %dma_wait3A_283 = tpu.memref_squeeze %dma_wait3A_282 : memref<1x128x128xf32, #tpu.memory_space<vmem>> -> memref<128x128xf32, #tpu.memory_space<vmem>>
    tpu.wait_dma2 semaphore(%arg7 : memref<!tpu.dma_semaphore, #tpu.memory_space<semaphore_mem>>) src(%dma_wait3A_283 : memref<128x128xf32, #tpu.memory_space<vmem>>) dst(%dma_wait3A_279 : memref<128x128xf32, #tpu.memory_space<hbm>>)
    %dma_wait3A_284 = arith.constant 0 : i32
    %dma_wait3A_285 = arith.constant 2 : i32
    %dma_wait3A_286 = arith.constant 0 : i32
    %dma_wait3A_287 = arith.constant 0 : i32
    %dma_wait3A_288 = tpu.memref_slice %arg1[%dma_wait3A_285, %dma_wait3A_286, %dma_wait3A_287] : memref<64x128x128xf32, #tpu.memory_space<hbm>> -> memref<1x128x128xf32, #tpu.memory_space<hbm>>
    %dma_wait3A_289 = tpu.memref_squeeze %dma_wait3A_288 : memref<1x128x128xf32, #tpu.memory_space<hbm>> -> memref<128x128xf32, #tpu.memory_space<hbm>>
    %dma_wait3A_290 = arith.constant 0 : i32
    %dma_wait3A_291 = arith.constant 256 : i32
    %dma_wait3A_292 = tpu.memref_slice %arg4[%dma_wait3A_284, %dma_wait3A_290, %dma_wait3A_291] : memref<2x128x1024xf32, #tpu.memory_space<vmem>> -> memref<1x128x128xf32, #tpu.memory_space<vmem>>
    %dma_wait3A_293 = tpu.memref_squeeze %dma_wait3A_292 : memref<1x128x128xf32, #tpu.memory_space<vmem>> -> memref<128x128xf32, #tpu.memory_space<vmem>>
    tpu.wait_dma2 semaphore(%arg7 : memref<!tpu.dma_semaphore, #tpu.memory_space<semaphore_mem>>) src(%dma_wait3A_293 : memref<128x128xf32, #tpu.memory_space<vmem>>) dst(%dma_wait3A_289 : memref<128x128xf32, #tpu.memory_space<hbm>>)
    %dma_wait3A_294 = arith.constant 0 : i32
    %dma_wait3A_295 = arith.constant 3 : i32
    %dma_wait3A_296 = arith.constant 0 : i32
    %dma_wait3A_297 = arith.constant 0 : i32
    %dma_wait3A_298 = tpu.memref_slice %arg1[%dma_wait3A_295, %dma_wait3A_296, %dma_wait3A_297] : memref<64x128x128xf32, #tpu.memory_space<hbm>> -> memref<1x128x128xf32, #tpu.memory_space<hbm>>
    %dma_wait3A_299 = tpu.memref_squeeze %dma_wait3A_298 : memref<1x128x128xf32, #tpu.memory_space<hbm>> -> memref<128x128xf32, #tpu.memory_space<hbm>>
    %dma_wait3A_300 = arith.constant 0 : i32
    %dma_wait3A_301 = arith.constant 384 : i32
    %dma_wait3A_302 = tpu.memref_slice %arg4[%dma_wait3A_294, %dma_wait3A_300, %dma_wait3A_301] : memref<2x128x1024xf32, #tpu.memory_space<vmem>> -> memref<1x128x128xf32, #tpu.memory_space<vmem>>
    %dma_wait3A_303 = tpu.memref_squeeze %dma_wait3A_302 : memref<1x128x128xf32, #tpu.memory_space<vmem>> -> memref<128x128xf32, #tpu.memory_space<vmem>>
    tpu.wait_dma2 semaphore(%arg7 : memref<!tpu.dma_semaphore, #tpu.memory_space<semaphore_mem>>) src(%dma_wait3A_303 : memref<128x128xf32, #tpu.memory_space<vmem>>) dst(%dma_wait3A_299 : memref<128x128xf32, #tpu.memory_space<hbm>>)
    %dma_wait3A_304 = arith.constant 0 : i32
    %dma_wait3A_305 = arith.constant 4 : i32
    %dma_wait3A_306 = arith.constant 0 : i32
    %dma_wait3A_307 = arith.constant 0 : i32
    %dma_wait3A_308 = tpu.memref_slice %arg1[%dma_wait3A_305, %dma_wait3A_306, %dma_wait3A_307] : memref<64x128x128xf32, #tpu.memory_space<hbm>> -> memref<1x128x128xf32, #tpu.memory_space<hbm>>
    %dma_wait3A_309 = tpu.memref_squeeze %dma_wait3A_308 : memref<1x128x128xf32, #tpu.memory_space<hbm>> -> memref<128x128xf32, #tpu.memory_space<hbm>>
    %dma_wait3A_310 = arith.constant 0 : i32
    %dma_wait3A_311 = arith.constant 512 : i32
    %dma_wait3A_312 = tpu.memref_slice %arg4[%dma_wait3A_304, %dma_wait3A_310, %dma_wait3A_311] : memref<2x128x1024xf32, #tpu.memory_space<vmem>> -> memref<1x128x128xf32, #tpu.memory_space<vmem>>
    %dma_wait3A_313 = tpu.memref_squeeze %dma_wait3A_312 : memref<1x128x128xf32, #tpu.memory_space<vmem>> -> memref<128x128xf32, #tpu.memory_space<vmem>>
    tpu.wait_dma2 semaphore(%arg7 : memref<!tpu.dma_semaphore, #tpu.memory_space<semaphore_mem>>) src(%dma_wait3A_313 : memref<128x128xf32, #tpu.memory_space<vmem>>) dst(%dma_wait3A_309 : memref<128x128xf32, #tpu.memory_space<hbm>>)
    %dma_wait3A_314 = arith.constant 0 : i32
    %dma_wait3A_315 = arith.constant 5 : i32
    %dma_wait3A_316 = arith.constant 0 : i32
    %dma_wait3A_317 = arith.constant 0 : i32
    %dma_wait3A_318 = tpu.memref_slice %arg1[%dma_wait3A_315, %dma_wait3A_316, %dma_wait3A_317] : memref<64x128x128xf32, #tpu.memory_space<hbm>> -> memref<1x128x128xf32, #tpu.memory_space<hbm>>
    %dma_wait3A_319 = tpu.memref_squeeze %dma_wait3A_318 : memref<1x128x128xf32, #tpu.memory_space<hbm>> -> memref<128x128xf32, #tpu.memory_space<hbm>>
    %dma_wait3A_320 = arith.constant 0 : i32
    %dma_wait3A_321 = arith.constant 640 : i32
    %dma_wait3A_322 = tpu.memref_slice %arg4[%dma_wait3A_314, %dma_wait3A_320, %dma_wait3A_321] : memref<2x128x1024xf32, #tpu.memory_space<vmem>> -> memref<1x128x128xf32, #tpu.memory_space<vmem>>
    %dma_wait3A_323 = tpu.memref_squeeze %dma_wait3A_322 : memref<1x128x128xf32, #tpu.memory_space<vmem>> -> memref<128x128xf32, #tpu.memory_space<vmem>>
    tpu.wait_dma2 semaphore(%arg7 : memref<!tpu.dma_semaphore, #tpu.memory_space<semaphore_mem>>) src(%dma_wait3A_323 : memref<128x128xf32, #tpu.memory_space<vmem>>) dst(%dma_wait3A_319 : memref<128x128xf32, #tpu.memory_space<hbm>>)
    %dma_wait3A_324 = arith.constant 0 : i32
    %dma_wait3A_325 = arith.constant 6 : i32
    %dma_wait3A_326 = arith.constant 0 : i32
    %dma_wait3A_327 = arith.constant 0 : i32
    %dma_wait3A_328 = tpu.memref_slice %arg1[%dma_wait3A_325, %dma_wait3A_326, %dma_wait3A_327] : memref<64x128x128xf32, #tpu.memory_space<hbm>> -> memref<1x128x128xf32, #tpu.memory_space<hbm>>
    %dma_wait3A_329 = tpu.memref_squeeze %dma_wait3A_328 : memref<1x128x128xf32, #tpu.memory_space<hbm>> -> memref<128x128xf32, #tpu.memory_space<hbm>>
    %dma_wait3A_330 = arith.constant 0 : i32
    %dma_wait3A_331 = arith.constant 768 : i32
    %dma_wait3A_332 = tpu.memref_slice %arg4[%dma_wait3A_324, %dma_wait3A_330, %dma_wait3A_331] : memref<2x128x1024xf32, #tpu.memory_space<vmem>> -> memref<1x128x128xf32, #tpu.memory_space<vmem>>
    %dma_wait3A_333 = tpu.memref_squeeze %dma_wait3A_332 : memref<1x128x128xf32, #tpu.memory_space<vmem>> -> memref<128x128xf32, #tpu.memory_space<vmem>>
    tpu.wait_dma2 semaphore(%arg7 : memref<!tpu.dma_semaphore, #tpu.memory_space<semaphore_mem>>) src(%dma_wait3A_333 : memref<128x128xf32, #tpu.memory_space<vmem>>) dst(%dma_wait3A_329 : memref<128x128xf32, #tpu.memory_space<hbm>>)
    %dma_wait3A_334 = arith.constant 0 : i32
    %dma_wait3A_335 = arith.constant 7 : i32
    %dma_wait3A_336 = arith.constant 0 : i32
    %dma_wait3A_337 = arith.constant 0 : i32
    %dma_wait3A_338 = tpu.memref_slice %arg1[%dma_wait3A_335, %dma_wait3A_336, %dma_wait3A_337] : memref<64x128x128xf32, #tpu.memory_space<hbm>> -> memref<1x128x128xf32, #tpu.memory_space<hbm>>
    %dma_wait3A_339 = tpu.memref_squeeze %dma_wait3A_338 : memref<1x128x128xf32, #tpu.memory_space<hbm>> -> memref<128x128xf32, #tpu.memory_space<hbm>>
    %dma_wait3A_340 = arith.constant 0 : i32
    %dma_wait3A_341 = arith.constant 896 : i32
    %dma_wait3A_342 = tpu.memref_slice %arg4[%dma_wait3A_334, %dma_wait3A_340, %dma_wait3A_341] : memref<2x128x1024xf32, #tpu.memory_space<vmem>> -> memref<1x128x128xf32, #tpu.memory_space<vmem>>
    %dma_wait3A_343 = tpu.memref_squeeze %dma_wait3A_342 : memref<1x128x128xf32, #tpu.memory_space<vmem>> -> memref<128x128xf32, #tpu.memory_space<vmem>>
    tpu.wait_dma2 semaphore(%arg7 : memref<!tpu.dma_semaphore, #tpu.memory_space<semaphore_mem>>) src(%dma_wait3A_343 : memref<128x128xf32, #tpu.memory_space<vmem>>) dst(%dma_wait3A_339 : memref<128x128xf32, #tpu.memory_space<hbm>>)
    %dma_wait3A_344 = arith.constant 0 : i32
    %dma_wait3A_345 = arith.constant 0 : i32
    %dma_wait3A_346 = arith.constant 0 : i32
    %dma_wait3A_347 = tpu.memref_slice %arg2[%dma_wait3A_345, %dma_wait3A_346] : memref<1024x1xf32, #tpu.memory_space<hbm>> -> memref<128x1xf32, #tpu.memory_space<hbm>>
    %dma_wait3A_348 = arith.constant 0 : i32
    %dma_wait3A_349 = arith.constant 0 : i32
    %dma_wait3A_350 = tpu.memref_slice %arg5[%dma_wait3A_344, %dma_wait3A_348, %dma_wait3A_349] : memref<2x128x1xf32, #tpu.memory_space<vmem>> -> memref<1x128x1xf32, #tpu.memory_space<vmem>>
    %dma_wait3A_351 = tpu.memref_squeeze %dma_wait3A_350 : memref<1x128x1xf32, #tpu.memory_space<vmem>> -> memref<128x1xf32, #tpu.memory_space<vmem>>
    tpu.wait_dma2 semaphore(%arg8 : memref<!tpu.dma_semaphore, #tpu.memory_space<semaphore_mem>>) src(%dma_wait3A_351 : memref<128x1xf32, #tpu.memory_space<vmem>>) dst(%dma_wait3A_347 : memref<128x1xf32, #tpu.memory_space<hbm>>)
    %dma_wait3A_352 = arith.constant 0 : i32
    %dma_wait3A_353 = arith.constant 0 : i32
    %dma_wait3A_354 = arith.constant 0 : i32
    %dma_wait3A_355 = tpu.memref_slice %arg3[%dma_wait3A_352, %dma_wait3A_353, %dma_wait3A_354] : memref<2x128x1000xf32, #tpu.memory_space<vmem>> -> memref<1x128x1000xf32, #tpu.memory_space<vmem>>
    %dma_wait3A_356 = tpu.memref_squeeze %dma_wait3A_355 : memref<1x128x1000xf32, #tpu.memory_space<vmem>> -> memref<128x1000xf32, #tpu.memory_space<vmem>>
    %dma_wait3A_357 = arith.constant 256 : i32
    %dma_wait3A_358 = arith.constant 0 : i32
    %dma_wait3A_359 = tpu.memref_slice %arg0[%dma_wait3A_357, %dma_wait3A_358] : memref<1024x1000xf32, #tpu.memory_space<hbm>> -> memref<128x1000xf32, #tpu.memory_space<hbm>>
    tpu.wait_dma2 semaphore(%arg6 : memref<!tpu.dma_semaphore, #tpu.memory_space<semaphore_mem>>) src(%dma_wait3A_359 : memref<128x1000xf32, #tpu.memory_space<hbm>>) dst(%dma_wait3A_356 : memref<128x1000xf32, #tpu.memory_space<vmem>>)
    %get3A_360 = arith.constant 0 : index
    %get3A_361 = arith.constant 0 : index
    %get3A_362 = arith.constant 0 : index
    %get3A_363 = vector.load %arg3[%get3A_360, %get3A_361, %get3A_362] : memref<2x128x1000xf32, #tpu.memory_space<vmem>>, vector<1x128x1000xf32>
    %get3A_364 = vector.shape_cast %get3A_363 : vector<1x128x1000xf32> to vector<128x1000xf32>
    %swap3A_365 = arith.constant 0 : index
    %swap3A_366 = arith.constant 0 : index
    %swap3A_367 = arith.constant 0 : index
    %swap3A_368 = vector.load %arg4[%swap3A_365, %swap3A_366, %swap3A_367] : memref<2x128x1024xf32, #tpu.memory_space<vmem>>, vector<1x128x1000xf32>
    %swap3A_369 = vector.shape_cast %swap3A_368 : vector<1x128x1000xf32> to vector<128x1000xf32>
    %swap3A_370 = vector.shape_cast %get3A_364 : vector<128x1000xf32> to vector<1x128x1000xf32>
    tpu.vector_store %arg4[%swap3A_365, %swap3A_366, %swap3A_367], %swap3A_370 {strides = array<i32>} : memref<2x128x1024xf32, #tpu.memory_space<vmem>>, vector<1x128x1000xf32>,
    %neg3A_371 = arith.constant 0.000000e+00 : f32
    %neg3A_372 = vector.broadcast %neg3A_371 : f32 to vector<128x1000xf32>
    %neg3A_373 = arith.subf %neg3A_372, %get3A_364 : vector<128x1000xf32>
    %exp3A_374 = math.exp %neg3A_373 : vector<128x1000xf32>
    %reduce_sum3A_375 = arith.constant dense<0.000000e+00> : vector<128xf32>
    %reduce_sum3A_376 = vector.multi_reduction <add>, %exp3A_374, %reduce_sum3A_375 [1] : vector<128x1000xf32> to vector<128xf32>
    %broadcast_in_dim3A_377 = vector.shape_cast %reduce_sum3A_376 : vector<128xf32> to vector<128x1xf32>
    %swap3A_378 = arith.constant 0 : index
    %swap3A_379 = arith.constant 0 : index
    %swap3A_380 = arith.constant 0 : index
    %swap3A_381 = vector.load %arg5[%swap3A_378, %swap3A_379, %swap3A_380] : memref<2x128x1xf32, #tpu.memory_space<vmem>>, vector<1x128x1xf32>
    %swap3A_382 = vector.shape_cast %swap3A_381 : vector<1x128x1xf32> to vector<128x1xf32>
    %swap3A_383 = vector.shape_cast %broadcast_in_dim3A_377 : vector<128x1xf32> to vector<1x128x1xf32>
    tpu.vector_store %arg5[%swap3A_378, %swap3A_379, %swap3A_380], %swap3A_383 {strides = array<i32>} : memref<2x128x1xf32, #tpu.memory_space<vmem>>, vector<1x128x1xf32>,
    %dma_start3A_384 = arith.constant 0 : i32
    %dma_start3A_385 = arith.constant 16 : i32
    %dma_start3A_386 = arith.constant 0 : i32
    %dma_start3A_387 = arith.constant 0 : i32
    %dma_start3A_388 = tpu.memref_slice %arg1[%dma_start3A_385, %dma_start3A_386, %dma_start3A_387] : memref<64x128x128xf32, #tpu.memory_space<hbm>> -> memref<1x128x128xf32, #tpu.memory_space<hbm>>
    %dma_start3A_389 = tpu.memref_squeeze %dma_start3A_388 : memref<1x128x128xf32, #tpu.memory_space<hbm>> -> memref<128x128xf32, #tpu.memory_space<hbm>>
    %dma_start3A_390 = arith.constant 0 : i32
    %dma_start3A_391 = arith.constant 0 : i32
    %dma_start3A_392 = tpu.memref_slice %arg4[%dma_start3A_384, %dma_start3A_390, %dma_start3A_391] : memref<2x128x1024xf32, #tpu.memory_space<vmem>> -> memref<1x128x128xf32, #tpu.memory_space<vmem>>
    %dma_start3A_393 = tpu.memref_squeeze %dma_start3A_392 : memref<1x128x128xf32, #tpu.memory_space<vmem>> -> memref<128x128xf32, #tpu.memory_space<vmem>>
    tpu.enqueue_dma source(%dma_start3A_393 : memref<128x128xf32, #tpu.memory_space<vmem>>) target(%dma_start3A_389 : memref<128x128xf32, #tpu.memory_space<hbm>>) target_semaphore(%arg7 : memref<!tpu.dma_semaphore, #tpu.memory_space<semaphore_mem>>)
    %dma_start3A_394 = arith.constant 0 : i32
    %dma_start3A_395 = arith.constant 17 : i32
    %dma_start3A_396 = arith.constant 0 : i32
    %dma_start3A_397 = arith.constant 0 : i32
    %dma_start3A_398 = tpu.memref_slice %arg1[%dma_start3A_395, %dma_start3A_396, %dma_start3A_397] : memref<64x128x128xf32, #tpu.memory_space<hbm>> -> memref<1x128x128xf32, #tpu.memory_space<hbm>>
    %dma_start3A_399 = tpu.memref_squeeze %dma_start3A_398 : memref<1x128x128xf32, #tpu.memory_space<hbm>> -> memref<128x128xf32, #tpu.memory_space<hbm>>
    %dma_start3A_400 = arith.constant 0 : i32
    %dma_start3A_401 = arith.constant 128 : i32
    %dma_start3A_402 = tpu.memref_slice %arg4[%dma_start3A_394, %dma_start3A_400, %dma_start3A_401] : memref<2x128x1024xf32, #tpu.memory_space<vmem>> -> memref<1x128x128xf32, #tpu.memory_space<vmem>>
    %dma_start3A_403 = tpu.memref_squeeze %dma_start3A_402 : memref<1x128x128xf32, #tpu.memory_space<vmem>> -> memref<128x128xf32, #tpu.memory_space<vmem>>
    tpu.enqueue_dma source(%dma_start3A_403 : memref<128x128xf32, #tpu.memory_space<vmem>>) target(%dma_start3A_399 : memref<128x128xf32, #tpu.memory_space<hbm>>) target_semaphore(%arg7 : memref<!tpu.dma_semaphore, #tpu.memory_space<semaphore_mem>>)
    %dma_start3A_404 = arith.constant 0 : i32
    %dma_start3A_405 = arith.constant 18 : i32
    %dma_start3A_406 = arith.constant 0 : i32
    %dma_start3A_407 = arith.constant 0 : i32
    %dma_start3A_408 = tpu.memref_slice %arg1[%dma_start3A_405, %dma_start3A_406, %dma_start3A_407] : memref<64x128x128xf32, #tpu.memory_space<hbm>> -> memref<1x128x128xf32, #tpu.memory_space<hbm>>
    %dma_start3A_409 = tpu.memref_squeeze %dma_start3A_408 : memref<1x128x128xf32, #tpu.memory_space<hbm>> -> memref<128x128xf32, #tpu.memory_space<hbm>>
    %dma_start3A_410 = arith.constant 0 : i32
    %dma_start3A_411 = arith.constant 256 : i32
    %dma_start3A_412 = tpu.memref_slice %arg4[%dma_start3A_404, %dma_start3A_410, %dma_start3A_411] : memref<2x128x1024xf32, #tpu.memory_space<vmem>> -> memref<1x128x128xf32, #tpu.memory_space<vmem>>
    %dma_start3A_413 = tpu.memref_squeeze %dma_start3A_412 : memref<1x128x128xf32, #tpu.memory_space<vmem>> -> memref<128x128xf32, #tpu.memory_space<vmem>>
    tpu.enqueue_dma source(%dma_start3A_413 : memref<128x128xf32, #tpu.memory_space<vmem>>) target(%dma_start3A_409 : memref<128x128xf32, #tpu.memory_space<hbm>>) target_semaphore(%arg7 : memref<!tpu.dma_semaphore, #tpu.memory_space<semaphore_mem>>)
    %dma_start3A_414 = arith.constant 0 : i32
    %dma_start3A_415 = arith.constant 19 : i32
    %dma_start3A_416 = arith.constant 0 : i32
    %dma_start3A_417 = arith.constant 0 : i32
    %dma_start3A_418 = tpu.memref_slice %arg1[%dma_start3A_415, %dma_start3A_416, %dma_start3A_417] : memref<64x128x128xf32, #tpu.memory_space<hbm>> -> memref<1x128x128xf32, #tpu.memory_space<hbm>>
    %dma_start3A_419 = tpu.memref_squeeze %dma_start3A_418 : memref<1x128x128xf32, #tpu.memory_space<hbm>> -> memref<128x128xf32, #tpu.memory_space<hbm>>
    %dma_start3A_420 = arith.constant 0 : i32
    %dma_start3A_421 = arith.constant 384 : i32
    %dma_start3A_422 = tpu.memref_slice %arg4[%dma_start3A_414, %dma_start3A_420, %dma_start3A_421] : memref<2x128x1024xf32, #tpu.memory_space<vmem>> -> memref<1x128x128xf32, #tpu.memory_space<vmem>>
    %dma_start3A_423 = tpu.memref_squeeze %dma_start3A_422 : memref<1x128x128xf32, #tpu.memory_space<vmem>> -> memref<128x128xf32, #tpu.memory_space<vmem>>
    tpu.enqueue_dma source(%dma_start3A_423 : memref<128x128xf32, #tpu.memory_space<vmem>>) target(%dma_start3A_419 : memref<128x128xf32, #tpu.memory_space<hbm>>) target_semaphore(%arg7 : memref<!tpu.dma_semaphore, #tpu.memory_space<semaphore_mem>>)
    %dma_start3A_424 = arith.constant 0 : i32
    %dma_start3A_425 = arith.constant 20 : i32
    %dma_start3A_426 = arith.constant 0 : i32
    %dma_start3A_427 = arith.constant 0 : i32
    %dma_start3A_428 = tpu.memref_slice %arg1[%dma_start3A_425, %dma_start3A_426, %dma_start3A_427] : memref<64x128x128xf32, #tpu.memory_space<hbm>> -> memref<1x128x128xf32, #tpu.memory_space<hbm>>
    %dma_start3A_429 = tpu.memref_squeeze %dma_start3A_428 : memref<1x128x128xf32, #tpu.memory_space<hbm>> -> memref<128x128xf32, #tpu.memory_space<hbm>>
    %dma_start3A_430 = arith.constant 0 : i32
    %dma_start3A_431 = arith.constant 512 : i32
    %dma_start3A_432 = tpu.memref_slice %arg4[%dma_start3A_424, %dma_start3A_430, %dma_start3A_431] : memref<2x128x1024xf32, #tpu.memory_space<vmem>> -> memref<1x128x128xf32, #tpu.memory_space<vmem>>
    %dma_start3A_433 = tpu.memref_squeeze %dma_start3A_432 : memref<1x128x128xf32, #tpu.memory_space<vmem>> -> memref<128x128xf32, #tpu.memory_space<vmem>>
    tpu.enqueue_dma source(%dma_start3A_433 : memref<128x128xf32, #tpu.memory_space<vmem>>) target(%dma_start3A_429 : memref<128x128xf32, #tpu.memory_space<hbm>>) target_semaphore(%arg7 : memref<!tpu.dma_semaphore, #tpu.memory_space<semaphore_mem>>)
    %dma_start3A_434 = arith.constant 0 : i32
    %dma_start3A_435 = arith.constant 21 : i32
    %dma_start3A_436 = arith.constant 0 : i32
    %dma_start3A_437 = arith.constant 0 : i32
    %dma_start3A_438 = tpu.memref_slice %arg1[%dma_start3A_435, %dma_start3A_436, %dma_start3A_437] : memref<64x128x128xf32, #tpu.memory_space<hbm>> -> memref<1x128x128xf32, #tpu.memory_space<hbm>>
    %dma_start3A_439 = tpu.memref_squeeze %dma_start3A_438 : memref<1x128x128xf32, #tpu.memory_space<hbm>> -> memref<128x128xf32, #tpu.memory_space<hbm>>
    %dma_start3A_440 = arith.constant 0 : i32
    %dma_start3A_441 = arith.constant 640 : i32
    %dma_start3A_442 = tpu.memref_slice %arg4[%dma_start3A_434, %dma_start3A_440, %dma_start3A_441] : memref<2x128x1024xf32, #tpu.memory_space<vmem>> -> memref<1x128x128xf32, #tpu.memory_space<vmem>>
    %dma_start3A_443 = tpu.memref_squeeze %dma_start3A_442 : memref<1x128x128xf32, #tpu.memory_space<vmem>> -> memref<128x128xf32, #tpu.memory_space<vmem>>
    tpu.enqueue_dma source(%dma_start3A_443 : memref<128x128xf32, #tpu.memory_space<vmem>>) target(%dma_start3A_439 : memref<128x128xf32, #tpu.memory_space<hbm>>) target_semaphore(%arg7 : memref<!tpu.dma_semaphore, #tpu.memory_space<semaphore_mem>>)
    %dma_start3A_444 = arith.constant 0 : i32
    %dma_start3A_445 = arith.constant 22 : i32
    %dma_start3A_446 = arith.constant 0 : i32
    %dma_start3A_447 = arith.constant 0 : i32
    %dma_start3A_448 = tpu.memref_slice %arg1[%dma_start3A_445, %dma_start3A_446, %dma_start3A_447] : memref<64x128x128xf32, #tpu.memory_space<hbm>> -> memref<1x128x128xf32, #tpu.memory_space<hbm>>
    %dma_start3A_449 = tpu.memref_squeeze %dma_start3A_448 : memref<1x128x128xf32, #tpu.memory_space<hbm>> -> memref<128x128xf32, #tpu.memory_space<hbm>>
    %dma_start3A_450 = arith.constant 0 : i32
    %dma_start3A_451 = arith.constant 768 : i32
    %dma_start3A_452 = tpu.memref_slice %arg4[%dma_start3A_444, %dma_start3A_450, %dma_start3A_451] : memref<2x128x1024xf32, #tpu.memory_space<vmem>> -> memref<1x128x128xf32, #tpu.memory_space<vmem>>
    %dma_start3A_453 = tpu.memref_squeeze %dma_start3A_452 : memref<1x128x128xf32, #tpu.memory_space<vmem>> -> memref<128x128xf32, #tpu.memory_space<vmem>>
    tpu.enqueue_dma source(%dma_start3A_453 : memref<128x128xf32, #tpu.memory_space<vmem>>) target(%dma_start3A_449 : memref<128x128xf32, #tpu.memory_space<hbm>>) target_semaphore(%arg7 : memref<!tpu.dma_semaphore, #tpu.memory_space<semaphore_mem>>)
    %dma_start3A_454 = arith.constant 0 : i32
    %dma_start3A_455 = arith.constant 23 : i32
    %dma_start3A_456 = arith.constant 0 : i32
    %dma_start3A_457 = arith.constant 0 : i32
    %dma_start3A_458 = tpu.memref_slice %arg1[%dma_start3A_455, %dma_start3A_456, %dma_start3A_457] : memref<64x128x128xf32, #tpu.memory_space<hbm>> -> memref<1x128x128xf32, #tpu.memory_space<hbm>>
    %dma_start3A_459 = tpu.memref_squeeze %dma_start3A_458 : memref<1x128x128xf32, #tpu.memory_space<hbm>> -> memref<128x128xf32, #tpu.memory_space<hbm>>
    %dma_start3A_460 = arith.constant 0 : i32
    %dma_start3A_461 = arith.constant 896 : i32
    %dma_start3A_462 = tpu.memref_slice %arg4[%dma_start3A_454, %dma_start3A_460, %dma_start3A_461] : memref<2x128x1024xf32, #tpu.memory_space<vmem>> -> memref<1x128x128xf32, #tpu.memory_space<vmem>>
    %dma_start3A_463 = tpu.memref_squeeze %dma_start3A_462 : memref<1x128x128xf32, #tpu.memory_space<vmem>> -> memref<128x128xf32, #tpu.memory_space<vmem>>
    tpu.enqueue_dma source(%dma_start3A_463 : memref<128x128xf32, #tpu.memory_space<vmem>>) target(%dma_start3A_459 : memref<128x128xf32, #tpu.memory_space<hbm>>) target_semaphore(%arg7 : memref<!tpu.dma_semaphore, #tpu.memory_space<semaphore_mem>>)
    %dma_start3A_464 = arith.constant 0 : i32
    %dma_start3A_465 = arith.constant 256 : i32
    %dma_start3A_466 = arith.constant 0 : i32
    %dma_start3A_467 = tpu.memref_slice %arg2[%dma_start3A_465, %dma_start3A_466] : memref<1024x1xf32, #tpu.memory_space<hbm>> -> memref<128x1xf32, #tpu.memory_space<hbm>>
    %dma_start3A_468 = arith.constant 0 : i32
    %dma_start3A_469 = arith.constant 0 : i32
    %dma_start3A_470 = tpu.memref_slice %arg5[%dma_start3A_464, %dma_start3A_468, %dma_start3A_469] : memref<2x128x1xf32, #tpu.memory_space<vmem>> -> memref<1x128x1xf32, #tpu.memory_space<vmem>>
    %dma_start3A_471 = tpu.memref_squeeze %dma_start3A_470 : memref<1x128x1xf32, #tpu.memory_space<vmem>> -> memref<128x1xf32, #tpu.memory_space<vmem>>
    tpu.enqueue_dma source(%dma_start3A_471 : memref<128x1xf32, #tpu.memory_space<vmem>>) target(%dma_start3A_467 : memref<128x1xf32, #tpu.memory_space<hbm>>) target_semaphore(%arg8 : memref<!tpu.dma_semaphore, #tpu.memory_space<semaphore_mem>>)
    %dma_start3A_472 = arith.constant 0 : i32
    %dma_start3A_473 = arith.constant 0 : i32
    %dma_start3A_474 = arith.constant 0 : i32
    %dma_start3A_475 = tpu.memref_slice %arg3[%dma_start3A_472, %dma_start3A_473, %dma_start3A_474] : memref<2x128x1000xf32, #tpu.memory_space<vmem>> -> memref<1x128x1000xf32, #tpu.memory_space<vmem>>
    %dma_start3A_476 = tpu.memref_squeeze %dma_start3A_475 : memref<1x128x1000xf32, #tpu.memory_space<vmem>> -> memref<128x1000xf32, #tpu.memory_space<vmem>>
    %dma_start3A_477 = arith.constant 512 : i32
    %dma_start3A_478 = arith.constant 0 : i32
    %dma_start3A_479 = tpu.memref_slice %arg0[%dma_start3A_477, %dma_start3A_478] : memref<1024x1000xf32, #tpu.memory_space<hbm>> -> memref<128x1000xf32, #tpu.memory_space<hbm>>
    tpu.enqueue_dma source(%dma_start3A_479 : memref<128x1000xf32, #tpu.memory_space<hbm>>) target(%dma_start3A_476 : memref<128x1000xf32, #tpu.memory_space<vmem>>) target_semaphore(%arg6 : memref<!tpu.dma_semaphore, #tpu.memory_space<semaphore_mem>>)
    %dma_wait3A_480 = arith.constant 1 : i32
    %dma_wait3A_481 = arith.constant 8 : i32
    %dma_wait3A_482 = arith.constant 0 : i32
    %dma_wait3A_483 = arith.constant 0 : i32
    %dma_wait3A_484 = tpu.memref_slice %arg1[%dma_wait3A_481, %dma_wait3A_482, %dma_wait3A_483] : memref<64x128x128xf32, #tpu.memory_space<hbm>> -> memref<1x128x128xf32, #tpu.memory_space<hbm>>
    %dma_wait3A_485 = tpu.memref_squeeze %dma_wait3A_484 : memref<1x128x128xf32, #tpu.memory_space<hbm>> -> memref<128x128xf32, #tpu.memory_space<hbm>>
    %dma_wait3A_486 = arith.constant 0 : i32
    %dma_wait3A_487 = arith.constant 0 : i32
    %dma_wait3A_488 = tpu.memref_slice %arg4[%dma_wait3A_480, %dma_wait3A_486, %dma_wait3A_487] : memref<2x128x1024xf32, #tpu.memory_space<vmem>> -> memref<1x128x128xf32, #tpu.memory_space<vmem>>
    %dma_wait3A_489 = tpu.memref_squeeze %dma_wait3A_488 : memref<1x128x128xf32, #tpu.memory_space<vmem>> -> memref<128x128xf32, #tpu.memory_space<vmem>>
    tpu.wait_dma2 semaphore(%arg7 : memref<!tpu.dma_semaphore, #tpu.memory_space<semaphore_mem>>) src(%dma_wait3A_489 : memref<128x128xf32, #tpu.memory_space<vmem>>) dst(%dma_wait3A_485 : memref<128x128xf32, #tpu.memory_space<hbm>>)
    %dma_wait3A_490 = arith.constant 1 : i32
    %dma_wait3A_491 = arith.constant 9 : i32
    %dma_wait3A_492 = arith.constant 0 : i32
    %dma_wait3A_493 = arith.constant 0 : i32
    %dma_wait3A_494 = tpu.memref_slice %arg1[%dma_wait3A_491, %dma_wait3A_492, %dma_wait3A_493] : memref<64x128x128xf32, #tpu.memory_space<hbm>> -> memref<1x128x128xf32, #tpu.memory_space<hbm>>
    %dma_wait3A_495 = tpu.memref_squeeze %dma_wait3A_494 : memref<1x128x128xf32, #tpu.memory_space<hbm>> -> memref<128x128xf32, #tpu.memory_space<hbm>>
    %dma_wait3A_496 = arith.constant 0 : i32
    %dma_wait3A_497 = arith.constant 128 : i32
    %dma_wait3A_498 = tpu.memref_slice %arg4[%dma_wait3A_490, %dma_wait3A_496, %dma_wait3A_497] : memref<2x128x1024xf32, #tpu.memory_space<vmem>> -> memref<1x128x128xf32, #tpu.memory_space<vmem>>
    %dma_wait3A_499 = tpu.memref_squeeze %dma_wait3A_498 : memref<1x128x128xf32, #tpu.memory_space<vmem>> -> memref<128x128xf32, #tpu.memory_space<vmem>>
    tpu.wait_dma2 semaphore(%arg7 : memref<!tpu.dma_semaphore, #tpu.memory_space<semaphore_mem>>) src(%dma_wait3A_499 : memref<128x128xf32, #tpu.memory_space<vmem>>) dst(%dma_wait3A_495 : memref<128x128xf32, #tpu.memory_space<hbm>>)
    %dma_wait3A_500 = arith.constant 1 : i32
    %dma_wait3A_501 = arith.constant 10 : i32
    %dma_wait3A_502 = arith.constant 0 : i32
    %dma_wait3A_503 = arith.constant 0 : i32
    %dma_wait3A_504 = tpu.memref_slice %arg1[%dma_wait3A_501, %dma_wait3A_502, %dma_wait3A_503] : memref<64x128x128xf32, #tpu.memory_space<hbm>> -> memref<1x128x128xf32, #tpu.memory_space<hbm>>
    %dma_wait3A_505 = tpu.memref_squeeze %dma_wait3A_504 : memref<1x128x128xf32, #tpu.memory_space<hbm>> -> memref<128x128xf32, #tpu.memory_space<hbm>>
    %dma_wait3A_506 = arith.constant 0 : i32
    %dma_wait3A_507 = arith.constant 256 : i32
    %dma_wait3A_508 = tpu.memref_slice %arg4[%dma_wait3A_500, %dma_wait3A_506, %dma_wait3A_507] : memref<2x128x1024xf32, #tpu.memory_space<vmem>> -> memref<1x128x128xf32, #tpu.memory_space<vmem>>
    %dma_wait3A_509 = tpu.memref_squeeze %dma_wait3A_508 : memref<1x128x128xf32, #tpu.memory_space<vmem>> -> memref<128x128xf32, #tpu.memory_space<vmem>>
    tpu.wait_dma2 semaphore(%arg7 : memref<!tpu.dma_semaphore, #tpu.memory_space<semaphore_mem>>) src(%dma_wait3A_509 : memref<128x128xf32, #tpu.memory_space<vmem>>) dst(%dma_wait3A_505 : memref<128x128xf32, #tpu.memory_space<hbm>>)
    %dma_wait3A_510 = arith.constant 1 : i32
    %dma_wait3A_511 = arith.constant 11 : i32
    %dma_wait3A_512 = arith.constant 0 : i32
    %dma_wait3A_513 = arith.constant 0 : i32
    %dma_wait3A_514 = tpu.memref_slice %arg1[%dma_wait3A_511, %dma_wait3A_512, %dma_wait3A_513] : memref<64x128x128xf32, #tpu.memory_space<hbm>> -> memref<1x128x128xf32, #tpu.memory_space<hbm>>
    %dma_wait3A_515 = tpu.memref_squeeze %dma_wait3A_514 : memref<1x128x128xf32, #tpu.memory_space<hbm>> -> memref<128x128xf32, #tpu.memory_space<hbm>>
    %dma_wait3A_516 = arith.constant 0 : i32
    %dma_wait3A_517 = arith.constant 384 : i32
    %dma_wait3A_518 = tpu.memref_slice %arg4[%dma_wait3A_510, %dma_wait3A_516, %dma_wait3A_517] : memref<2x128x1024xf32, #tpu.memory_space<vmem>> -> memref<1x128x128xf32, #tpu.memory_space<vmem>>
    %dma_wait3A_519 = tpu.memref_squeeze %dma_wait3A_518 : memref<1x128x128xf32, #tpu.memory_space<vmem>> -> memref<128x128xf32, #tpu.memory_space<vmem>>
    tpu.wait_dma2 semaphore(%arg7 : memref<!tpu.dma_semaphore, #tpu.memory_space<semaphore_mem>>) src(%dma_wait3A_519 : memref<128x128xf32, #tpu.memory_space<vmem>>) dst(%dma_wait3A_515 : memref<128x128xf32, #tpu.memory_space<hbm>>)
    %dma_wait3A_520 = arith.constant 1 : i32
    %dma_wait3A_521 = arith.constant 12 : i32
    %dma_wait3A_522 = arith.constant 0 : i32
    %dma_wait3A_523 = arith.constant 0 : i32
    %dma_wait3A_524 = tpu.memref_slice %arg1[%dma_wait3A_521, %dma_wait3A_522, %dma_wait3A_523] : memref<64x128x128xf32, #tpu.memory_space<hbm>> -> memref<1x128x128xf32, #tpu.memory_space<hbm>>
    %dma_wait3A_525 = tpu.memref_squeeze %dma_wait3A_524 : memref<1x128x128xf32, #tpu.memory_space<hbm>> -> memref<128x128xf32, #tpu.memory_space<hbm>>
    %dma_wait3A_526 = arith.constant 0 : i32
    %dma_wait3A_527 = arith.constant 512 : i32
    %dma_wait3A_528 = tpu.memref_slice %arg4[%dma_wait3A_520, %dma_wait3A_526, %dma_wait3A_527] : memref<2x128x1024xf32, #tpu.memory_space<vmem>> -> memref<1x128x128xf32, #tpu.memory_space<vmem>>
    %dma_wait3A_529 = tpu.memref_squeeze %dma_wait3A_528 : memref<1x128x128xf32, #tpu.memory_space<vmem>> -> memref<128x128xf32, #tpu.memory_space<vmem>>
    tpu.wait_dma2 semaphore(%arg7 : memref<!tpu.dma_semaphore, #tpu.memory_space<semaphore_mem>>) src(%dma_wait3A_529 : memref<128x128xf32, #tpu.memory_space<vmem>>) dst(%dma_wait3A_525 : memref<128x128xf32, #tpu.memory_space<hbm>>)
    %dma_wait3A_530 = arith.constant 1 : i32
    %dma_wait3A_531 = arith.constant 13 : i32
    %dma_wait3A_532 = arith.constant 0 : i32
    %dma_wait3A_533 = arith.constant 0 : i32
    %dma_wait3A_534 = tpu.memref_slice %arg1[%dma_wait3A_531, %dma_wait3A_532, %dma_wait3A_533] : memref<64x128x128xf32, #tpu.memory_space<hbm>> -> memref<1x128x128xf32, #tpu.memory_space<hbm>>
    %dma_wait3A_535 = tpu.memref_squeeze %dma_wait3A_534 : memref<1x128x128xf32, #tpu.memory_space<hbm>> -> memref<128x128xf32, #tpu.memory_space<hbm>>
    %dma_wait3A_536 = arith.constant 0 : i32
    %dma_wait3A_537 = arith.constant 640 : i32
    %dma_wait3A_538 = tpu.memref_slice %arg4[%dma_wait3A_530, %dma_wait3A_536, %dma_wait3A_537] : memref<2x128x1024xf32, #tpu.memory_space<vmem>> -> memref<1x128x128xf32, #tpu.memory_space<vmem>>
    %dma_wait3A_539 = tpu.memref_squeeze %dma_wait3A_538 : memref<1x128x128xf32, #tpu.memory_space<vmem>> -> memref<128x128xf32, #tpu.memory_space<vmem>>
    tpu.wait_dma2 semaphore(%arg7 : memref<!tpu.dma_semaphore, #tpu.memory_space<semaphore_mem>>) src(%dma_wait3A_539 : memref<128x128xf32, #tpu.memory_space<vmem>>) dst(%dma_wait3A_535 : memref<128x128xf32, #tpu.memory_space<hbm>>)
    %dma_wait3A_540 = arith.constant 1 : i32
    %dma_wait3A_541 = arith.constant 14 : i32
    %dma_wait3A_542 = arith.constant 0 : i32
    %dma_wait3A_543 = arith.constant 0 : i32
    %dma_wait3A_544 = tpu.memref_slice %arg1[%dma_wait3A_541, %dma_wait3A_542, %dma_wait3A_543] : memref<64x128x128xf32, #tpu.memory_space<hbm>> -> memref<1x128x128xf32, #tpu.memory_space<hbm>>
    %dma_wait3A_545 = tpu.memref_squeeze %dma_wait3A_544 : memref<1x128x128xf32, #tpu.memory_space<hbm>> -> memref<128x128xf32, #tpu.memory_space<hbm>>
    %dma_wait3A_546 = arith.constant 0 : i32
    %dma_wait3A_547 = arith.constant 768 : i32
    %dma_wait3A_548 = tpu.memref_slice %arg4[%dma_wait3A_540, %dma_wait3A_546, %dma_wait3A_547] : memref<2x128x1024xf32, #tpu.memory_space<vmem>> -> memref<1x128x128xf32, #tpu.memory_space<vmem>>
    %dma_wait3A_549 = tpu.memref_squeeze %dma_wait3A_548 : memref<1x128x128xf32, #tpu.memory_space<vmem>> -> memref<128x128xf32, #tpu.memory_space<vmem>>
    tpu.wait_dma2 semaphore(%arg7 : memref<!tpu.dma_semaphore, #tpu.memory_space<semaphore_mem>>) src(%dma_wait3A_549 : memref<128x128xf32, #tpu.memory_space<vmem>>) dst(%dma_wait3A_545 : memref<128x128xf32, #tpu.memory_space<hbm>>)
    %dma_wait3A_550 = arith.constant 1 : i32
    %dma_wait3A_551 = arith.constant 15 : i32
    %dma_wait3A_552 = arith.constant 0 : i32
    %dma_wait3A_553 = arith.constant 0 : i32
    %dma_wait3A_554 = tpu.memref_slice %arg1[%dma_wait3A_551, %dma_wait3A_552, %dma_wait3A_553] : memref<64x128x128xf32, #tpu.memory_space<hbm>> -> memref<1x128x128xf32, #tpu.memory_space<hbm>>
    %dma_wait3A_555 = tpu.memref_squeeze %dma_wait3A_554 : memref<1x128x128xf32, #tpu.memory_space<hbm>> -> memref<128x128xf32, #tpu.memory_space<hbm>>
    %dma_wait3A_556 = arith.constant 0 : i32
    %dma_wait3A_557 = arith.constant 896 : i32
    %dma_wait3A_558 = tpu.memref_slice %arg4[%dma_wait3A_550, %dma_wait3A_556, %dma_wait3A_557] : memref<2x128x1024xf32, #tpu.memory_space<vmem>> -> memref<1x128x128xf32, #tpu.memory_space<vmem>>
    %dma_wait3A_559 = tpu.memref_squeeze %dma_wait3A_558 : memref<1x128x128xf32, #tpu.memory_space<vmem>> -> memref<128x128xf32, #tpu.memory_space<vmem>>
    tpu.wait_dma2 semaphore(%arg7 : memref<!tpu.dma_semaphore, #tpu.memory_space<semaphore_mem>>) src(%dma_wait3A_559 : memref<128x128xf32, #tpu.memory_space<vmem>>) dst(%dma_wait3A_555 : memref<128x128xf32, #tpu.memory_space<hbm>>)
    %dma_wait3A_560 = arith.constant 1 : i32
    %dma_wait3A_561 = arith.constant 128 : i32
    %dma_wait3A_562 = arith.constant 0 : i32
    %dma_wait3A_563 = tpu.memref_slice %arg2[%dma_wait3A_561, %dma_wait3A_562] : memref<1024x1xf32, #tpu.memory_space<hbm>> -> memref<128x1xf32, #tpu.memory_space<hbm>>
    %dma_wait3A_564 = arith.constant 0 : i32
    %dma_wait3A_565 = arith.constant 0 : i32
    %dma_wait3A_566 = tpu.memref_slice %arg5[%dma_wait3A_560, %dma_wait3A_564, %dma_wait3A_565] : memref<2x128x1xf32, #tpu.memory_space<vmem>> -> memref<1x128x1xf32, #tpu.memory_space<vmem>>
    %dma_wait3A_567 = tpu.memref_squeeze %dma_wait3A_566 : memref<1x128x1xf32, #tpu.memory_space<vmem>> -> memref<128x1xf32, #tpu.memory_space<vmem>>
    tpu.wait_dma2 semaphore(%arg8 : memref<!tpu.dma_semaphore, #tpu.memory_space<semaphore_mem>>) src(%dma_wait3A_567 : memref<128x1xf32, #tpu.memory_space<vmem>>) dst(%dma_wait3A_563 : memref<128x1xf32, #tpu.memory_space<hbm>>)
    %dma_wait3A_568 = arith.constant 1 : i32
    %dma_wait3A_569 = arith.constant 0 : i32
    %dma_wait3A_570 = arith.constant 0 : i32
    %dma_wait3A_571 = tpu.memref_slice %arg3[%dma_wait3A_568, %dma_wait3A_569, %dma_wait3A_570] : memref<2x128x1000xf32, #tpu.memory_space<vmem>> -> memref<1x128x1000xf32, #tpu.memory_space<vmem>>
    %dma_wait3A_572 = tpu.memref_squeeze %dma_wait3A_571 : memref<1x128x1000xf32, #tpu.memory_space<vmem>> -> memref<128x1000xf32, #tpu.memory_space<vmem>>
    %dma_wait3A_573 = arith.constant 384 : i32
    %dma_wait3A_574 = arith.constant 0 : i32
    %dma_wait3A_575 = tpu.memref_slice %arg0[%dma_wait3A_573, %dma_wait3A_574] : memref<1024x1000xf32, #tpu.memory_space<hbm>> -> memref<128x1000xf32, #tpu.memory_space<hbm>>
    tpu.wait_dma2 semaphore(%arg6 : memref<!tpu.dma_semaphore, #tpu.memory_space<semaphore_mem>>) src(%dma_wait3A_575 : memref<128x1000xf32, #tpu.memory_space<hbm>>) dst(%dma_wait3A_572 : memref<128x1000xf32, #tpu.memory_space<vmem>>)
    %get3A_576 = arith.constant 1 : index
    %get3A_577 = arith.constant 0 : index
    %get3A_578 = arith.constant 0 : index
    %get3A_579 = vector.load %arg3[%get3A_576, %get3A_577, %get3A_578] : memref<2x128x1000xf32, #tpu.memory_space<vmem>>, vector<1x128x1000xf32>
    %get3A_580 = vector.shape_cast %get3A_579 : vector<1x128x1000xf32> to vector<128x1000xf32>
    %swap3A_581 = arith.constant 1 : index
    %swap3A_582 = arith.constant 0 : index
    %swap3A_583 = arith.constant 0 : index
    %swap3A_584 = vector.load %arg4[%swap3A_581, %swap3A_582, %swap3A_583] : memref<2x128x1024xf32, #tpu.memory_space<vmem>>, vector<1x128x1000xf32>
    %swap3A_585 = vector.shape_cast %swap3A_584 : vector<1x128x1000xf32> to vector<128x1000xf32>
    %swap3A_586 = vector.shape_cast %get3A_580 : vector<128x1000xf32> to vector<1x128x1000xf32>
    tpu.vector_store %arg4[%swap3A_581, %swap3A_582, %swap3A_583], %swap3A_586 {strides = array<i32>} : memref<2x128x1024xf32, #tpu.memory_space<vmem>>, vector<1x128x1000xf32>,
    %neg3A_587 = arith.constant 0.000000e+00 : f32
    %neg3A_588 = vector.broadcast %neg3A_587 : f32 to vector<128x1000xf32>
    %neg3A_589 = arith.subf %neg3A_588, %get3A_580 : vector<128x1000xf32>
    %exp3A_590 = math.exp %neg3A_589 : vector<128x1000xf32>
    %reduce_sum3A_591 = arith.constant dense<0.000000e+00> : vector<128xf32>
    %reduce_sum3A_592 = vector.multi_reduction <add>, %exp3A_590, %reduce_sum3A_591 [1] : vector<128x1000xf32> to vector<128xf32>
    %broadcast_in_dim3A_593 = vector.shape_cast %reduce_sum3A_592 : vector<128xf32> to vector<128x1xf32>
    %swap3A_594 = arith.constant 1 : index
    %swap3A_595 = arith.constant 0 : index
    %swap3A_596 = arith.constant 0 : index
    %swap3A_597 = vector.load %arg5[%swap3A_594, %swap3A_595, %swap3A_596] : memref<2x128x1xf32, #tpu.memory_space<vmem>>, vector<1x128x1xf32>
    %swap3A_598 = vector.shape_cast %swap3A_597 : vector<1x128x1xf32> to vector<128x1xf32>
    %swap3A_599 = vector.shape_cast %broadcast_in_dim3A_593 : vector<128x1xf32> to vector<1x128x1xf32>
    tpu.vector_store %arg5[%swap3A_594, %swap3A_595, %swap3A_596], %swap3A_599 {strides = array<i32>} : memref<2x128x1xf32, #tpu.memory_space<vmem>>, vector<1x128x1xf32>,
    %dma_start3A_600 = arith.constant 1 : i32
    %dma_start3A_601 = arith.constant 24 : i32
    %dma_start3A_602 = arith.constant 0 : i32
    %dma_start3A_603 = arith.constant 0 : i32
    %dma_start3A_604 = tpu.memref_slice %arg1[%dma_start3A_601, %dma_start3A_602, %dma_start3A_603] : memref<64x128x128xf32, #tpu.memory_space<hbm>> -> memref<1x128x128xf32, #tpu.memory_space<hbm>>
    %dma_start3A_605 = tpu.memref_squeeze %dma_start3A_604 : memref<1x128x128xf32, #tpu.memory_space<hbm>> -> memref<128x128xf32, #tpu.memory_space<hbm>>
    %dma_start3A_606 = arith.constant 0 : i32
    %dma_start3A_607 = arith.constant 0 : i32
    %dma_start3A_608 = tpu.memref_slice %arg4[%dma_start3A_600, %dma_start3A_606, %dma_start3A_607] : memref<2x128x1024xf32, #tpu.memory_space<vmem>> -> memref<1x128x128xf32, #tpu.memory_space<vmem>>
    %dma_start3A_609 = tpu.memref_squeeze %dma_start3A_608 : memref<1x128x128xf32, #tpu.memory_space<vmem>> -> memref<128x128xf32, #tpu.memory_space<vmem>>
    tpu.enqueue_dma source(%dma_start3A_609 : memref<128x128xf32, #tpu.memory_space<vmem>>) target(%dma_start3A_605 : memref<128x128xf32, #tpu.memory_space<hbm>>) target_semaphore(%arg7 : memref<!tpu.dma_semaphore, #tpu.memory_space<semaphore_mem>>)
    %dma_start3A_610 = arith.constant 1 : i32
    %dma_start3A_611 = arith.constant 25 : i32
    %dma_start3A_612 = arith.constant 0 : i32
    %dma_start3A_613 = arith.constant 0 : i32
    %dma_start3A_614 = tpu.memref_slice %arg1[%dma_start3A_611, %dma_start3A_612, %dma_start3A_613] : memref<64x128x128xf32, #tpu.memory_space<hbm>> -> memref<1x128x128xf32, #tpu.memory_space<hbm>>
    %dma_start3A_615 = tpu.memref_squeeze %dma_start3A_614 : memref<1x128x128xf32, #tpu.memory_space<hbm>> -> memref<128x128xf32, #tpu.memory_space<hbm>>
    %dma_start3A_616 = arith.constant 0 : i32
    %dma_start3A_617 = arith.constant 128 : i32
    %dma_start3A_618 = tpu.memref_slice %arg4[%dma_start3A_610, %dma_start3A_616, %dma_start3A_617] : memref<2x128x1024xf32, #tpu.memory_space<vmem>> -> memref<1x128x128xf32, #tpu.memory_space<vmem>>
    %dma_start3A_619 = tpu.memref_squeeze %dma_start3A_618 : memref<1x128x128xf32, #tpu.memory_space<vmem>> -> memref<128x128xf32, #tpu.memory_space<vmem>>
    tpu.enqueue_dma source(%dma_start3A_619 : memref<128x128xf32, #tpu.memory_space<vmem>>) target(%dma_start3A_615 : memref<128x128xf32, #tpu.memory_space<hbm>>) target_semaphore(%arg7 : memref<!tpu.dma_semaphore, #tpu.memory_space<semaphore_mem>>)
    %dma_start3A_620 = arith.constant 1 : i32
    %dma_start3A_621 = arith.constant 26 : i32
    %dma_start3A_622 = arith.constant 0 : i32
    %dma_start3A_623 = arith.constant 0 : i32
    %dma_start3A_624 = tpu.memref_slice %arg1[%dma_start3A_621, %dma_start3A_622, %dma_start3A_623] : memref<64x128x128xf32, #tpu.memory_space<hbm>> -> memref<1x128x128xf32, #tpu.memory_space<hbm>>
    %dma_start3A_625 = tpu.memref_squeeze %dma_start3A_624 : memref<1x128x128xf32, #tpu.memory_space<hbm>> -> memref<128x128xf32, #tpu.memory_space<hbm>>
    %dma_start3A_626 = arith.constant 0 : i32
    %dma_start3A_627 = arith.constant 256 : i32
    %dma_start3A_628 = tpu.memref_slice %arg4[%dma_start3A_620, %dma_start3A_626, %dma_start3A_627] : memref<2x128x1024xf32, #tpu.memory_space<vmem>> -> memref<1x128x128xf32, #tpu.memory_space<vmem>>
    %dma_start3A_629 = tpu.memref_squeeze %dma_start3A_628 : memref<1x128x128xf32, #tpu.memory_space<vmem>> -> memref<128x128xf32, #tpu.memory_space<vmem>>
    tpu.enqueue_dma source(%dma_start3A_629 : memref<128x128xf32, #tpu.memory_space<vmem>>) target(%dma_start3A_625 : memref<128x128xf32, #tpu.memory_space<hbm>>) target_semaphore(%arg7 : memref<!tpu.dma_semaphore, #tpu.memory_space<semaphore_mem>>)
    %dma_start3A_630 = arith.constant 1 : i32
    %dma_start3A_631 = arith.constant 27 : i32
    %dma_start3A_632 = arith.constant 0 : i32
    %dma_start3A_633 = arith.constant 0 : i32
    %dma_start3A_634 = tpu.memref_slice %arg1[%dma_start3A_631, %dma_start3A_632, %dma_start3A_633] : memref<64x128x128xf32, #tpu.memory_space<hbm>> -> memref<1x128x128xf32, #tpu.memory_space<hbm>>
    %dma_start3A_635 = tpu.memref_squeeze %dma_start3A_634 : memref<1x128x128xf32, #tpu.memory_space<hbm>> -> memref<128x128xf32, #tpu.memory_space<hbm>>
    %dma_start3A_636 = arith.constant 0 : i32
    %dma_start3A_637 = arith.constant 384 : i32
    %dma_start3A_638 = tpu.memref_slice %arg4[%dma_start3A_630, %dma_start3A_636, %dma_start3A_637] : memref<2x128x1024xf32, #tpu.memory_space<vmem>> -> memref<1x128x128xf32, #tpu.memory_space<vmem>>
    %dma_start3A_639 = tpu.memref_squeeze %dma_start3A_638 : memref<1x128x128xf32, #tpu.memory_space<vmem>> -> memref<128x128xf32, #tpu.memory_space<vmem>>
    tpu.enqueue_dma source(%dma_start3A_639 : memref<128x128xf32, #tpu.memory_space<vmem>>) target(%dma_start3A_635 : memref<128x128xf32, #tpu.memory_space<hbm>>) target_semaphore(%arg7 : memref<!tpu.dma_semaphore, #tpu.memory_space<semaphore_mem>>)
    %dma_start3A_640 = arith.constant 1 : i32
    %dma_start3A_641 = arith.constant 28 : i32
    %dma_start3A_642 = arith.constant 0 : i32
    %dma_start3A_643 = arith.constant 0 : i32
    %dma_start3A_644 = tpu.memref_slice %arg1[%dma_start3A_641, %dma_start3A_642, %dma_start3A_643] : memref<64x128x128xf32, #tpu.memory_space<hbm>> -> memref<1x128x128xf32, #tpu.memory_space<hbm>>
    %dma_start3A_645 = tpu.memref_squeeze %dma_start3A_644 : memref<1x128x128xf32, #tpu.memory_space<hbm>> -> memref<128x128xf32, #tpu.memory_space<hbm>>
    %dma_start3A_646 = arith.constant 0 : i32
    %dma_start3A_647 = arith.constant 512 : i32
    %dma_start3A_648 = tpu.memref_slice %arg4[%dma_start3A_640, %dma_start3A_646, %dma_start3A_647] : memref<2x128x1024xf32, #tpu.memory_space<vmem>> -> memref<1x128x128xf32, #tpu.memory_space<vmem>>
    %dma_start3A_649 = tpu.memref_squeeze %dma_start3A_648 : memref<1x128x128xf32, #tpu.memory_space<vmem>> -> memref<128x128xf32, #tpu.memory_space<vmem>>
    tpu.enqueue_dma source(%dma_start3A_649 : memref<128x128xf32, #tpu.memory_space<vmem>>) target(%dma_start3A_645 : memref<128x128xf32, #tpu.memory_space<hbm>>) target_semaphore(%arg7 : memref<!tpu.dma_semaphore, #tpu.memory_space<semaphore_mem>>)
    %dma_start3A_650 = arith.constant 1 : i32
    %dma_start3A_651 = arith.constant 29 : i32
    %dma_start3A_652 = arith.constant 0 : i32
    %dma_start3A_653 = arith.constant 0 : i32
    %dma_start3A_654 = tpu.memref_slice %arg1[%dma_start3A_651, %dma_start3A_652, %dma_start3A_653] : memref<64x128x128xf32, #tpu.memory_space<hbm>> -> memref<1x128x128xf32, #tpu.memory_space<hbm>>
    %dma_start3A_655 = tpu.memref_squeeze %dma_start3A_654 : memref<1x128x128xf32, #tpu.memory_space<hbm>> -> memref<128x128xf32, #tpu.memory_space<hbm>>
    %dma_start3A_656 = arith.constant 0 : i32
    %dma_start3A_657 = arith.constant 640 : i32
    %dma_start3A_658 = tpu.memref_slice %arg4[%dma_start3A_650, %dma_start3A_656, %dma_start3A_657] : memref<2x128x1024xf32, #tpu.memory_space<vmem>> -> memref<1x128x128xf32, #tpu.memory_space<vmem>>
    %dma_start3A_659 = tpu.memref_squeeze %dma_start3A_658 : memref<1x128x128xf32, #tpu.memory_space<vmem>> -> memref<128x128xf32, #tpu.memory_space<vmem>>
    tpu.enqueue_dma source(%dma_start3A_659 : memref<128x128xf32, #tpu.memory_space<vmem>>) target(%dma_start3A_655 : memref<128x128xf32, #tpu.memory_space<hbm>>) target_semaphore(%arg7 : memref<!tpu.dma_semaphore, #tpu.memory_space<semaphore_mem>>)
    %dma_start3A_660 = arith.constant 1 : i32
    %dma_start3A_661 = arith.constant 30 : i32
    %dma_start3A_662 = arith.constant 0 : i32
    %dma_start3A_663 = arith.constant 0 : i32
    %dma_start3A_664 = tpu.memref_slice %arg1[%dma_start3A_661, %dma_start3A_662, %dma_start3A_663] : memref<64x128x128xf32, #tpu.memory_space<hbm>> -> memref<1x128x128xf32, #tpu.memory_space<hbm>>
    %dma_start3A_665 = tpu.memref_squeeze %dma_start3A_664 : memref<1x128x128xf32, #tpu.memory_space<hbm>> -> memref<128x128xf32, #tpu.memory_space<hbm>>
    %dma_start3A_666 = arith.constant 0 : i32
    %dma_start3A_667 = arith.constant 768 : i32
    %dma_start3A_668 = tpu.memref_slice %arg4[%dma_start3A_660, %dma_start3A_666, %dma_start3A_667] : memref<2x128x1024xf32, #tpu.memory_space<vmem>> -> memref<1x128x128xf32, #tpu.memory_space<vmem>>
    %dma_start3A_669 = tpu.memref_squeeze %dma_start3A_668 : memref<1x128x128xf32, #tpu.memory_space<vmem>> -> memref<128x128xf32, #tpu.memory_space<vmem>>
    tpu.enqueue_dma source(%dma_start3A_669 : memref<128x128xf32, #tpu.memory_space<vmem>>) target(%dma_start3A_665 : memref<128x128xf32, #tpu.memory_space<hbm>>) target_semaphore(%arg7 : memref<!tpu.dma_semaphore, #tpu.memory_space<semaphore_mem>>)
    %dma_start3A_670 = arith.constant 1 : i32
    %dma_start3A_671 = arith.constant 31 : i32
    %dma_start3A_672 = arith.constant 0 : i32
    %dma_start3A_673 = arith.constant 0 : i32
    %dma_start3A_674 = tpu.memref_slice %arg1[%dma_start3A_671, %dma_start3A_672, %dma_start3A_673] : memref<64x128x128xf32, #tpu.memory_space<hbm>> -> memref<1x128x128xf32, #tpu.memory_space<hbm>>
    %dma_start3A_675 = tpu.memref_squeeze %dma_start3A_674 : memref<1x128x128xf32, #tpu.memory_space<hbm>> -> memref<128x128xf32, #tpu.memory_space<hbm>>
    %dma_start3A_676 = arith.constant 0 : i32
    %dma_start3A_677 = arith.constant 896 : i32
    %dma_start3A_678 = tpu.memref_slice %arg4[%dma_start3A_670, %dma_start3A_676, %dma_start3A_677] : memref<2x128x1024xf32, #tpu.memory_space<vmem>> -> memref<1x128x128xf32, #tpu.memory_space<vmem>>
    %dma_start3A_679 = tpu.memref_squeeze %dma_start3A_678 : memref<1x128x128xf32, #tpu.memory_space<vmem>> -> memref<128x128xf32, #tpu.memory_space<vmem>>
    tpu.enqueue_dma source(%dma_start3A_679 : memref<128x128xf32, #tpu.memory_space<vmem>>) target(%dma_start3A_675 : memref<128x128xf32, #tpu.memory_space<hbm>>) target_semaphore(%arg7 : memref<!tpu.dma_semaphore, #tpu.memory_space<semaphore_mem>>)
    %dma_start3A_680 = arith.constant 1 : i32
    %dma_start3A_681 = arith.constant 384 : i32
    %dma_start3A_682 = arith.constant 0 : i32
    %dma_start3A_683 = tpu.memref_slice %arg2[%dma_start3A_681, %dma_start3A_682] : memref<1024x1xf32, #tpu.memory_space<hbm>> -> memref<128x1xf32, #tpu.memory_space<hbm>>
    %dma_start3A_684 = arith.constant 0 : i32
    %dma_start3A_685 = arith.constant 0 : i32
    %dma_start3A_686 = tpu.memref_slice %arg5[%dma_start3A_680, %dma_start3A_684, %dma_start3A_685] : memref<2x128x1xf32, #tpu.memory_space<vmem>> -> memref<1x128x1xf32, #tpu.memory_space<vmem>>
    %dma_start3A_687 = tpu.memref_squeeze %dma_start3A_686 : memref<1x128x1xf32, #tpu.memory_space<vmem>> -> memref<128x1xf32, #tpu.memory_space<vmem>>
    tpu.enqueue_dma source(%dma_start3A_687 : memref<128x1xf32, #tpu.memory_space<vmem>>) target(%dma_start3A_683 : memref<128x1xf32, #tpu.memory_space<hbm>>) target_semaphore(%arg8 : memref<!tpu.dma_semaphore, #tpu.memory_space<semaphore_mem>>)
    %dma_start3A_688 = arith.constant 1 : i32
    %dma_start3A_689 = arith.constant 0 : i32
    %dma_start3A_690 = arith.constant 0 : i32
    %dma_start3A_691 = tpu.memref_slice %arg3[%dma_start3A_688, %dma_start3A_689, %dma_start3A_690] : memref<2x128x1000xf32, #tpu.memory_space<vmem>> -> memref<1x128x1000xf32, #tpu.memory_space<vmem>>
    %dma_start3A_692 = tpu.memref_squeeze %dma_start3A_691 : memref<1x128x1000xf32, #tpu.memory_space<vmem>> -> memref<128x1000xf32, #tpu.memory_space<vmem>>
    %dma_start3A_693 = arith.constant 640 : i32
    %dma_start3A_694 = arith.constant 0 : i32
    %dma_start3A_695 = tpu.memref_slice %arg0[%dma_start3A_693, %dma_start3A_694] : memref<1024x1000xf32, #tpu.memory_space<hbm>> -> memref<128x1000xf32, #tpu.memory_space<hbm>>
    tpu.enqueue_dma source(%dma_start3A_695 : memref<128x1000xf32, #tpu.memory_space<hbm>>) target(%dma_start3A_692 : memref<128x1000xf32, #tpu.memory_space<vmem>>) target_semaphore(%arg6 : memref<!tpu.dma_semaphore, #tpu.memory_space<semaphore_mem>>)
    %dma_wait3A_696 = arith.constant 0 : i32
    %dma_wait3A_697 = arith.constant 16 : i32
    %dma_wait3A_698 = arith.constant 0 : i32
    %dma_wait3A_699 = arith.constant 0 : i32
    %dma_wait3A_700 = tpu.memref_slice %arg1[%dma_wait3A_697, %dma_wait3A_698, %dma_wait3A_699] : memref<64x128x128xf32, #tpu.memory_space<hbm>> -> memref<1x128x128xf32, #tpu.memory_space<hbm>>
    %dma_wait3A_701 = tpu.memref_squeeze %dma_wait3A_700 : memref<1x128x128xf32, #tpu.memory_space<hbm>> -> memref<128x128xf32, #tpu.memory_space<hbm>>
    %dma_wait3A_702 = arith.constant 0 : i32
    %dma_wait3A_703 = arith.constant 0 : i32
    %dma_wait3A_704 = tpu.memref_slice %arg4[%dma_wait3A_696, %dma_wait3A_702, %dma_wait3A_703] : memref<2x128x1024xf32, #tpu.memory_space<vmem>> -> memref<1x128x128xf32, #tpu.memory_space<vmem>>
    %dma_wait3A_705 = tpu.memref_squeeze %dma_wait3A_704 : memref<1x128x128xf32, #tpu.memory_space<vmem>> -> memref<128x128xf32, #tpu.memory_space<vmem>>
    tpu.wait_dma2 semaphore(%arg7 : memref<!tpu.dma_semaphore, #tpu.memory_space<semaphore_mem>>) src(%dma_wait3A_705 : memref<128x128xf32, #tpu.memory_space<vmem>>) dst(%dma_wait3A_701 : memref<128x128xf32, #tpu.memory_space<hbm>>)
    %dma_wait3A_706 = arith.constant 0 : i32
    %dma_wait3A_707 = arith.constant 17 : i32
    %dma_wait3A_708 = arith.constant 0 : i32
    %dma_wait3A_709 = arith.constant 0 : i32
    %dma_wait3A_710 = tpu.memref_slice %arg1[%dma_wait3A_707, %dma_wait3A_708, %dma_wait3A_709] : memref<64x128x128xf32, #tpu.memory_space<hbm>> -> memref<1x128x128xf32, #tpu.memory_space<hbm>>
    %dma_wait3A_711 = tpu.memref_squeeze %dma_wait3A_710 : memref<1x128x128xf32, #tpu.memory_space<hbm>> -> memref<128x128xf32, #tpu.memory_space<hbm>>
    %dma_wait3A_712 = arith.constant 0 : i32
    %dma_wait3A_713 = arith.constant 128 : i32
    %dma_wait3A_714 = tpu.memref_slice %arg4[%dma_wait3A_706, %dma_wait3A_712, %dma_wait3A_713] : memref<2x128x1024xf32, #tpu.memory_space<vmem>> -> memref<1x128x128xf32, #tpu.memory_space<vmem>>
    %dma_wait3A_715 = tpu.memref_squeeze %dma_wait3A_714 : memref<1x128x128xf32, #tpu.memory_space<vmem>> -> memref<128x128xf32, #tpu.memory_space<vmem>>
    tpu.wait_dma2 semaphore(%arg7 : memref<!tpu.dma_semaphore, #tpu.memory_space<semaphore_mem>>) src(%dma_wait3A_715 : memref<128x128xf32, #tpu.memory_space<vmem>>) dst(%dma_wait3A_711 : memref<128x128xf32, #tpu.memory_space<hbm>>)
    %dma_wait3A_716 = arith.constant 0 : i32
    %dma_wait3A_717 = arith.constant 18 : i32
    %dma_wait3A_718 = arith.constant 0 : i32
    %dma_wait3A_719 = arith.constant 0 : i32
    %dma_wait3A_720 = tpu.memref_slice %arg1[%dma_wait3A_717, %dma_wait3A_718, %dma_wait3A_719] : memref<64x128x128xf32, #tpu.memory_space<hbm>> -> memref<1x128x128xf32, #tpu.memory_space<hbm>>
    %dma_wait3A_721 = tpu.memref_squeeze %dma_wait3A_720 : memref<1x128x128xf32, #tpu.memory_space<hbm>> -> memref<128x128xf32, #tpu.memory_space<hbm>>
    %dma_wait3A_722 = arith.constant 0 : i32
    %dma_wait3A_723 = arith.constant 256 : i32
    %dma_wait3A_724 = tpu.memref_slice %arg4[%dma_wait3A_716, %dma_wait3A_722, %dma_wait3A_723] : memref<2x128x1024xf32, #tpu.memory_space<vmem>> -> memref<1x128x128xf32, #tpu.memory_space<vmem>>
    %dma_wait3A_725 = tpu.memref_squeeze %dma_wait3A_724 : memref<1x128x128xf32, #tpu.memory_space<vmem>> -> memref<128x128xf32, #tpu.memory_space<vmem>>
    tpu.wait_dma2 semaphore(%arg7 : memref<!tpu.dma_semaphore, #tpu.memory_space<semaphore_mem>>) src(%dma_wait3A_725 : memref<128x128xf32, #tpu.memory_space<vmem>>) dst(%dma_wait3A_721 : memref<128x128xf32, #tpu.memory_space<hbm>>)
    %dma_wait3A_726 = arith.constant 0 : i32
    %dma_wait3A_727 = arith.constant 19 : i32
    %dma_wait3A_728 = arith.constant 0 : i32
    %dma_wait3A_729 = arith.constant 0 : i32
    %dma_wait3A_730 = tpu.memref_slice %arg1[%dma_wait3A_727, %dma_wait3A_728, %dma_wait3A_729] : memref<64x128x128xf32, #tpu.memory_space<hbm>> -> memref<1x128x128xf32, #tpu.memory_space<hbm>>
    %dma_wait3A_731 = tpu.memref_squeeze %dma_wait3A_730 : memref<1x128x128xf32, #tpu.memory_space<hbm>> -> memref<128x128xf32, #tpu.memory_space<hbm>>
    %dma_wait3A_732 = arith.constant 0 : i32
    %dma_wait3A_733 = arith.constant 384 : i32
    %dma_wait3A_734 = tpu.memref_slice %arg4[%dma_wait3A_726, %dma_wait3A_732, %dma_wait3A_733] : memref<2x128x1024xf32, #tpu.memory_space<vmem>> -> memref<1x128x128xf32, #tpu.memory_space<vmem>>
    %dma_wait3A_735 = tpu.memref_squeeze %dma_wait3A_734 : memref<1x128x128xf32, #tpu.memory_space<vmem>> -> memref<128x128xf32, #tpu.memory_space<vmem>>
    tpu.wait_dma2 semaphore(%arg7 : memref<!tpu.dma_semaphore, #tpu.memory_space<semaphore_mem>>) src(%dma_wait3A_735 : memref<128x128xf32, #tpu.memory_space<vmem>>) dst(%dma_wait3A_731 : memref<128x128xf32, #tpu.memory_space<hbm>>)
    %dma_wait3A_736 = arith.constant 0 : i32
    %dma_wait3A_737 = arith.constant 20 : i32
    %dma_wait3A_738 = arith.constant 0 : i32
    %dma_wait3A_739 = arith.constant 0 : i32
    %dma_wait3A_740 = tpu.memref_slice %arg1[%dma_wait3A_737, %dma_wait3A_738, %dma_wait3A_739] : memref<64x128x128xf32, #tpu.memory_space<hbm>> -> memref<1x128x128xf32, #tpu.memory_space<hbm>>
    %dma_wait3A_741 = tpu.memref_squeeze %dma_wait3A_740 : memref<1x128x128xf32, #tpu.memory_space<hbm>> -> memref<128x128xf32, #tpu.memory_space<hbm>>
    %dma_wait3A_742 = arith.constant 0 : i32
    %dma_wait3A_743 = arith.constant 512 : i32
    %dma_wait3A_744 = tpu.memref_slice %arg4[%dma_wait3A_736, %dma_wait3A_742, %dma_wait3A_743] : memref<2x128x1024xf32, #tpu.memory_space<vmem>> -> memref<1x128x128xf32, #tpu.memory_space<vmem>>
    %dma_wait3A_745 = tpu.memref_squeeze %dma_wait3A_744 : memref<1x128x128xf32, #tpu.memory_space<vmem>> -> memref<128x128xf32, #tpu.memory_space<vmem>>
    tpu.wait_dma2 semaphore(%arg7 : memref<!tpu.dma_semaphore, #tpu.memory_space<semaphore_mem>>) src(%dma_wait3A_745 : memref<128x128xf32, #tpu.memory_space<vmem>>) dst(%dma_wait3A_741 : memref<128x128xf32, #tpu.memory_space<hbm>>)
    %dma_wait3A_746 = arith.constant 0 : i32
    %dma_wait3A_747 = arith.constant 21 : i32
    %dma_wait3A_748 = arith.constant 0 : i32
    %dma_wait3A_749 = arith.constant 0 : i32
    %dma_wait3A_750 = tpu.memref_slice %arg1[%dma_wait3A_747, %dma_wait3A_748, %dma_wait3A_749] : memref<64x128x128xf32, #tpu.memory_space<hbm>> -> memref<1x128x128xf32, #tpu.memory_space<hbm>>
    %dma_wait3A_751 = tpu.memref_squeeze %dma_wait3A_750 : memref<1x128x128xf32, #tpu.memory_space<hbm>> -> memref<128x128xf32, #tpu.memory_space<hbm>>
    %dma_wait3A_752 = arith.constant 0 : i32
    %dma_wait3A_753 = arith.constant 640 : i32
    %dma_wait3A_754 = tpu.memref_slice %arg4[%dma_wait3A_746, %dma_wait3A_752, %dma_wait3A_753] : memref<2x128x1024xf32, #tpu.memory_space<vmem>> -> memref<1x128x128xf32, #tpu.memory_space<vmem>>
    %dma_wait3A_755 = tpu.memref_squeeze %dma_wait3A_754 : memref<1x128x128xf32, #tpu.memory_space<vmem>> -> memref<128x128xf32, #tpu.memory_space<vmem>>
    tpu.wait_dma2 semaphore(%arg7 : memref<!tpu.dma_semaphore, #tpu.memory_space<semaphore_mem>>) src(%dma_wait3A_755 : memref<128x128xf32, #tpu.memory_space<vmem>>) dst(%dma_wait3A_751 : memref<128x128xf32, #tpu.memory_space<hbm>>)
    %dma_wait3A_756 = arith.constant 0 : i32
    %dma_wait3A_757 = arith.constant 22 : i32
    %dma_wait3A_758 = arith.constant 0 : i32
    %dma_wait3A_759 = arith.constant 0 : i32
    %dma_wait3A_760 = tpu.memref_slice %arg1[%dma_wait3A_757, %dma_wait3A_758, %dma_wait3A_759] : memref<64x128x128xf32, #tpu.memory_space<hbm>> -> memref<1x128x128xf32, #tpu.memory_space<hbm>>
    %dma_wait3A_761 = tpu.memref_squeeze %dma_wait3A_760 : memref<1x128x128xf32, #tpu.memory_space<hbm>> -> memref<128x128xf32, #tpu.memory_space<hbm>>
    %dma_wait3A_762 = arith.constant 0 : i32
    %dma_wait3A_763 = arith.constant 768 : i32
    %dma_wait3A_764 = tpu.memref_slice %arg4[%dma_wait3A_756, %dma_wait3A_762, %dma_wait3A_763] : memref<2x128x1024xf32, #tpu.memory_space<vmem>> -> memref<1x128x128xf32, #tpu.memory_space<vmem>>
    %dma_wait3A_765 = tpu.memref_squeeze %dma_wait3A_764 : memref<1x128x128xf32, #tpu.memory_space<vmem>> -> memref<128x128xf32, #tpu.memory_space<vmem>>
    tpu.wait_dma2 semaphore(%arg7 : memref<!tpu.dma_semaphore, #tpu.memory_space<semaphore_mem>>) src(%dma_wait3A_765 : memref<128x128xf32, #tpu.memory_space<vmem>>) dst(%dma_wait3A_761 : memref<128x128xf32, #tpu.memory_space<hbm>>)
    %dma_wait3A_766 = arith.constant 0 : i32
    %dma_wait3A_767 = arith.constant 23 : i32
    %dma_wait3A_768 = arith.constant 0 : i32
    %dma_wait3A_769 = arith.constant 0 : i32
    %dma_wait3A_770 = tpu.memref_slice %arg1[%dma_wait3A_767, %dma_wait3A_768, %dma_wait3A_769] : memref<64x128x128xf32, #tpu.memory_space<hbm>> -> memref<1x128x128xf32, #tpu.memory_space<hbm>>
    %dma_wait3A_771 = tpu.memref_squeeze %dma_wait3A_770 : memref<1x128x128xf32, #tpu.memory_space<hbm>> -> memref<128x128xf32, #tpu.memory_space<hbm>>
    %dma_wait3A_772 = arith.constant 0 : i32
    %dma_wait3A_773 = arith.constant 896 : i32
    %dma_wait3A_774 = tpu.memref_slice %arg4[%dma_wait3A_766, %dma_wait3A_772, %dma_wait3A_773] : memref<2x128x1024xf32, #tpu.memory_space<vmem>> -> memref<1x128x128xf32, #tpu.memory_space<vmem>>
    %dma_wait3A_775 = tpu.memref_squeeze %dma_wait3A_774 : memref<1x128x128xf32, #tpu.memory_space<vmem>> -> memref<128x128xf32, #tpu.memory_space<vmem>>
    tpu.wait_dma2 semaphore(%arg7 : memref<!tpu.dma_semaphore, #tpu.memory_space<semaphore_mem>>) src(%dma_wait3A_775 : memref<128x128xf32, #tpu.memory_space<vmem>>) dst(%dma_wait3A_771 : memref<128x128xf32, #tpu.memory_space<hbm>>)
    %dma_wait3A_776 = arith.constant 0 : i32
    %dma_wait3A_777 = arith.constant 256 : i32
    %dma_wait3A_778 = arith.constant 0 : i32
    %dma_wait3A_779 = tpu.memref_slice %arg2[%dma_wait3A_777, %dma_wait3A_778] : memref<1024x1xf32, #tpu.memory_space<hbm>> -> memref<128x1xf32, #tpu.memory_space<hbm>>
    %dma_wait3A_780 = arith.constant 0 : i32
    %dma_wait3A_781 = arith.constant 0 : i32
    %dma_wait3A_782 = tpu.memref_slice %arg5[%dma_wait3A_776, %dma_wait3A_780, %dma_wait3A_781] : memref<2x128x1xf32, #tpu.memory_space<vmem>> -> memref<1x128x1xf32, #tpu.memory_space<vmem>>
    %dma_wait3A_783 = tpu.memref_squeeze %dma_wait3A_782 : memref<1x128x1xf32, #tpu.memory_space<vmem>> -> memref<128x1xf32, #tpu.memory_space<vmem>>
    tpu.wait_dma2 semaphore(%arg8 : memref<!tpu.dma_semaphore, #tpu.memory_space<semaphore_mem>>) src(%dma_wait3A_783 : memref<128x1xf32, #tpu.memory_space<vmem>>) dst(%dma_wait3A_779 : memref<128x1xf32, #tpu.memory_space<hbm>>)
    %dma_wait3A_784 = arith.constant 0 : i32
    %dma_wait3A_785 = arith.constant 0 : i32
    %dma_wait3A_786 = arith.constant 0 : i32
    %dma_wait3A_787 = tpu.memref_slice %arg3[%dma_wait3A_784, %dma_wait3A_785, %dma_wait3A_786] : memref<2x128x1000xf32, #tpu.memory_space<vmem>> -> memref<1x128x1000xf32, #tpu.memory_space<vmem>>
    %dma_wait3A_788 = tpu.memref_squeeze %dma_wait3A_787 : memref<1x128x1000xf32, #tpu.memory_space<vmem>> -> memref<128x1000xf32, #tpu.memory_space<vmem>>
    %dma_wait3A_789 = arith.constant 512 : i32
    %dma_wait3A_790 = arith.constant 0 : i32
    %dma_wait3A_791 = tpu.memref_slice %arg0[%dma_wait3A_789, %dma_wait3A_790] : memref<1024x1000xf32, #tpu.memory_space<hbm>> -> memref<128x1000xf32, #tpu.memory_space<hbm>>
    tpu.wait_dma2 semaphore(%arg6 : memref<!tpu.dma_semaphore, #tpu.memory_space<semaphore_mem>>) src(%dma_wait3A_791 : memref<128x1000xf32, #tpu.memory_space<hbm>>) dst(%dma_wait3A_788 : memref<128x1000xf32, #tpu.memory_space<vmem>>)
    %get3A_792 = arith.constant 0 : index
    %get3A_793 = arith.constant 0 : index
    %get3A_794 = arith.constant 0 : index
    %get3A_795 = vector.load %arg3[%get3A_792, %get3A_793, %get3A_794] : memref<2x128x1000xf32, #tpu.memory_space<vmem>>, vector<1x128x1000xf32>
    %get3A_796 = vector.shape_cast %get3A_795 : vector<1x128x1000xf32> to vector<128x1000xf32>
    %swap3A_797 = arith.constant 0 : index
    %swap3A_798 = arith.constant 0 : index
    %swap3A_799 = arith.constant 0 : index
    %swap3A_800 = vector.load %arg4[%swap3A_797, %swap3A_798, %swap3A_799] : memref<2x128x1024xf32, #tpu.memory_space<vmem>>, vector<1x128x1000xf32>
    %swap3A_801 = vector.shape_cast %swap3A_800 : vector<1x128x1000xf32> to vector<128x1000xf32>
    %swap3A_802 = vector.shape_cast %get3A_796 : vector<128x1000xf32> to vector<1x128x1000xf32>
    tpu.vector_store %arg4[%swap3A_797, %swap3A_798, %swap3A_799], %swap3A_802 {strides = array<i32>} : memref<2x128x1024xf32, #tpu.memory_space<vmem>>, vector<1x128x1000xf32>,
    %neg3A_803 = arith.constant 0.000000e+00 : f32
    %neg3A_804 = vector.broadcast %neg3A_803 : f32 to vector<128x1000xf32>
    %neg3A_805 = arith.subf %neg3A_804, %get3A_796 : vector<128x1000xf32>
    %exp3A_806 = math.exp %neg3A_805 : vector<128x1000xf32>
    %reduce_sum3A_807 = arith.constant dense<0.000000e+00> : vector<128xf32>
    %reduce_sum3A_808 = vector.multi_reduction <add>, %exp3A_806, %reduce_sum3A_807 [1] : vector<128x1000xf32> to vector<128xf32>
    %broadcast_in_dim3A_809 = vector.shape_cast %reduce_sum3A_808 : vector<128xf32> to vector<128x1xf32>
    %swap3A_810 = arith.constant 0 : index
    %swap3A_811 = arith.constant 0 : index
    %swap3A_812 = arith.constant 0 : index
    %swap3A_813 = vector.load %arg5[%swap3A_810, %swap3A_811, %swap3A_812] : memref<2x128x1xf32, #tpu.memory_space<vmem>>, vector<1x128x1xf32>
    %swap3A_814 = vector.shape_cast %swap3A_813 : vector<1x128x1xf32> to vector<128x1xf32>
    %swap3A_815 = vector.shape_cast %broadcast_in_dim3A_809 : vector<128x1xf32> to vector<1x128x1xf32>
    tpu.vector_store %arg5[%swap3A_810, %swap3A_811, %swap3A_812], %swap3A_815 {strides = array<i32>} : memref<2x128x1xf32, #tpu.memory_space<vmem>>, vector<1x128x1xf32>,
    %dma_start3A_816 = arith.constant 0 : i32
    %dma_start3A_817 = arith.constant 32 : i32
    %dma_start3A_818 = arith.constant 0 : i32
    %dma_start3A_819 = arith.constant 0 : i32
    %dma_start3A_820 = tpu.memref_slice %arg1[%dma_start3A_817, %dma_start3A_818, %dma_start3A_819] : memref<64x128x128xf32, #tpu.memory_space<hbm>> -> memref<1x128x128xf32, #tpu.memory_space<hbm>>
    %dma_start3A_821 = tpu.memref_squeeze %dma_start3A_820 : memref<1x128x128xf32, #tpu.memory_space<hbm>> -> memref<128x128xf32, #tpu.memory_space<hbm>>
    %dma_start3A_822 = arith.constant 0 : i32
    %dma_start3A_823 = arith.constant 0 : i32
    %dma_start3A_824 = tpu.memref_slice %arg4[%dma_start3A_816, %dma_start3A_822, %dma_start3A_823] : memref<2x128x1024xf32, #tpu.memory_space<vmem>> -> memref<1x128x128xf32, #tpu.memory_space<vmem>>
    %dma_start3A_825 = tpu.memref_squeeze %dma_start3A_824 : memref<1x128x128xf32, #tpu.memory_space<vmem>> -> memref<128x128xf32, #tpu.memory_space<vmem>>
    tpu.enqueue_dma source(%dma_start3A_825 : memref<128x128xf32, #tpu.memory_space<vmem>>) target(%dma_start3A_821 : memref<128x128xf32, #tpu.memory_space<hbm>>) target_semaphore(%arg7 : memref<!tpu.dma_semaphore, #tpu.memory_space<semaphore_mem>>)
    %dma_start3A_826 = arith.constant 0 : i32
    %dma_start3A_827 = arith.constant 33 : i32
    %dma_start3A_828 = arith.constant 0 : i32
    %dma_start3A_829 = arith.constant 0 : i32
    %dma_start3A_830 = tpu.memref_slice %arg1[%dma_start3A_827, %dma_start3A_828, %dma_start3A_829] : memref<64x128x128xf32, #tpu.memory_space<hbm>> -> memref<1x128x128xf32, #tpu.memory_space<hbm>>
    %dma_start3A_831 = tpu.memref_squeeze %dma_start3A_830 : memref<1x128x128xf32, #tpu.memory_space<hbm>> -> memref<128x128xf32, #tpu.memory_space<hbm>>
    %dma_start3A_832 = arith.constant 0 : i32
    %dma_start3A_833 = arith.constant 128 : i32
    %dma_start3A_834 = tpu.memref_slice %arg4[%dma_start3A_826, %dma_start3A_832, %dma_start3A_833] : memref<2x128x1024xf32, #tpu.memory_space<vmem>> -> memref<1x128x128xf32, #tpu.memory_space<vmem>>
    %dma_start3A_835 = tpu.memref_squeeze %dma_start3A_834 : memref<1x128x128xf32, #tpu.memory_space<vmem>> -> memref<128x128xf32, #tpu.memory_space<vmem>>
    tpu.enqueue_dma source(%dma_start3A_835 : memref<128x128xf32, #tpu.memory_space<vmem>>) target(%dma_start3A_831 : memref<128x128xf32, #tpu.memory_space<hbm>>) target_semaphore(%arg7 : memref<!tpu.dma_semaphore, #tpu.memory_space<semaphore_mem>>)
    %dma_start3A_836 = arith.constant 0 : i32
    %dma_start3A_837 = arith.constant 34 : i32
    %dma_start3A_838 = arith.constant 0 : i32
    %dma_start3A_839 = arith.constant 0 : i32
    %dma_start3A_840 = tpu.memref_slice %arg1[%dma_start3A_837, %dma_start3A_838, %dma_start3A_839] : memref<64x128x128xf32, #tpu.memory_space<hbm>> -> memref<1x128x128xf32, #tpu.memory_space<hbm>>
    %dma_start3A_841 = tpu.memref_squeeze %dma_start3A_840 : memref<1x128x128xf32, #tpu.memory_space<hbm>> -> memref<128x128xf32, #tpu.memory_space<hbm>>
    %dma_start3A_842 = arith.constant 0 : i32
    %dma_start3A_843 = arith.constant 256 : i32
    %dma_start3A_844 = tpu.memref_slice %arg4[%dma_start3A_836, %dma_start3A_842, %dma_start3A_843] : memref<2x128x1024xf32, #tpu.memory_space<vmem>> -> memref<1x128x128xf32, #tpu.memory_space<vmem>>
    %dma_start3A_845 = tpu.memref_squeeze %dma_start3A_844 : memref<1x128x128xf32, #tpu.memory_space<vmem>> -> memref<128x128xf32, #tpu.memory_space<vmem>>
    tpu.enqueue_dma source(%dma_start3A_845 : memref<128x128xf32, #tpu.memory_space<vmem>>) target(%dma_start3A_841 : memref<128x128xf32, #tpu.memory_space<hbm>>) target_semaphore(%arg7 : memref<!tpu.dma_semaphore, #tpu.memory_space<semaphore_mem>>)
    %dma_start3A_846 = arith.constant 0 : i32
    %dma_start3A_847 = arith.constant 35 : i32
    %dma_start3A_848 = arith.constant 0 : i32
    %dma_start3A_849 = arith.constant 0 : i32
    %dma_start3A_850 = tpu.memref_slice %arg1[%dma_start3A_847, %dma_start3A_848, %dma_start3A_849] : memref<64x128x128xf32, #tpu.memory_space<hbm>> -> memref<1x128x128xf32, #tpu.memory_space<hbm>>
    %dma_start3A_851 = tpu.memref_squeeze %dma_start3A_850 : memref<1x128x128xf32, #tpu.memory_space<hbm>> -> memref<128x128xf32, #tpu.memory_space<hbm>>
    %dma_start3A_852 = arith.constant 0 : i32
    %dma_start3A_853 = arith.constant 384 : i32
    %dma_start3A_854 = tpu.memref_slice %arg4[%dma_start3A_846, %dma_start3A_852, %dma_start3A_853] : memref<2x128x1024xf32, #tpu.memory_space<vmem>> -> memref<1x128x128xf32, #tpu.memory_space<vmem>>
    %dma_start3A_855 = tpu.memref_squeeze %dma_start3A_854 : memref<1x128x128xf32, #tpu.memory_space<vmem>> -> memref<128x128xf32, #tpu.memory_space<vmem>>
    tpu.enqueue_dma source(%dma_start3A_855 : memref<128x128xf32, #tpu.memory_space<vmem>>) target(%dma_start3A_851 : memref<128x128xf32, #tpu.memory_space<hbm>>) target_semaphore(%arg7 : memref<!tpu.dma_semaphore, #tpu.memory_space<semaphore_mem>>)
    %dma_start3A_856 = arith.constant 0 : i32
    %dma_start3A_857 = arith.constant 36 : i32
    %dma_start3A_858 = arith.constant 0 : i32
    %dma_start3A_859 = arith.constant 0 : i32
    %dma_start3A_860 = tpu.memref_slice %arg1[%dma_start3A_857, %dma_start3A_858, %dma_start3A_859] : memref<64x128x128xf32, #tpu.memory_space<hbm>> -> memref<1x128x128xf32, #tpu.memory_space<hbm>>
    %dma_start3A_861 = tpu.memref_squeeze %dma_start3A_860 : memref<1x128x128xf32, #tpu.memory_space<hbm>> -> memref<128x128xf32, #tpu.memory_space<hbm>>
    %dma_start3A_862 = arith.constant 0 : i32
    %dma_start3A_863 = arith.constant 512 : i32
    %dma_start3A_864 = tpu.memref_slice %arg4[%dma_start3A_856, %dma_start3A_862, %dma_start3A_863] : memref<2x128x1024xf32, #tpu.memory_space<vmem>> -> memref<1x128x128xf32, #tpu.memory_space<vmem>>
    %dma_start3A_865 = tpu.memref_squeeze %dma_start3A_864 : memref<1x128x128xf32, #tpu.memory_space<vmem>> -> memref<128x128xf32, #tpu.memory_space<vmem>>
    tpu.enqueue_dma source(%dma_start3A_865 : memref<128x128xf32, #tpu.memory_space<vmem>>) target(%dma_start3A_861 : memref<128x128xf32, #tpu.memory_space<hbm>>) target_semaphore(%arg7 : memref<!tpu.dma_semaphore, #tpu.memory_space<semaphore_mem>>)
    %dma_start3A_866 = arith.constant 0 : i32
    %dma_start3A_867 = arith.constant 37 : i32
    %dma_start3A_868 = arith.constant 0 : i32
    %dma_start3A_869 = arith.constant 0 : i32
    %dma_start3A_870 = tpu.memref_slice %arg1[%dma_start3A_867, %dma_start3A_868, %dma_start3A_869] : memref<64x128x128xf32, #tpu.memory_space<hbm>> -> memref<1x128x128xf32, #tpu.memory_space<hbm>>
    %dma_start3A_871 = tpu.memref_squeeze %dma_start3A_870 : memref<1x128x128xf32, #tpu.memory_space<hbm>> -> memref<128x128xf32, #tpu.memory_space<hbm>>
    %dma_start3A_872 = arith.constant 0 : i32
    %dma_start3A_873 = arith.constant 640 : i32
    %dma_start3A_874 = tpu.memref_slice %arg4[%dma_start3A_866, %dma_start3A_872, %dma_start3A_873] : memref<2x128x1024xf32, #tpu.memory_space<vmem>> -> memref<1x128x128xf32, #tpu.memory_space<vmem>>
    %dma_start3A_875 = tpu.memref_squeeze %dma_start3A_874 : memref<1x128x128xf32, #tpu.memory_space<vmem>> -> memref<128x128xf32, #tpu.memory_space<vmem>>
    tpu.enqueue_dma source(%dma_start3A_875 : memref<128x128xf32, #tpu.memory_space<vmem>>) target(%dma_start3A_871 : memref<128x128xf32, #tpu.memory_space<hbm>>) target_semaphore(%arg7 : memref<!tpu.dma_semaphore, #tpu.memory_space<semaphore_mem>>)
    %dma_start3A_876 = arith.constant 0 : i32
    %dma_start3A_877 = arith.constant 38 : i32
    %dma_start3A_878 = arith.constant 0 : i32
    %dma_start3A_879 = arith.constant 0 : i32
    %dma_start3A_880 = tpu.memref_slice %arg1[%dma_start3A_877, %dma_start3A_878, %dma_start3A_879] : memref<64x128x128xf32, #tpu.memory_space<hbm>> -> memref<1x128x128xf32, #tpu.memory_space<hbm>>
    %dma_start3A_881 = tpu.memref_squeeze %dma_start3A_880 : memref<1x128x128xf32, #tpu.memory_space<hbm>> -> memref<128x128xf32, #tpu.memory_space<hbm>>
    %dma_start3A_882 = arith.constant 0 : i32
    %dma_start3A_883 = arith.constant 768 : i32
    %dma_start3A_884 = tpu.memref_slice %arg4[%dma_start3A_876, %dma_start3A_882, %dma_start3A_883] : memref<2x128x1024xf32, #tpu.memory_space<vmem>> -> memref<1x128x128xf32, #tpu.memory_space<vmem>>
    %dma_start3A_885 = tpu.memref_squeeze %dma_start3A_884 : memref<1x128x128xf32, #tpu.memory_space<vmem>> -> memref<128x128xf32, #tpu.memory_space<vmem>>
    tpu.enqueue_dma source(%dma_start3A_885 : memref<128x128xf32, #tpu.memory_space<vmem>>) target(%dma_start3A_881 : memref<128x128xf32, #tpu.memory_space<hbm>>) target_semaphore(%arg7 : memref<!tpu.dma_semaphore, #tpu.memory_space<semaphore_mem>>)
    %dma_start3A_886 = arith.constant 0 : i32
    %dma_start3A_887 = arith.constant 39 : i32
    %dma_start3A_888 = arith.constant 0 : i32
    %dma_start3A_889 = arith.constant 0 : i32
    %dma_start3A_890 = tpu.memref_slice %arg1[%dma_start3A_887, %dma_start3A_888, %dma_start3A_889] : memref<64x128x128xf32, #tpu.memory_space<hbm>> -> memref<1x128x128xf32, #tpu.memory_space<hbm>>
    %dma_start3A_891 = tpu.memref_squeeze %dma_start3A_890 : memref<1x128x128xf32, #tpu.memory_space<hbm>> -> memref<128x128xf32, #tpu.memory_space<hbm>>
    %dma_start3A_892 = arith.constant 0 : i32
    %dma_start3A_893 = arith.constant 896 : i32
    %dma_start3A_894 = tpu.memref_slice %arg4[%dma_start3A_886, %dma_start3A_892, %dma_start3A_893] : memref<2x128x1024xf32, #tpu.memory_space<vmem>> -> memref<1x128x128xf32, #tpu.memory_space<vmem>>
    %dma_start3A_895 = tpu.memref_squeeze %dma_start3A_894 : memref<1x128x128xf32, #tpu.memory_space<vmem>> -> memref<128x128xf32, #tpu.memory_space<vmem>>
    tpu.enqueue_dma source(%dma_start3A_895 : memref<128x128xf32, #tpu.memory_space<vmem>>) target(%dma_start3A_891 : memref<128x128xf32, #tpu.memory_space<hbm>>) target_semaphore(%arg7 : memref<!tpu.dma_semaphore, #tpu.memory_space<semaphore_mem>>)
    %dma_start3A_896 = arith.constant 0 : i32
    %dma_start3A_897 = arith.constant 512 : i32
    %dma_start3A_898 = arith.constant 0 : i32
    %dma_start3A_899 = tpu.memref_slice %arg2[%dma_start3A_897, %dma_start3A_898] : memref<1024x1xf32, #tpu.memory_space<hbm>> -> memref<128x1xf32, #tpu.memory_space<hbm>>
    %dma_start3A_900 = arith.constant 0 : i32
    %dma_start3A_901 = arith.constant 0 : i32
    %dma_start3A_902 = tpu.memref_slice %arg5[%dma_start3A_896, %dma_start3A_900, %dma_start3A_901] : memref<2x128x1xf32, #tpu.memory_space<vmem>> -> memref<1x128x1xf32, #tpu.memory_space<vmem>>
    %dma_start3A_903 = tpu.memref_squeeze %dma_start3A_902 : memref<1x128x1xf32, #tpu.memory_space<vmem>> -> memref<128x1xf32, #tpu.memory_space<vmem>>
    tpu.enqueue_dma source(%dma_start3A_903 : memref<128x1xf32, #tpu.memory_space<vmem>>) target(%dma_start3A_899 : memref<128x1xf32, #tpu.memory_space<hbm>>) target_semaphore(%arg8 : memref<!tpu.dma_semaphore, #tpu.memory_space<semaphore_mem>>)
    %dma_start3A_904 = arith.constant 0 : i32
    %dma_start3A_905 = arith.constant 0 : i32
    %dma_start3A_906 = arith.constant 0 : i32
    %dma_start3A_907 = tpu.memref_slice %arg3[%dma_start3A_904, %dma_start3A_905, %dma_start3A_906] : memref<2x128x1000xf32, #tpu.memory_space<vmem>> -> memref<1x128x1000xf32, #tpu.memory_space<vmem>>
    %dma_start3A_908 = tpu.memref_squeeze %dma_start3A_907 : memref<1x128x1000xf32, #tpu.memory_space<vmem>> -> memref<128x1000xf32, #tpu.memory_space<vmem>>
    %dma_start3A_909 = arith.constant 768 : i32
    %dma_start3A_910 = arith.constant 0 : i32
    %dma_start3A_911 = tpu.memref_slice %arg0[%dma_start3A_909, %dma_start3A_910] : memref<1024x1000xf32, #tpu.memory_space<hbm>> -> memref<128x1000xf32, #tpu.memory_space<hbm>>
    tpu.enqueue_dma source(%dma_start3A_911 : memref<128x1000xf32, #tpu.memory_space<hbm>>) target(%dma_start3A_908 : memref<128x1000xf32, #tpu.memory_space<vmem>>) target_semaphore(%arg6 : memref<!tpu.dma_semaphore, #tpu.memory_space<semaphore_mem>>)
    %dma_wait3A_912 = arith.constant 1 : i32
    %dma_wait3A_913 = arith.constant 24 : i32
    %dma_wait3A_914 = arith.constant 0 : i32
    %dma_wait3A_915 = arith.constant 0 : i32
    %dma_wait3A_916 = tpu.memref_slice %arg1[%dma_wait3A_913, %dma_wait3A_914, %dma_wait3A_915] : memref<64x128x128xf32, #tpu.memory_space<hbm>> -> memref<1x128x128xf32, #tpu.memory_space<hbm>>
    %dma_wait3A_917 = tpu.memref_squeeze %dma_wait3A_916 : memref<1x128x128xf32, #tpu.memory_space<hbm>> -> memref<128x128xf32, #tpu.memory_space<hbm>>
    %dma_wait3A_918 = arith.constant 0 : i32
    %dma_wait3A_919 = arith.constant 0 : i32
    %dma_wait3A_920 = tpu.memref_slice %arg4[%dma_wait3A_912, %dma_wait3A_918, %dma_wait3A_919] : memref<2x128x1024xf32, #tpu.memory_space<vmem>> -> memref<1x128x128xf32, #tpu.memory_space<vmem>>
    %dma_wait3A_921 = tpu.memref_squeeze %dma_wait3A_920 : memref<1x128x128xf32, #tpu.memory_space<vmem>> -> memref<128x128xf32, #tpu.memory_space<vmem>>
    tpu.wait_dma2 semaphore(%arg7 : memref<!tpu.dma_semaphore, #tpu.memory_space<semaphore_mem>>) src(%dma_wait3A_921 : memref<128x128xf32, #tpu.memory_space<vmem>>) dst(%dma_wait3A_917 : memref<128x128xf32, #tpu.memory_space<hbm>>)
    %dma_wait3A_922 = arith.constant 1 : i32
    %dma_wait3A_923 = arith.constant 25 : i32
    %dma_wait3A_924 = arith.constant 0 : i32
    %dma_wait3A_925 = arith.constant 0 : i32
    %dma_wait3A_926 = tpu.memref_slice %arg1[%dma_wait3A_923, %dma_wait3A_924, %dma_wait3A_925] : memref<64x128x128xf32, #tpu.memory_space<hbm>> -> memref<1x128x128xf32, #tpu.memory_space<hbm>>
    %dma_wait3A_927 = tpu.memref_squeeze %dma_wait3A_926 : memref<1x128x128xf32, #tpu.memory_space<hbm>> -> memref<128x128xf32, #tpu.memory_space<hbm>>
    %dma_wait3A_928 = arith.constant 0 : i32
    %dma_wait3A_929 = arith.constant 128 : i32
    %dma_wait3A_930 = tpu.memref_slice %arg4[%dma_wait3A_922, %dma_wait3A_928, %dma_wait3A_929] : memref<2x128x1024xf32, #tpu.memory_space<vmem>> -> memref<1x128x128xf32, #tpu.memory_space<vmem>>
    %dma_wait3A_931 = tpu.memref_squeeze %dma_wait3A_930 : memref<1x128x128xf32, #tpu.memory_space<vmem>> -> memref<128x128xf32, #tpu.memory_space<vmem>>
    tpu.wait_dma2 semaphore(%arg7 : memref<!tpu.dma_semaphore, #tpu.memory_space<semaphore_mem>>) src(%dma_wait3A_931 : memref<128x128xf32, #tpu.memory_space<vmem>>) dst(%dma_wait3A_927 : memref<128x128xf32, #tpu.memory_space<hbm>>)
    %dma_wait3A_932 = arith.constant 1 : i32
    %dma_wait3A_933 = arith.constant 26 : i32
    %dma_wait3A_934 = arith.constant 0 : i32
    %dma_wait3A_935 = arith.constant 0 : i32
    %dma_wait3A_936 = tpu.memref_slice %arg1[%dma_wait3A_933, %dma_wait3A_934, %dma_wait3A_935] : memref<64x128x128xf32, #tpu.memory_space<hbm>> -> memref<1x128x128xf32, #tpu.memory_space<hbm>>
    %dma_wait3A_937 = tpu.memref_squeeze %dma_wait3A_936 : memref<1x128x128xf32, #tpu.memory_space<hbm>> -> memref<128x128xf32, #tpu.memory_space<hbm>>
    %dma_wait3A_938 = arith.constant 0 : i32
    %dma_wait3A_939 = arith.constant 256 : i32
    %dma_wait3A_940 = tpu.memref_slice %arg4[%dma_wait3A_932, %dma_wait3A_938, %dma_wait3A_939] : memref<2x128x1024xf32, #tpu.memory_space<vmem>> -> memref<1x128x128xf32, #tpu.memory_space<vmem>>
    %dma_wait3A_941 = tpu.memref_squeeze %dma_wait3A_940 : memref<1x128x128xf32, #tpu.memory_space<vmem>> -> memref<128x128xf32, #tpu.memory_space<vmem>>
    tpu.wait_dma2 semaphore(%arg7 : memref<!tpu.dma_semaphore, #tpu.memory_space<semaphore_mem>>) src(%dma_wait3A_941 : memref<128x128xf32, #tpu.memory_space<vmem>>) dst(%dma_wait3A_937 : memref<128x128xf32, #tpu.memory_space<hbm>>)
    %dma_wait3A_942 = arith.constant 1 : i32
    %dma_wait3A_943 = arith.constant 27 : i32
    %dma_wait3A_944 = arith.constant 0 : i32
    %dma_wait3A_945 = arith.constant 0 : i32
    %dma_wait3A_946 = tpu.memref_slice %arg1[%dma_wait3A_943, %dma_wait3A_944, %dma_wait3A_945] : memref<64x128x128xf32, #tpu.memory_space<hbm>> -> memref<1x128x128xf32, #tpu.memory_space<hbm>>
    %dma_wait3A_947 = tpu.memref_squeeze %dma_wait3A_946 : memref<1x128x128xf32, #tpu.memory_space<hbm>> -> memref<128x128xf32, #tpu.memory_space<hbm>>
    %dma_wait3A_948 = arith.constant 0 : i32
    %dma_wait3A_949 = arith.constant 384 : i32
    %dma_wait3A_950 = tpu.memref_slice %arg4[%dma_wait3A_942, %dma_wait3A_948, %dma_wait3A_949] : memref<2x128x1024xf32, #tpu.memory_space<vmem>> -> memref<1x128x128xf32, #tpu.memory_space<vmem>>
    %dma_wait3A_951 = tpu.memref_squeeze %dma_wait3A_950 : memref<1x128x128xf32, #tpu.memory_space<vmem>> -> memref<128x128xf32, #tpu.memory_space<vmem>>
    tpu.wait_dma2 semaphore(%arg7 : memref<!tpu.dma_semaphore, #tpu.memory_space<semaphore_mem>>) src(%dma_wait3A_951 : memref<128x128xf32, #tpu.memory_space<vmem>>) dst(%dma_wait3A_947 : memref<128x128xf32, #tpu.memory_space<hbm>>)
    %dma_wait3A_952 = arith.constant 1 : i32
    %dma_wait3A_953 = arith.constant 28 : i32
    %dma_wait3A_954 = arith.constant 0 : i32
    %dma_wait3A_955 = arith.constant 0 : i32
    %dma_wait3A_956 = tpu.memref_slice %arg1[%dma_wait3A_953, %dma_wait3A_954, %dma_wait3A_955] : memref<64x128x128xf32, #tpu.memory_space<hbm>> -> memref<1x128x128xf32, #tpu.memory_space<hbm>>
    %dma_wait3A_957 = tpu.memref_squeeze %dma_wait3A_956 : memref<1x128x128xf32, #tpu.memory_space<hbm>> -> memref<128x128xf32, #tpu.memory_space<hbm>>
    %dma_wait3A_958 = arith.constant 0 : i32
    %dma_wait3A_959 = arith.constant 512 : i32
    %dma_wait3A_960 = tpu.memref_slice %arg4[%dma_wait3A_952, %dma_wait3A_958, %dma_wait3A_959] : memref<2x128x1024xf32, #tpu.memory_space<vmem>> -> memref<1x128x128xf32, #tpu.memory_space<vmem>>
    %dma_wait3A_961 = tpu.memref_squeeze %dma_wait3A_960 : memref<1x128x128xf32, #tpu.memory_space<vmem>> -> memref<128x128xf32, #tpu.memory_space<vmem>>
    tpu.wait_dma2 semaphore(%arg7 : memref<!tpu.dma_semaphore, #tpu.memory_space<semaphore_mem>>) src(%dma_wait3A_961 : memref<128x128xf32, #tpu.memory_space<vmem>>) dst(%dma_wait3A_957 : memref<128x128xf32, #tpu.memory_space<hbm>>)
    %dma_wait3A_962 = arith.constant 1 : i32
    %dma_wait3A_963 = arith.constant 29 : i32
    %dma_wait3A_964 = arith.constant 0 : i32
    %dma_wait3A_965 = arith.constant 0 : i32
    %dma_wait3A_966 = tpu.memref_slice %arg1[%dma_wait3A_963, %dma_wait3A_964, %dma_wait3A_965] : memref<64x128x128xf32, #tpu.memory_space<hbm>> -> memref<1x128x128xf32, #tpu.memory_space<hbm>>
    %dma_wait3A_967 = tpu.memref_squeeze %dma_wait3A_966 : memref<1x128x128xf32, #tpu.memory_space<hbm>> -> memref<128x128xf32, #tpu.memory_space<hbm>>
    %dma_wait3A_968 = arith.constant 0 : i32
    %dma_wait3A_969 = arith.constant 640 : i32
    %dma_wait3A_970 = tpu.memref_slice %arg4[%dma_wait3A_962, %dma_wait3A_968, %dma_wait3A_969] : memref<2x128x1024xf32, #tpu.memory_space<vmem>> -> memref<1x128x128xf32, #tpu.memory_space<vmem>>
    %dma_wait3A_971 = tpu.memref_squeeze %dma_wait3A_970 : memref<1x128x128xf32, #tpu.memory_space<vmem>> -> memref<128x128xf32, #tpu.memory_space<vmem>>
    tpu.wait_dma2 semaphore(%arg7 : memref<!tpu.dma_semaphore, #tpu.memory_space<semaphore_mem>>) src(%dma_wait3A_971 : memref<128x128xf32, #tpu.memory_space<vmem>>) dst(%dma_wait3A_967 : memref<128x128xf32, #tpu.memory_space<hbm>>)
    %dma_wait3A_972 = arith.constant 1 : i32
    %dma_wait3A_973 = arith.constant 30 : i32
    %dma_wait3A_974 = arith.constant 0 : i32
    %dma_wait3A_975 = arith.constant 0 : i32
    %dma_wait3A_976 = tpu.memref_slice %arg1[%dma_wait3A_973, %dma_wait3A_974, %dma_wait3A_975] : memref<64x128x128xf32, #tpu.memory_space<hbm>> -> memref<1x128x128xf32, #tpu.memory_space<hbm>>
    %dma_wait3A_977 = tpu.memref_squeeze %dma_wait3A_976 : memref<1x128x128xf32, #tpu.memory_space<hbm>> -> memref<128x128xf32, #tpu.memory_space<hbm>>
    %dma_wait3A_978 = arith.constant 0 : i32
    %dma_wait3A_979 = arith.constant 768 : i32
    %dma_wait3A_980 = tpu.memref_slice %arg4[%dma_wait3A_972, %dma_wait3A_978, %dma_wait3A_979] : memref<2x128x1024xf32, #tpu.memory_space<vmem>> -> memref<1x128x128xf32, #tpu.memory_space<vmem>>
    %dma_wait3A_981 = tpu.memref_squeeze %dma_wait3A_980 : memref<1x128x128xf32, #tpu.memory_space<vmem>> -> memref<128x128xf32, #tpu.memory_space<vmem>>
    tpu.wait_dma2 semaphore(%arg7 : memref<!tpu.dma_semaphore, #tpu.memory_space<semaphore_mem>>) src(%dma_wait3A_981 : memref<128x128xf32, #tpu.memory_space<vmem>>) dst(%dma_wait3A_977 : memref<128x128xf32, #tpu.memory_space<hbm>>)
    %dma_wait3A_982 = arith.constant 1 : i32
    %dma_wait3A_983 = arith.constant 31 : i32
    %dma_wait3A_984 = arith.constant 0 : i32
    %dma_wait3A_985 = arith.constant 0 : i32
    %dma_wait3A_986 = tpu.memref_slice %arg1[%dma_wait3A_983, %dma_wait3A_984, %dma_wait3A_985] : memref<64x128x128xf32, #tpu.memory_space<hbm>> -> memref<1x128x128xf32, #tpu.memory_space<hbm>>
    %dma_wait3A_987 = tpu.memref_squeeze %dma_wait3A_986 : memref<1x128x128xf32, #tpu.memory_space<hbm>> -> memref<128x128xf32, #tpu.memory_space<hbm>>
    %dma_wait3A_988 = arith.constant 0 : i32
    %dma_wait3A_989 = arith.constant 896 : i32
    %dma_wait3A_990 = tpu.memref_slice %arg4[%dma_wait3A_982, %dma_wait3A_988, %dma_wait3A_989] : memref<2x128x1024xf32, #tpu.memory_space<vmem>> -> memref<1x128x128xf32, #tpu.memory_space<vmem>>
    %dma_wait3A_991 = tpu.memref_squeeze %dma_wait3A_990 : memref<1x128x128xf32, #tpu.memory_space<vmem>> -> memref<128x128xf32, #tpu.memory_space<vmem>>
    tpu.wait_dma2 semaphore(%arg7 : memref<!tpu.dma_semaphore, #tpu.memory_space<semaphore_mem>>) src(%dma_wait3A_991 : memref<128x128xf32, #tpu.memory_space<vmem>>) dst(%dma_wait3A_987 : memref<128x128xf32, #tpu.memory_space<hbm>>)
    %dma_wait3A_992 = arith.constant 1 : i32
    %dma_wait3A_993 = arith.constant 384 : i32
    %dma_wait3A_994 = arith.constant 0 : i32
    %dma_wait3A_995 = tpu.memref_slice %arg2[%dma_wait3A_993, %dma_wait3A_994] : memref<1024x1xf32, #tpu.memory_space<hbm>> -> memref<128x1xf32, #tpu.memory_space<hbm>>
    %dma_wait3A_996 = arith.constant 0 : i32
    %dma_wait3A_997 = arith.constant 0 : i32
    %dma_wait3A_998 = tpu.memref_slice %arg5[%dma_wait3A_992, %dma_wait3A_996, %dma_wait3A_997] : memref<2x128x1xf32, #tpu.memory_space<vmem>> -> memref<1x128x1xf32, #tpu.memory_space<vmem>>
    %dma_wait3A_999 = tpu.memref_squeeze %dma_wait3A_998 : memref<1x128x1xf32, #tpu.memory_space<vmem>> -> memref<128x1xf32, #tpu.memory_space<vmem>>
    tpu.wait_dma2 semaphore(%arg8 : memref<!tpu.dma_semaphore, #tpu.memory_space<semaphore_mem>>) src(%dma_wait3A_999 : memref<128x1xf32, #tpu.memory_space<vmem>>) dst(%dma_wait3A_995 : memref<128x1xf32, #tpu.memory_space<hbm>>)
    %dma_wait3A_1000 = arith.constant 1 : i32
    %dma_wait3A_1001 = arith.constant 0 : i32
    %dma_wait3A_1002 = arith.constant 0 : i32
    %dma_wait3A_1003 = tpu.memref_slice %arg3[%dma_wait3A_1000, %dma_wait3A_1001, %dma_wait3A_1002] : memref<2x128x1000xf32, #tpu.memory_space<vmem>> -> memref<1x128x1000xf32, #tpu.memory_space<vmem>>
    %dma_wait3A_1004 = tpu.memref_squeeze %dma_wait3A_1003 : memref<1x128x1000xf32, #tpu.memory_space<vmem>> -> memref<128x1000xf32, #tpu.memory_space<vmem>>
    %dma_wait3A_1005 = arith.constant 640 : i32
    %dma_wait3A_1006 = arith.constant 0 : i32
    %dma_wait3A_1007 = tpu.memref_slice %arg0[%dma_wait3A_1005, %dma_wait3A_1006] : memref<1024x1000xf32, #tpu.memory_space<hbm>> -> memref<128x1000xf32, #tpu.memory_space<hbm>>
    tpu.wait_dma2 semaphore(%arg6 : memref<!tpu.dma_semaphore, #tpu.memory_space<semaphore_mem>>) src(%dma_wait3A_1007 : memref<128x1000xf32, #tpu.memory_space<hbm>>) dst(%dma_wait3A_1004 : memref<128x1000xf32, #tpu.memory_space<vmem>>)
    %get3A_1008 = arith.constant 1 : index
    %get3A_1009 = arith.constant 0 : index
    %get3A_1010 = arith.constant 0 : index
    %get3A_1011 = vector.load %arg3[%get3A_1008, %get3A_1009, %get3A_1010] : memref<2x128x1000xf32, #tpu.memory_space<vmem>>, vector<1x128x1000xf32>
    %get3A_1012 = vector.shape_cast %get3A_1011 : vector<1x128x1000xf32> to vector<128x1000xf32>
    %swap3A_1013 = arith.constant 1 : index
    %swap3A_1014 = arith.constant 0 : index
    %swap3A_1015 = arith.constant 0 : index
    %swap3A_1016 = vector.load %arg4[%swap3A_1013, %swap3A_1014, %swap3A_1015] : memref<2x128x1024xf32, #tpu.memory_space<vmem>>, vector<1x128x1000xf32>
    %swap3A_1017 = vector.shape_cast %swap3A_1016 : vector<1x128x1000xf32> to vector<128x1000xf32>
    %swap3A_1018 = vector.shape_cast %get3A_1012 : vector<128x1000xf32> to vector<1x128x1000xf32>
    tpu.vector_store %arg4[%swap3A_1013, %swap3A_1014, %swap3A_1015], %swap3A_1018 {strides = array<i32>} : memref<2x128x1024xf32, #tpu.memory_space<vmem>>, vector<1x128x1000xf32>,
    %neg3A_1019 = arith.constant 0.000000e+00 : f32
    %neg3A_1020 = vector.broadcast %neg3A_1019 : f32 to vector<128x1000xf32>
    %neg3A_1021 = arith.subf %neg3A_1020, %get3A_1012 : vector<128x1000xf32>
    %exp3A_1022 = math.exp %neg3A_1021 : vector<128x1000xf32>
    %reduce_sum3A_1023 = arith.constant dense<0.000000e+00> : vector<128xf32>
    %reduce_sum3A_1024 = vector.multi_reduction <add>, %exp3A_1022, %reduce_sum3A_1023 [1] : vector<128x1000xf32> to vector<128xf32>
    %broadcast_in_dim3A_1025 = vector.shape_cast %reduce_sum3A_1024 : vector<128xf32> to vector<128x1xf32>
    %swap3A_1026 = arith.constant 1 : index
    %swap3A_1027 = arith.constant 0 : index
    %swap3A_1028 = arith.constant 0 : index
    %swap3A_1029 = vector.load %arg5[%swap3A_1026, %swap3A_1027, %swap3A_1028] : memref<2x128x1xf32, #tpu.memory_space<vmem>>, vector<1x128x1xf32>
    %swap3A_1030 = vector.shape_cast %swap3A_1029 : vector<1x128x1xf32> to vector<128x1xf32>
    %swap3A_1031 = vector.shape_cast %broadcast_in_dim3A_1025 : vector<128x1xf32> to vector<1x128x1xf32>
    tpu.vector_store %arg5[%swap3A_1026, %swap3A_1027, %swap3A_1028], %swap3A_1031 {strides = array<i32>} : memref<2x128x1xf32, #tpu.memory_space<vmem>>, vector<1x128x1xf32>,
    %dma_start3A_1032 = arith.constant 1 : i32
    %dma_start3A_1033 = arith.constant 40 : i32
    %dma_start3A_1034 = arith.constant 0 : i32
    %dma_start3A_1035 = arith.constant 0 : i32
    %dma_start3A_1036 = tpu.memref_slice %arg1[%dma_start3A_1033, %dma_start3A_1034, %dma_start3A_1035] : memref<64x128x128xf32, #tpu.memory_space<hbm>> -> memref<1x128x128xf32, #tpu.memory_space<hbm>>
    %dma_start3A_1037 = tpu.memref_squeeze %dma_start3A_1036 : memref<1x128x128xf32, #tpu.memory_space<hbm>> -> memref<128x128xf32, #tpu.memory_space<hbm>>
    %dma_start3A_1038 = arith.constant 0 : i32
    %dma_start3A_1039 = arith.constant 0 : i32
    %dma_start3A_1040 = tpu.memref_slice %arg4[%dma_start3A_1032, %dma_start3A_1038, %dma_start3A_1039] : memref<2x128x1024xf32, #tpu.memory_space<vmem>> -> memref<1x128x128xf32, #tpu.memory_space<vmem>>
    %dma_start3A_1041 = tpu.memref_squeeze %dma_start3A_1040 : memref<1x128x128xf32, #tpu.memory_space<vmem>> -> memref<128x128xf32, #tpu.memory_space<vmem>>
    tpu.enqueue_dma source(%dma_start3A_1041 : memref<128x128xf32, #tpu.memory_space<vmem>>) target(%dma_start3A_1037 : memref<128x128xf32, #tpu.memory_space<hbm>>) target_semaphore(%arg7 : memref<!tpu.dma_semaphore, #tpu.memory_space<semaphore_mem>>)
    %dma_start3A_1042 = arith.constant 1 : i32
    %dma_start3A_1043 = arith.constant 41 : i32
    %dma_start3A_1044 = arith.constant 0 : i32
    %dma_start3A_1045 = arith.constant 0 : i32
    %dma_start3A_1046 = tpu.memref_slice %arg1[%dma_start3A_1043, %dma_start3A_1044, %dma_start3A_1045] : memref<64x128x128xf32, #tpu.memory_space<hbm>> -> memref<1x128x128xf32, #tpu.memory_space<hbm>>
    %dma_start3A_1047 = tpu.memref_squeeze %dma_start3A_1046 : memref<1x128x128xf32, #tpu.memory_space<hbm>> -> memref<128x128xf32, #tpu.memory_space<hbm>>
    %dma_start3A_1048 = arith.constant 0 : i32
    %dma_start3A_1049 = arith.constant 128 : i32
    %dma_start3A_1050 = tpu.memref_slice %arg4[%dma_start3A_1042, %dma_start3A_1048, %dma_start3A_1049] : memref<2x128x1024xf32, #tpu.memory_space<vmem>> -> memref<1x128x128xf32, #tpu.memory_space<vmem>>
    %dma_start3A_1051 = tpu.memref_squeeze %dma_start3A_1050 : memref<1x128x128xf32, #tpu.memory_space<vmem>> -> memref<128x128xf32, #tpu.memory_space<vmem>>
    tpu.enqueue_dma source(%dma_start3A_1051 : memref<128x128xf32, #tpu.memory_space<vmem>>) target(%dma_start3A_1047 : memref<128x128xf32, #tpu.memory_space<hbm>>) target_semaphore(%arg7 : memref<!tpu.dma_semaphore, #tpu.memory_space<semaphore_mem>>)
    %dma_start3A_1052 = arith.constant 1 : i32
    %dma_start3A_1053 = arith.constant 42 : i32
    %dma_start3A_1054 = arith.constant 0 : i32
    %dma_start3A_1055 = arith.constant 0 : i32
    %dma_start3A_1056 = tpu.memref_slice %arg1[%dma_start3A_1053, %dma_start3A_1054, %dma_start3A_1055] : memref<64x128x128xf32, #tpu.memory_space<hbm>> -> memref<1x128x128xf32, #tpu.memory_space<hbm>>
    %dma_start3A_1057 = tpu.memref_squeeze %dma_start3A_1056 : memref<1x128x128xf32, #tpu.memory_space<hbm>> -> memref<128x128xf32, #tpu.memory_space<hbm>>
    %dma_start3A_1058 = arith.constant 0 : i32
    %dma_start3A_1059 = arith.constant 256 : i32
    %dma_start3A_1060 = tpu.memref_slice %arg4[%dma_start3A_1052, %dma_start3A_1058, %dma_start3A_1059] : memref<2x128x1024xf32, #tpu.memory_space<vmem>> -> memref<1x128x128xf32, #tpu.memory_space<vmem>>
    %dma_start3A_1061 = tpu.memref_squeeze %dma_start3A_1060 : memref<1x128x128xf32, #tpu.memory_space<vmem>> -> memref<128x128xf32, #tpu.memory_space<vmem>>
    tpu.enqueue_dma source(%dma_start3A_1061 : memref<128x128xf32, #tpu.memory_space<vmem>>) target(%dma_start3A_1057 : memref<128x128xf32, #tpu.memory_space<hbm>>) target_semaphore(%arg7 : memref<!tpu.dma_semaphore, #tpu.memory_space<semaphore_mem>>)
    %dma_start3A_1062 = arith.constant 1 : i32
    %dma_start3A_1063 = arith.constant 43 : i32
    %dma_start3A_1064 = arith.constant 0 : i32
    %dma_start3A_1065 = arith.constant 0 : i32
    %dma_start3A_1066 = tpu.memref_slice %arg1[%dma_start3A_1063, %dma_start3A_1064, %dma_start3A_1065] : memref<64x128x128xf32, #tpu.memory_space<hbm>> -> memref<1x128x128xf32, #tpu.memory_space<hbm>>
    %dma_start3A_1067 = tpu.memref_squeeze %dma_start3A_1066 : memref<1x128x128xf32, #tpu.memory_space<hbm>> -> memref<128x128xf32, #tpu.memory_space<hbm>>
    %dma_start3A_1068 = arith.constant 0 : i32
    %dma_start3A_1069 = arith.constant 384 : i32
    %dma_start3A_1070 = tpu.memref_slice %arg4[%dma_start3A_1062, %dma_start3A_1068, %dma_start3A_1069] : memref<2x128x1024xf32, #tpu.memory_space<vmem>> -> memref<1x128x128xf32, #tpu.memory_space<vmem>>
    %dma_start3A_1071 = tpu.memref_squeeze %dma_start3A_1070 : memref<1x128x128xf32, #tpu.memory_space<vmem>> -> memref<128x128xf32, #tpu.memory_space<vmem>>
    tpu.enqueue_dma source(%dma_start3A_1071 : memref<128x128xf32, #tpu.memory_space<vmem>>) target(%dma_start3A_1067 : memref<128x128xf32, #tpu.memory_space<hbm>>) target_semaphore(%arg7 : memref<!tpu.dma_semaphore, #tpu.memory_space<semaphore_mem>>)
    %dma_start3A_1072 = arith.constant 1 : i32
    %dma_start3A_1073 = arith.constant 44 : i32
    %dma_start3A_1074 = arith.constant 0 : i32
    %dma_start3A_1075 = arith.constant 0 : i32
    %dma_start3A_1076 = tpu.memref_slice %arg1[%dma_start3A_1073, %dma_start3A_1074, %dma_start3A_1075] : memref<64x128x128xf32, #tpu.memory_space<hbm>> -> memref<1x128x128xf32, #tpu.memory_space<hbm>>
    %dma_start3A_1077 = tpu.memref_squeeze %dma_start3A_1076 : memref<1x128x128xf32, #tpu.memory_space<hbm>> -> memref<128x128xf32, #tpu.memory_space<hbm>>
    %dma_start3A_1078 = arith.constant 0 : i32
    %dma_start3A_1079 = arith.constant 512 : i32
    %dma_start3A_1080 = tpu.memref_slice %arg4[%dma_start3A_1072, %dma_start3A_1078, %dma_start3A_1079] : memref<2x128x1024xf32, #tpu.memory_space<vmem>> -> memref<1x128x128xf32, #tpu.memory_space<vmem>>
    %dma_start3A_1081 = tpu.memref_squeeze %dma_start3A_1080 : memref<1x128x128xf32, #tpu.memory_space<vmem>> -> memref<128x128xf32, #tpu.memory_space<vmem>>
    tpu.enqueue_dma source(%dma_start3A_1081 : memref<128x128xf32, #tpu.memory_space<vmem>>) target(%dma_start3A_1077 : memref<128x128xf32, #tpu.memory_space<hbm>>) target_semaphore(%arg7 : memref<!tpu.dma_semaphore, #tpu.memory_space<semaphore_mem>>)
    %dma_start3A_1082 = arith.constant 1 : i32
    %dma_start3A_1083 = arith.constant 45 : i32
    %dma_start3A_1084 = arith.constant 0 : i32
    %dma_start3A_1085 = arith.constant 0 : i32
    %dma_start3A_1086 = tpu.memref_slice %arg1[%dma_start3A_1083, %dma_start3A_1084, %dma_start3A_1085] : memref<64x128x128xf32, #tpu.memory_space<hbm>> -> memref<1x128x128xf32, #tpu.memory_space<hbm>>
    %dma_start3A_1087 = tpu.memref_squeeze %dma_start3A_1086 : memref<1x128x128xf32, #tpu.memory_space<hbm>> -> memref<128x128xf32, #tpu.memory_space<hbm>>
    %dma_start3A_1088 = arith.constant 0 : i32
    %dma_start3A_1089 = arith.constant 640 : i32
    %dma_start3A_1090 = tpu.memref_slice %arg4[%dma_start3A_1082, %dma_start3A_1088, %dma_start3A_1089] : memref<2x128x1024xf32, #tpu.memory_space<vmem>> -> memref<1x128x128xf32, #tpu.memory_space<vmem>>
    %dma_start3A_1091 = tpu.memref_squeeze %dma_start3A_1090 : memref<1x128x128xf32, #tpu.memory_space<vmem>> -> memref<128x128xf32, #tpu.memory_space<vmem>>
    tpu.enqueue_dma source(%dma_start3A_1091 : memref<128x128xf32, #tpu.memory_space<vmem>>) target(%dma_start3A_1087 : memref<128x128xf32, #tpu.memory_space<hbm>>) target_semaphore(%arg7 : memref<!tpu.dma_semaphore, #tpu.memory_space<semaphore_mem>>)
    %dma_start3A_1092 = arith.constant 1 : i32
    %dma_start3A_1093 = arith.constant 46 : i32
    %dma_start3A_1094 = arith.constant 0 : i32
    %dma_start3A_1095 = arith.constant 0 : i32
    %dma_start3A_1096 = tpu.memref_slice %arg1[%dma_start3A_1093, %dma_start3A_1094, %dma_start3A_1095] : memref<64x128x128xf32, #tpu.memory_space<hbm>> -> memref<1x128x128xf32, #tpu.memory_space<hbm>>
    %dma_start3A_1097 = tpu.memref_squeeze %dma_start3A_1096 : memref<1x128x128xf32, #tpu.memory_space<hbm>> -> memref<128x128xf32, #tpu.memory_space<hbm>>
    %dma_start3A_1098 = arith.constant 0 : i32
    %dma_start3A_1099 = arith.constant 768 : i32
    %dma_start3A_1100 = tpu.memref_slice %arg4[%dma_start3A_1092, %dma_start3A_1098, %dma_start3A_1099] : memref<2x128x1024xf32, #tpu.memory_space<vmem>> -> memref<1x128x128xf32, #tpu.memory_space<vmem>>
    %dma_start3A_1101 = tpu.memref_squeeze %dma_start3A_1100 : memref<1x128x128xf32, #tpu.memory_space<vmem>> -> memref<128x128xf32, #tpu.memory_space<vmem>>
    tpu.enqueue_dma source(%dma_start3A_1101 : memref<128x128xf32, #tpu.memory_space<vmem>>) target(%dma_start3A_1097 : memref<128x128xf32, #tpu.memory_space<hbm>>) target_semaphore(%arg7 : memref<!tpu.dma_semaphore, #tpu.memory_space<semaphore_mem>>)
    %dma_start3A_1102 = arith.constant 1 : i32
    %dma_start3A_1103 = arith.constant 47 : i32
    %dma_start3A_1104 = arith.constant 0 : i32
    %dma_start3A_1105 = arith.constant 0 : i32
    %dma_start3A_1106 = tpu.memref_slice %arg1[%dma_start3A_1103, %dma_start3A_1104, %dma_start3A_1105] : memref<64x128x128xf32, #tpu.memory_space<hbm>> -> memref<1x128x128xf32, #tpu.memory_space<hbm>>
    %dma_start3A_1107 = tpu.memref_squeeze %dma_start3A_1106 : memref<1x128x128xf32, #tpu.memory_space<hbm>> -> memref<128x128xf32, #tpu.memory_space<hbm>>
    %dma_start3A_1108 = arith.constant 0 : i32
    %dma_start3A_1109 = arith.constant 896 : i32
    %dma_start3A_1110 = tpu.memref_slice %arg4[%dma_start3A_1102, %dma_start3A_1108, %dma_start3A_1109] : memref<2x128x1024xf32, #tpu.memory_space<vmem>> -> memref<1x128x128xf32, #tpu.memory_space<vmem>>
    %dma_start3A_1111 = tpu.memref_squeeze %dma_start3A_1110 : memref<1x128x128xf32, #tpu.memory_space<vmem>> -> memref<128x128xf32, #tpu.memory_space<vmem>>
    tpu.enqueue_dma source(%dma_start3A_1111 : memref<128x128xf32, #tpu.memory_space<vmem>>) target(%dma_start3A_1107 : memref<128x128xf32, #tpu.memory_space<hbm>>) target_semaphore(%arg7 : memref<!tpu.dma_semaphore, #tpu.memory_space<semaphore_mem>>)
    %dma_start3A_1112 = arith.constant 1 : i32
    %dma_start3A_1113 = arith.constant 640 : i32
    %dma_start3A_1114 = arith.constant 0 : i32
    %dma_start3A_1115 = tpu.memref_slice %arg2[%dma_start3A_1113, %dma_start3A_1114] : memref<1024x1xf32, #tpu.memory_space<hbm>> -> memref<128x1xf32, #tpu.memory_space<hbm>>
    %dma_start3A_1116 = arith.constant 0 : i32
    %dma_start3A_1117 = arith.constant 0 : i32
    %dma_start3A_1118 = tpu.memref_slice %arg5[%dma_start3A_1112, %dma_start3A_1116, %dma_start3A_1117] : memref<2x128x1xf32, #tpu.memory_space<vmem>> -> memref<1x128x1xf32, #tpu.memory_space<vmem>>
    %dma_start3A_1119 = tpu.memref_squeeze %dma_start3A_1118 : memref<1x128x1xf32, #tpu.memory_space<vmem>> -> memref<128x1xf32, #tpu.memory_space<vmem>>
    tpu.enqueue_dma source(%dma_start3A_1119 : memref<128x1xf32, #tpu.memory_space<vmem>>) target(%dma_start3A_1115 : memref<128x1xf32, #tpu.memory_space<hbm>>) target_semaphore(%arg8 : memref<!tpu.dma_semaphore, #tpu.memory_space<semaphore_mem>>)
    %dma_start3A_1120 = arith.constant 1 : i32
    %dma_start3A_1121 = arith.constant 0 : i32
    %dma_start3A_1122 = arith.constant 0 : i32
    %dma_start3A_1123 = tpu.memref_slice %arg3[%dma_start3A_1120, %dma_start3A_1121, %dma_start3A_1122] : memref<2x128x1000xf32, #tpu.memory_space<vmem>> -> memref<1x128x1000xf32, #tpu.memory_space<vmem>>
    %dma_start3A_1124 = tpu.memref_squeeze %dma_start3A_1123 : memref<1x128x1000xf32, #tpu.memory_space<vmem>> -> memref<128x1000xf32, #tpu.memory_space<vmem>>
    %dma_start3A_1125 = arith.constant 896 : i32
    %dma_start3A_1126 = arith.constant 0 : i32
    %dma_start3A_1127 = tpu.memref_slice %arg0[%dma_start3A_1125, %dma_start3A_1126] : memref<1024x1000xf32, #tpu.memory_space<hbm>> -> memref<128x1000xf32, #tpu.memory_space<hbm>>
    tpu.enqueue_dma source(%dma_start3A_1127 : memref<128x1000xf32, #tpu.memory_space<hbm>>) target(%dma_start3A_1124 : memref<128x1000xf32, #tpu.memory_space<vmem>>) target_semaphore(%arg6 : memref<!tpu.dma_semaphore, #tpu.memory_space<semaphore_mem>>)
    %dma_wait3A_1128 = arith.constant 0 : i32
    %dma_wait3A_1129 = arith.constant 32 : i32
    %dma_wait3A_1130 = arith.constant 0 : i32
    %dma_wait3A_1131 = arith.constant 0 : i32
    %dma_wait3A_1132 = tpu.memref_slice %arg1[%dma_wait3A_1129, %dma_wait3A_1130, %dma_wait3A_1131] : memref<64x128x128xf32, #tpu.memory_space<hbm>> -> memref<1x128x128xf32, #tpu.memory_space<hbm>>
    %dma_wait3A_1133 = tpu.memref_squeeze %dma_wait3A_1132 : memref<1x128x128xf32, #tpu.memory_space<hbm>> -> memref<128x128xf32, #tpu.memory_space<hbm>>
    %dma_wait3A_1134 = arith.constant 0 : i32
    %dma_wait3A_1135 = arith.constant 0 : i32
    %dma_wait3A_1136 = tpu.memref_slice %arg4[%dma_wait3A_1128, %dma_wait3A_1134, %dma_wait3A_1135] : memref<2x128x1024xf32, #tpu.memory_space<vmem>> -> memref<1x128x128xf32, #tpu.memory_space<vmem>>
    %dma_wait3A_1137 = tpu.memref_squeeze %dma_wait3A_1136 : memref<1x128x128xf32, #tpu.memory_space<vmem>> -> memref<128x128xf32, #tpu.memory_space<vmem>>
    tpu.wait_dma2 semaphore(%arg7 : memref<!tpu.dma_semaphore, #tpu.memory_space<semaphore_mem>>) src(%dma_wait3A_1137 : memref<128x128xf32, #tpu.memory_space<vmem>>) dst(%dma_wait3A_1133 : memref<128x128xf32, #tpu.memory_space<hbm>>)
    %dma_wait3A_1138 = arith.constant 0 : i32
    %dma_wait3A_1139 = arith.constant 33 : i32
    %dma_wait3A_1140 = arith.constant 0 : i32
    %dma_wait3A_1141 = arith.constant 0 : i32
    %dma_wait3A_1142 = tpu.memref_slice %arg1[%dma_wait3A_1139, %dma_wait3A_1140, %dma_wait3A_1141] : memref<64x128x128xf32, #tpu.memory_space<hbm>> -> memref<1x128x128xf32, #tpu.memory_space<hbm>>
    %dma_wait3A_1143 = tpu.memref_squeeze %dma_wait3A_1142 : memref<1x128x128xf32, #tpu.memory_space<hbm>> -> memref<128x128xf32, #tpu.memory_space<hbm>>
    %dma_wait3A_1144 = arith.constant 0 : i32
    %dma_wait3A_1145 = arith.constant 128 : i32
    %dma_wait3A_1146 = tpu.memref_slice %arg4[%dma_wait3A_1138, %dma_wait3A_1144, %dma_wait3A_1145] : memref<2x128x1024xf32, #tpu.memory_space<vmem>> -> memref<1x128x128xf32, #tpu.memory_space<vmem>>
    %dma_wait3A_1147 = tpu.memref_squeeze %dma_wait3A_1146 : memref<1x128x128xf32, #tpu.memory_space<vmem>> -> memref<128x128xf32, #tpu.memory_space<vmem>>
    tpu.wait_dma2 semaphore(%arg7 : memref<!tpu.dma_semaphore, #tpu.memory_space<semaphore_mem>>) src(%dma_wait3A_1147 : memref<128x128xf32, #tpu.memory_space<vmem>>) dst(%dma_wait3A_1143 : memref<128x128xf32, #tpu.memory_space<hbm>>)
    %dma_wait3A_1148 = arith.constant 0 : i32
    %dma_wait3A_1149 = arith.constant 34 : i32
    %dma_wait3A_1150 = arith.constant 0 : i32
    %dma_wait3A_1151 = arith.constant 0 : i32
    %dma_wait3A_1152 = tpu.memref_slice %arg1[%dma_wait3A_1149, %dma_wait3A_1150, %dma_wait3A_1151] : memref<64x128x128xf32, #tpu.memory_space<hbm>> -> memref<1x128x128xf32, #tpu.memory_space<hbm>>
    %dma_wait3A_1153 = tpu.memref_squeeze %dma_wait3A_1152 : memref<1x128x128xf32, #tpu.memory_space<hbm>> -> memref<128x128xf32, #tpu.memory_space<hbm>>
    %dma_wait3A_1154 = arith.constant 0 : i32
    %dma_wait3A_1155 = arith.constant 256 : i32
    %dma_wait3A_1156 = tpu.memref_slice %arg4[%dma_wait3A_1148, %dma_wait3A_1154, %dma_wait3A_1155] : memref<2x128x1024xf32, #tpu.memory_space<vmem>> -> memref<1x128x128xf32, #tpu.memory_space<vmem>>
    %dma_wait3A_1157 = tpu.memref_squeeze %dma_wait3A_1156 : memref<1x128x128xf32, #tpu.memory_space<vmem>> -> memref<128x128xf32, #tpu.memory_space<vmem>>
    tpu.wait_dma2 semaphore(%arg7 : memref<!tpu.dma_semaphore, #tpu.memory_space<semaphore_mem>>) src(%dma_wait3A_1157 : memref<128x128xf32, #tpu.memory_space<vmem>>) dst(%dma_wait3A_1153 : memref<128x128xf32, #tpu.memory_space<hbm>>)
    %dma_wait3A_1158 = arith.constant 0 : i32
    %dma_wait3A_1159 = arith.constant 35 : i32
    %dma_wait3A_1160 = arith.constant 0 : i32
    %dma_wait3A_1161 = arith.constant 0 : i32
    %dma_wait3A_1162 = tpu.memref_slice %arg1[%dma_wait3A_1159, %dma_wait3A_1160, %dma_wait3A_1161] : memref<64x128x128xf32, #tpu.memory_space<hbm>> -> memref<1x128x128xf32, #tpu.memory_space<hbm>>
    %dma_wait3A_1163 = tpu.memref_squeeze %dma_wait3A_1162 : memref<1x128x128xf32, #tpu.memory_space<hbm>> -> memref<128x128xf32, #tpu.memory_space<hbm>>
    %dma_wait3A_1164 = arith.constant 0 : i32
    %dma_wait3A_1165 = arith.constant 384 : i32
    %dma_wait3A_1166 = tpu.memref_slice %arg4[%dma_wait3A_1158, %dma_wait3A_1164, %dma_wait3A_1165] : memref<2x128x1024xf32, #tpu.memory_space<vmem>> -> memref<1x128x128xf32, #tpu.memory_space<vmem>>
    %dma_wait3A_1167 = tpu.memref_squeeze %dma_wait3A_1166 : memref<1x128x128xf32, #tpu.memory_space<vmem>> -> memref<128x128xf32, #tpu.memory_space<vmem>>
    tpu.wait_dma2 semaphore(%arg7 : memref<!tpu.dma_semaphore, #tpu.memory_space<semaphore_mem>>) src(%dma_wait3A_1167 : memref<128x128xf32, #tpu.memory_space<vmem>>) dst(%dma_wait3A_1163 : memref<128x128xf32, #tpu.memory_space<hbm>>)
    %dma_wait3A_1168 = arith.constant 0 : i32
    %dma_wait3A_1169 = arith.constant 36 : i32
    %dma_wait3A_1170 = arith.constant 0 : i32
    %dma_wait3A_1171 = arith.constant 0 : i32
    %dma_wait3A_1172 = tpu.memref_slice %arg1[%dma_wait3A_1169, %dma_wait3A_1170, %dma_wait3A_1171] : memref<64x128x128xf32, #tpu.memory_space<hbm>> -> memref<1x128x128xf32, #tpu.memory_space<hbm>>
    %dma_wait3A_1173 = tpu.memref_squeeze %dma_wait3A_1172 : memref<1x128x128xf32, #tpu.memory_space<hbm>> -> memref<128x128xf32, #tpu.memory_space<hbm>>
    %dma_wait3A_1174 = arith.constant 0 : i32
    %dma_wait3A_1175 = arith.constant 512 : i32
    %dma_wait3A_1176 = tpu.memref_slice %arg4[%dma_wait3A_1168, %dma_wait3A_1174, %dma_wait3A_1175] : memref<2x128x1024xf32, #tpu.memory_space<vmem>> -> memref<1x128x128xf32, #tpu.memory_space<vmem>>
    %dma_wait3A_1177 = tpu.memref_squeeze %dma_wait3A_1176 : memref<1x128x128xf32, #tpu.memory_space<vmem>> -> memref<128x128xf32, #tpu.memory_space<vmem>>
    tpu.wait_dma2 semaphore(%arg7 : memref<!tpu.dma_semaphore, #tpu.memory_space<semaphore_mem>>) src(%dma_wait3A_1177 : memref<128x128xf32, #tpu.memory_space<vmem>>) dst(%dma_wait3A_1173 : memref<128x128xf32, #tpu.memory_space<hbm>>)
    %dma_wait3A_1178 = arith.constant 0 : i32
    %dma_wait3A_1179 = arith.constant 37 : i32
    %dma_wait3A_1180 = arith.constant 0 : i32
    %dma_wait3A_1181 = arith.constant 0 : i32
    %dma_wait3A_1182 = tpu.memref_slice %arg1[%dma_wait3A_1179, %dma_wait3A_1180, %dma_wait3A_1181] : memref<64x128x128xf32, #tpu.memory_space<hbm>> -> memref<1x128x128xf32, #tpu.memory_space<hbm>>
    %dma_wait3A_1183 = tpu.memref_squeeze %dma_wait3A_1182 : memref<1x128x128xf32, #tpu.memory_space<hbm>> -> memref<128x128xf32, #tpu.memory_space<hbm>>
    %dma_wait3A_1184 = arith.constant 0 : i32
    %dma_wait3A_1185 = arith.constant 640 : i32
    %dma_wait3A_1186 = tpu.memref_slice %arg4[%dma_wait3A_1178, %dma_wait3A_1184, %dma_wait3A_1185] : memref<2x128x1024xf32, #tpu.memory_space<vmem>> -> memref<1x128x128xf32, #tpu.memory_space<vmem>>
    %dma_wait3A_1187 = tpu.memref_squeeze %dma_wait3A_1186 : memref<1x128x128xf32, #tpu.memory_space<vmem>> -> memref<128x128xf32, #tpu.memory_space<vmem>>
    tpu.wait_dma2 semaphore(%arg7 : memref<!tpu.dma_semaphore, #tpu.memory_space<semaphore_mem>>) src(%dma_wait3A_1187 : memref<128x128xf32, #tpu.memory_space<vmem>>) dst(%dma_wait3A_1183 : memref<128x128xf32, #tpu.memory_space<hbm>>)
    %dma_wait3A_1188 = arith.constant 0 : i32
    %dma_wait3A_1189 = arith.constant 38 : i32
    %dma_wait3A_1190 = arith.constant 0 : i32
    %dma_wait3A_1191 = arith.constant 0 : i32
    %dma_wait3A_1192 = tpu.memref_slice %arg1[%dma_wait3A_1189, %dma_wait3A_1190, %dma_wait3A_1191] : memref<64x128x128xf32, #tpu.memory_space<hbm>> -> memref<1x128x128xf32, #tpu.memory_space<hbm>>
    %dma_wait3A_1193 = tpu.memref_squeeze %dma_wait3A_1192 : memref<1x128x128xf32, #tpu.memory_space<hbm>> -> memref<128x128xf32, #tpu.memory_space<hbm>>
    %dma_wait3A_1194 = arith.constant 0 : i32
    %dma_wait3A_1195 = arith.constant 768 : i32
    %dma_wait3A_1196 = tpu.memref_slice %arg4[%dma_wait3A_1188, %dma_wait3A_1194, %dma_wait3A_1195] : memref<2x128x1024xf32, #tpu.memory_space<vmem>> -> memref<1x128x128xf32, #tpu.memory_space<vmem>>
    %dma_wait3A_1197 = tpu.memref_squeeze %dma_wait3A_1196 : memref<1x128x128xf32, #tpu.memory_space<vmem>> -> memref<128x128xf32, #tpu.memory_space<vmem>>
    tpu.wait_dma2 semaphore(%arg7 : memref<!tpu.dma_semaphore, #tpu.memory_space<semaphore_mem>>) src(%dma_wait3A_1197 : memref<128x128xf32, #tpu.memory_space<vmem>>) dst(%dma_wait3A_1193 : memref<128x128xf32, #tpu.memory_space<hbm>>)
    %dma_wait3A_1198 = arith.constant 0 : i32
    %dma_wait3A_1199 = arith.constant 39 : i32
    %dma_wait3A_1200 = arith.constant 0 : i32
    %dma_wait3A_1201 = arith.constant 0 : i32
    %dma_wait3A_1202 = tpu.memref_slice %arg1[%dma_wait3A_1199, %dma_wait3A_1200, %dma_wait3A_1201] : memref<64x128x128xf32, #tpu.memory_space<hbm>> -> memref<1x128x128xf32, #tpu.memory_space<hbm>>
    %dma_wait3A_1203 = tpu.memref_squeeze %dma_wait3A_1202 : memref<1x128x128xf32, #tpu.memory_space<hbm>> -> memref<128x128xf32, #tpu.memory_space<hbm>>
    %dma_wait3A_1204 = arith.constant 0 : i32
    %dma_wait3A_1205 = arith.constant 896 : i32
    %dma_wait3A_1206 = tpu.memref_slice %arg4[%dma_wait3A_1198, %dma_wait3A_1204, %dma_wait3A_1205] : memref<2x128x1024xf32, #tpu.memory_space<vmem>> -> memref<1x128x128xf32, #tpu.memory_space<vmem>>
    %dma_wait3A_1207 = tpu.memref_squeeze %dma_wait3A_1206 : memref<1x128x128xf32, #tpu.memory_space<vmem>> -> memref<128x128xf32, #tpu.memory_space<vmem>>
    tpu.wait_dma2 semaphore(%arg7 : memref<!tpu.dma_semaphore, #tpu.memory_space<semaphore_mem>>) src(%dma_wait3A_1207 : memref<128x128xf32, #tpu.memory_space<vmem>>) dst(%dma_wait3A_1203 : memref<128x128xf32, #tpu.memory_space<hbm>>)
    %dma_wait3A_1208 = arith.constant 0 : i32
    %dma_wait3A_1209 = arith.constant 512 : i32
    %dma_wait3A_1210 = arith.constant 0 : i32
    %dma_wait3A_1211 = tpu.memref_slice %arg2[%dma_wait3A_1209, %dma_wait3A_1210] : memref<1024x1xf32, #tpu.memory_space<hbm>> -> memref<128x1xf32, #tpu.memory_space<hbm>>
    %dma_wait3A_1212 = arith.constant 0 : i32
    %dma_wait3A_1213 = arith.constant 0 : i32
    %dma_wait3A_1214 = tpu.memref_slice %arg5[%dma_wait3A_1208, %dma_wait3A_1212, %dma_wait3A_1213] : memref<2x128x1xf32, #tpu.memory_space<vmem>> -> memref<1x128x1xf32, #tpu.memory_space<vmem>>
    %dma_wait3A_1215 = tpu.memref_squeeze %dma_wait3A_1214 : memref<1x128x1xf32, #tpu.memory_space<vmem>> -> memref<128x1xf32, #tpu.memory_space<vmem>>
    tpu.wait_dma2 semaphore(%arg8 : memref<!tpu.dma_semaphore, #tpu.memory_space<semaphore_mem>>) src(%dma_wait3A_1215 : memref<128x1xf32, #tpu.memory_space<vmem>>) dst(%dma_wait3A_1211 : memref<128x1xf32, #tpu.memory_space<hbm>>)
    %dma_wait3A_1216 = arith.constant 0 : i32
    %dma_wait3A_1217 = arith.constant 0 : i32
    %dma_wait3A_1218 = arith.constant 0 : i32
    %dma_wait3A_1219 = tpu.memref_slice %arg3[%dma_wait3A_1216, %dma_wait3A_1217, %dma_wait3A_1218] : memref<2x128x1000xf32, #tpu.memory_space<vmem>> -> memref<1x128x1000xf32, #tpu.memory_space<vmem>>
    %dma_wait3A_1220 = tpu.memref_squeeze %dma_wait3A_1219 : memref<1x128x1000xf32, #tpu.memory_space<vmem>> -> memref<128x1000xf32, #tpu.memory_space<vmem>>
    %dma_wait3A_1221 = arith.constant 768 : i32
    %dma_wait3A_1222 = arith.constant 0 : i32
    %dma_wait3A_1223 = tpu.memref_slice %arg0[%dma_wait3A_1221, %dma_wait3A_1222] : memref<1024x1000xf32, #tpu.memory_space<hbm>> -> memref<128x1000xf32, #tpu.memory_space<hbm>>
    tpu.wait_dma2 semaphore(%arg6 : memref<!tpu.dma_semaphore, #tpu.memory_space<semaphore_mem>>) src(%dma_wait3A_1223 : memref<128x1000xf32, #tpu.memory_space<hbm>>) dst(%dma_wait3A_1220 : memref<128x1000xf32, #tpu.memory_space<vmem>>)
    %get3A_1224 = arith.constant 0 : index
    %get3A_1225 = arith.constant 0 : index
    %get3A_1226 = arith.constant 0 : index
    %get3A_1227 = vector.load %arg3[%get3A_1224, %get3A_1225, %get3A_1226] : memref<2x128x1000xf32, #tpu.memory_space<vmem>>, vector<1x128x1000xf32>
    %get3A_1228 = vector.shape_cast %get3A_1227 : vector<1x128x1000xf32> to vector<128x1000xf32>
    %swap3A_1229 = arith.constant 0 : index
    %swap3A_1230 = arith.constant 0 : index
    %swap3A_1231 = arith.constant 0 : index
    %swap3A_1232 = vector.load %arg4[%swap3A_1229, %swap3A_1230, %swap3A_1231] : memref<2x128x1024xf32, #tpu.memory_space<vmem>>, vector<1x128x1000xf32>
    %swap3A_1233 = vector.shape_cast %swap3A_1232 : vector<1x128x1000xf32> to vector<128x1000xf32>
    %swap3A_1234 = vector.shape_cast %get3A_1228 : vector<128x1000xf32> to vector<1x128x1000xf32>
    tpu.vector_store %arg4[%swap3A_1229, %swap3A_1230, %swap3A_1231], %swap3A_1234 {strides = array<i32>} : memref<2x128x1024xf32, #tpu.memory_space<vmem>>, vector<1x128x1000xf32>,
    %neg3A_1235 = arith.constant 0.000000e+00 : f32
    %neg3A_1236 = vector.broadcast %neg3A_1235 : f32 to vector<128x1000xf32>
    %neg3A_1237 = arith.subf %neg3A_1236, %get3A_1228 : vector<128x1000xf32>
    %exp3A_1238 = math.exp %neg3A_1237 : vector<128x1000xf32>
    %reduce_sum3A_1239 = arith.constant dense<0.000000e+00> : vector<128xf32>
    %reduce_sum3A_1240 = vector.multi_reduction <add>, %exp3A_1238, %reduce_sum3A_1239 [1] : vector<128x1000xf32> to vector<128xf32>
    %broadcast_in_dim3A_1241 = vector.shape_cast %reduce_sum3A_1240 : vector<128xf32> to vector<128x1xf32>
    %swap3A_1242 = arith.constant 0 : index
    %swap3A_1243 = arith.constant 0 : index
    %swap3A_1244 = arith.constant 0 : index
    %swap3A_1245 = vector.load %arg5[%swap3A_1242, %swap3A_1243, %swap3A_1244] : memref<2x128x1xf32, #tpu.memory_space<vmem>>, vector<1x128x1xf32>
    %swap3A_1246 = vector.shape_cast %swap3A_1245 : vector<1x128x1xf32> to vector<128x1xf32>
    %swap3A_1247 = vector.shape_cast %broadcast_in_dim3A_1241 : vector<128x1xf32> to vector<1x128x1xf32>
    tpu.vector_store %arg5[%swap3A_1242, %swap3A_1243, %swap3A_1244], %swap3A_1247 {strides = array<i32>} : memref<2x128x1xf32, #tpu.memory_space<vmem>>, vector<1x128x1xf32>,
    %dma_start3A_1248 = arith.constant 0 : i32
    %dma_start3A_1249 = arith.constant 48 : i32
    %dma_start3A_1250 = arith.constant 0 : i32
    %dma_start3A_1251 = arith.constant 0 : i32
    %dma_start3A_1252 = tpu.memref_slice %arg1[%dma_start3A_1249, %dma_start3A_1250, %dma_start3A_1251] : memref<64x128x128xf32, #tpu.memory_space<hbm>> -> memref<1x128x128xf32, #tpu.memory_space<hbm>>
    %dma_start3A_1253 = tpu.memref_squeeze %dma_start3A_1252 : memref<1x128x128xf32, #tpu.memory_space<hbm>> -> memref<128x128xf32, #tpu.memory_space<hbm>>
    %dma_start3A_1254 = arith.constant 0 : i32
    %dma_start3A_1255 = arith.constant 0 : i32
    %dma_start3A_1256 = tpu.memref_slice %arg4[%dma_start3A_1248, %dma_start3A_1254, %dma_start3A_1255] : memref<2x128x1024xf32, #tpu.memory_space<vmem>> -> memref<1x128x128xf32, #tpu.memory_space<vmem>>
    %dma_start3A_1257 = tpu.memref_squeeze %dma_start3A_1256 : memref<1x128x128xf32, #tpu.memory_space<vmem>> -> memref<128x128xf32, #tpu.memory_space<vmem>>
    tpu.enqueue_dma source(%dma_start3A_1257 : memref<128x128xf32, #tpu.memory_space<vmem>>) target(%dma_start3A_1253 : memref<128x128xf32, #tpu.memory_space<hbm>>) target_semaphore(%arg7 : memref<!tpu.dma_semaphore, #tpu.memory_space<semaphore_mem>>)
    %dma_start3A_1258 = arith.constant 0 : i32
    %dma_start3A_1259 = arith.constant 49 : i32
    %dma_start3A_1260 = arith.constant 0 : i32
    %dma_start3A_1261 = arith.constant 0 : i32
    %dma_start3A_1262 = tpu.memref_slice %arg1[%dma_start3A_1259, %dma_start3A_1260, %dma_start3A_1261] : memref<64x128x128xf32, #tpu.memory_space<hbm>> -> memref<1x128x128xf32, #tpu.memory_space<hbm>>
    %dma_start3A_1263 = tpu.memref_squeeze %dma_start3A_1262 : memref<1x128x128xf32, #tpu.memory_space<hbm>> -> memref<128x128xf32, #tpu.memory_space<hbm>>
    %dma_start3A_1264 = arith.constant 0 : i32
    %dma_start3A_1265 = arith.constant 128 : i32
    %dma_start3A_1266 = tpu.memref_slice %arg4[%dma_start3A_1258, %dma_start3A_1264, %dma_start3A_1265] : memref<2x128x1024xf32, #tpu.memory_space<vmem>> -> memref<1x128x128xf32, #tpu.memory_space<vmem>>
    %dma_start3A_1267 = tpu.memref_squeeze %dma_start3A_1266 : memref<1x128x128xf32, #tpu.memory_space<vmem>> -> memref<128x128xf32, #tpu.memory_space<vmem>>
    tpu.enqueue_dma source(%dma_start3A_1267 : memref<128x128xf32, #tpu.memory_space<vmem>>) target(%dma_start3A_1263 : memref<128x128xf32, #tpu.memory_space<hbm>>) target_semaphore(%arg7 : memref<!tpu.dma_semaphore, #tpu.memory_space<semaphore_mem>>)
    %dma_start3A_1268 = arith.constant 0 : i32
    %dma_start3A_1269 = arith.constant 50 : i32
    %dma_start3A_1270 = arith.constant 0 : i32
    %dma_start3A_1271 = arith.constant 0 : i32
    %dma_start3A_1272 = tpu.memref_slice %arg1[%dma_start3A_1269, %dma_start3A_1270, %dma_start3A_1271] : memref<64x128x128xf32, #tpu.memory_space<hbm>> -> memref<1x128x128xf32, #tpu.memory_space<hbm>>
    %dma_start3A_1273 = tpu.memref_squeeze %dma_start3A_1272 : memref<1x128x128xf32, #tpu.memory_space<hbm>> -> memref<128x128xf32, #tpu.memory_space<hbm>>
    %dma_start3A_1274 = arith.constant 0 : i32
    %dma_start3A_1275 = arith.constant 256 : i32
    %dma_start3A_1276 = tpu.memref_slice %arg4[%dma_start3A_1268, %dma_start3A_1274, %dma_start3A_1275] : memref<2x128x1024xf32, #tpu.memory_space<vmem>> -> memref<1x128x128xf32, #tpu.memory_space<vmem>>
    %dma_start3A_1277 = tpu.memref_squeeze %dma_start3A_1276 : memref<1x128x128xf32, #tpu.memory_space<vmem>> -> memref<128x128xf32, #tpu.memory_space<vmem>>
    tpu.enqueue_dma source(%dma_start3A_1277 : memref<128x128xf32, #tpu.memory_space<vmem>>) target(%dma_start3A_1273 : memref<128x128xf32, #tpu.memory_space<hbm>>) target_semaphore(%arg7 : memref<!tpu.dma_semaphore, #tpu.memory_space<semaphore_mem>>)
    %dma_start3A_1278 = arith.constant 0 : i32
    %dma_start3A_1279 = arith.constant 51 : i32
    %dma_start3A_1280 = arith.constant 0 : i32
    %dma_start3A_1281 = arith.constant 0 : i32
    %dma_start3A_1282 = tpu.memref_slice %arg1[%dma_start3A_1279, %dma_start3A_1280, %dma_start3A_1281] : memref<64x128x128xf32, #tpu.memory_space<hbm>> -> memref<1x128x128xf32, #tpu.memory_space<hbm>>
    %dma_start3A_1283 = tpu.memref_squeeze %dma_start3A_1282 : memref<1x128x128xf32, #tpu.memory_space<hbm>> -> memref<128x128xf32, #tpu.memory_space<hbm>>
    %dma_start3A_1284 = arith.constant 0 : i32
    %dma_start3A_1285 = arith.constant 384 : i32
    %dma_start3A_1286 = tpu.memref_slice %arg4[%dma_start3A_1278, %dma_start3A_1284, %dma_start3A_1285] : memref<2x128x1024xf32, #tpu.memory_space<vmem>> -> memref<1x128x128xf32, #tpu.memory_space<vmem>>
    %dma_start3A_1287 = tpu.memref_squeeze %dma_start3A_1286 : memref<1x128x128xf32, #tpu.memory_space<vmem>> -> memref<128x128xf32, #tpu.memory_space<vmem>>
    tpu.enqueue_dma source(%dma_start3A_1287 : memref<128x128xf32, #tpu.memory_space<vmem>>) target(%dma_start3A_1283 : memref<128x128xf32, #tpu.memory_space<hbm>>) target_semaphore(%arg7 : memref<!tpu.dma_semaphore, #tpu.memory_space<semaphore_mem>>)
    %dma_start3A_1288 = arith.constant 0 : i32
    %dma_start3A_1289 = arith.constant 52 : i32
    %dma_start3A_1290 = arith.constant 0 : i32
    %dma_start3A_1291 = arith.constant 0 : i32
    %dma_start3A_1292 = tpu.memref_slice %arg1[%dma_start3A_1289, %dma_start3A_1290, %dma_start3A_1291] : memref<64x128x128xf32, #tpu.memory_space<hbm>> -> memref<1x128x128xf32, #tpu.memory_space<hbm>>
    %dma_start3A_1293 = tpu.memref_squeeze %dma_start3A_1292 : memref<1x128x128xf32, #tpu.memory_space<hbm>> -> memref<128x128xf32, #tpu.memory_space<hbm>>
    %dma_start3A_1294 = arith.constant 0 : i32
    %dma_start3A_1295 = arith.constant 512 : i32
    %dma_start3A_1296 = tpu.memref_slice %arg4[%dma_start3A_1288, %dma_start3A_1294, %dma_start3A_1295] : memref<2x128x1024xf32, #tpu.memory_space<vmem>> -> memref<1x128x128xf32, #tpu.memory_space<vmem>>
    %dma_start3A_1297 = tpu.memref_squeeze %dma_start3A_1296 : memref<1x128x128xf32, #tpu.memory_space<vmem>> -> memref<128x128xf32, #tpu.memory_space<vmem>>
    tpu.enqueue_dma source(%dma_start3A_1297 : memref<128x128xf32, #tpu.memory_space<vmem>>) target(%dma_start3A_1293 : memref<128x128xf32, #tpu.memory_space<hbm>>) target_semaphore(%arg7 : memref<!tpu.dma_semaphore, #tpu.memory_space<semaphore_mem>>)
    %dma_start3A_1298 = arith.constant 0 : i32
    %dma_start3A_1299 = arith.constant 53 : i32
    %dma_start3A_1300 = arith.constant 0 : i32
    %dma_start3A_1301 = arith.constant 0 : i32
    %dma_start3A_1302 = tpu.memref_slice %arg1[%dma_start3A_1299, %dma_start3A_1300, %dma_start3A_1301] : memref<64x128x128xf32, #tpu.memory_space<hbm>> -> memref<1x128x128xf32, #tpu.memory_space<hbm>>
    %dma_start3A_1303 = tpu.memref_squeeze %dma_start3A_1302 : memref<1x128x128xf32, #tpu.memory_space<hbm>> -> memref<128x128xf32, #tpu.memory_space<hbm>>
    %dma_start3A_1304 = arith.constant 0 : i32
    %dma_start3A_1305 = arith.constant 640 : i32
    %dma_start3A_1306 = tpu.memref_slice %arg4[%dma_start3A_1298, %dma_start3A_1304, %dma_start3A_1305] : memref<2x128x1024xf32, #tpu.memory_space<vmem>> -> memref<1x128x128xf32, #tpu.memory_space<vmem>>
    %dma_start3A_1307 = tpu.memref_squeeze %dma_start3A_1306 : memref<1x128x128xf32, #tpu.memory_space<vmem>> -> memref<128x128xf32, #tpu.memory_space<vmem>>
    tpu.enqueue_dma source(%dma_start3A_1307 : memref<128x128xf32, #tpu.memory_space<vmem>>) target(%dma_start3A_1303 : memref<128x128xf32, #tpu.memory_space<hbm>>) target_semaphore(%arg7 : memref<!tpu.dma_semaphore, #tpu.memory_space<semaphore_mem>>)
    %dma_start3A_1308 = arith.constant 0 : i32
    %dma_start3A_1309 = arith.constant 54 : i32
    %dma_start3A_1310 = arith.constant 0 : i32
    %dma_start3A_1311 = arith.constant 0 : i32
    %dma_start3A_1312 = tpu.memref_slice %arg1[%dma_start3A_1309, %dma_start3A_1310, %dma_start3A_1311] : memref<64x128x128xf32, #tpu.memory_space<hbm>> -> memref<1x128x128xf32, #tpu.memory_space<hbm>>
    %dma_start3A_1313 = tpu.memref_squeeze %dma_start3A_1312 : memref<1x128x128xf32, #tpu.memory_space<hbm>> -> memref<128x128xf32, #tpu.memory_space<hbm>>
    %dma_start3A_1314 = arith.constant 0 : i32
    %dma_start3A_1315 = arith.constant 768 : i32
    %dma_start3A_1316 = tpu.memref_slice %arg4[%dma_start3A_1308, %dma_start3A_1314, %dma_start3A_1315] : memref<2x128x1024xf32, #tpu.memory_space<vmem>> -> memref<1x128x128xf32, #tpu.memory_space<vmem>>
    %dma_start3A_1317 = tpu.memref_squeeze %dma_start3A_1316 : memref<1x128x128xf32, #tpu.memory_space<vmem>> -> memref<128x128xf32, #tpu.memory_space<vmem>>
    tpu.enqueue_dma source(%dma_start3A_1317 : memref<128x128xf32, #tpu.memory_space<vmem>>) target(%dma_start3A_1313 : memref<128x128xf32, #tpu.memory_space<hbm>>) target_semaphore(%arg7 : memref<!tpu.dma_semaphore, #tpu.memory_space<semaphore_mem>>)
    %dma_start3A_1318 = arith.constant 0 : i32
    %dma_start3A_1319 = arith.constant 55 : i32
    %dma_start3A_1320 = arith.constant 0 : i32
    %dma_start3A_1321 = arith.constant 0 : i32
    %dma_start3A_1322 = tpu.memref_slice %arg1[%dma_start3A_1319, %dma_start3A_1320, %dma_start3A_1321] : memref<64x128x128xf32, #tpu.memory_space<hbm>> -> memref<1x128x128xf32, #tpu.memory_space<hbm>>
    %dma_start3A_1323 = tpu.memref_squeeze %dma_start3A_1322 : memref<1x128x128xf32, #tpu.memory_space<hbm>> -> memref<128x128xf32, #tpu.memory_space<hbm>>
    %dma_start3A_1324 = arith.constant 0 : i32
    %dma_start3A_1325 = arith.constant 896 : i32
    %dma_start3A_1326 = tpu.memref_slice %arg4[%dma_start3A_1318, %dma_start3A_1324, %dma_start3A_1325] : memref<2x128x1024xf32, #tpu.memory_space<vmem>> -> memref<1x128x128xf32, #tpu.memory_space<vmem>>
    %dma_start3A_1327 = tpu.memref_squeeze %dma_start3A_1326 : memref<1x128x128xf32, #tpu.memory_space<vmem>> -> memref<128x128xf32, #tpu.memory_space<vmem>>
    tpu.enqueue_dma source(%dma_start3A_1327 : memref<128x128xf32, #tpu.memory_space<vmem>>) target(%dma_start3A_1323 : memref<128x128xf32, #tpu.memory_space<hbm>>) target_semaphore(%arg7 : memref<!tpu.dma_semaphore, #tpu.memory_space<semaphore_mem>>)
    %dma_start3A_1328 = arith.constant 0 : i32
    %dma_start3A_1329 = arith.constant 768 : i32
    %dma_start3A_1330 = arith.constant 0 : i32
    %dma_start3A_1331 = tpu.memref_slice %arg2[%dma_start3A_1329, %dma_start3A_1330] : memref<1024x1xf32, #tpu.memory_space<hbm>> -> memref<128x1xf32, #tpu.memory_space<hbm>>
    %dma_start3A_1332 = arith.constant 0 : i32
    %dma_start3A_1333 = arith.constant 0 : i32
    %dma_start3A_1334 = tpu.memref_slice %arg5[%dma_start3A_1328, %dma_start3A_1332, %dma_start3A_1333] : memref<2x128x1xf32, #tpu.memory_space<vmem>> -> memref<1x128x1xf32, #tpu.memory_space<vmem>>
    %dma_start3A_1335 = tpu.memref_squeeze %dma_start3A_1334 : memref<1x128x1xf32, #tpu.memory_space<vmem>> -> memref<128x1xf32, #tpu.memory_space<vmem>>
    tpu.enqueue_dma source(%dma_start3A_1335 : memref<128x1xf32, #tpu.memory_space<vmem>>) target(%dma_start3A_1331 : memref<128x1xf32, #tpu.memory_space<hbm>>) target_semaphore(%arg8 : memref<!tpu.dma_semaphore, #tpu.memory_space<semaphore_mem>>)
    %dma_wait3A_1336 = arith.constant 1 : i32
    %dma_wait3A_1337 = arith.constant 40 : i32
    %dma_wait3A_1338 = arith.constant 0 : i32
    %dma_wait3A_1339 = arith.constant 0 : i32
    %dma_wait3A_1340 = tpu.memref_slice %arg1[%dma_wait3A_1337, %dma_wait3A_1338, %dma_wait3A_1339] : memref<64x128x128xf32, #tpu.memory_space<hbm>> -> memref<1x128x128xf32, #tpu.memory_space<hbm>>
    %dma_wait3A_1341 = tpu.memref_squeeze %dma_wait3A_1340 : memref<1x128x128xf32, #tpu.memory_space<hbm>> -> memref<128x128xf32, #tpu.memory_space<hbm>>
    %dma_wait3A_1342 = arith.constant 0 : i32
    %dma_wait3A_1343 = arith.constant 0 : i32
    %dma_wait3A_1344 = tpu.memref_slice %arg4[%dma_wait3A_1336, %dma_wait3A_1342, %dma_wait3A_1343] : memref<2x128x1024xf32, #tpu.memory_space<vmem>> -> memref<1x128x128xf32, #tpu.memory_space<vmem>>
    %dma_wait3A_1345 = tpu.memref_squeeze %dma_wait3A_1344 : memref<1x128x128xf32, #tpu.memory_space<vmem>> -> memref<128x128xf32, #tpu.memory_space<vmem>>
    tpu.wait_dma2 semaphore(%arg7 : memref<!tpu.dma_semaphore, #tpu.memory_space<semaphore_mem>>) src(%dma_wait3A_1345 : memref<128x128xf32, #tpu.memory_space<vmem>>) dst(%dma_wait3A_1341 : memref<128x128xf32, #tpu.memory_space<hbm>>)
    %dma_wait3A_1346 = arith.constant 1 : i32
    %dma_wait3A_1347 = arith.constant 41 : i32
    %dma_wait3A_1348 = arith.constant 0 : i32
    %dma_wait3A_1349 = arith.constant 0 : i32
    %dma_wait3A_1350 = tpu.memref_slice %arg1[%dma_wait3A_1347, %dma_wait3A_1348, %dma_wait3A_1349] : memref<64x128x128xf32, #tpu.memory_space<hbm>> -> memref<1x128x128xf32, #tpu.memory_space<hbm>>
    %dma_wait3A_1351 = tpu.memref_squeeze %dma_wait3A_1350 : memref<1x128x128xf32, #tpu.memory_space<hbm>> -> memref<128x128xf32, #tpu.memory_space<hbm>>
    %dma_wait3A_1352 = arith.constant 0 : i32
    %dma_wait3A_1353 = arith.constant 128 : i32
    %dma_wait3A_1354 = tpu.memref_slice %arg4[%dma_wait3A_1346, %dma_wait3A_1352, %dma_wait3A_1353] : memref<2x128x1024xf32, #tpu.memory_space<vmem>> -> memref<1x128x128xf32, #tpu.memory_space<vmem>>
    %dma_wait3A_1355 = tpu.memref_squeeze %dma_wait3A_1354 : memref<1x128x128xf32, #tpu.memory_space<vmem>> -> memref<128x128xf32, #tpu.memory_space<vmem>>
    tpu.wait_dma2 semaphore(%arg7 : memref<!tpu.dma_semaphore, #tpu.memory_space<semaphore_mem>>) src(%dma_wait3A_1355 : memref<128x128xf32, #tpu.memory_space<vmem>>) dst(%dma_wait3A_1351 : memref<128x128xf32, #tpu.memory_space<hbm>>)
    %dma_wait3A_1356 = arith.constant 1 : i32
    %dma_wait3A_1357 = arith.constant 42 : i32
    %dma_wait3A_1358 = arith.constant 0 : i32
    %dma_wait3A_1359 = arith.constant 0 : i32
    %dma_wait3A_1360 = tpu.memref_slice %arg1[%dma_wait3A_1357, %dma_wait3A_1358, %dma_wait3A_1359] : memref<64x128x128xf32, #tpu.memory_space<hbm>> -> memref<1x128x128xf32, #tpu.memory_space<hbm>>
    %dma_wait3A_1361 = tpu.memref_squeeze %dma_wait3A_1360 : memref<1x128x128xf32, #tpu.memory_space<hbm>> -> memref<128x128xf32, #tpu.memory_space<hbm>>
    %dma_wait3A_1362 = arith.constant 0 : i32
    %dma_wait3A_1363 = arith.constant 256 : i32
    %dma_wait3A_1364 = tpu.memref_slice %arg4[%dma_wait3A_1356, %dma_wait3A_1362, %dma_wait3A_1363] : memref<2x128x1024xf32, #tpu.memory_space<vmem>> -> memref<1x128x128xf32, #tpu.memory_space<vmem>>
    %dma_wait3A_1365 = tpu.memref_squeeze %dma_wait3A_1364 : memref<1x128x128xf32, #tpu.memory_space<vmem>> -> memref<128x128xf32, #tpu.memory_space<vmem>>
    tpu.wait_dma2 semaphore(%arg7 : memref<!tpu.dma_semaphore, #tpu.memory_space<semaphore_mem>>) src(%dma_wait3A_1365 : memref<128x128xf32, #tpu.memory_space<vmem>>) dst(%dma_wait3A_1361 : memref<128x128xf32, #tpu.memory_space<hbm>>)
    %dma_wait3A_1366 = arith.constant 1 : i32
    %dma_wait3A_1367 = arith.constant 43 : i32
    %dma_wait3A_1368 = arith.constant 0 : i32
    %dma_wait3A_1369 = arith.constant 0 : i32
    %dma_wait3A_1370 = tpu.memref_slice %arg1[%dma_wait3A_1367, %dma_wait3A_1368, %dma_wait3A_1369] : memref<64x128x128xf32, #tpu.memory_space<hbm>> -> memref<1x128x128xf32, #tpu.memory_space<hbm>>
    %dma_wait3A_1371 = tpu.memref_squeeze %dma_wait3A_1370 : memref<1x128x128xf32, #tpu.memory_space<hbm>> -> memref<128x128xf32, #tpu.memory_space<hbm>>
    %dma_wait3A_1372 = arith.constant 0 : i32
    %dma_wait3A_1373 = arith.constant 384 : i32
    %dma_wait3A_1374 = tpu.memref_slice %arg4[%dma_wait3A_1366, %dma_wait3A_1372, %dma_wait3A_1373] : memref<2x128x1024xf32, #tpu.memory_space<vmem>> -> memref<1x128x128xf32, #tpu.memory_space<vmem>>
    %dma_wait3A_1375 = tpu.memref_squeeze %dma_wait3A_1374 : memref<1x128x128xf32, #tpu.memory_space<vmem>> -> memref<128x128xf32, #tpu.memory_space<vmem>>
    tpu.wait_dma2 semaphore(%arg7 : memref<!tpu.dma_semaphore, #tpu.memory_space<semaphore_mem>>) src(%dma_wait3A_1375 : memref<128x128xf32, #tpu.memory_space<vmem>>) dst(%dma_wait3A_1371 : memref<128x128xf32, #tpu.memory_space<hbm>>)
    %dma_wait3A_1376 = arith.constant 1 : i32
    %dma_wait3A_1377 = arith.constant 44 : i32
    %dma_wait3A_1378 = arith.constant 0 : i32
    %dma_wait3A_1379 = arith.constant 0 : i32
    %dma_wait3A_1380 = tpu.memref_slice %arg1[%dma_wait3A_1377, %dma_wait3A_1378, %dma_wait3A_1379] : memref<64x128x128xf32, #tpu.memory_space<hbm>> -> memref<1x128x128xf32, #tpu.memory_space<hbm>>
    %dma_wait3A_1381 = tpu.memref_squeeze %dma_wait3A_1380 : memref<1x128x128xf32, #tpu.memory_space<hbm>> -> memref<128x128xf32, #tpu.memory_space<hbm>>
    %dma_wait3A_1382 = arith.constant 0 : i32
    %dma_wait3A_1383 = arith.constant 512 : i32
    %dma_wait3A_1384 = tpu.memref_slice %arg4[%dma_wait3A_1376, %dma_wait3A_1382, %dma_wait3A_1383] : memref<2x128x1024xf32, #tpu.memory_space<vmem>> -> memref<1x128x128xf32, #tpu.memory_space<vmem>>
    %dma_wait3A_1385 = tpu.memref_squeeze %dma_wait3A_1384 : memref<1x128x128xf32, #tpu.memory_space<vmem>> -> memref<128x128xf32, #tpu.memory_space<vmem>>
    tpu.wait_dma2 semaphore(%arg7 : memref<!tpu.dma_semaphore, #tpu.memory_space<semaphore_mem>>) src(%dma_wait3A_1385 : memref<128x128xf32, #tpu.memory_space<vmem>>) dst(%dma_wait3A_1381 : memref<128x128xf32, #tpu.memory_space<hbm>>)
    %dma_wait3A_1386 = arith.constant 1 : i32
    %dma_wait3A_1387 = arith.constant 45 : i32
    %dma_wait3A_1388 = arith.constant 0 : i32
    %dma_wait3A_1389 = arith.constant 0 : i32
    %dma_wait3A_1390 = tpu.memref_slice %arg1[%dma_wait3A_1387, %dma_wait3A_1388, %dma_wait3A_1389] : memref<64x128x128xf32, #tpu.memory_space<hbm>> -> memref<1x128x128xf32, #tpu.memory_space<hbm>>
    %dma_wait3A_1391 = tpu.memref_squeeze %dma_wait3A_1390 : memref<1x128x128xf32, #tpu.memory_space<hbm>> -> memref<128x128xf32, #tpu.memory_space<hbm>>
    %dma_wait3A_1392 = arith.constant 0 : i32
    %dma_wait3A_1393 = arith.constant 640 : i32
    %dma_wait3A_1394 = tpu.memref_slice %arg4[%dma_wait3A_1386, %dma_wait3A_1392, %dma_wait3A_1393] : memref<2x128x1024xf32, #tpu.memory_space<vmem>> -> memref<1x128x128xf32, #tpu.memory_space<vmem>>
    %dma_wait3A_1395 = tpu.memref_squeeze %dma_wait3A_1394 : memref<1x128x128xf32, #tpu.memory_space<vmem>> -> memref<128x128xf32, #tpu.memory_space<vmem>>
    tpu.wait_dma2 semaphore(%arg7 : memref<!tpu.dma_semaphore, #tpu.memory_space<semaphore_mem>>) src(%dma_wait3A_1395 : memref<128x128xf32, #tpu.memory_space<vmem>>) dst(%dma_wait3A_1391 : memref<128x128xf32, #tpu.memory_space<hbm>>)
    %dma_wait3A_1396 = arith.constant 1 : i32
    %dma_wait3A_1397 = arith.constant 46 : i32
    %dma_wait3A_1398 = arith.constant 0 : i32
    %dma_wait3A_1399 = arith.constant 0 : i32
    %dma_wait3A_1400 = tpu.memref_slice %arg1[%dma_wait3A_1397, %dma_wait3A_1398, %dma_wait3A_1399] : memref<64x128x128xf32, #tpu.memory_space<hbm>> -> memref<1x128x128xf32, #tpu.memory_space<hbm>>
    %dma_wait3A_1401 = tpu.memref_squeeze %dma_wait3A_1400 : memref<1x128x128xf32, #tpu.memory_space<hbm>> -> memref<128x128xf32, #tpu.memory_space<hbm>>
    %dma_wait3A_1402 = arith.constant 0 : i32
    %dma_wait3A_1403 = arith.constant 768 : i32
    %dma_wait3A_1404 = tpu.memref_slice %arg4[%dma_wait3A_1396, %dma_wait3A_1402, %dma_wait3A_1403] : memref<2x128x1024xf32, #tpu.memory_space<vmem>> -> memref<1x128x128xf32, #tpu.memory_space<vmem>>
    %dma_wait3A_1405 = tpu.memref_squeeze %dma_wait3A_1404 : memref<1x128x128xf32, #tpu.memory_space<vmem>> -> memref<128x128xf32, #tpu.memory_space<vmem>>
    tpu.wait_dma2 semaphore(%arg7 : memref<!tpu.dma_semaphore, #tpu.memory_space<semaphore_mem>>) src(%dma_wait3A_1405 : memref<128x128xf32, #tpu.memory_space<vmem>>) dst(%dma_wait3A_1401 : memref<128x128xf32, #tpu.memory_space<hbm>>)
    %dma_wait3A_1406 = arith.constant 1 : i32
    %dma_wait3A_1407 = arith.constant 47 : i32
    %dma_wait3A_1408 = arith.constant 0 : i32
    %dma_wait3A_1409 = arith.constant 0 : i32
    %dma_wait3A_1410 = tpu.memref_slice %arg1[%dma_wait3A_1407, %dma_wait3A_1408, %dma_wait3A_1409] : memref<64x128x128xf32, #tpu.memory_space<hbm>> -> memref<1x128x128xf32, #tpu.memory_space<hbm>>
    %dma_wait3A_1411 = tpu.memref_squeeze %dma_wait3A_1410 : memref<1x128x128xf32, #tpu.memory_space<hbm>> -> memref<128x128xf32, #tpu.memory_space<hbm>>
    %dma_wait3A_1412 = arith.constant 0 : i32
    %dma_wait3A_1413 = arith.constant 896 : i32
    %dma_wait3A_1414 = tpu.memref_slice %arg4[%dma_wait3A_1406, %dma_wait3A_1412, %dma_wait3A_1413] : memref<2x128x1024xf32, #tpu.memory_space<vmem>> -> memref<1x128x128xf32, #tpu.memory_space<vmem>>
    %dma_wait3A_1415 = tpu.memref_squeeze %dma_wait3A_1414 : memref<1x128x128xf32, #tpu.memory_space<vmem>> -> memref<128x128xf32, #tpu.memory_space<vmem>>
    tpu.wait_dma2 semaphore(%arg7 : memref<!tpu.dma_semaphore, #tpu.memory_space<semaphore_mem>>) src(%dma_wait3A_1415 : memref<128x128xf32, #tpu.memory_space<vmem>>) dst(%dma_wait3A_1411 : memref<128x128xf32, #tpu.memory_space<hbm>>)
    %dma_wait3A_1416 = arith.constant 1 : i32
    %dma_wait3A_1417 = arith.constant 640 : i32
    %dma_wait3A_1418 = arith.constant 0 : i32
    %dma_wait3A_1419 = tpu.memref_slice %arg2[%dma_wait3A_1417, %dma_wait3A_1418] : memref<1024x1xf32, #tpu.memory_space<hbm>> -> memref<128x1xf32, #tpu.memory_space<hbm>>
    %dma_wait3A_1420 = arith.constant 0 : i32
    %dma_wait3A_1421 = arith.constant 0 : i32
    %dma_wait3A_1422 = tpu.memref_slice %arg5[%dma_wait3A_1416, %dma_wait3A_1420, %dma_wait3A_1421] : memref<2x128x1xf32, #tpu.memory_space<vmem>> -> memref<1x128x1xf32, #tpu.memory_space<vmem>>
    %dma_wait3A_1423 = tpu.memref_squeeze %dma_wait3A_1422 : memref<1x128x1xf32, #tpu.memory_space<vmem>> -> memref<128x1xf32, #tpu.memory_space<vmem>>
    tpu.wait_dma2 semaphore(%arg8 : memref<!tpu.dma_semaphore, #tpu.memory_space<semaphore_mem>>) src(%dma_wait3A_1423 : memref<128x1xf32, #tpu.memory_space<vmem>>) dst(%dma_wait3A_1419 : memref<128x1xf32, #tpu.memory_space<hbm>>)
    %dma_wait3A_1424 = arith.constant 1 : i32
    %dma_wait3A_1425 = arith.constant 0 : i32
    %dma_wait3A_1426 = arith.constant 0 : i32
    %dma_wait3A_1427 = tpu.memref_slice %arg3[%dma_wait3A_1424, %dma_wait3A_1425, %dma_wait3A_1426] : memref<2x128x1000xf32, #tpu.memory_space<vmem>> -> memref<1x128x1000xf32, #tpu.memory_space<vmem>>
    %dma_wait3A_1428 = tpu.memref_squeeze %dma_wait3A_1427 : memref<1x128x1000xf32, #tpu.memory_space<vmem>> -> memref<128x1000xf32, #tpu.memory_space<vmem>>
    %dma_wait3A_1429 = arith.constant 896 : i32
    %dma_wait3A_1430 = arith.constant 0 : i32
    %dma_wait3A_1431 = tpu.memref_slice %arg0[%dma_wait3A_1429, %dma_wait3A_1430] : memref<1024x1000xf32, #tpu.memory_space<hbm>> -> memref<128x1000xf32, #tpu.memory_space<hbm>>
    tpu.wait_dma2 semaphore(%arg6 : memref<!tpu.dma_semaphore, #tpu.memory_space<semaphore_mem>>) src(%dma_wait3A_1431 : memref<128x1000xf32, #tpu.memory_space<hbm>>) dst(%dma_wait3A_1428 : memref<128x1000xf32, #tpu.memory_space<vmem>>)
    %get3A_1432 = arith.constant 1 : index
    %get3A_1433 = arith.constant 0 : index
    %get3A_1434 = arith.constant 0 : index
    %get3A_1435 = vector.load %arg3[%get3A_1432, %get3A_1433, %get3A_1434] : memref<2x128x1000xf32, #tpu.memory_space<vmem>>, vector<1x128x1000xf32>
    %get3A_1436 = vector.shape_cast %get3A_1435 : vector<1x128x1000xf32> to vector<128x1000xf32>
    %swap3A_1437 = arith.constant 1 : index
    %swap3A_1438 = arith.constant 0 : index
    %swap3A_1439 = arith.constant 0 : index
    %swap3A_1440 = vector.load %arg4[%swap3A_1437, %swap3A_1438, %swap3A_1439] : memref<2x128x1024xf32, #tpu.memory_space<vmem>>, vector<1x128x1000xf32>
    %swap3A_1441 = vector.shape_cast %swap3A_1440 : vector<1x128x1000xf32> to vector<128x1000xf32>
    %swap3A_1442 = vector.shape_cast %get3A_1436 : vector<128x1000xf32> to vector<1x128x1000xf32>
    tpu.vector_store %arg4[%swap3A_1437, %swap3A_1438, %swap3A_1439], %swap3A_1442 {strides = array<i32>} : memref<2x128x1024xf32, #tpu.memory_space<vmem>>, vector<1x128x1000xf32>,
    %neg3A_1443 = arith.constant 0.000000e+00 : f32
    %neg3A_1444 = vector.broadcast %neg3A_1443 : f32 to vector<128x1000xf32>
    %neg3A_1445 = arith.subf %neg3A_1444, %get3A_1436 : vector<128x1000xf32>
    %exp3A_1446 = math.exp %neg3A_1445 : vector<128x1000xf32>
    %reduce_sum3A_1447 = arith.constant dense<0.000000e+00> : vector<128xf32>
    %reduce_sum3A_1448 = vector.multi_reduction <add>, %exp3A_1446, %reduce_sum3A_1447 [1] : vector<128x1000xf32> to vector<128xf32>
    %broadcast_in_dim3A_1449 = vector.shape_cast %reduce_sum3A_1448 : vector<128xf32> to vector<128x1xf32>
    %swap3A_1450 = arith.constant 1 : index
    %swap3A_1451 = arith.constant 0 : index
    %swap3A_1452 = arith.constant 0 : index
    %swap3A_1453 = vector.load %arg5[%swap3A_1450, %swap3A_1451, %swap3A_1452] : memref<2x128x1xf32, #tpu.memory_space<vmem>>, vector<1x128x1xf32>
    %swap3A_1454 = vector.shape_cast %swap3A_1453 : vector<1x128x1xf32> to vector<128x1xf32>
    %swap3A_1455 = vector.shape_cast %broadcast_in_dim3A_1449 : vector<128x1xf32> to vector<1x128x1xf32>
    tpu.vector_store %arg5[%swap3A_1450, %swap3A_1451, %swap3A_1452], %swap3A_1455 {strides = array<i32>} : memref<2x128x1xf32, #tpu.memory_space<vmem>>, vector<1x128x1xf32>,
    %dma_start3A_1456 = arith.constant 1 : i32
    %dma_start3A_1457 = arith.constant 56 : i32
    %dma_start3A_1458 = arith.constant 0 : i32
    %dma_start3A_1459 = arith.constant 0 : i32
    %dma_start3A_1460 = tpu.memref_slice %arg1[%dma_start3A_1457, %dma_start3A_1458, %dma_start3A_1459] : memref<64x128x128xf32, #tpu.memory_space<hbm>> -> memref<1x128x128xf32, #tpu.memory_space<hbm>>
    %dma_start3A_1461 = tpu.memref_squeeze %dma_start3A_1460 : memref<1x128x128xf32, #tpu.memory_space<hbm>> -> memref<128x128xf32, #tpu.memory_space<hbm>>
    %dma_start3A_1462 = arith.constant 0 : i32
    %dma_start3A_1463 = arith.constant 0 : i32
    %dma_start3A_1464 = tpu.memref_slice %arg4[%dma_start3A_1456, %dma_start3A_1462, %dma_start3A_1463] : memref<2x128x1024xf32, #tpu.memory_space<vmem>> -> memref<1x128x128xf32, #tpu.memory_space<vmem>>
    %dma_start3A_1465 = tpu.memref_squeeze %dma_start3A_1464 : memref<1x128x128xf32, #tpu.memory_space<vmem>> -> memref<128x128xf32, #tpu.memory_space<vmem>>
    tpu.enqueue_dma source(%dma_start3A_1465 : memref<128x128xf32, #tpu.memory_space<vmem>>) target(%dma_start3A_1461 : memref<128x128xf32, #tpu.memory_space<hbm>>) target_semaphore(%arg7 : memref<!tpu.dma_semaphore, #tpu.memory_space<semaphore_mem>>)
    %dma_start3A_1466 = arith.constant 1 : i32
    %dma_start3A_1467 = arith.constant 57 : i32
    %dma_start3A_1468 = arith.constant 0 : i32
    %dma_start3A_1469 = arith.constant 0 : i32
    %dma_start3A_1470 = tpu.memref_slice %arg1[%dma_start3A_1467, %dma_start3A_1468, %dma_start3A_1469] : memref<64x128x128xf32, #tpu.memory_space<hbm>> -> memref<1x128x128xf32, #tpu.memory_space<hbm>>
    %dma_start3A_1471 = tpu.memref_squeeze %dma_start3A_1470 : memref<1x128x128xf32, #tpu.memory_space<hbm>> -> memref<128x128xf32, #tpu.memory_space<hbm>>
    %dma_start3A_1472 = arith.constant 0 : i32
    %dma_start3A_1473 = arith.constant 128 : i32
    %dma_start3A_1474 = tpu.memref_slice %arg4[%dma_start3A_1466, %dma_start3A_1472, %dma_start3A_1473] : memref<2x128x1024xf32, #tpu.memory_space<vmem>> -> memref<1x128x128xf32, #tpu.memory_space<vmem>>
    %dma_start3A_1475 = tpu.memref_squeeze %dma_start3A_1474 : memref<1x128x128xf32, #tpu.memory_space<vmem>> -> memref<128x128xf32, #tpu.memory_space<vmem>>
    tpu.enqueue_dma source(%dma_start3A_1475 : memref<128x128xf32, #tpu.memory_space<vmem>>) target(%dma_start3A_1471 : memref<128x128xf32, #tpu.memory_space<hbm>>) target_semaphore(%arg7 : memref<!tpu.dma_semaphore, #tpu.memory_space<semaphore_mem>>)
    %dma_start3A_1476 = arith.constant 1 : i32
    %dma_start3A_1477 = arith.constant 58 : i32
    %dma_start3A_1478 = arith.constant 0 : i32
    %dma_start3A_1479 = arith.constant 0 : i32
    %dma_start3A_1480 = tpu.memref_slice %arg1[%dma_start3A_1477, %dma_start3A_1478, %dma_start3A_1479] : memref<64x128x128xf32, #tpu.memory_space<hbm>> -> memref<1x128x128xf32, #tpu.memory_space<hbm>>
    %dma_start3A_1481 = tpu.memref_squeeze %dma_start3A_1480 : memref<1x128x128xf32, #tpu.memory_space<hbm>> -> memref<128x128xf32, #tpu.memory_space<hbm>>
    %dma_start3A_1482 = arith.constant 0 : i32
    %dma_start3A_1483 = arith.constant 256 : i32
    %dma_start3A_1484 = tpu.memref_slice %arg4[%dma_start3A_1476, %dma_start3A_1482, %dma_start3A_1483] : memref<2x128x1024xf32, #tpu.memory_space<vmem>> -> memref<1x128x128xf32, #tpu.memory_space<vmem>>
    %dma_start3A_1485 = tpu.memref_squeeze %dma_start3A_1484 : memref<1x128x128xf32, #tpu.memory_space<vmem>> -> memref<128x128xf32, #tpu.memory_space<vmem>>
    tpu.enqueue_dma source(%dma_start3A_1485 : memref<128x128xf32, #tpu.memory_space<vmem>>) target(%dma_start3A_1481 : memref<128x128xf32, #tpu.memory_space<hbm>>) target_semaphore(%arg7 : memref<!tpu.dma_semaphore, #tpu.memory_space<semaphore_mem>>)
    %dma_start3A_1486 = arith.constant 1 : i32
    %dma_start3A_1487 = arith.constant 59 : i32
    %dma_start3A_1488 = arith.constant 0 : i32
    %dma_start3A_1489 = arith.constant 0 : i32
    %dma_start3A_1490 = tpu.memref_slice %arg1[%dma_start3A_1487, %dma_start3A_1488, %dma_start3A_1489] : memref<64x128x128xf32, #tpu.memory_space<hbm>> -> memref<1x128x128xf32, #tpu.memory_space<hbm>>
    %dma_start3A_1491 = tpu.memref_squeeze %dma_start3A_1490 : memref<1x128x128xf32, #tpu.memory_space<hbm>> -> memref<128x128xf32, #tpu.memory_space<hbm>>
    %dma_start3A_1492 = arith.constant 0 : i32
    %dma_start3A_1493 = arith.constant 384 : i32
    %dma_start3A_1494 = tpu.memref_slice %arg4[%dma_start3A_1486, %dma_start3A_1492, %dma_start3A_1493] : memref<2x128x1024xf32, #tpu.memory_space<vmem>> -> memref<1x128x128xf32, #tpu.memory_space<vmem>>
    %dma_start3A_1495 = tpu.memref_squeeze %dma_start3A_1494 : memref<1x128x128xf32, #tpu.memory_space<vmem>> -> memref<128x128xf32, #tpu.memory_space<vmem>>
    tpu.enqueue_dma source(%dma_start3A_1495 : memref<128x128xf32, #tpu.memory_space<vmem>>) target(%dma_start3A_1491 : memref<128x128xf32, #tpu.memory_space<hbm>>) target_semaphore(%arg7 : memref<!tpu.dma_semaphore, #tpu.memory_space<semaphore_mem>>)
    %dma_start3A_1496 = arith.constant 1 : i32
    %dma_start3A_1497 = arith.constant 60 : i32
    %dma_start3A_1498 = arith.constant 0 : i32
    %dma_start3A_1499 = arith.constant 0 : i32
    %dma_start3A_1500 = tpu.memref_slice %arg1[%dma_start3A_1497, %dma_start3A_1498, %dma_start3A_1499] : memref<64x128x128xf32, #tpu.memory_space<hbm>> -> memref<1x128x128xf32, #tpu.memory_space<hbm>>
    %dma_start3A_1501 = tpu.memref_squeeze %dma_start3A_1500 : memref<1x128x128xf32, #tpu.memory_space<hbm>> -> memref<128x128xf32, #tpu.memory_space<hbm>>
    %dma_start3A_1502 = arith.constant 0 : i32
    %dma_start3A_1503 = arith.constant 512 : i32
    %dma_start3A_1504 = tpu.memref_slice %arg4[%dma_start3A_1496, %dma_start3A_1502, %dma_start3A_1503] : memref<2x128x1024xf32, #tpu.memory_space<vmem>> -> memref<1x128x128xf32, #tpu.memory_space<vmem>>
    %dma_start3A_1505 = tpu.memref_squeeze %dma_start3A_1504 : memref<1x128x128xf32, #tpu.memory_space<vmem>> -> memref<128x128xf32, #tpu.memory_space<vmem>>
    tpu.enqueue_dma source(%dma_start3A_1505 : memref<128x128xf32, #tpu.memory_space<vmem>>) target(%dma_start3A_1501 : memref<128x128xf32, #tpu.memory_space<hbm>>) target_semaphore(%arg7 : memref<!tpu.dma_semaphore, #tpu.memory_space<semaphore_mem>>)
    %dma_start3A_1506 = arith.constant 1 : i32
    %dma_start3A_1507 = arith.constant 61 : i32
    %dma_start3A_1508 = arith.constant 0 : i32
    %dma_start3A_1509 = arith.constant 0 : i32
    %dma_start3A_1510 = tpu.memref_slice %arg1[%dma_start3A_1507, %dma_start3A_1508, %dma_start3A_1509] : memref<64x128x128xf32, #tpu.memory_space<hbm>> -> memref<1x128x128xf32, #tpu.memory_space<hbm>>
    %dma_start3A_1511 = tpu.memref_squeeze %dma_start3A_1510 : memref<1x128x128xf32, #tpu.memory_space<hbm>> -> memref<128x128xf32, #tpu.memory_space<hbm>>
    %dma_start3A_1512 = arith.constant 0 : i32
    %dma_start3A_1513 = arith.constant 640 : i32
    %dma_start3A_1514 = tpu.memref_slice %arg4[%dma_start3A_1506, %dma_start3A_1512, %dma_start3A_1513] : memref<2x128x1024xf32, #tpu.memory_space<vmem>> -> memref<1x128x128xf32, #tpu.memory_space<vmem>>
    %dma_start3A_1515 = tpu.memref_squeeze %dma_start3A_1514 : memref<1x128x128xf32, #tpu.memory_space<vmem>> -> memref<128x128xf32, #tpu.memory_space<vmem>>
    tpu.enqueue_dma source(%dma_start3A_1515 : memref<128x128xf32, #tpu.memory_space<vmem>>) target(%dma_start3A_1511 : memref<128x128xf32, #tpu.memory_space<hbm>>) target_semaphore(%arg7 : memref<!tpu.dma_semaphore, #tpu.memory_space<semaphore_mem>>)
    %dma_start3A_1516 = arith.constant 1 : i32
    %dma_start3A_1517 = arith.constant 62 : i32
    %dma_start3A_1518 = arith.constant 0 : i32
    %dma_start3A_1519 = arith.constant 0 : i32
    %dma_start3A_1520 = tpu.memref_slice %arg1[%dma_start3A_1517, %dma_start3A_1518, %dma_start3A_1519] : memref<64x128x128xf32, #tpu.memory_space<hbm>> -> memref<1x128x128xf32, #tpu.memory_space<hbm>>
    %dma_start3A_1521 = tpu.memref_squeeze %dma_start3A_1520 : memref<1x128x128xf32, #tpu.memory_space<hbm>> -> memref<128x128xf32, #tpu.memory_space<hbm>>
    %dma_start3A_1522 = arith.constant 0 : i32
    %dma_start3A_1523 = arith.constant 768 : i32
    %dma_start3A_1524 = tpu.memref_slice %arg4[%dma_start3A_1516, %dma_start3A_1522, %dma_start3A_1523] : memref<2x128x1024xf32, #tpu.memory_space<vmem>> -> memref<1x128x128xf32, #tpu.memory_space<vmem>>
    %dma_start3A_1525 = tpu.memref_squeeze %dma_start3A_1524 : memref<1x128x128xf32, #tpu.memory_space<vmem>> -> memref<128x128xf32, #tpu.memory_space<vmem>>
    tpu.enqueue_dma source(%dma_start3A_1525 : memref<128x128xf32, #tpu.memory_space<vmem>>) target(%dma_start3A_1521 : memref<128x128xf32, #tpu.memory_space<hbm>>) target_semaphore(%arg7 : memref<!tpu.dma_semaphore, #tpu.memory_space<semaphore_mem>>)
    %dma_start3A_1526 = arith.constant 1 : i32
    %dma_start3A_1527 = arith.constant 63 : i32
    %dma_start3A_1528 = arith.constant 0 : i32
    %dma_start3A_1529 = arith.constant 0 : i32
    %dma_start3A_1530 = tpu.memref_slice %arg1[%dma_start3A_1527, %dma_start3A_1528, %dma_start3A_1529] : memref<64x128x128xf32, #tpu.memory_space<hbm>> -> memref<1x128x128xf32, #tpu.memory_space<hbm>>
    %dma_start3A_1531 = tpu.memref_squeeze %dma_start3A_1530 : memref<1x128x128xf32, #tpu.memory_space<hbm>> -> memref<128x128xf32, #tpu.memory_space<hbm>>
    %dma_start3A_1532 = arith.constant 0 : i32
    %dma_start3A_1533 = arith.constant 896 : i32
    %dma_start3A_1534 = tpu.memref_slice %arg4[%dma_start3A_1526, %dma_start3A_1532, %dma_start3A_1533] : memref<2x128x1024xf32, #tpu.memory_space<vmem>> -> memref<1x128x128xf32, #tpu.memory_space<vmem>>
    %dma_start3A_1535 = tpu.memref_squeeze %dma_start3A_1534 : memref<1x128x128xf32, #tpu.memory_space<vmem>> -> memref<128x128xf32, #tpu.memory_space<vmem>>
    tpu.enqueue_dma source(%dma_start3A_1535 : memref<128x128xf32, #tpu.memory_space<vmem>>) target(%dma_start3A_1531 : memref<128x128xf32, #tpu.memory_space<hbm>>) target_semaphore(%arg7 : memref<!tpu.dma_semaphore, #tpu.memory_space<semaphore_mem>>)
    %dma_start3A_1536 = arith.constant 1 : i32
    %dma_start3A_1537 = arith.constant 896 : i32
    %dma_start3A_1538 = arith.constant 0 : i32
    %dma_start3A_1539 = tpu.memref_slice %arg2[%dma_start3A_1537, %dma_start3A_1538] : memref<1024x1xf32, #tpu.memory_space<hbm>> -> memref<128x1xf32, #tpu.memory_space<hbm>>
    %dma_start3A_1540 = arith.constant 0 : i32
    %dma_start3A_1541 = arith.constant 0 : i32
    %dma_start3A_1542 = tpu.memref_slice %arg5[%dma_start3A_1536, %dma_start3A_1540, %dma_start3A_1541] : memref<2x128x1xf32, #tpu.memory_space<vmem>> -> memref<1x128x1xf32, #tpu.memory_space<vmem>>
    %dma_start3A_1543 = tpu.memref_squeeze %dma_start3A_1542 : memref<1x128x1xf32, #tpu.memory_space<vmem>> -> memref<128x1xf32, #tpu.memory_space<vmem>>
    tpu.enqueue_dma source(%dma_start3A_1543 : memref<128x1xf32, #tpu.memory_space<vmem>>) target(%dma_start3A_1539 : memref<128x1xf32, #tpu.memory_space<hbm>>) target_semaphore(%arg8 : memref<!tpu.dma_semaphore, #tpu.memory_space<semaphore_mem>>)
    %dma_wait3A_1544 = arith.constant 0 : i32
    %dma_wait3A_1545 = arith.constant 48 : i32
    %dma_wait3A_1546 = arith.constant 0 : i32
    %dma_wait3A_1547 = arith.constant 0 : i32
    %dma_wait3A_1548 = tpu.memref_slice %arg1[%dma_wait3A_1545, %dma_wait3A_1546, %dma_wait3A_1547] : memref<64x128x128xf32, #tpu.memory_space<hbm>> -> memref<1x128x128xf32, #tpu.memory_space<hbm>>
    %dma_wait3A_1549 = tpu.memref_squeeze %dma_wait3A_1548 : memref<1x128x128xf32, #tpu.memory_space<hbm>> -> memref<128x128xf32, #tpu.memory_space<hbm>>
    %dma_wait3A_1550 = arith.constant 0 : i32
    %dma_wait3A_1551 = arith.constant 0 : i32
    %dma_wait3A_1552 = tpu.memref_slice %arg4[%dma_wait3A_1544, %dma_wait3A_1550, %dma_wait3A_1551] : memref<2x128x1024xf32, #tpu.memory_space<vmem>> -> memref<1x128x128xf32, #tpu.memory_space<vmem>>
    %dma_wait3A_1553 = tpu.memref_squeeze %dma_wait3A_1552 : memref<1x128x128xf32, #tpu.memory_space<vmem>> -> memref<128x128xf32, #tpu.memory_space<vmem>>
    tpu.wait_dma2 semaphore(%arg7 : memref<!tpu.dma_semaphore, #tpu.memory_space<semaphore_mem>>) src(%dma_wait3A_1553 : memref<128x128xf32, #tpu.memory_space<vmem>>) dst(%dma_wait3A_1549 : memref<128x128xf32, #tpu.memory_space<hbm>>)
    %dma_wait3A_1554 = arith.constant 0 : i32
    %dma_wait3A_1555 = arith.constant 49 : i32
    %dma_wait3A_1556 = arith.constant 0 : i32
    %dma_wait3A_1557 = arith.constant 0 : i32
    %dma_wait3A_1558 = tpu.memref_slice %arg1[%dma_wait3A_1555, %dma_wait3A_1556, %dma_wait3A_1557] : memref<64x128x128xf32, #tpu.memory_space<hbm>> -> memref<1x128x128xf32, #tpu.memory_space<hbm>>
    %dma_wait3A_1559 = tpu.memref_squeeze %dma_wait3A_1558 : memref<1x128x128xf32, #tpu.memory_space<hbm>> -> memref<128x128xf32, #tpu.memory_space<hbm>>
    %dma_wait3A_1560 = arith.constant 0 : i32
    %dma_wait3A_1561 = arith.constant 128 : i32
    %dma_wait3A_1562 = tpu.memref_slice %arg4[%dma_wait3A_1554, %dma_wait3A_1560, %dma_wait3A_1561] : memref<2x128x1024xf32, #tpu.memory_space<vmem>> -> memref<1x128x128xf32, #tpu.memory_space<vmem>>
    %dma_wait3A_1563 = tpu.memref_squeeze %dma_wait3A_1562 : memref<1x128x128xf32, #tpu.memory_space<vmem>> -> memref<128x128xf32, #tpu.memory_space<vmem>>
    tpu.wait_dma2 semaphore(%arg7 : memref<!tpu.dma_semaphore, #tpu.memory_space<semaphore_mem>>) src(%dma_wait3A_1563 : memref<128x128xf32, #tpu.memory_space<vmem>>) dst(%dma_wait3A_1559 : memref<128x128xf32, #tpu.memory_space<hbm>>)
    %dma_wait3A_1564 = arith.constant 0 : i32
    %dma_wait3A_1565 = arith.constant 50 : i32
    %dma_wait3A_1566 = arith.constant 0 : i32
    %dma_wait3A_1567 = arith.constant 0 : i32
    %dma_wait3A_1568 = tpu.memref_slice %arg1[%dma_wait3A_1565, %dma_wait3A_1566, %dma_wait3A_1567] : memref<64x128x128xf32, #tpu.memory_space<hbm>> -> memref<1x128x128xf32, #tpu.memory_space<hbm>>
    %dma_wait3A_1569 = tpu.memref_squeeze %dma_wait3A_1568 : memref<1x128x128xf32, #tpu.memory_space<hbm>> -> memref<128x128xf32, #tpu.memory_space<hbm>>
    %dma_wait3A_1570 = arith.constant 0 : i32
    %dma_wait3A_1571 = arith.constant 256 : i32
    %dma_wait3A_1572 = tpu.memref_slice %arg4[%dma_wait3A_1564, %dma_wait3A_1570, %dma_wait3A_1571] : memref<2x128x1024xf32, #tpu.memory_space<vmem>> -> memref<1x128x128xf32, #tpu.memory_space<vmem>>
    %dma_wait3A_1573 = tpu.memref_squeeze %dma_wait3A_1572 : memref<1x128x128xf32, #tpu.memory_space<vmem>> -> memref<128x128xf32, #tpu.memory_space<vmem>>
    tpu.wait_dma2 semaphore(%arg7 : memref<!tpu.dma_semaphore, #tpu.memory_space<semaphore_mem>>) src(%dma_wait3A_1573 : memref<128x128xf32, #tpu.memory_space<vmem>>) dst(%dma_wait3A_1569 : memref<128x128xf32, #tpu.memory_space<hbm>>)
    %dma_wait3A_1574 = arith.constant 0 : i32
    %dma_wait3A_1575 = arith.constant 51 : i32
    %dma_wait3A_1576 = arith.constant 0 : i32
    %dma_wait3A_1577 = arith.constant 0 : i32
    %dma_wait3A_1578 = tpu.memref_slice %arg1[%dma_wait3A_1575, %dma_wait3A_1576, %dma_wait3A_1577] : memref<64x128x128xf32, #tpu.memory_space<hbm>> -> memref<1x128x128xf32, #tpu.memory_space<hbm>>
    %dma_wait3A_1579 = tpu.memref_squeeze %dma_wait3A_1578 : memref<1x128x128xf32, #tpu.memory_space<hbm>> -> memref<128x128xf32, #tpu.memory_space<hbm>>
    %dma_wait3A_1580 = arith.constant 0 : i32
    %dma_wait3A_1581 = arith.constant 384 : i32
    %dma_wait3A_1582 = tpu.memref_slice %arg4[%dma_wait3A_1574, %dma_wait3A_1580, %dma_wait3A_1581] : memref<2x128x1024xf32, #tpu.memory_space<vmem>> -> memref<1x128x128xf32, #tpu.memory_space<vmem>>
    %dma_wait3A_1583 = tpu.memref_squeeze %dma_wait3A_1582 : memref<1x128x128xf32, #tpu.memory_space<vmem>> -> memref<128x128xf32, #tpu.memory_space<vmem>>
    tpu.wait_dma2 semaphore(%arg7 : memref<!tpu.dma_semaphore, #tpu.memory_space<semaphore_mem>>) src(%dma_wait3A_1583 : memref<128x128xf32, #tpu.memory_space<vmem>>) dst(%dma_wait3A_1579 : memref<128x128xf32, #tpu.memory_space<hbm>>)
    %dma_wait3A_1584 = arith.constant 0 : i32
    %dma_wait3A_1585 = arith.constant 52 : i32
    %dma_wait3A_1586 = arith.constant 0 : i32
    %dma_wait3A_1587 = arith.constant 0 : i32
    %dma_wait3A_1588 = tpu.memref_slice %arg1[%dma_wait3A_1585, %dma_wait3A_1586, %dma_wait3A_1587] : memref<64x128x128xf32, #tpu.memory_space<hbm>> -> memref<1x128x128xf32, #tpu.memory_space<hbm>>
    %dma_wait3A_1589 = tpu.memref_squeeze %dma_wait3A_1588 : memref<1x128x128xf32, #tpu.memory_space<hbm>> -> memref<128x128xf32, #tpu.memory_space<hbm>>
    %dma_wait3A_1590 = arith.constant 0 : i32
    %dma_wait3A_1591 = arith.constant 512 : i32
    %dma_wait3A_1592 = tpu.memref_slice %arg4[%dma_wait3A_1584, %dma_wait3A_1590, %dma_wait3A_1591] : memref<2x128x1024xf32, #tpu.memory_space<vmem>> -> memref<1x128x128xf32, #tpu.memory_space<vmem>>
    %dma_wait3A_1593 = tpu.memref_squeeze %dma_wait3A_1592 : memref<1x128x128xf32, #tpu.memory_space<vmem>> -> memref<128x128xf32, #tpu.memory_space<vmem>>
    tpu.wait_dma2 semaphore(%arg7 : memref<!tpu.dma_semaphore, #tpu.memory_space<semaphore_mem>>) src(%dma_wait3A_1593 : memref<128x128xf32, #tpu.memory_space<vmem>>) dst(%dma_wait3A_1589 : memref<128x128xf32, #tpu.memory_space<hbm>>)
    %dma_wait3A_1594 = arith.constant 0 : i32
    %dma_wait3A_1595 = arith.constant 53 : i32
    %dma_wait3A_1596 = arith.constant 0 : i32
    %dma_wait3A_1597 = arith.constant 0 : i32
    %dma_wait3A_1598 = tpu.memref_slice %arg1[%dma_wait3A_1595, %dma_wait3A_1596, %dma_wait3A_1597] : memref<64x128x128xf32, #tpu.memory_space<hbm>> -> memref<1x128x128xf32, #tpu.memory_space<hbm>>
    %dma_wait3A_1599 = tpu.memref_squeeze %dma_wait3A_1598 : memref<1x128x128xf32, #tpu.memory_space<hbm>> -> memref<128x128xf32, #tpu.memory_space<hbm>>
    %dma_wait3A_1600 = arith.constant 0 : i32
    %dma_wait3A_1601 = arith.constant 640 : i32
    %dma_wait3A_1602 = tpu.memref_slice %arg4[%dma_wait3A_1594, %dma_wait3A_1600, %dma_wait3A_1601] : memref<2x128x1024xf32, #tpu.memory_space<vmem>> -> memref<1x128x128xf32, #tpu.memory_space<vmem>>
    %dma_wait3A_1603 = tpu.memref_squeeze %dma_wait3A_1602 : memref<1x128x128xf32, #tpu.memory_space<vmem>> -> memref<128x128xf32, #tpu.memory_space<vmem>>
    tpu.wait_dma2 semaphore(%arg7 : memref<!tpu.dma_semaphore, #tpu.memory_space<semaphore_mem>>) src(%dma_wait3A_1603 : memref<128x128xf32, #tpu.memory_space<vmem>>) dst(%dma_wait3A_1599 : memref<128x128xf32, #tpu.memory_space<hbm>>)
    %dma_wait3A_1604 = arith.constant 0 : i32
    %dma_wait3A_1605 = arith.constant 54 : i32
    %dma_wait3A_1606 = arith.constant 0 : i32
    %dma_wait3A_1607 = arith.constant 0 : i32
    %dma_wait3A_1608 = tpu.memref_slice %arg1[%dma_wait3A_1605, %dma_wait3A_1606, %dma_wait3A_1607] : memref<64x128x128xf32, #tpu.memory_space<hbm>> -> memref<1x128x128xf32, #tpu.memory_space<hbm>>
    %dma_wait3A_1609 = tpu.memref_squeeze %dma_wait3A_1608 : memref<1x128x128xf32, #tpu.memory_space<hbm>> -> memref<128x128xf32, #tpu.memory_space<hbm>>
    %dma_wait3A_1610 = arith.constant 0 : i32
    %dma_wait3A_1611 = arith.constant 768 : i32
    %dma_wait3A_1612 = tpu.memref_slice %arg4[%dma_wait3A_1604, %dma_wait3A_1610, %dma_wait3A_1611] : memref<2x128x1024xf32, #tpu.memory_space<vmem>> -> memref<1x128x128xf32, #tpu.memory_space<vmem>>
    %dma_wait3A_1613 = tpu.memref_squeeze %dma_wait3A_1612 : memref<1x128x128xf32, #tpu.memory_space<vmem>> -> memref<128x128xf32, #tpu.memory_space<vmem>>
    tpu.wait_dma2 semaphore(%arg7 : memref<!tpu.dma_semaphore, #tpu.memory_space<semaphore_mem>>) src(%dma_wait3A_1613 : memref<128x128xf32, #tpu.memory_space<vmem>>) dst(%dma_wait3A_1609 : memref<128x128xf32, #tpu.memory_space<hbm>>)
    %dma_wait3A_1614 = arith.constant 0 : i32
    %dma_wait3A_1615 = arith.constant 55 : i32
    %dma_wait3A_1616 = arith.constant 0 : i32
    %dma_wait3A_1617 = arith.constant 0 : i32
    %dma_wait3A_1618 = tpu.memref_slice %arg1[%dma_wait3A_1615, %dma_wait3A_1616, %dma_wait3A_1617] : memref<64x128x128xf32, #tpu.memory_space<hbm>> -> memref<1x128x128xf32, #tpu.memory_space<hbm>>
    %dma_wait3A_1619 = tpu.memref_squeeze %dma_wait3A_1618 : memref<1x128x128xf32, #tpu.memory_space<hbm>> -> memref<128x128xf32, #tpu.memory_space<hbm>>
    %dma_wait3A_1620 = arith.constant 0 : i32
    %dma_wait3A_1621 = arith.constant 896 : i32
    %dma_wait3A_1622 = tpu.memref_slice %arg4[%dma_wait3A_1614, %dma_wait3A_1620, %dma_wait3A_1621] : memref<2x128x1024xf32, #tpu.memory_space<vmem>> -> memref<1x128x128xf32, #tpu.memory_space<vmem>>
    %dma_wait3A_1623 = tpu.memref_squeeze %dma_wait3A_1622 : memref<1x128x128xf32, #tpu.memory_space<vmem>> -> memref<128x128xf32, #tpu.memory_space<vmem>>
    tpu.wait_dma2 semaphore(%arg7 : memref<!tpu.dma_semaphore, #tpu.memory_space<semaphore_mem>>) src(%dma_wait3A_1623 : memref<128x128xf32, #tpu.memory_space<vmem>>) dst(%dma_wait3A_1619 : memref<128x128xf32, #tpu.memory_space<hbm>>)
    %dma_wait3A_1624 = arith.constant 1 : i32
    %dma_wait3A_1625 = arith.constant 56 : i32
    %dma_wait3A_1626 = arith.constant 0 : i32
    %dma_wait3A_1627 = arith.constant 0 : i32
    %dma_wait3A_1628 = tpu.memref_slice %arg1[%dma_wait3A_1625, %dma_wait3A_1626, %dma_wait3A_1627] : memref<64x128x128xf32, #tpu.memory_space<hbm>> -> memref<1x128x128xf32, #tpu.memory_space<hbm>>
    %dma_wait3A_1629 = tpu.memref_squeeze %dma_wait3A_1628 : memref<1x128x128xf32, #tpu.memory_space<hbm>> -> memref<128x128xf32, #tpu.memory_space<hbm>>
    %dma_wait3A_1630 = arith.constant 0 : i32
    %dma_wait3A_1631 = arith.constant 0 : i32
    %dma_wait3A_1632 = tpu.memref_slice %arg4[%dma_wait3A_1624, %dma_wait3A_1630, %dma_wait3A_1631] : memref<2x128x1024xf32, #tpu.memory_space<vmem>> -> memref<1x128x128xf32, #tpu.memory_space<vmem>>
    %dma_wait3A_1633 = tpu.memref_squeeze %dma_wait3A_1632 : memref<1x128x128xf32, #tpu.memory_space<vmem>> -> memref<128x128xf32, #tpu.memory_space<vmem>>
    tpu.wait_dma2 semaphore(%arg7 : memref<!tpu.dma_semaphore, #tpu.memory_space<semaphore_mem>>) src(%dma_wait3A_1633 : memref<128x128xf32, #tpu.memory_space<vmem>>) dst(%dma_wait3A_1629 : memref<128x128xf32, #tpu.memory_space<hbm>>)
    %dma_wait3A_1634 = arith.constant 1 : i32
    %dma_wait3A_1635 = arith.constant 57 : i32
    %dma_wait3A_1636 = arith.constant 0 : i32
    %dma_wait3A_1637 = arith.constant 0 : i32
    %dma_wait3A_1638 = tpu.memref_slice %arg1[%dma_wait3A_1635, %dma_wait3A_1636, %dma_wait3A_1637] : memref<64x128x128xf32, #tpu.memory_space<hbm>> -> memref<1x128x128xf32, #tpu.memory_space<hbm>>
    %dma_wait3A_1639 = tpu.memref_squeeze %dma_wait3A_1638 : memref<1x128x128xf32, #tpu.memory_space<hbm>> -> memref<128x128xf32, #tpu.memory_space<hbm>>
    %dma_wait3A_1640 = arith.constant 0 : i32
    %dma_wait3A_1641 = arith.constant 128 : i32
    %dma_wait3A_1642 = tpu.memref_slice %arg4[%dma_wait3A_1634, %dma_wait3A_1640, %dma_wait3A_1641] : memref<2x128x1024xf32, #tpu.memory_space<vmem>> -> memref<1x128x128xf32, #tpu.memory_space<vmem>>
    %dma_wait3A_1643 = tpu.memref_squeeze %dma_wait3A_1642 : memref<1x128x128xf32, #tpu.memory_space<vmem>> -> memref<128x128xf32, #tpu.memory_space<vmem>>
    tpu.wait_dma2 semaphore(%arg7 : memref<!tpu.dma_semaphore, #tpu.memory_space<semaphore_mem>>) src(%dma_wait3A_1643 : memref<128x128xf32, #tpu.memory_space<vmem>>) dst(%dma_wait3A_1639 : memref<128x128xf32, #tpu.memory_space<hbm>>)
    %dma_wait3A_1644 = arith.constant 1 : i32
    %dma_wait3A_1645 = arith.constant 58 : i32
    %dma_wait3A_1646 = arith.constant 0 : i32
    %dma_wait3A_1647 = arith.constant 0 : i32
    %dma_wait3A_1648 = tpu.memref_slice %arg1[%dma_wait3A_1645, %dma_wait3A_1646, %dma_wait3A_1647] : memref<64x128x128xf32, #tpu.memory_space<hbm>> -> memref<1x128x128xf32, #tpu.memory_space<hbm>>
    %dma_wait3A_1649 = tpu.memref_squeeze %dma_wait3A_1648 : memref<1x128x128xf32, #tpu.memory_space<hbm>> -> memref<128x128xf32, #tpu.memory_space<hbm>>
    %dma_wait3A_1650 = arith.constant 0 : i32
    %dma_wait3A_1651 = arith.constant 256 : i32
    %dma_wait3A_1652 = tpu.memref_slice %arg4[%dma_wait3A_1644, %dma_wait3A_1650, %dma_wait3A_1651] : memref<2x128x1024xf32, #tpu.memory_space<vmem>> -> memref<1x128x128xf32, #tpu.memory_space<vmem>>
    %dma_wait3A_1653 = tpu.memref_squeeze %dma_wait3A_1652 : memref<1x128x128xf32, #tpu.memory_space<vmem>> -> memref<128x128xf32, #tpu.memory_space<vmem>>
    tpu.wait_dma2 semaphore(%arg7 : memref<!tpu.dma_semaphore, #tpu.memory_space<semaphore_mem>>) src(%dma_wait3A_1653 : memref<128x128xf32, #tpu.memory_space<vmem>>) dst(%dma_wait3A_1649 : memref<128x128xf32, #tpu.memory_space<hbm>>)
    %dma_wait3A_1654 = arith.constant 1 : i32
    %dma_wait3A_1655 = arith.constant 59 : i32
    %dma_wait3A_1656 = arith.constant 0 : i32
    %dma_wait3A_1657 = arith.constant 0 : i32
    %dma_wait3A_1658 = tpu.memref_slice %arg1[%dma_wait3A_1655, %dma_wait3A_1656, %dma_wait3A_1657] : memref<64x128x128xf32, #tpu.memory_space<hbm>> -> memref<1x128x128xf32, #tpu.memory_space<hbm>>
    %dma_wait3A_1659 = tpu.memref_squeeze %dma_wait3A_1658 : memref<1x128x128xf32, #tpu.memory_space<hbm>> -> memref<128x128xf32, #tpu.memory_space<hbm>>
    %dma_wait3A_1660 = arith.constant 0 : i32
    %dma_wait3A_1661 = arith.constant 384 : i32
    %dma_wait3A_1662 = tpu.memref_slice %arg4[%dma_wait3A_1654, %dma_wait3A_1660, %dma_wait3A_1661] : memref<2x128x1024xf32, #tpu.memory_space<vmem>> -> memref<1x128x128xf32, #tpu.memory_space<vmem>>
    %dma_wait3A_1663 = tpu.memref_squeeze %dma_wait3A_1662 : memref<1x128x128xf32, #tpu.memory_space<vmem>> -> memref<128x128xf32, #tpu.memory_space<vmem>>
    tpu.wait_dma2 semaphore(%arg7 : memref<!tpu.dma_semaphore, #tpu.memory_space<semaphore_mem>>) src(%dma_wait3A_1663 : memref<128x128xf32, #tpu.memory_space<vmem>>) dst(%dma_wait3A_1659 : memref<128x128xf32, #tpu.memory_space<hbm>>)
    %dma_wait3A_1664 = arith.constant 1 : i32
    %dma_wait3A_1665 = arith.constant 60 : i32
    %dma_wait3A_1666 = arith.constant 0 : i32
    %dma_wait3A_1667 = arith.constant 0 : i32
    %dma_wait3A_1668 = tpu.memref_slice %arg1[%dma_wait3A_1665, %dma_wait3A_1666, %dma_wait3A_1667] : memref<64x128x128xf32, #tpu.memory_space<hbm>> -> memref<1x128x128xf32, #tpu.memory_space<hbm>>
    %dma_wait3A_1669 = tpu.memref_squeeze %dma_wait3A_1668 : memref<1x128x128xf32, #tpu.memory_space<hbm>> -> memref<128x128xf32, #tpu.memory_space<hbm>>
    %dma_wait3A_1670 = arith.constant 0 : i32
    %dma_wait3A_1671 = arith.constant 512 : i32
    %dma_wait3A_1672 = tpu.memref_slice %arg4[%dma_wait3A_1664, %dma_wait3A_1670, %dma_wait3A_1671] : memref<2x128x1024xf32, #tpu.memory_space<vmem>> -> memref<1x128x128xf32, #tpu.memory_space<vmem>>
    %dma_wait3A_1673 = tpu.memref_squeeze %dma_wait3A_1672 : memref<1x128x128xf32, #tpu.memory_space<vmem>> -> memref<128x128xf32, #tpu.memory_space<vmem>>
    tpu.wait_dma2 semaphore(%arg7 : memref<!tpu.dma_semaphore, #tpu.memory_space<semaphore_mem>>) src(%dma_wait3A_1673 : memref<128x128xf32, #tpu.memory_space<vmem>>) dst(%dma_wait3A_1669 : memref<128x128xf32, #tpu.memory_space<hbm>>)
    %dma_wait3A_1674 = arith.constant 1 : i32
    %dma_wait3A_1675 = arith.constant 61 : i32
    %dma_wait3A_1676 = arith.constant 0 : i32
    %dma_wait3A_1677 = arith.constant 0 : i32
    %dma_wait3A_1678 = tpu.memref_slice %arg1[%dma_wait3A_1675, %dma_wait3A_1676, %dma_wait3A_1677] : memref<64x128x128xf32, #tpu.memory_space<hbm>> -> memref<1x128x128xf32, #tpu.memory_space<hbm>>
    %dma_wait3A_1679 = tpu.memref_squeeze %dma_wait3A_1678 : memref<1x128x128xf32, #tpu.memory_space<hbm>> -> memref<128x128xf32, #tpu.memory_space<hbm>>
    %dma_wait3A_1680 = arith.constant 0 : i32
    %dma_wait3A_1681 = arith.constant 640 : i32
    %dma_wait3A_1682 = tpu.memref_slice %arg4[%dma_wait3A_1674, %dma_wait3A_1680, %dma_wait3A_1681] : memref<2x128x1024xf32, #tpu.memory_space<vmem>> -> memref<1x128x128xf32, #tpu.memory_space<vmem>>
    %dma_wait3A_1683 = tpu.memref_squeeze %dma_wait3A_1682 : memref<1x128x128xf32, #tpu.memory_space<vmem>> -> memref<128x128xf32, #tpu.memory_space<vmem>>
    tpu.wait_dma2 semaphore(%arg7 : memref<!tpu.dma_semaphore, #tpu.memory_space<semaphore_mem>>) src(%dma_wait3A_1683 : memref<128x128xf32, #tpu.memory_space<vmem>>) dst(%dma_wait3A_1679 : memref<128x128xf32, #tpu.memory_space<hbm>>)
    %dma_wait3A_1684 = arith.constant 1 : i32
    %dma_wait3A_1685 = arith.constant 62 : i32
    %dma_wait3A_1686 = arith.constant 0 : i32
    %dma_wait3A_1687 = arith.constant 0 : i32
    %dma_wait3A_1688 = tpu.memref_slice %arg1[%dma_wait3A_1685, %dma_wait3A_1686, %dma_wait3A_1687] : memref<64x128x128xf32, #tpu.memory_space<hbm>> -> memref<1x128x128xf32, #tpu.memory_space<hbm>>
    %dma_wait3A_1689 = tpu.memref_squeeze %dma_wait3A_1688 : memref<1x128x128xf32, #tpu.memory_space<hbm>> -> memref<128x128xf32, #tpu.memory_space<hbm>>
    %dma_wait3A_1690 = arith.constant 0 : i32
    %dma_wait3A_1691 = arith.constant 768 : i32
    %dma_wait3A_1692 = tpu.memref_slice %arg4[%dma_wait3A_1684, %dma_wait3A_1690, %dma_wait3A_1691] : memref<2x128x1024xf32, #tpu.memory_space<vmem>> -> memref<1x128x128xf32, #tpu.memory_space<vmem>>
    %dma_wait3A_1693 = tpu.memref_squeeze %dma_wait3A_1692 : memref<1x128x128xf32, #tpu.memory_space<vmem>> -> memref<128x128xf32, #tpu.memory_space<vmem>>
    tpu.wait_dma2 semaphore(%arg7 : memref<!tpu.dma_semaphore, #tpu.memory_space<semaphore_mem>>) src(%dma_wait3A_1693 : memref<128x128xf32, #tpu.memory_space<vmem>>) dst(%dma_wait3A_1689 : memref<128x128xf32, #tpu.memory_space<hbm>>)
    %dma_wait3A_1694 = arith.constant 1 : i32
    %dma_wait3A_1695 = arith.constant 63 : i32
    %dma_wait3A_1696 = arith.constant 0 : i32
    %dma_wait3A_1697 = arith.constant 0 : i32
    %dma_wait3A_1698 = tpu.memref_slice %arg1[%dma_wait3A_1695, %dma_wait3A_1696, %dma_wait3A_1697] : memref<64x128x128xf32, #tpu.memory_space<hbm>> -> memref<1x128x128xf32, #tpu.memory_space<hbm>>
    %dma_wait3A_1699 = tpu.memref_squeeze %dma_wait3A_1698 : memref<1x128x128xf32, #tpu.memory_space<hbm>> -> memref<128x128xf32, #tpu.memory_space<hbm>>
    %dma_wait3A_1700 = arith.constant 0 : i32
    %dma_wait3A_1701 = arith.constant 896 : i32
    %dma_wait3A_1702 = tpu.memref_slice %arg4[%dma_wait3A_1694, %dma_wait3A_1700, %dma_wait3A_1701] : memref<2x128x1024xf32, #tpu.memory_space<vmem>> -> memref<1x128x128xf32, #tpu.memory_space<vmem>>
    %dma_wait3A_1703 = tpu.memref_squeeze %dma_wait3A_1702 : memref<1x128x128xf32, #tpu.memory_space<vmem>> -> memref<128x128xf32, #tpu.memory_space<vmem>>
    tpu.wait_dma2 semaphore(%arg7 : memref<!tpu.dma_semaphore, #tpu.memory_space<semaphore_mem>>) src(%dma_wait3A_1703 : memref<128x128xf32, #tpu.memory_space<vmem>>) dst(%dma_wait3A_1699 : memref<128x128xf32, #tpu.memory_space<hbm>>)
    %dma_wait3A_1704 = arith.constant 0 : i32
    %dma_wait3A_1705 = arith.constant 768 : i32
    %dma_wait3A_1706 = arith.constant 0 : i32
    %dma_wait3A_1707 = tpu.memref_slice %arg2[%dma_wait3A_1705, %dma_wait3A_1706] : memref<1024x1xf32, #tpu.memory_space<hbm>> -> memref<128x1xf32, #tpu.memory_space<hbm>>
    %dma_wait3A_1708 = arith.constant 0 : i32
    %dma_wait3A_1709 = arith.constant 0 : i32
    %dma_wait3A_1710 = tpu.memref_slice %arg5[%dma_wait3A_1704, %dma_wait3A_1708, %dma_wait3A_1709] : memref<2x128x1xf32, #tpu.memory_space<vmem>> -> memref<1x128x1xf32, #tpu.memory_space<vmem>>
    %dma_wait3A_1711 = tpu.memref_squeeze %dma_wait3A_1710 : memref<1x128x1xf32, #tpu.memory_space<vmem>> -> memref<128x1xf32, #tpu.memory_space<vmem>>
    tpu.wait_dma2 semaphore(%arg8 : memref<!tpu.dma_semaphore, #tpu.memory_space<semaphore_mem>>) src(%dma_wait3A_1711 : memref<128x1xf32, #tpu.memory_space<vmem>>) dst(%dma_wait3A_1707 : memref<128x1xf32, #tpu.memory_space<hbm>>)
    %dma_wait3A_1712 = arith.constant 1 : i32
    %dma_wait3A_1713 = arith.constant 896 : i32
    %dma_wait3A_1714 = arith.constant 0 : i32
    %dma_wait3A_1715 = tpu.memref_slice %arg2[%dma_wait3A_1713, %dma_wait3A_1714] : memref<1024x1xf32, #tpu.memory_space<hbm>> -> memref<128x1xf32, #tpu.memory_space<hbm>>
    %dma_wait3A_1716 = arith.constant 0 : i32
    %dma_wait3A_1717 = arith.constant 0 : i32
    %dma_wait3A_1718 = tpu.memref_slice %arg5[%dma_wait3A_1712, %dma_wait3A_1716, %dma_wait3A_1717] : memref<2x128x1xf32, #tpu.memory_space<vmem>> -> memref<1x128x1xf32, #tpu.memory_space<vmem>>
    %dma_wait3A_1719 = tpu.memref_squeeze %dma_wait3A_1718 : memref<1x128x1xf32, #tpu.memory_space<vmem>> -> memref<128x1xf32, #tpu.memory_space<vmem>>
    tpu.wait_dma2 semaphore(%arg8 : memref<!tpu.dma_semaphore, #tpu.memory_space<semaphore_mem>>) src(%dma_wait3A_1719 : memref<128x1xf32, #tpu.memory_space<vmem>>) dst(%dma_wait3A_1715 : memref<128x1xf32, #tpu.memory_space<hbm>>)
    return
  }
}

</mosaic_0001>

<sc_bundles>
// kernel: kernel.5.cloned.1.call-start
scs
__scs_entry_jumppad:
0x0: {  	(pc) =	sbr.rel $0x88, $3  }
0x1: {  	(tag) =	ssettag $0x0;
	lr =	simm.s32 $0x1  }
0x2: {  	[smem:$0x3F9F] =	sst lr;
	_ =	strace $0xD0000000  }
0x3: {  	_ = 	snop  }
0x4: {  	_ = 	snop  }
0x5: {  	_ = 	snop  }
0x6: {  	_ = 	snop  }
0x7: {  	_ = 	snop  }
__scs_overlays_trampoline_lowered:
0x8: {  	[smem:$0x3FAE] =	sst s0  }
0x9: {  	[smem:$0x3FAF] =	sst s1  }
0xa: {  	[smem:$0x3FB0] =	sst s2  }
0xb: {  	[smem:$0x3FB1] =	sst s3  }
0xc: {  	[smem:$0x3FB2] =	sst s4  }
0xd: {  	[smem:$0x3FB3] =	sst s5  }
0xe: {  	[smem:$0x3FB4] =	sst s6  }
0xf: {  	[smem:$0x3FB5] =	sst s7  }
0x10: {  	[smem:$0x3FB6] =	sst s8  }
0x11: {  	[smem:$0x3FB7] =	sst s9;
	s0 =	simm.s32 @!p0 $0x0  }
0x12: {  	s1 =	sld [smem:$0x3F9D];
	s0 =	simm.s32 @p0 $0x1  }
0x13: {  	[smem:$0x3FB8] =	sst s0;
	s0 =	simm.s32 @!p1 $0x0  }
0x14: {  	s2 =	sld [smem:$0x3F9C];
	s0 =	simm.s32 @p1 $0x1  }
0x15: {  	[smem:$0x3FB9] =	sst s0;
	s0 =	simm.s32 @!p2 $0x0  }
0x16: {  	s3 =	sld [smem:$0x3FDB];
	s0 =	simm.s32 @p2 $0x1  }
0x17: {  	s4 =	simm.s32 $0x1BF5;
	[smem:$0x3FBB] =	sst s0  }
0x18: {  	s0 =	sld [smem:$0x3F9E];
	_ =	swait.ge [sflag:s4], $0x0  }
0x19: {  	s7 =	sld [smem:$0x3F9F]  }
0x1a: {  	s8 =	sadd.s32 $0xFFFFE003, lr  }
0x1b: {  	s9 =	sadd.s32 $0xFFFFFEF7, lr;
	s5 =	simm.s32 $0xFFFFFFFF;
	p2 =	slt.u32 s8, $0xFFFFF086  }
0x1c: {  	p1 =	slt.u32 s9, $0xF7A;
	s5 =	simm.s32 @!p2 $0x0  }
0x1d: {  	s5 =	simm.s32 @p1 $0x1;
	p0 =	seq.s32 s7, s2  }
0x1e: {  	s7 =	smul.u32 @!p0 $0xF7A, s2;
	p2 =	seq.s32 @!p0 s5, $0x0  }
0x1f: {  	s9 =	smul.u32 $0xF7A, s1;
	s8 =	simm.s32 @!p0 $0x1BF5;
	p2 =	por !p2, p0  }
0x20: {  	[sflag:s8] =	ssyncset.s32 @!p0 $0xFFFFF086;
	s6 =	sadd.s32 @!p0 s3, s7;
	s7 =	simm.s32 @!p0 $0x108  }
0x21: {  	s3 =	sadd.s32 s3, s9;
	s6 =	sadd.s32 @!p0 $0x88, s6;
	s7 =	simm.s32 @p2 $0x1082  }
0x22: {  	[simem:s7], [sflag:s8] =	dma.local @!p0 [hbm:s6], $0xF7A  }
0x23: {  	s9 =	sor.u32 $0xD0000000, s2;
	s6 =	simm.s32 $0x108;
	_ =	swait.ge @!p0 [sflag:s8], $0x0  }
0x24: {  	s3 =	sadd.s32 $0x88, s3;
	s6 =	simm.s32 @!p1 $0x1082;
	[sflag:s4] =	ssyncset.s32 $0xFFFFF086  }
0x25: {  	[simem:s6], [sflag:s4] =	dma.local [hbm:s3], $0xF7A  }
0x26: {  	[smem:$0x3F9F] =	sst s1;
	(tag) =	ssettag s2;
	_ =	strace s9  }
0x27: {  	s1 =	sld [smem:$0x3FAF]  }
0x28: {  	s2 =	sld [smem:$0x3FB0]  }
0x29: {  	s4 =	sld [smem:$0x3FB2]  }
0x2a: {  	p0 =	seq.s32 s5, $0x0;
	s5 =	sld [smem:$0x3FB3]  }
0x2b: {  	s6 =	sld [smem:$0x3FB4]  }
0x2c: {  	s7 =	sld [smem:$0x3FB5]  }
0x2d: {  	s3 =	simm.s32 $0x108;
	s8 =	sld [smem:$0x3FB6]  }
0x2e: {  	s3 =	simm.s32 @!p0 $0x1082;
	s9 =	sld [smem:$0x3FB7]  }
0x2f: {  	lr =	sadd.s32 s0, s3;
	s0 =	sld [smem:$0x3FAE]  }
0x30: {  	s3 =	sld [smem:$0x3FB1]  }
0x31: {  	[smem:$0x3FBA] =	sst s10  }
0x32: {  	s10 =	sld [smem:$0x3FB8];
	_ =	sdelay $0x3  }
0x33: {  	p0 =	seq.s32 s10, $0x1;
	s10 =	sld [smem:$0x3FBA];
	_ =	sdelay $0x3  }
0x34: {  	[smem:$0x3FBA] =	sst s10  }
0x35: {  	s10 =	sld [smem:$0x3FB9];
	_ =	sdelay $0x3  }
0x36: {  	p1 =	seq.s32 s10, $0x1;
	s10 =	sld [smem:$0x3FBA];
	_ =	sdelay $0x3  }
0x37: {  	[smem:$0x3FBA] =	sst s10  }
0x38: {  	s10 =	sld [smem:$0x3FBB]  }
0x39: {  	_ = 	snop;
	(pc) =	sbr.ind lr, $3  }
0x3a: {  	_ = 	snop  }
0x3b: {  	_ = 	snop  }
0x3c: {  	p2 =	seq.s32 s10, $0x1;
	s10 =	sld [smem:$0x3FBA]  }
0x3d: {  	_ =	shalt  }
0x3e: {  	_ =	shalt  }
0x3f: {  	_ =	shalt  }
0x40: {  	_ =	shalt  }
0x41: {  	_ =	shalt  }
0x42: {  	_ =	shalt  }
0x43: {  	_ =	shalt  }
0x44: {  	_ =	shalt  }
0x45: {  	_ =	shalt  }
0x46: {  	_ =	shalt  }
0x47: {  	_ =	shalt  }
0x48: {  	_ =	shalt  }
0x49: {  	_ =	shalt  }
0x4a: {  	_ =	shalt  }
0x4b: {  	_ =	shalt  }
0x4c: {  	_ =	shalt  }
0x4d: {  	_ =	shalt  }
0x4e: {  	_ =	shalt  }
0x4f: {  	_ =	shalt  }
0x50: {  	_ =	shalt  }
0x51: {  	_ =	shalt  }
0x52: {  	_ =	shalt  }
0x53: {  	_ =	shalt  }
0x54: {  	_ =	shalt  }
0x55: {  	_ =	shalt  }
0x56: {  	_ =	shalt  }
0x57: {  	_ =	shalt  }
0x58: {  	_ =	shalt  }
0x59: {  	_ =	shalt  }
0x5a: {  	_ =	shalt  }
0x5b: {  	_ =	shalt  }
0x5c: {  	_ =	shalt  }
0x5d: {  	_ =	shalt  }
0x5e: {  	_ =	shalt  }
0x5f: {  	_ =	shalt  }
0x60: {  	_ =	shalt  }
0x61: {  	_ =	shalt  }
0x62: {  	_ =	shalt  }
0x63: {  	_ =	shalt  }
0x64: {  	_ =	shalt  }
0x65: {  	_ =	shalt  }
0x66: {  	_ =	shalt  }
0x67: {  	_ =	shalt  }
0x68: {  	_ =	shalt  }
0x69: {  	_ =	shalt  }
0x6a: {  	_ =	shalt  }
0x6b: {  	_ =	shalt  }
0x6c: {  	_ =	shalt  }
0x6d: {  	_ =	shalt  }
0x6e: {  	_ =	shalt  }
0x6f: {  	_ =	shalt  }
0x70: {  	_ =	shalt  }
0x71: {  	_ =	shalt  }
0x72: {  	_ =	shalt  }
0x73: {  	_ =	shalt  }
0x74: {  	_ =	shalt  }
0x75: {  	_ =	shalt  }
0x76: {  	_ =	shalt  }
0x77: {  	_ =	shalt  }
0x78: {  	_ =	shalt  }
0x79: {  	_ =	shalt  }
0x7a: {  	_ =	shalt  }
0x7b: {  	_ =	shalt  }
0x7c: {  	_ =	shalt  }
0x7d: {  	_ =	shalt  }
0x7e: {  	_ =	shalt  }
0x7f: {  	_ =	shalt  }
0x80: {  	_ =	shalt  }
0x81: {  	_ =	shalt  }
0x82: {  	_ =	shalt  }
0x83: {  	_ =	shalt  }
0x84: {  	_ =	shalt  }
0x85: {  	_ =	shalt  }
0x86: {  	_ =	shalt  }
0x87: {  	_ =	shalt  }
.Lfunc_end0:
.L_simem_size_0:
called_computation_lowered:
.L_overlay_start_0:
0x88: {  	s2 =	sld [smem:$0x3FD9]  }
0x89: {  	s3 =	sld [smem:$0x3FFE];
	_ =	sdelay $0x1  }
0x8a: {  	s1 =	srdreg.scid  }
0x8b: {  	s0 =	sand.u32 $0x1, s1  }
0x8c: {  	s16 =	sshll.u32 s0, $0xA;
	s2 =	sadd.s32 s3, s2  }
0x8d: {  	s2 =	sadd.s32 s2, s16  }
0x8e: {  	[smem:$0x3FC6] =	sst s2  }
0x8f: {  	_ = 	snop  }
0x90: {  	(tm) =	ssettm $0x1  }
0x91: {  	s17 =	sld [smem:$0x3FFB];
	_ =	sdelay $0x3  }
0x92: {  	_ =	strace s17  }
0x93: {  	s2 =	sld [smem:$0x3FFC];
	_ =	sdelay $0x3  }
0x94: {  	_ =	strace s2  }
0x95: {  	s2 =	sld [smem:$0x3FFD];
	_ =	sdelay $0x3  }
0x96: {  	_ =	strace s2  }
0x97: {  	_ =	strace $0x8FFFFFFF  }
0x98: {  	s18 =	sld [smem:$0x3FDB];
	_ =	sdelay $0x1  }
0x99: {  	s19 =	simm.s32 $_scs_section_size  }
0x9a: {  	s4 =	simm.s32 $_size__tile_overlayer_lowered;
	s5 =	simm.s32 $_tile_overlayer_lowered  }
0x9b: {  	s22 =	simm.s32 $0x1BFF;
	s21 =	sshll.u32 s5, $0x1;
	s2 =	sadd.s32 s19, s18  }
0x9c: {  	s6 =	simm.s32 $0x0;
	s20 =	sshll.u32 s4, $0x1;
	s4 =	sadd.s32 s21, s2  }
0x9d: {  	[timem:s6], [sflag:s22] =	dma.local [hbm:s4], s20  }
0x9e: {  	_ =	swait.ge [sflag:s22], s20  }
0x9f: {  	s3 =	ssub.s32 $0x0, s20;
	[sflag:s22] =	ssyncset.done $0x0  }
0xa0: {  	[sflag:s22] =	ssyncadd.s32 s3;
	_ =	sdelay $0x1  }
0xa1: {  	s23 =	simm.s32 $0x1B8B  }
0xa2: {  	_ =	swait.ge [sflag:s23], $0x1  }
0xa3: {  	[sflag:s23] =	ssyncset.done $0x0  }
0xa4: {  	s25 =	simm.s32 $0x1B8E;
	s24 =	sld [smem:$0x3FFE];
	[sflag:s23] =	ssyncadd.s32 $0xFFFFFFFF  }
0xa5: {  	s26 =	simm.s32 $execute0_lowered;
	[smem:$0x3FD2] =	sst s25  }
0xa6: {  	s4 =	sshll.u32 s26, $0x1;
	_ =	strace $0x80000046;
	[dreg:$0x1] =	wrdreg $0xFFFFFFFF  }
0xa7: {  	s28 =	simm.s32 $_size_execute0_lowered;
	s2 =	sadd.s32 s2, s4;
	[dreg:$0x0] =	wrdreg $0x0  }
0xa8: {  	s4 =	sshll.u32 s28, $0x1;
	[dreg:$0x2] =	wrdreg s2  }
0xa9: {  	[dreg:$0x3] =	wrdreg s4  }
0xaa: {  	[dreg:$0x4] =	wrdreg $0xC0  }
0xab: {  	_ =	task [dreg:s6], $0x5FFFF  }
0xac: {  	[dreg:$0x1] =	wrdreg $0xFFFFFFFF  }
0xad: {  	[dreg:$0x0] =	wrdreg $0x60  }
0xae: {  	[dreg:$0x2] =	wrdreg s24  }
0xaf: {  	[dreg:$0x3] =	wrdreg $0x9  }
0xb0: {  	_ =	task.clear_ibuf [dreg:s6], $0x4FFFF;
	_ =	strace $0x90000046  }
0xb1: {  	s29 =	simm.s32 $0x9;
	_ =	strace $0x80000048  }
0xb2: {  	_ =	swait.ge [sflag:s29], $0x1  }
0xb3: {  	[sflag:s29] =	ssyncadd.s32 $0xFFFFFFFF  }
0xb4: {  	_ =	strace $0x90000048  }
0xb5: {  	_ =	sfence  }
0xb6: {  	s30 =	sld [smem:$0x0];
	_ =	sdelay $0x2  }
0xb7: {  	s31 =	sshll.u32 s1, $0xD;
	s1 =	sshrl.u32 s1, $0x2  }
0xb8: {  	s3 =	sand.u32 $0x4000, s31;
	s1 =	sadd.s32 s1, s30  }
0xb9: {  	s0 =	sor.u32 s3, s0;
	s1 =	sshll.u32 s1, $0x11  }
0xba: {  	s0 =	sor.u32 s1, s0  }
0xbb: {  	s0 =	sadd.s32 $0x8F2B, s0  }
0xbc: {  	[sflag:s0] =	ssyncadd.remote.s32 $0x1  }
0xbd: {  	_ =	sfence.sel $0xFFFF  }
0xbe: {  	[dreg:$0x0] =	wrdreg $0xFFFFFFFF;
	(pc) =	sbr.abs _section_cstart, $3  }
0xbf: {  	[dreg:$0x1] =	wrdreg $0xFFFFFFFF  }
0xc0: {  	_ =	task.clear_ibuf [dreg:s6], $0x2FFFF;
	_ =	strace $0x9FFFFFFF  }
0xc1: {  	(tm) =	ssettm $0x7FFFFFFF  }
tec
execute0_lowered:
.L_overlay_start_1:
0x0: {  	(tag) =	ssettag $0x1  }
0x1: {  	s4 =	rddreg [dreg:$0x0];
	s3 =	srdreg.scid  }
0x2: {  	s2 =	simm.s32 $0x0;
	s0 =	stileid.u32;
	s5 =	sand.u32 $0x1, s3  }
0x3: {  	[smem:$0x7FF] =	sst s2;
	s6 =	sshll.u32 s0, $0x6;
	s7 =	sshll.u32 s5, $0x5  }
0x4: {  	s3 =	sadd.s32 $0xC00, s4;
	s31 =	sshll.u32 s0, $0x10;
	s6 =	sor.u32 s7, s6  }
0x5: {  	_ =	strace $0x80000047;
	s5 =	ssub.s32 $0x2, s5;
	s8 =	sshll.u32 s6, $0x7  }
0x6: {  	s9 =	sshrl.u32 s5, $0x1;
	s6 =	sshll.u32 s6, $0x4;
	s7 =	sor.u32 s31, s8  }
0x7: {  	s6 =	sadd.s32 s6, s4;
	s8 =	ssub.s32 s5, s9;
	s4 =	sand.u32 $0xE3000, s7  }
0x8: {  	s5 =	sadd.s32 $0x24C00, s6;
	s0 =	sor.u32 $0x80, s4;
	s7 =	sor.u32 $0x100, s4  }
0x9: {  	s1 =	sor.u32 $0x180, s4;
	s10 =	sor.u32 $0x200, s4;
	s11 =	sor.u32 $0x280, s4;
	v58 =	vmov s4  }
0xa: {  	s12 =	sor.u32 $0x300, s4;
	s13 =	sor.u32 $0x380, s4;
	s14 =	sor.u32 $0x400, s4;
	v0 =	vmov s0;
	[tilespmem:$0x1FFA0] =	vst v58  }
0xb: {  	s15 =	sor.u32 $0x480, s4;
	s16 =	sor.u32 $0x500, s4;
	s17 =	sor.u32 $0x580, s4;
	v49 =	vmov s7;
	[tilespmem:$0x1FF00] =	vst v0  }
0xc: {  	s18 =	sor.u32 $0x600, s4;
	s19 =	sor.u32 $0x680, s4;
	s20 =	sor.u32 $0x700, s4;
	v50 =	vmov s1;
	[tilespmem:$0x1FF10] =	vst v49  }
0xd: {  	s21 =	sor.u32 $0x780, s4;
	s22 =	sor.u32 $0x800, s4;
	s23 =	sor.u32 $0x880, s4;
	v51 =	vmov s10;
	[tilespmem:$0x1FF20] =	vst v50  }
0xe: {  	s24 =	sor.u32 $0x900, s4;
	s25 =	sor.u32 $0x980, s4;
	s26 =	sor.u32 $0xA00, s4;
	v52 =	vmov s11;
	[tilespmem:$0x1FF30] =	vst v51  }
0xf: {  	s28 =	sor.u32 $0xA80, s4;
	s29 =	sor.u32 $0xB00, s4;
	s30 =	sor.u32 $0xB80, s4;
	v53 =	vmov s12;
	[tilespmem:$0x1FF40] =	vst v52  }
0x10: {  	s31 =	sor.u32 $0xC00, s4;
	s9 =	sor.u32 $0xD80, s4;
	s0 =	sor.u32 $0xC80, s4;
	v54 =	vmov s13;
	[tilespmem:$0x1FF50] =	vst v53  }
0x11: {  	s1 =	sor.u32 $0xD00, s4;
	v55 =	vmov s14;
	s10 =	sor.u32 $0xE00, s4;
	s11 =	sor.u32 $0xE80, s4;
	[tilespmem:$0x1FF60] =	vst v54  }
0x12: {  	s12 =	sor.u32 $0xF00, s4;
	v56 =	vmov s15;
	v57 =	vmov s16;
	s13 =	sor.u32 $0xF80, s4;
	s4 =	sadd.s32 $0x20C00, s6;
	[tilespmem:$0x1FF70] =	vst v55  }
0x13: {  	v59 =	vmov s17;
	v60 =	vmov s18;
	v61 =	vmov s19;
	s6 =	smax.u32 s8, $0x1;
	s7 =	simm.s32 $0x2;
	s8 =	simm.s32 $0x80;
	[tilespmem:$0x1FF80] =	vst v56  }
0x14: {  	v62 =	vmov s20;
	v63 =	vmov s21;
	v16 =	vmov s22;
	s14 =	simm.s32 $0x1500;
	s15 =	simm.s32 $0x1180;
	s16 =	simm.s32 $0x1580;
	[tilespmem:$0x1FF90] =	vst v57  }
0x15: {  	v17 =	vmov s23;
	v18 =	vmov s24;
	v19 =	vmov s25;
	s17 =	simm.s32 $0x1200;
	s18 =	simm.s32 $0x1600;
	s19 =	simm.s32 $0x1280;
	[tilespmem:$0x1FFB0] =	vst v59  }
0x16: {  	v20 =	vmov s26;
	v21 =	vmov s28;
	s20 =	simm.s32 $0x1680;
	v27 =	vmov s9;
	s9 =	simm.s32 $0x1080;
	s21 =	simm.s32 $0x1300;
	[tilespmem:$0x1FFC0] =	vst v60  }
0x17: {  	v22 =	vmov s29;
	v23 =	vmov s30;
	v24 =	vmov s31;
	s22 =	simm.s32 $0x1700;
	s23 =	simm.s32 $0x1380;
	s24 =	simm.s32 $0x1780;
	[tilespmem:$0x1FFD0] =	vst v61  }
0x18: {  	s25 =	simm.s32 $0x1;
	s26 =	simm.s32 $0x1800;
	[tilespmem:$0x1FFE0] =	vst v62;
	v25 =	vmov s0;
	s0 =	simm.s32 $0x1000;
	v26 =	vmov s1;
	v28 =	vmov s10  }
0x19: {  	[tilespmem:$0x1FFF0] =	vst v63;
	s1 =	simm.s32 $0x1400;
	s10 =	simm.s32 $0x1480;
	v29 =	vmov s11;
	s11 =	simm.s32 $0x1100;
	v30 =	vmov s12;
	v31 =	vmov s13  }
.LBB2_1:
0x1a: {  	[tilespmem:s2], [sflag:$0x2] =	stream.linear.gather [hbm4b:s4+s2], $0x1000, $0x38;
	[tilespmem:$0x2800] =	vst v63  }
0x1b: {  	_ =	swait.ge [sflag:s7], $0x1000  }
0x1c: {  	[sflag:s7] =	ssyncset.done $0x0  }
0x1d: {  	[sflag:s7] =	ssyncadd.s32 $0xFFFFF000  }
0x1e: {  	v0 =	vld [tilespmem:$0x0]  }
0x1f: {  	v1 =	vld [tilespmem:$0x4]  }
0x20: {  	v2 =	vld [tilespmem:$0x80]  }
0x21: {  	v4 =	vld [tilespmem:$0x84]  }
0x22: {  	v5 =	vld [tilespmem:$0x100]  }
0x23: {  	v36 =	vld [tilespmem:$0x104]  }
0x24: {  	v42 =	vld [tilespmem:$0x180]  }
0x25: {  	v44 =	vld [tilespmem:$0x184]  }
0x26: {  	v49 =	vld [tilespmem:$0x200]  }
0x27: {  	v54 =	vld [tilespmem:$0x204]  }
0x28: {  	v56 =	vld [tilespmem:$0x280]  }
0x29: {  	v61 =	vld [tilespmem:$0x284];
	_ =	sdelay $0x1  }
0x2a: {  	vm0 =	vgt.s32 v0, $0x0;
	vm13 =	vgt.s32 v1, $0x0;
	vm14 =	vgt.s32 v2, $0x0  }
0x2b: {  	vm15 =	vgt.s32 v4, $0x0;
	vm4 =	vgt.s32 v5, $0x0;
	vm5 =	vgt.s32 v36, $0x0  }
0x2c: {  	vm6 =	vgt.s32 v42, $0x0;
	vm7 =	vgt.s32 v44, $0x0;
	vm8 =	vgt.s32 v49, $0x0  }
0x2d: {  	vm9 =	vgt.s32 v54, $0x0;
	vm10 =	vgt.s32 v56, $0x0;
	vm11 =	vgt.s32 v61, $0x0  }
0x2e: {  	v0 =	vnsel vm0, $0x0, v0;
	v1 =	vnsel vm13, $0x0, v1;
	v2 =	vnsel vm14, $0x0, v2  }
0x2f: {  	v37 =	vnsel vm15, $0x0, v4;
	v41 =	vnsel vm4, $0x0, v5;
	v50 =	vnsel vm6, $0x0, v42  }
0x30: {  	v53 =	vnsel vm7, $0x0, v44;
	v62 =	vnsel vm9, $0x0, v54;
	v11 =	vnsel vm10, $0x0, v56  }
0x31: {  	v0 =	vmin.u32 v0, $0x3E7;
	v1 =	vmin.u32 v1, $0x3E7;
	v14 =	vmin.u32 v2, $0x3E7  }
0x32: {  	v38 =	vmin.u32 v37, $0x3E7;
	v2 =	vnsel vm5, $0x0, v36;
	v51 =	vmin.u32 v50, $0x3E7  }
0x33: {  	v6 =	vld [tilespmem:$0x1FFA0];
	v63 =	vmin.u32 v62, $0x3E7;
	v3 =	vshll.u32 v0, $0x7;
	v0 =	vand.u32 $0x7F, v0  }
0x34: {  	v12 =	vshll.u32 v1, $0x7;
	v1 =	vand.u32 $0x7F, v1;
	v35 =	vshll.u32 v14, $0x7  }
0x35: {  	v40 =	vshll.u32 v38, $0x7;
	v46 =	vmin.u32 v2, $0x3E7;
	v52 =	vshll.u32 v51, $0x7  }
0x36: {  	v39 =	vld [tilespmem:$0x1FF00];
	v2 =	vnsel vm8, $0x0, v49;
	v10 =	vshll.u32 v63, $0x7;
	v3 =	vand.u32 $0x1C000, v3  }
0x37: {  	v48 =	vshll.u32 v46, $0x7;
	v59 =	vmin.u32 v2, $0x3E7;
	v0 =	vor.u32 v3, v0  }
0x38: {  	v2 =	vnsel vm11, $0x0, v61;
	v3 =	vand.u32 $0x1C000, v12;
	v33 =	vor.u32 v6, v0  }
0x39: {  	v47 =	vld [tilespmem:$0x1FF10];
	v13 =	vor.u32 v3, v1;
	v0 =	vand.u32 $0x1C000, v35;
	v1 =	vand.u32 $0x7F, v14  }
0x3a: {  	v60 =	vshll.u32 v59, $0x7;
	v12 =	vld [tilespmem:$0x300];
	v3 =	vmin.u32 v41, $0x3E7;
	v0 =	vor.u32 v0, v1  }
0x3b: {  	v1 =	vand.u32 $0x7F, v38;
	v34 =	vor.u32 v39, v0;
	v0 =	vand.u32 $0x1C000, v40  }
0x3c: {  	v32 =	vor.u32 v6, v13;
	v43 =	vshll.u32 v3, $0x7;
	v0 =	vor.u32 v0, v1  }
0x3d: {  	v14 =	vld [tilespmem:$0x304];
	v3 =	vand.u32 $0x7F, v3;
	v1 =	vand.u32 $0x1C000, v43;
	v36 =	vor.u32 v39, v0  }
0x3e: {  	v45 =	vor.u32 v1, v3;
	v0 =	vand.u32 $0x1C000, v48;
	v1 =	vand.u32 $0x7F, v46  }
0x3f: {  	v3 =	vmin.u32 v53, $0x3E7;
	vm12 =	vgt.s32 v12, $0x0;
	v35 =	vor.u32 v47, v45  }
0x40: {  	v57 =	vld [tilespmem:$0x1FF20];
	v0 =	vor.u32 v0, v1;
	v1 =	vand.u32 $0x7F, v51;
	v55 =	vshll.u32 v3, $0x7  }
0x41: {  	v3 =	vand.u32 $0x7F, v3;
	v45 =	vmin.u32 v2, $0x3E7;
	v49 =	vnsel vm12, $0x0, v12  }
0x42: {  	vm13 =	vgt.s32 v14, $0x0;
	v37 =	vor.u32 v47, v0;
	v0 =	vand.u32 $0x1C000, v52  }
0x43: {  	v47 =	vshll.u32 v45, $0x7;
	v50 =	vmin.u32 v49, $0x3E7;
	v53 =	vnsel vm13, $0x0, v14  }
0x44: {  	v48 =	vld [tilespmem:$0x380];
	v0 =	vor.u32 v0, v1;
	v1 =	vand.u32 $0x1C000, v55;
	v52 =	vshll.u32 v50, $0x7  }
0x45: {  	v9 =	vld [tilespmem:$0x1FF30];
	v4 =	vmin.u32 v53, $0x3E7;
	v39 =	vor.u32 v57, v0;
	v58 =	vor.u32 v1, v3  }
0x46: {  	v51 =	vld [tilespmem:$0x384];
	v0 =	vand.u32 $0x1C000, v60;
	v1 =	vand.u32 $0x7F, v59;
	v3 =	vmin.u32 v11, $0x3E7  }
0x47: {  	v14 =	vld [tilespmem:$0x484];
	v54 =	vshll.u32 v4, $0x7;
	v59 =	vand.u32 $0x7F, v4;
	v38 =	vor.u32 v57, v58  }
0x48: {  	v46 =	vld [tilespmem:$0x1FF40];
	v0 =	vor.u32 v0, v1;
	v1 =	vand.u32 $0x7F, v63;
	v13 =	vshll.u32 v3, $0x7  }
0x49: {  	v55 =	vld [tilespmem:$0x400];
	v3 =	vand.u32 $0x7F, v3;
	vm14 =	vgt.s32 v48, $0x0;
	v57 =	vand.u32 $0x1C000, v54  }
0x4a: {  	v40 =	vor.u32 v9, v0;
	v0 =	vand.u32 $0x1C000, v10;
	v58 =	vnsel vm14, $0x0, v48  }
0x4b: {  	v60 =	vld [tilespmem:$0x404];
	vm15 =	vgt.s32 v51, $0x0;
	v0 =	vor.u32 v0, v1;
	v1 =	vand.u32 $0x1C000, v13  }
0x4c: {  	vm7 =	vgt.s32 v14, $0x0;
	v42 =	vor.u32 v9, v0;
	v44 =	vor.u32 v1, v3  }
0x4d: {  	v0 =	vand.u32 $0x1C000, v47;
	v1 =	vand.u32 $0x7F, v45;
	v3 =	vnsel vm15, $0x0, v51  }
0x4e: {  	v56 =	vld [tilespmem:$0x1FF50];
	vm4 =	vgt.s32 v55, $0x0;
	v41 =	vor.u32 v46, v44;
	v0 =	vor.u32 v0, v1  }
0x4f: {  	v1 =	vand.u32 $0x7F, v50;
	v63 =	vmin.u32 v3, $0x3E7;
	v11 =	vnsel vm4, $0x0, v55  }
0x50: {  	v7 =	vld [tilespmem:$0x1FF60];
	vm5 =	vgt.s32 v60, $0x0;
	v43 =	vor.u32 v46, v0;
	v0 =	vand.u32 $0x1C000, v52  }
0x51: {  	v9 =	vld [tilespmem:$0x480];
	v3 =	vshll.u32 v63, $0x7;
	v13 =	vnsel vm5, $0x0, v60;
	v0 =	vor.u32 v0, v1  }
0x52: {  	v1 =	vmin.u32 v58, $0x3E7;
	v10 =	vand.u32 $0x1C000, v3;
	v2 =	vmin.u32 v13, $0x3E7  }
0x53: {  	v52 =	vld [tilespmem:$0x500];
	v3 =	vnsel vm7, $0x0, v14;
	v44 =	vor.u32 v56, v0;
	v0 =	vor.u32 v57, v59  }
0x54: {  	v60 =	vld [tilespmem:$0x580];
	v61 =	vshll.u32 v1, $0x7;
	v51 =	vshll.u32 v2, $0x7;
	v2 =	vand.u32 $0x7F, v2  }
0x55: {  	v59 =	vmin.u32 v3, $0x3E7;
	v45 =	vor.u32 v56, v0;
	v62 =	vand.u32 $0x1C000, v61  }
0x56: {  	v5 =	vld [tilespmem:$0x800];
	vm6 =	vgt.s32 v9, $0x0;
	v61 =	vshll.u32 v59, $0x7;
	v0 =	vor.u32 v62, v7  }
0x57: {  	v57 =	vld [tilespmem:$0x504];
	v53 =	vnsel vm6, $0x0, v9;
	v46 =	vor.u32 v1, v0;
	v0 =	vor.u32 v10, v7  }
0x58: {  	v1 =	vmin.u32 v11, $0x3E7;
	v56 =	vmin.u32 v53, $0x3E7;
	vm8 =	vgt.s32 v52, $0x0  }
0x59: {  	v54 =	vld [tilespmem:$0x1FF70];
	vm10 =	vgt.s32 v60, $0x0;
	v47 =	vor.u32 v63, v0;
	v12 =	vshll.u32 v1, $0x7  }
0x5a: {  	v1 =	vand.u32 $0x7F, v1;
	v58 =	vshll.u32 v56, $0x7;
	v4 =	vnsel vm8, $0x0, v52  }
0x5b: {  	v62 =	vld [tilespmem:$0x584];
	v3 =	vnsel vm10, $0x0, v60;
	vm8 =	vgt.s32 v5, $0x0;
	v0 =	vand.u32 $0x1C000, v12  }
0x5c: {  	v4 =	vmin.u32 v4, $0x3E7;
	vm9 =	vgt.s32 v57, $0x0;
	v3 =	vmin.u32 v3, $0x3E7  }
0x5d: {  	v14 =	vld [tilespmem:$0x1FF80];
	v8 =	vnsel vm8, $0x0, v5;
	v0 =	vor.u32 v0, v1;
	v1 =	vand.u32 $0x1C000, v51  }
0x5e: {  	v11 =	vld [tilespmem:$0x600];
	v63 =	vshll.u32 v4, $0x7;
	v4 =	vand.u32 $0x7F, v4;
	v48 =	vor.u32 v54, v0  }
0x5f: {  	v60 =	vld [tilespmem:$0x680];
	v55 =	vor.u32 v1, v2;
	v0 =	vand.u32 $0x1C000, v58;
	v1 =	vand.u32 $0x7F, v56  }
0x60: {  	v52 =	vld [tilespmem:$0x704];
	v2 =	vnsel vm9, $0x0, v57;
	v9 =	vand.u32 $0x1C000, v63;
	vm11 =	vgt.s32 v62, $0x0  }
0x61: {  	[tilespmem:$0x1000] =	vst v33;
	v33 =	vld [tilespmem:$0x1FF90];
	v58 =	vshll.u32 v3, $0x7;
	v3 =	vand.u32 $0x7F, v3;
	v49 =	vor.u32 v54, v55  }
0x62: {  	v0 =	vor.u32 v0, v1;
	v1 =	vand.u32 $0x7F, v59;
	v10 =	vmin.u32 v2, $0x3E7  }
0x63: {  	v5 =	vld [tilespmem:$0x884];
	v53 =	vor.u32 v9, v4;
	v59 =	vnsel vm11, $0x0, v62;
	vm12 =	vgt.s32 v11, $0x0  }
0x64: {  	v51 =	vld [tilespmem:$0x604];
	v50 =	vor.u32 v14, v0;
	v0 =	vand.u32 $0x1C000, v61;
	v12 =	vshll.u32 v10, $0x7  }
0x65: {  	v2 =	vnsel vm12, $0x0, v11;
	vm14 =	vgt.s32 v60, $0x0;
	vm5 =	vgt.s32 v52, $0x0  }
0x66: {  	v15 =	vor.u32 v33, v53;
	v54 =	vor.u32 v0, v1;
	v13 =	vand.u32 $0x1C000, v12  }
0x67: {  	v63 =	vld [tilespmem:$0x684];
	v1 =	vand.u32 $0x7F, v10;
	v0 =	vand.u32 $0x1C000, v58;
	v2 =	vmin.u32 v2, $0x3E7  }
0x68: {  	[tilespmem:$0x1010] =	vst v32;
	v32 =	vld [tilespmem:$0x1FFB0];
	vm11 =	vgt.s32 v5, $0x0;
	v57 =	vor.u32 v13, v1;
	v1 =	vmin.u32 v59, $0x3E7  }
0x69: {  	v55 =	vor.u32 v0, v3;
	v9 =	vshll.u32 v2, $0x7;
	vm13 =	vgt.s32 v51, $0x0  }
0x6a: {  	v2 =	vand.u32 $0x7F, v2;
	v14 =	vor.u32 v14, v54;
	v61 =	vshll.u32 v1, $0x7  }
0x6b: {  	v1 =	vand.u32 $0x7F, v1;
	v10 =	vand.u32 $0x1C000, v9;
	v11 =	vnsel vm13, $0x0, v51  }
0x6c: {  	v51 =	vnsel vm14, $0x0, v60;
	vm15 =	vgt.s32 v63, $0x0;
	v57 =	vor.u32 v33, v57  }
0x6d: {  	[tilespmem:$0x1030] =	vst v36;
	v12 =	vld [tilespmem:$0x700];
	v36 =	vor.u32 v32, v55;
	v62 =	vand.u32 $0x1C000, v61;
	v56 =	vor.u32 v10, v2  }
0x6e: {  	v2 =	vmin.u32 v51, $0x3E7;
	v3 =	vnsel vm15, $0x0, v63;
	v51 =	vnsel vm5, $0x0, v52  }
0x6f: {  	v59 =	vor.u32 v62, v1;
	v1 =	vmin.u32 v11, $0x3E7;
	v58 =	vshll.u32 v2, $0x7  }
0x70: {  	v4 =	vld [tilespmem:$0x880];
	v63 =	vmin.u32 v3, $0x3E7;
	v2 =	vand.u32 $0x7F, v2;
	v13 =	vshll.u32 v1, $0x7  }
0x71: {  	v1 =	vand.u32 $0x7F, v1;
	v62 =	vand.u32 $0x1C000, v58;
	v9 =	vshll.u32 v63, $0x7  }
0x72: {  	v3 =	vld [tilespmem:$0x780];
	vm4 =	vgt.s32 v12, $0x0;
	v55 =	vor.u32 v32, v59;
	v0 =	vand.u32 $0x1C000, v13  }
0x73: {  	v58 =	vor.u32 v62, v2;
	v10 =	vand.u32 $0x1C000, v9;
	v11 =	vnsel vm4, $0x0, v12  }
0x74: {  	v59 =	vld [tilespmem:$0x1FFC0];
	v61 =	vor.u32 v0, v1;
	v1 =	vand.u32 $0x7F, v63;
	v2 =	vmin.u32 v11, $0x3E7  }
0x75: {  	vm10 =	vgt.s32 v4, $0x0;
	v12 =	vld [tilespmem:$0x784];
	v62 =	vor.u32 v10, v1;
	v13 =	vshll.u32 v2, $0x7  }
0x76: {  	v1 =	vmin.u32 v51, $0x3E7;
	v2 =	vand.u32 $0x7F, v2;
	v0 =	vand.u32 $0x1C000, v13  }
0x77: {  	vm6 =	vgt.s32 v3, $0x0;
	v52 =	vshll.u32 v1, $0x7;
	v1 =	vand.u32 $0x7F, v1;
	v13 =	vld [tilespmem:$0x1FFF0]  }
0x78: {  	v3 =	vnsel vm6, $0x0, v3;
	v60 =	vor.u32 v0, v2;
	v63 =	vand.u32 $0x1C000, v52  }
0x79: {  	[tilespmem:$0x1060] =	vst v39;
	v2 =	vmin.u32 v8, $0x3E7;
	v39 =	vor.u32 v59, v61;
	v61 =	vld [tilespmem:$0x1FFD0];
	v9 =	vmin.u32 v3, $0x3E7  }
0x7a: {  	v8 =	vnsel vm10, $0x0, v4;
	v3 =	vld [tilespmem:$0x804];
	vm7 =	vgt.s32 v12, $0x0;
	v10 =	vshll.u32 v9, $0x7  }
0x7b: {  	v63 =	vor.u32 v63, v1;
	v12 =	vnsel vm7, $0x0, v12;
	v11 =	vand.u32 $0x1C000, v10  }
0x7c: {  	v4 =	vmin.u32 v8, $0x3E7;
	v8 =	vld [tilespmem:$0x904];
	v1 =	vmin.u32 v12, $0x3E7;
	v0 =	vor.u32 v11, v13  }
0x7d: {  	[tilespmem:$0x1050] =	vst v37;
	v37 =	vor.u32 v59, v56;
	v7 =	vshll.u32 v1, $0x7;
	v51 =	vor.u32 v9, v0  }
0x7e: {  	[tilespmem:$0x1070] =	vst v38;
	v12 =	vld [tilespmem:$0x900];
	v0 =	vand.u32 $0x1C000, v7;
	v9 =	vshll.u32 v2, $0x7;
	v2 =	vand.u32 $0x7F, v2  }
0x7f: {  	[tilespmem:$0x1080] =	vst v40;
	v38 =	vor.u32 v61, v58;
	v40 =	vor.u32 v61, v62;
	vm9 =	vgt.s32 v3, $0x0  }
0x80: {  	v0 =	vor.u32 v0, v13;
	v10 =	vand.u32 $0x1C000, v9;
	v9 =	vshll.u32 v4, $0x7  }
0x81: {  	v4 =	vand.u32 $0x7F, v4;
	vm13 =	vgt.s32 v8, $0x0;
	v3 =	vnsel vm9, $0x0, v3  }
0x82: {  	v58 =	vld [tilespmem:$0xC04];
	v52 =	vor.u32 v1, v0;
	v0 =	vor.u32 v10, v2;
	v10 =	vnsel vm11, $0x0, v5  }
0x83: {  	v11 =	vmin.u32 v3, $0x3E7;
	v2 =	vmin.u32 v10, $0x3E7;
	vm12 =	vgt.s32 v12, $0x0  }
0x84: {  	[tilespmem:$0x10B0] =	vst v43;
	v43 =	vor.u32 v16, v0;
	v3 =	vshll.u32 v11, $0x7;
	v1 =	vand.u32 $0x7F, v11  }
0x85: {  	v5 =	vld [tilespmem:$0x980];
	v11 =	vshll.u32 v2, $0x7;
	v6 =	vnsel vm12, $0x0, v12;
	v2 =	vand.u32 $0x7F, v2  }
0x86: {  	v13 =	vand.u32 $0x1C000, v3;
	v12 =	vand.u32 $0x1C000, v11;
	v6 =	vmin.u32 v6, $0x3E7  }
0x87: {  	v11 =	vnsel vm13, $0x0, v8;
	vm13 =	vgt.s32 v58, $0x0;
	v3 =	vor.u32 v13, v1  }
0x88: {  	[tilespmem:$0x10D0] =	vst v45;
	v45 =	vld [tilespmem:$0xC80];
	v1 =	vand.u32 $0x1C000, v9;
	v10 =	vshll.u32 v6, $0x7;
	v7 =	vor.u32 v12, v2  }
0x89: {  	v8 =	vld [tilespmem:$0xA00];
	v6 =	vand.u32 $0x7F, v6;
	v1 =	vor.u32 v1, v4;
	v13 =	vand.u32 $0x1C000, v10  }
0x8a: {  	v9 =	vld [tilespmem:$0x984];
	v4 =	vmin.u32 v11, $0x3E7;
	vm14 =	vgt.s32 v5, $0x0;
	v3 =	vor.u32 v16, v3  }
0x8b: {  	v7 =	vor.u32 v17, v7;
	v2 =	vor.u32 v13, v6;
	v12 =	vshll.u32 v4, $0x7  }
0x8c: {  	[tilespmem:$0x1110] =	vst v49;
	v49 =	vld [tilespmem:$0xC84];
	v5 =	vnsel vm14, $0x0, v5;
	v4 =	vand.u32 $0x7F, v4;
	v1 =	vor.u32 v17, v1  }
0x8d: {  	v10 =	vld [tilespmem:$0xA04];
	vm14 =	vgt.s32 v45, $0x0;
	v6 =	vand.u32 $0x1C000, v12;
	v5 =	vmin.u32 v5, $0x3E7  }
0x8e: {  	[tilespmem:$0x1140] =	vst v15;
	v15 =	vld [tilespmem:$0xD04];
	v2 =	vor.u32 v18, v2;
	v11 =	vshll.u32 v5, $0x7;
	v12 =	vor.u32 v6, v4  }
0x8f: {  	v5 =	vand.u32 $0x7F, v5;
	vm4 =	vgt.s32 v8, $0x0;
	vm15 =	vgt.s32 v9, $0x0  }
0x90: {  	v13 =	vand.u32 $0x1C000, v11;
	v8 =	vnsel vm4, $0x0, v8;
	v12 =	vor.u32 v18, v12  }
0x91: {  	v9 =	vnsel vm15, $0x0, v9;
	v5 =	vor.u32 v13, v5;
	v8 =	vmin.u32 v8, $0x3E7  }
0x92: {  	v11 =	vld [tilespmem:$0xA80];
	vm5 =	vgt.s32 v10, $0x0;
	vm15 =	vgt.s32 v49, $0x0;
	v6 =	vmin.u32 v9, $0x3E7  }
0x93: {  	v10 =	vnsel vm5, $0x0, v10;
	v5 =	vor.u32 v19, v5;
	vm5 =	vgt.s32 v15, $0x0  }
0x94: {  	v9 =	vshll.u32 v6, $0x7;
	v6 =	vand.u32 $0x7F, v6;
	v15 =	vnsel vm5, $0x0, v15  }
0x95: {  	v10 =	vmin.u32 v10, $0x3E7;
	v13 =	vand.u32 $0x1C000, v9;
	v15 =	vmin.u32 v15, $0x3E7  }
0x96: {  	v9 =	vld [tilespmem:$0xA84];
	v4 =	vor.u32 v13, v6;
	v13 =	vshll.u32 v8, $0x7;
	v8 =	vand.u32 $0x7F, v8  }
0x97: {  	[tilespmem:$0x10C0] =	vst v44;
	vm6 =	vgt.s32 v11, $0x0;
	v44 =	vshll.u32 v15, $0x7;
	v6 =	vand.u32 $0x1C000, v13;
	v13 =	vld [tilespmem:$0xB00]  }
0x98: {  	v15 =	vand.u32 $0x7F, v15;
	v6 =	vor.u32 v6, v8;
	v8 =	vshll.u32 v10, $0x7  }
0x99: {  	v11 =	vnsel vm6, $0x0, v11;
	v10 =	vand.u32 $0x7F, v10;
	v8 =	vand.u32 $0x1C000, v8  }
0x9a: {  	v4 =	vor.u32 v19, v4;
	v11 =	vmin.u32 v11, $0x3E7;
	v54 =	vor.u32 v8, v10;
	v10 =	vld [tilespmem:$0xB04]  }
0x9b: {  	vm7 =	vgt.s32 v9, $0x0;
	v8 =	vshll.u32 v11, $0x7;
	v11 =	vand.u32 $0x7F, v11  }
0x9c: {  	v9 =	vnsel vm7, $0x0, v9;
	v8 =	vand.u32 $0x1C000, v8;
	vm8 =	vgt.s32 v13, $0x0  }
0x9d: {  	v9 =	vmin.u32 v9, $0x3E7;
	v53 =	vor.u32 v8, v11;
	v11 =	vnsel vm8, $0x0, v13;
	v13 =	vld [tilespmem:$0xB80]  }
0x9e: {  	v6 =	vor.u32 v20, v6;
	v8 =	vshll.u32 v9, $0x7;
	v9 =	vand.u32 $0x7F, v9  }
0x9f: {  	[tilespmem:$0x1170] =	vst v55;
	v55 =	vld [tilespmem:$0xE80];
	v8 =	vand.u32 $0x1C000, v8;
	v11 =	vmin.u32 v11, $0x3E7;
	vm9 =	vgt.s32 v10, $0x0  }
0xa0: {  	v32 =	vor.u32 v8, v9;
	v8 =	vshll.u32 v11, $0x7;
	v11 =	vand.u32 $0x7F, v11  }
0xa1: {  	[tilespmem:$0x11B0] =	vst v40;
	v9 =	vnsel vm9, $0x0, v10;
	v10 =	vld [tilespmem:$0xB84];
	v8 =	vand.u32 $0x1C000, v8;
	v40 =	vor.u32 v21, v32  }
0xa2: {  	[tilespmem:$0x1020] =	vst v34;
	v9 =	vmin.u32 v9, $0x3E7;
	v33 =	vor.u32 v8, v11;
	vm10 =	vgt.s32 v13, $0x0  }
0xa3: {  	[tilespmem:$0x1040] =	vst v35;
	v56 =	vshll.u32 v9, $0x7;
	v9 =	vand.u32 $0x7F, v9;
	v59 =	vnsel vm10, $0x0, v13;
	v13 =	vld [tilespmem:$0xC00]  }
0xa4: {  	[tilespmem:$0x1090] =	vst v42;
	v8 =	vand.u32 $0x1C000, v56;
	vm10 =	vgt.s32 v55, $0x0;
	v11 =	vmin.u32 v59, $0x3E7  }
0xa5: {  	[tilespmem:$0x10A0] =	vst v41;
	v34 =	vor.u32 v8, v9;
	v59 =	vld [tilespmem:$0x1FFE0];
	v41 =	vnsel vm10, $0x0, v55;
	v62 =	vshll.u32 v11, $0x7  }
0xa6: {  	[tilespmem:$0x1200] =	vst v43;
	vm11 =	vgt.s32 v10, $0x0;
	v43 =	vor.u32 v22, v34;
	v8 =	vand.u32 $0x1C000, v62  }
0xa7: {  	[tilespmem:$0x11A0] =	vst v38;
	v38 =	vld [tilespmem:$0xF00];
	v56 =	vnsel vm11, $0x0, v10;
	v10 =	vnsel vm13, $0x0, v58;
	v8 =	vor.u32 v8, v23  }
0xa8: {  	[tilespmem:$0x10E0] =	vst v46;
	v9 =	vmin.u32 v56, $0x3E7;
	v10 =	vmin.u32 v10, $0x3E7;
	vm12 =	vgt.s32 v13, $0x0  }
0xa9: {  	[tilespmem:$0x1120] =	vst v50;
	v35 =	vor.u32 v11, v8;
	v62 =	vshll.u32 v9, $0x7;
	v50 =	vshll.u32 v10, $0x7  }
0xaa: {  	[tilespmem:$0x10F0] =	vst v47;
	v10 =	vand.u32 $0x7F, v10;
	v11 =	vnsel vm15, $0x0, v49;
	v61 =	vor.u32 v59, v60  }
0xab: {  	[tilespmem:$0x1100] =	vst v48;
	v42 =	vor.u32 v59, v63;
	v63 =	vnsel vm12, $0x0, v13;
	v46 =	vand.u32 $0x1C000, v62  }
0xac: {  	[tilespmem:$0x1130] =	vst v14;
	v13 =	vnsel vm14, $0x0, v45;
	v11 =	vmin.u32 v11, $0x3E7;
	vm12 =	vgt.s32 v38, $0x0  }
0xad: {  	[tilespmem:$0x1150] =	vst v57;
	v56 =	vld [tilespmem:$0xD00];
	v0 =	vor.u32 v46, v23;
	v47 =	vmin.u32 v63, $0x3E7;
	v13 =	vmin.u32 v13, $0x3E7  }
0xae: {  	[tilespmem:$0x1160] =	vst v36;
	v60 =	vshll.u32 v11, $0x7;
	v11 =	vand.u32 $0x7F, v11;
	v46 =	vor.u32 v20, v54  }
0xaf: {  	[tilespmem:$0x1280] =	vst v6;
	v6 =	vnsel vm12, $0x0, v38;
	v0 =	vor.u32 v9, v0;
	v48 =	vshll.u32 v47, $0x7  }
0xb0: {  	[tilespmem:$0x1180] =	vst v37;
	v59 =	vld [tilespmem:$0xD80];
	v8 =	vand.u32 $0x7F, v47;
	v58 =	vshll.u32 v13, $0x7;
	v13 =	vand.u32 $0x7F, v13  }
0xb1: {  	[tilespmem:$0x1190] =	vst v39;
	v45 =	vld [tilespmem:$0xE04];
	v36 =	vand.u32 $0x1C000, v60;
	v6 =	vmin.u32 v6, $0x3E7;
	v9 =	vand.u32 $0x1C000, v48  }
0xb2: {  	[tilespmem:$0x11E0] =	vst v51;
	vm4 =	vgt.s32 v56, $0x0;
	v11 =	vor.u32 v36, v11;
	v36 =	vand.u32 $0x1C000, v44  }
0xb3: {  	[tilespmem:$0x11F0] =	vst v52;
	v63 =	vld [tilespmem:$0xD84];
	v48 =	vor.u32 v21, v53;
	v55 =	vshll.u32 v6, $0x7;
	v6 =	vand.u32 $0x7F, v6  }
0xb4: {  	[tilespmem:$0x11D0] =	vst v42;
	v42 =	vld [tilespmem:$0xE00];
	v8 =	vor.u32 v9, v8;
	v9 =	vand.u32 $0x1C000, v50;
	v14 =	vnsel vm4, $0x0, v56  }
0xb5: {  	[tilespmem:$0x1210] =	vst v3;
	v15 =	vor.u32 v36, v15;
	v9 =	vor.u32 v9, v10;
	v10 =	vand.u32 $0x1C000, v58  }
0xb6: {  	[tilespmem:$0x1230] =	vst v7;
	v14 =	vmin.u32 v14, $0x3E7;
	vm6 =	vgt.s32 v59, $0x0;
	vm9 =	vgt.s32 v45, $0x0  }
0xb7: {  	[tilespmem:$0x11C0] =	vst v61;
	v44 =	vor.u32 v24, v8;
	v10 =	vor.u32 v10, v13;
	v61 =	vshll.u32 v14, $0x7  }
0xb8: {  	[tilespmem:$0x1220] =	vst v1;
	v14 =	vand.u32 $0x7F, v14;
	v13 =	vnsel vm6, $0x0, v59;
	vm7 =	vgt.s32 v63, $0x0  }
0xb9: {  	[tilespmem:$0x1240] =	vst v2;
	vm8 =	vgt.s32 v42, $0x0;
	v54 =	vnsel vm9, $0x0, v45;
	v45 =	vor.u32 v24, v9  }
0xba: {  	[tilespmem:$0x1250] =	vst v12;
	v62 =	vand.u32 $0x1C000, v61;
	v13 =	vmin.u32 v13, $0x3E7;
	v50 =	vnsel vm7, $0x0, v63  }
0xbb: {  	[tilespmem:$0x1260] =	vst v5;
	v52 =	vnsel vm8, $0x0, v42;
	v59 =	vmin.u32 v54, $0x3E7;
	v42 =	vor.u32 v22, v33  }
0xbc: {  	[tilespmem:$0x1290] =	vst v46;
	v46 =	vor.u32 v25, v10;
	v14 =	vor.u32 v62, v14;
	v47 =	vshll.u32 v13, $0x7  }
0xbd: {  	[tilespmem:$0x1270] =	vst v4;
	v49 =	vand.u32 $0x7F, v13;
	v51 =	vmin.u32 v50, $0x3E7;
	v57 =	vmin.u32 v52, $0x3E7  }
0xbe: {  	[tilespmem:$0x12B0] =	vst v40;
	v61 =	vshll.u32 v59, $0x7;
	v5 =	vand.u32 $0x7F, v59;
	v36 =	vand.u32 $0x1C000, v47  }
0xbf: {  	[tilespmem:$0x12D0] =	vst v43;
	v53 =	vshll.u32 v51, $0x7;
	v2 =	vand.u32 $0x7F, v51;
	v58 =	vshll.u32 v57, $0x7  }
0xc0: {  	[tilespmem:$0x12E0] =	vst v35;
	v60 =	vand.u32 $0x7F, v57;
	v47 =	vor.u32 v25, v11;
	v59 =	vor.u32 v26, v14  }
0xc1: {  	[tilespmem:$0x12F0] =	vst v0;
	v62 =	vld [tilespmem:$0xE84];
	v7 =	vor.u32 v36, v49;
	v56 =	vand.u32 $0x1C000, v53;
	v4 =	vand.u32 $0x1C000, v58  }
0xc2: {  	[tilespmem:$0x12A0] =	vst v48;
	v36 =	vand.u32 $0x1C000, v61;
	v2 =	vor.u32 v56, v2;
	v63 =	vor.u32 v4, v60  }
0xc3: {  	[tilespmem:$0x1300] =	vst v44;
	v53 =	vld [tilespmem:$0xF04];
	v39 =	vor.u32 v36, v5;
	v4 =	vmin.u32 v41, $0x3E7;
	v5 =	vand.u32 $0x1C000, v55  }
0xc4: {  	[tilespmem:$0x1310] =	vst v45;
	v58 =	vld [tilespmem:$0xF84];
	v60 =	vor.u32 v26, v15;
	v7 =	vor.u32 v27, v7;
	v48 =	vshll.u32 v4, $0x7  }
0xc5: {  	[tilespmem:$0x12C0] =	vst v42;
	v56 =	vld [tilespmem:$0xF80];
	v4 =	vand.u32 $0x7F, v4;
	v5 =	vor.u32 v5, v6;
	v2 =	vor.u32 v27, v2  }
0xc6: {  	[tilespmem:$0x1320] =	vst v46;
	v3 =	vor.u32 v28, v63;
	v1 =	vor.u32 v28, v39;
	vm11 =	vgt.s32 v62, $0x0  }
0xc7: {  	[tilespmem:$0x1330] =	vst v47;
	v50 =	vand.u32 $0x1C000, v48;
	v12 =	vor.u32 v30, v5;
	v49 =	vnsel vm11, $0x0, v62  }
0xc8: {  	[tilespmem:$0x1340] =	vst v59;
	v0 =	vor.u32 v50, v4;
	v51 =	vmin.u32 v49, $0x3E7;
	vm13 =	vgt.s32 v53, $0x0  }
0xc9: {  	[tilespmem:$0x1350] =	vst v60;
	v0 =	vor.u32 v29, v0;
	vm15 =	vgt.s32 v58, $0x0;
	v52 =	vshll.u32 v51, $0x7  }
0xca: {  	[tilespmem:$0x1360] =	vst v7;
	v57 =	vand.u32 $0x7F, v51;
	v61 =	vnsel vm13, $0x0, v53;
	vm14 =	vgt.s32 v56, $0x0  }
0xcb: {  	[tilespmem:$0x1370] =	vst v2;
	v10 =	vnsel vm15, $0x0, v58;
	v54 =	vand.u32 $0x1C000, v52;
	v62 =	vmin.u32 v61, $0x3E7  }
0xcc: {  	[tilespmem:$0x1380] =	vst v3;
	v63 =	vnsel vm14, $0x0, v56;
	v4 =	vor.u32 v54, v57;
	v11 =	vshll.u32 v62, $0x7  }
0xcd: {  	[tilespmem:$0x1390] =	vst v1;
	v6 =	vmin.u32 v63, $0x3E7;
	v14 =	vand.u32 $0x7F, v62;
	v9 =	vor.u32 v29, v4  }
0xce: {  	[tilespmem:$0x13C0] =	vst v12;
	v13 =	vand.u32 $0x1C000, v11;
	v32 =	vshll.u32 v6, $0x7;
	v4 =	vmin.u32 v10, $0x3E7  }
0xcf: {  	[tilespmem:$0x13A0] =	vst v0;
	v0 =	vor.u32 v13, v14;
	v2 =	vand.u32 $0x1C000, v32;
	v33 =	vshll.u32 v4, $0x7  }
0xd0: {  	[tilespmem:$0x13B0] =	vst v9;
	v0 =	vor.u32 v30, v0;
	v34 =	vor.u32 v2, v31;
	v35 =	vand.u32 $0x1C000, v33  }
0xd1: {  	[tilespmem:$0x13D0] =	vst v0;
	v36 =	vor.u32 v6, v34;
	v37 =	vor.u32 v35, v31  }
0xd2: {  	[tilespmem:$0x13E0] =	vst v36;
	v38 =	vor.u32 v4, v37  }
0xd3: {  	[tilespmem:$0x13F0] =	vst v38  }
0xd4: {  	[tilespmem:s1], [sflag:$0x1] =	stream.indirect.gather [hbm4b:s3+s8], $0x1, s0, s8, $0xb8;
	[tilespmem:$0x2800] =	vst v63  }
0xd5: {  	_ = 	snop  }
0xd6: {  	[tilespmem:s10], [sflag:$0x1] =	stream.indirect.gather [hbm4b:s3+s8], $0x1, s9, s8, $0xb8;
	[tilespmem:$0x2800] =	vst v63  }
0xd7: {  	_ = 	snop  }
0xd8: {  	[tilespmem:s14], [sflag:$0x1] =	stream.indirect.gather [hbm4b:s3+s8], $0x1, s11, s8, $0xb8;
	[tilespmem:$0x2800] =	vst v63  }
0xd9: {  	_ = 	snop  }
0xda: {  	[tilespmem:s16], [sflag:$0x1] =	stream.indirect.gather [hbm4b:s3+s8], $0x1, s15, s8, $0xb8;
	[tilespmem:$0x2800] =	vst v63  }
0xdb: {  	_ = 	snop  }
0xdc: {  	[tilespmem:s18], [sflag:$0x1] =	stream.indirect.gather [hbm4b:s3+s8], $0x1, s17, s8, $0xb8;
	[tilespmem:$0x2800] =	vst v63  }
0xdd: {  	_ = 	snop  }
0xde: {  	[tilespmem:s20], [sflag:$0x1] =	stream.indirect.gather [hbm4b:s3+s8], $0x1, s19, s8, $0xb8;
	[tilespmem:$0x2800] =	vst v63  }
0xdf: {  	_ = 	snop  }
0xe0: {  	[tilespmem:s22], [sflag:$0x1] =	stream.indirect.gather [hbm4b:s3+s8], $0x1, s21, s8, $0xb8;
	[tilespmem:$0x2800] =	vst v63  }
0xe1: {  	_ = 	snop  }
0xe2: {  	[tilespmem:s24], [sflag:$0x1] =	stream.indirect.gather [hbm4b:s3+s8], $0x1, s23, s8, $0xb8;
	[tilespmem:$0x2800] =	vst v63  }
0xe3: {  	_ =	swait.ge [sflag:s25], $0x80  }
0xe4: {  	[sflag:s25] =	ssyncset.done $0x0  }
0xe5: {  	[sflag:s25] =	ssyncadd.s32 $0xFFFFFF80  }
0xe6: {  	_ =	swait.ge [sflag:s25], $0x80  }
0xe7: {  	[sflag:s25] =	ssyncset.done $0x0  }
0xe8: {  	[sflag:s25] =	ssyncadd.s32 $0xFFFFFF80  }
0xe9: {  	_ =	swait.ge [sflag:s25], $0x80  }
0xea: {  	[sflag:s25] =	ssyncset.done $0x0  }
0xeb: {  	[sflag:s25] =	ssyncadd.s32 $0xFFFFFF80  }
0xec: {  	_ =	swait.ge [sflag:s25], $0x80  }
0xed: {  	[sflag:s25] =	ssyncset.done $0x0  }
0xee: {  	[sflag:s25] =	ssyncadd.s32 $0xFFFFFF80  }
0xef: {  	_ =	swait.ge [sflag:s25], $0x80  }
0xf0: {  	[sflag:s25] =	ssyncset.done $0x0  }
0xf1: {  	[sflag:s25] =	ssyncadd.s32 $0xFFFFFF80  }
0xf2: {  	_ =	swait.ge [sflag:s25], $0x80  }
0xf3: {  	[sflag:s25] =	ssyncset.done $0x0  }
0xf4: {  	[sflag:s25] =	ssyncadd.s32 $0xFFFFFF80  }
0xf5: {  	_ =	swait.ge [sflag:s25], $0x80  }
0xf6: {  	[sflag:s25] =	ssyncset.done $0x0  }
0xf7: {  	[sflag:s25] =	ssyncadd.s32 $0xFFFFFF80  }
0xf8: {  	_ =	swait.ge [sflag:s25], $0x80  }
0xf9: {  	[sflag:s25] =	ssyncset.done $0x0  }
0xfa: {  	[sflag:s25] =	ssyncadd.s32 $0xFFFFFF80  }
0xfb: {  	v39 =	vld [tilespmem:$0x1400]  }
0xfc: {  	v40 =	vld [tilespmem:$0x1410]  }
0xfd: {  	v41 =	vld [tilespmem:$0x1420]  }
0xfe: {  	v42 =	vld [tilespmem:$0x1430]  }
0xff: {  	v43 =	vld [tilespmem:$0x1440]  }
0x100: {  	v44 =	vld [tilespmem:$0x1450];
	[tilespmem:$0x1800] =	vst v39  }
0x101: {  	v45 =	vld [tilespmem:$0x1460];
	[tilespmem:$0x1810] =	vst v40  }
0x102: {  	v46 =	vld [tilespmem:$0x1470];
	[tilespmem:$0x1880] =	vst v41  }
0x103: {  	v47 =	vld [tilespmem:$0x1480];
	[tilespmem:$0x1890] =	vst v42  }
0x104: {  	v48 =	vld [tilespmem:$0x1490];
	[tilespmem:$0x1900] =	vst v43  }
0x105: {  	v49 =	vld [tilespmem:$0x14A0];
	[tilespmem:$0x1910] =	vst v44  }
0x106: {  	v50 =	vld [tilespmem:$0x14B0];
	[tilespmem:$0x1980] =	vst v45  }
0x107: {  	v51 =	vld [tilespmem:$0x14C0];
	[tilespmem:$0x1990] =	vst v46  }
0x108: {  	v52 =	vld [tilespmem:$0x14D0];
	[tilespmem:$0x1A00] =	vst v47  }
0x109: {  	v53 =	vld [tilespmem:$0x14E0];
	[tilespmem:$0x1A10] =	vst v48  }
0x10a: {  	v54 =	vld [tilespmem:$0x14F0];
	[tilespmem:$0x1A80] =	vst v49  }
0x10b: {  	v55 =	vld [tilespmem:$0x1500];
	[tilespmem:$0x1A90] =	vst v50  }
0x10c: {  	v56 =	vld [tilespmem:$0x1510];
	[tilespmem:$0x1B00] =	vst v51  }
0x10d: {  	v57 =	vld [tilespmem:$0x1520];
	[tilespmem:$0x1B10] =	vst v52  }
0x10e: {  	v58 =	vld [tilespmem:$0x1530];
	[tilespmem:$0x1B80] =	vst v53  }
0x10f: {  	v59 =	vld [tilespmem:$0x1540];
	[tilespmem:$0x1B90] =	vst v54  }
0x110: {  	v60 =	vld [tilespmem:$0x1550];
	[tilespmem:$0x1C00] =	vst v55  }
0x111: {  	v61 =	vld [tilespmem:$0x1560];
	[tilespmem:$0x1C10] =	vst v56  }
0x112: {  	v62 =	vld [tilespmem:$0x1570];
	[tilespmem:$0x1C80] =	vst v57  }
0x113: {  	v63 =	vld [tilespmem:$0x1580];
	[tilespmem:$0x1C90] =	vst v58  }
0x114: {  	v8 =	vld [tilespmem:$0x1590];
	[tilespmem:$0x1D00] =	vst v59  }
0x115: {  	v9 =	vld [tilespmem:$0x15A0];
	[tilespmem:$0x1D10] =	vst v60  }
0x116: {  	v10 =	vld [tilespmem:$0x15B0];
	[tilespmem:$0x1D80] =	vst v61  }
0x117: {  	v11 =	vld [tilespmem:$0x15C0];
	[tilespmem:$0x1D90] =	vst v62  }
0x118: {  	v12 =	vld [tilespmem:$0x15D0];
	[tilespmem:$0x1E00] =	vst v63  }
0x119: {  	v13 =	vld [tilespmem:$0x15E0];
	[tilespmem:$0x1E10] =	vst v8  }
0x11a: {  	v14 =	vld [tilespmem:$0x15F0];
	[tilespmem:$0x1E80] =	vst v9  }
0x11b: {  	v32 =	vld [tilespmem:$0x1600];
	[tilespmem:$0x1E90] =	vst v10  }
0x11c: {  	v33 =	vld [tilespmem:$0x1610];
	[tilespmem:$0x1F00] =	vst v11  }
0x11d: {  	v34 =	vld [tilespmem:$0x1620];
	[tilespmem:$0x1F10] =	vst v12  }
0x11e: {  	v35 =	vld [tilespmem:$0x1630];
	[tilespmem:$0x1F80] =	vst v13  }
0x11f: {  	v36 =	vld [tilespmem:$0x1640];
	[tilespmem:$0x1F90] =	vst v14  }
0x120: {  	v37 =	vld [tilespmem:$0x1650];
	[tilespmem:$0x2000] =	vst v32  }
0x121: {  	v38 =	vld [tilespmem:$0x1660];
	[tilespmem:$0x2010] =	vst v33  }
0x122: {  	[tilespmem:$0x2080] =	vst v34;
	v39 =	vld [tilespmem:$0x1670]  }
0x123: {  	[tilespmem:$0x2090] =	vst v35;
	v40 =	vld [tilespmem:$0x1680]  }
0x124: {  	[tilespmem:$0x2100] =	vst v36;
	v41 =	vld [tilespmem:$0x1690]  }
0x125: {  	[tilespmem:$0x2110] =	vst v37;
	v42 =	vld [tilespmem:$0x16A0]  }
0x126: {  	[tilespmem:$0x2180] =	vst v38;
	v43 =	vld [tilespmem:$0x16B0]  }
0x127: {  	v44 =	vld [tilespmem:$0x16C0];
	[tilespmem:$0x2190] =	vst v39  }
0x128: {  	v45 =	vld [tilespmem:$0x16D0];
	[tilespmem:$0x2200] =	vst v40  }
0x129: {  	v46 =	vld [tilespmem:$0x16E0];
	[tilespmem:$0x2210] =	vst v41  }
0x12a: {  	v47 =	vld [tilespmem:$0x16F0];
	[tilespmem:$0x2280] =	vst v42  }
0x12b: {  	v48 =	vld [tilespmem:$0x1700];
	[tilespmem:$0x2290] =	vst v43  }
0x12c: {  	v49 =	vld [tilespmem:$0x1710];
	[tilespmem:$0x2300] =	vst v44  }
0x12d: {  	v50 =	vld [tilespmem:$0x1720];
	[tilespmem:$0x2310] =	vst v45  }
0x12e: {  	v51 =	vld [tilespmem:$0x1730];
	[tilespmem:$0x2380] =	vst v46  }
0x12f: {  	v52 =	vld [tilespmem:$0x1740];
	[tilespmem:$0x2390] =	vst v47  }
0x130: {  	v53 =	vld [tilespmem:$0x1750];
	[tilespmem:$0x2400] =	vst v48  }
0x131: {  	v54 =	vld [tilespmem:$0x1760];
	[tilespmem:$0x2410] =	vst v49  }
0x132: {  	v55 =	vld [tilespmem:$0x1770];
	[tilespmem:$0x2480] =	vst v50  }
0x133: {  	v56 =	vld [tilespmem:$0x1780];
	[tilespmem:$0x2490] =	vst v51  }
0x134: {  	v57 =	vld [tilespmem:$0x1790];
	[tilespmem:$0x2500] =	vst v52  }
0x135: {  	v58 =	vld [tilespmem:$0x17A0];
	[tilespmem:$0x2510] =	vst v53  }
0x136: {  	v59 =	vld [tilespmem:$0x17B0];
	[tilespmem:$0x2580] =	vst v54  }
0x137: {  	v60 =	vld [tilespmem:$0x17C0];
	[tilespmem:$0x2590] =	vst v55  }
0x138: {  	v61 =	vld [tilespmem:$0x17D0];
	[tilespmem:$0x2600] =	vst v56  }
0x139: {  	v62 =	vld [tilespmem:$0x17E0];
	[tilespmem:$0x2610] =	vst v57  }
0x13a: {  	v63 =	vld [tilespmem:$0x17F0];
	[tilespmem:$0x2680] =	vst v58  }
0x13b: {  	[tilespmem:$0x2690] =	vst v59  }
0x13c: {  	[tilespmem:$0x2700] =	vst v60  }
0x13d: {  	[tilespmem:$0x2710] =	vst v61  }
0x13e: {  	p0 =	sne.s32 s6, $0x1;
	[tilespmem:$0x2780] =	vst v62  }
.Ltmp0:
0x13f: {  	[tilespmem:$0x2790] =	vst v63;
	(pc) =	sbr.rel @p0 .LBB2_1-.Ltmp0, $4  }
0x140: {  	[hbm4b:s5+s2] =	stream.linear.scatter [tilespmem:s26], [sflag:$0x2], $0x1000, $0x38;
	[tilespmem:$0x2800] =	vst v63  }
0x141: {  	_ =	swait.ge [sflag:s7], $0x1000  }
0x142: {  	[sflag:s7] =	ssyncset.done $0x0  }
0x143: {  	s6 =	sadd.s32 $0xFFFFFFFF, s6;
	[sflag:s7] =	ssyncadd.s32 $0xFFFFF000  }
0x144: {  	_ =	sfence.sel $0x180000  }
0x145: {  	[bflag:$0x0] =	sbarrier.arrive $0xFFFF  }
0x146: {  	_ =	strace $0x90000047  }
0x147: {  	s0 =	stileid.u32;
	[bflag:$0x2] =	sbarrier.arrive $0xFFFF  }
0x148: {  	p0 =	sne.s32 s0, $0x0;
	s0 =	rddreg [dreg:$0x1]  }
0x149: {  	s0 =	sadd.s32 @!p0 $0x100000, s0  }
0x14a: {  	[sflag:s0] =	ssyncadd.tile.s32 @!p0 $0x1;
	_ =	shalt  }
.Lfunc_end2:
_tile_overlayer_lowered:
.L_overlay_start_2:
0x14b: {  	(tag) =	ssettag $0x2  }
0x14c: {  	s0 =	rddreg [dreg:$0x0];
	s2 =	stileid.u32  }
0x14d: {  	s1 =	rddreg [dreg:$0x1];
	p0 =	sne.s32 s2, $0x0  }
0x14e: {  	s3 =	rddreg [dreg:$0x2];
	[bflag:$0x3] =	sbarrier.arrive $0xFFFF;
	s2 =	simm.s32 @!p0 $0x1C02  }
0x14f: {  	[timem:s3], [sflag:s2] =	dma.local @!p0 [hbm:s0], s1  }
0x150: {  	s0 =	simm.s32 @!p0 $0x2  }
0x151: {  	_ =	swait.ge @!p0 [sflag:s0], s1  }
0x152: {  	s1 =	ssub.s32 @!p0 $0x0, s1;
	[sflag:s0] =	ssyncset.done @!p0 $0x0  }
0x153: {  	[sflag:s0] =	ssyncadd.s32 @!p0 s1  }
0x154: {  	[bflag:$0x3] =	sbarrier.arrive $0xFFFF  }
0x155: {  	_ =	shalt  }

</sc_bundles>
